<compile_context>
chip_gen: v7x
topology: tpu7x:2x2x1
jax: 0.10.2.dev20260603
libtpu: 0.0.44.dev20260713+nightly
codegen_flags: <defaults>
</compile_context>

<pallas_src>
import functools

import jax
import jax.numpy as jnp
from jax import lax
from jax.experimental import pallas as pl
from jax.experimental.pallas import tpu as pltpu
from jax.experimental.pallas import tpu_sc as plsc

_NC = 2
_NS = 16
_NW = _NC * _NS


def _segsum_sc(table, src, dst, zeros):
  n, d = table.shape
  e = src.shape[0]
  epw = e // _NW
  k = 40
  nb = 7
  iters = epw // k
  groups = iters // nb
  tail = iters - nb * groups
  rps = (n // _NS) // 8 * 8
  rem = n - rps * _NS

  src3 = src.reshape(_NW, iters, k)
  dst3 = dst.reshape(_NW, iters, k)

  mesh = plsc.VectorSubcoreMesh(
      core_axis_name="c", subcore_axis_name="s",
      num_cores=_NC, num_subcores=_NS)

  @functools.partial(
      pl.kernel,
      mesh=mesh,
      out_type=jax.ShapeDtypeStruct((_NC, n, d), jnp.float32),
      scratch_types=[
          pltpu.VMEM((nb, k), jnp.int32),
          pltpu.VMEM((nb, k), jnp.int32),
          pltpu.VMEM((nb, k, d), jnp.float32),
          pltpu.VMEM_SHARED((n, d), jnp.float32),
      ] + [pltpu.SemaphoreType.DMA] * (2 * nb),
  )
  def seg_kernel(table_hbm, src_hbm, dst_hbm, zeros_hbm, out_hbm,
                 sidx, didx, rows, acc, *sems):
    c = lax.axis_index("c")
    s = lax.axis_index("s")
    wid = s * _NC + c
    gsems = sems[:nb]
    isems = sems[nb:]

    pltpu.sync_copy(zeros_hbm.at[pl.ds(s * rps, rps)],
                    acc.at[pl.ds(s * rps, rps)])
    if rem:
      @pl.when(s == 0)
      def _():
        pltpu.sync_copy(zeros_hbm.at[pl.ds(rps * _NS, rem)],
                        acc.at[pl.ds(rps * _NS, rem)])

    def idx_fire(ci, b):
      pltpu.async_copy(src_hbm.at[wid, ci], sidx.at[b], isems[b])
      pltpu.async_copy(dst_hbm.at[wid, ci], didx.at[b], isems[b])

    def idx_wait(b):
      pltpu.make_async_copy(src_hbm.at[wid, 0], sidx.at[b], isems[b]).wait()
      pltpu.make_async_copy(dst_hbm.at[wid, 0], didx.at[b], isems[b]).wait()

    def gat_fire(b):
      pltpu.async_copy(table_hbm.at[sidx.at[b]], rows.at[b], gsems[b])

    def gat_wait(b):
      pltpu.make_async_copy(table_hbm.at[sidx.at[0]], rows.at[b],
                            gsems[b]).wait()

    def scat(b):
      pltpu.sync_copy(rows.at[b], acc.at[didx.at[b]], add=True)

    for b in range(nb):
      idx_fire(b, b)
    plsc.subcore_barrier()
    for b in range(nb - 2):
      idx_wait(b)
      gat_fire(b)

    def step(ci, b):
      ahead = (b + nb - 2) % nb

      @pl.when(ci + nb - 2 < iters)
      def _():
        idx_wait(ahead)
        gat_fire(ahead)

      gat_wait(b)
      scat(b)

      @pl.when(ci + nb < iters)
      def _():
        idx_fire(ci + nb, b)

    def body(j, carry):
      for t in range(nb):
        step(nb * j + t, t)
      return carry

    lax.fori_loop(0, groups, body, 0)
    for t in range(tail):
      step(nb * groups + t, t)
    plsc.subcore_barrier()

    pltpu.sync_copy(acc.at[pl.ds(s * rps, rps)],
                    out_hbm.at[c].at[pl.ds(s * rps, rps)])
    if rem:
      @pl.when(s == 0)
      def _():
        pltpu.sync_copy(acc.at[pl.ds(rps * _NS, rem)],
                        out_hbm.at[c].at[pl.ds(rps * _NS, rem)])

  return seg_kernel(table, src3, dst3, zeros)


def _layer1_kernel(x_ref, p_ref, wa_ref, ba_ref, wb_ref, bb_ref, w2a_ref,
                   o_ref):
  z = x_ref[...] + p_ref[0] + p_ref[1]
  h = jnp.dot(z, wa_ref[...], preferred_element_type=jnp.float32) + ba_ref[...]
  h = jnp.maximum(h, 0.0)
  h = jnp.dot(h, wb_ref[...], preferred_element_type=jnp.float32) + bb_ref[...]
  h1 = jnp.maximum(h, 0.0)
  o_ref[...] = jnp.dot(h1, w2a_ref[...], preferred_element_type=jnp.float32)


def _final_kernel(u_ref, q_ref, ba_ref, wb_ref, bb_ref, wl_ref, bl_ref,
                  o_ref):
  t = u_ref[...] + q_ref[0] + q_ref[1] + ba_ref[...]
  t = jnp.maximum(t, 0.0)
  h2 = jnp.dot(t, wb_ref[...], preferred_element_type=jnp.float32) + bb_ref[...]
  o_ref[...] = jnp.dot(h2, wl_ref[...],
                       preferred_element_type=jnp.float32) + bl_ref[...]


def kernel(x, edge_index, edge_attr, W1a, b1a, W1b, b1b, W2a, b2a, W2b, b2b,
           Wlt, blt):
  del edge_attr
  n, d_in = x.shape
  hid = W1a.shape[1]
  out_d = Wlt.shape[1]
  src = edge_index[0]
  dst = edge_index[1]
  zeros = jnp.zeros((n, d_in), jnp.float32)

  bn = 2000
  grid = (n // bn,)

  full = lambda shape: pl.BlockSpec(shape, lambda i: tuple(0 for _ in shape))

  parts1 = _segsum_sc(x, src, dst, zeros)

  d2 = W2a.shape[1]
  u = pl.pallas_call(
      _layer1_kernel,
      grid=grid,
      in_specs=[pl.BlockSpec((bn, d_in), lambda i: (i, 0)),
                pl.BlockSpec((_NC, bn, d_in), lambda i: (0, i, 0)),
                full((d_in, hid)),
                full((1, hid)),
                full((hid, hid)),
                full((1, hid)),
                full((hid, d2))],
      out_specs=pl.BlockSpec((bn, d2), lambda i: (i, 0)),
      out_shape=jax.ShapeDtypeStruct((n, d2), jnp.float32),
  )(x, parts1, W1a, b1a.reshape(1, hid), W1b, b1b.reshape(1, hid), W2a)

  parts2 = _segsum_sc(u, src, dst, zeros)

  out = pl.pallas_call(
      _final_kernel,
      grid=grid,
      in_specs=[pl.BlockSpec((bn, d2), lambda i: (i, 0)),
                pl.BlockSpec((_NC, bn, d2), lambda i: (0, i, 0)),
                full((1, d2)),
                full((W2b.shape[0], W2b.shape[1])),
                full((1, W2b.shape[1])),
                full((Wlt.shape[0], out_d)),
                full((1, out_d))],
      out_specs=pl.BlockSpec((bn, out_d), lambda i: (i, 0)),
      out_shape=jax.ShapeDtypeStruct((n, out_d), jnp.float32),
  )(u, parts2, b2a.reshape(1, -1), W2b, b2b.reshape(1, -1),
    Wlt, blt.reshape(1, -1))

  return out

# --- scband reference (transcript-rebuilt; emitter-appended) ---
"""Pipeline reference for scband-graph-encoder-13211319402646 (READ-ONLY COPY).

The authoritative reference and input builder live on the scoring server;
editing this copy changes nothing except your own understanding.
"""

import jax, jax.numpy as jnp
import numpy as np

N = 10000
E = 320000
D_IN = 128   # n_eeg_timesteps
HID = 64     # n_eeg_timesteps // 2
OUT = 128    # latent_dim * 2
LAT = 64     # latent_dim


def _lin_init(k, fi, fo):
    lim = 1.0 / np.sqrt(fi)
    kw, kb = jax.random.split(k)
    W = jax.random.uniform(kw, (fi, fo), minval=-lim, maxval=lim, dtype=jnp.float32)
    b = jax.random.uniform(kb, (fo,), minval=-lim, maxval=lim, dtype=jnp.float32)
    return W, b


def setup_inputs(seed: int = 0) -> dict:
    key = jax.random.key(seed)
    ks = jax.random.split(key, 8)
    x = jax.random.normal(ks[0], (N, D_IN), dtype=jnp.float32)
    edge_index = jax.random.randint(ks[1], (2, E), 0, N, dtype=jnp.int32)
    edge_attr = jax.random.normal(ks[2], (E, 16), dtype=jnp.float32)
    # GINConv layer 1 MLP: [D_IN, HID, HID]
    W1a, b1a = _lin_init(ks[3], D_IN, HID)
    W1b, b1b = _lin_init(ks[4], HID, HID)
    # GINConv layer 2 (last) MLP: [HID, OUT, OUT]
    W2a, b2a = _lin_init(ks[5], HID, OUT)
    W2b, b2b = _lin_init(ks[6], OUT, OUT)
    # latent_transform: Linear(OUT, LAT)
    Wlt, blt = _lin_init(ks[7], OUT, LAT)
    return {"x": x, "edge_index": edge_index, "edge_attr": edge_attr,
            "W1a": W1a, "b1a": b1a, "W1b": W1b, "b1b": b1b,
            "W2a": W2a, "b2a": b2a, "W2b": W2b, "b2b": b2b,
            "Wlt": Wlt, "blt": blt}


def _gin_conv(x, src, dst, W1, b1, W2, b2):
    # GINConv with eps=0: mlp((1+eps)*x + sum_{j in N(i)} x_j)
    msgs = jnp.take(x, src, axis=0)                      # gather (SparseCore)
    agg = jax.ops.segment_sum(msgs, dst, num_segments=x.shape[0])  # scatter-add
    h = x + agg
    h = h @ W1 + b1
    h = jax.nn.relu(h)
    h = h @ W2 + b2
    return h


def reference(x, edge_index, edge_attr, W1a, b1a, W1b, b1b, W2a, b2a, W2b, b2b, Wlt, blt):
    # PyG GIN (BasicGNN) ignores edge_attr since GINConv does not support edge features.
    src = edge_index[0]
    dst = edge_index[1]
    h = _gin_conv(x, src, dst, W1a, b1a, W1b, b1b)
    h = jax.nn.relu(h)  # inter-layer activation (applied to all but last layer output)
    h = _gin_conv(h, src, dst, W2a, b2a, W2b, b2b)
    out = h @ Wlt + blt
    return out

if __name__ == "__main__":
    import jax
    _d = setup_inputs()
    print(jax.jit(kernel)(*tuple(_d.values())))

</pallas_src>

<mosaic_0001>
#map = affine_map<(d0, d1) -> (0, 0)>
#map1 = affine_map<(d0, d1) -> (0, 0, 0)>
module attributes {stable_mosaic.version = 14 : i64} {
  func.func @seg_kernel(%arg0: i32, %arg1: i32, %arg2: memref<10000x128xf32, #tpu.memory_space<hbm>>, %arg3: memref<32x250x40xi32, #tpu.memory_space<hbm>>, %arg4: memref<32x250x40xi32, #tpu.memory_space<hbm>>, %arg5: memref<10000x128xf32, #tpu.memory_space<hbm>>, %arg6: memref<2x10000x128xf32, #tpu.memory_space<hbm>>, %arg7: memref<7x40xi32, #tpu.memory_space<vmem>>, %arg8: memref<7x40xi32, #tpu.memory_space<vmem>>, %arg9: memref<7x40x128xf32, #tpu.memory_space<vmem>>, %arg10: memref<10000x128xf32, #tpu.memory_space<vmem_shared>>, %arg11: memref<!tpu.dma_semaphore, #tpu.memory_space<semaphore_mem>>, %arg12: memref<!tpu.dma_semaphore, #tpu.memory_space<semaphore_mem>>, %arg13: memref<!tpu.dma_semaphore, #tpu.memory_space<semaphore_mem>>, %arg14: memref<!tpu.dma_semaphore, #tpu.memory_space<semaphore_mem>>, %arg15: memref<!tpu.dma_semaphore, #tpu.memory_space<semaphore_mem>>, %arg16: memref<!tpu.dma_semaphore, #tpu.memory_space<semaphore_mem>>, %arg17: memref<!tpu.dma_semaphore, #tpu.memory_space<semaphore_mem>>, %arg18: memref<!tpu.dma_semaphore, #tpu.memory_space<semaphore_mem>>, %arg19: memref<!tpu.dma_semaphore, #tpu.memory_space<semaphore_mem>>, %arg20: memref<!tpu.dma_semaphore, #tpu.memory_space<semaphore_mem>>, %arg21: memref<!tpu.dma_semaphore, #tpu.memory_space<semaphore_mem>>, %arg22: memref<!tpu.dma_semaphore, #tpu.memory_space<semaphore_mem>>, %arg23: memref<!tpu.dma_semaphore, #tpu.memory_space<semaphore_mem>>, %arg24: memref<!tpu.dma_semaphore, #tpu.memory_space<semaphore_mem>>) attributes {dimension_semantics = [#tpu.dimension_semantics<core_parallel>, #tpu.dimension_semantics<subcore_parallel>], iteration_bounds = array<i64: 2, 16>, scalar_prefetch = 0 : i64, scratch_operands = 18 : i64, tpu.core_type = #tpu.core_type<sc_vector_subcore>, window_params = [{transform_indices = #map}, {transform_indices = #map1}, {transform_indices = #map1}, {transform_indices = #map}, {transform_indices = #map1}]} {
    %mul3A = arith.constant 2 : i32
    %mul3A_0 = arith.muli %arg1, %mul3A : i32
    %add3A = arith.addi %mul3A_0, %arg0 : i32
    %mul3A_1 = arith.constant 624 : i32
    %mul3A_2 = arith.muli %arg1, %mul3A_1 : i32
    %mul3A_3 = arith.constant 624 : i32
    %mul3A_4 = arith.muli %arg1, %mul3A_3 : i32
    "tpu.region"() ({
      %run_scoped3A_485 = tpu.sem_alloc : memref<!tpu.dma_semaphore, #tpu.memory_space<semaphore_mem>>
      %dma_start3A_486 = arith.constant 0 : i32
      %dma_start3A_487 = tpu.memref_slice %arg10[%mul3A_4, %dma_start3A_486] : memref<10000x128xf32, #tpu.memory_space<vmem_shared>> -> memref<624x128xf32, #tpu.memory_space<vmem_shared>>
      %dma_start3A_488 = arith.constant 0 : i32
      %dma_start3A_489 = tpu.memref_slice %arg5[%mul3A_2, %dma_start3A_488] : memref<10000x128xf32, #tpu.memory_space<hbm>> -> memref<624x128xf32, #tpu.memory_space<hbm>>
      tpu.enqueue_dma source(%dma_start3A_489 : memref<624x128xf32, #tpu.memory_space<hbm>>) target(%dma_start3A_487 : memref<624x128xf32, #tpu.memory_space<vmem_shared>>) target_semaphore(%run_scoped3A_485 : memref<!tpu.dma_semaphore, #tpu.memory_space<semaphore_mem>>)
      %dma_wait3A_490 = arith.constant 0 : i32
      %dma_wait3A_491 = tpu.memref_slice %arg10[%mul3A_4, %dma_wait3A_490] : memref<10000x128xf32, #tpu.memory_space<vmem_shared>> -> memref<624x128xf32, #tpu.memory_space<vmem_shared>>
      %dma_wait3A_492 = arith.constant 0 : i32
      %dma_wait3A_493 = tpu.memref_slice %arg5[%mul3A_2, %dma_wait3A_492] : memref<10000x128xf32, #tpu.memory_space<hbm>> -> memref<624x128xf32, #tpu.memory_space<hbm>>
      tpu.wait_dma2 semaphore(%run_scoped3A_485 : memref<!tpu.dma_semaphore, #tpu.memory_space<semaphore_mem>>) src(%dma_wait3A_493 : memref<624x128xf32, #tpu.memory_space<hbm>>) dst(%dma_wait3A_491 : memref<624x128xf32, #tpu.memory_space<vmem_shared>>)
      tpu.yield
    }) : () -> ()
    %eq3A = arith.constant 0 : i32
    %eq3A_5 = arith.cmpi eq, %arg1, %eq3A : i32
    %convert_element_type3A = arith.extui %eq3A_5 : i1 to i32
    %cond3A = arith.constant 0 : i32
    %cond3A_6 = arith.cmpi ne, %convert_element_type3A, %cond3A : i32
    scf.if %cond3A_6 {
      "tpu.region"() ({
        %run_scoped3A_485 = tpu.sem_alloc : memref<!tpu.dma_semaphore, #tpu.memory_space<semaphore_mem>>
        %dma_start3A_486 = arith.constant 9984 : i32
        %dma_start3A_487 = arith.constant 0 : i32
        %dma_start3A_488 = tpu.memref_slice %arg10[%dma_start3A_486, %dma_start3A_487] : memref<10000x128xf32, #tpu.memory_space<vmem_shared>> -> memref<16x128xf32, #tpu.memory_space<vmem_shared>>
        %dma_start3A_489 = arith.constant 9984 : i32
        %dma_start3A_490 = arith.constant 0 : i32
        %dma_start3A_491 = tpu.memref_slice %arg5[%dma_start3A_489, %dma_start3A_490] : memref<10000x128xf32, #tpu.memory_space<hbm>> -> memref<16x128xf32, #tpu.memory_space<hbm>>
        tpu.enqueue_dma source(%dma_start3A_491 : memref<16x128xf32, #tpu.memory_space<hbm>>) target(%dma_start3A_488 : memref<16x128xf32, #tpu.memory_space<vmem_shared>>) target_semaphore(%run_scoped3A_485 : memref<!tpu.dma_semaphore, #tpu.memory_space<semaphore_mem>>)
        %dma_wait3A_492 = arith.constant 9984 : i32
        %dma_wait3A_493 = arith.constant 0 : i32
        %dma_wait3A_494 = tpu.memref_slice %arg10[%dma_wait3A_492, %dma_wait3A_493] : memref<10000x128xf32, #tpu.memory_space<vmem_shared>> -> memref<16x128xf32, #tpu.memory_space<vmem_shared>>
        %dma_wait3A_495 = arith.constant 9984 : i32
        %dma_wait3A_496 = arith.constant 0 : i32
        %dma_wait3A_497 = tpu.memref_slice %arg5[%dma_wait3A_495, %dma_wait3A_496] : memref<10000x128xf32, #tpu.memory_space<hbm>> -> memref<16x128xf32, #tpu.memory_space<hbm>>
        tpu.wait_dma2 semaphore(%run_scoped3A_485 : memref<!tpu.dma_semaphore, #tpu.memory_space<semaphore_mem>>) src(%dma_wait3A_497 : memref<16x128xf32, #tpu.memory_space<hbm>>) dst(%dma_wait3A_494 : memref<16x128xf32, #tpu.memory_space<vmem_shared>>)
        tpu.yield
      }) : () -> ()
    } else {
    }
    %dma_start3A = arith.constant 0 : i32
    %dma_start3A_7 = arith.constant 0 : i32
    %dma_start3A_8 = arith.constant 0 : i32
    %dma_start3A_9 = tpu.memref_slice %arg7[%dma_start3A_7, %dma_start3A_8] : memref<7x40xi32, #tpu.memory_space<vmem>> -> memref<1x40xi32, #tpu.memory_space<vmem>>
    %dma_start3A_10 = tpu.memref_squeeze %dma_start3A_9 : memref<1x40xi32, #tpu.memory_space<vmem>> -> memref<40xi32, #tpu.memory_space<vmem>>
    %dma_start3A_11 = arith.constant 0 : i32
    %dma_start3A_12 = tpu.memref_slice %arg3[%add3A, %dma_start3A, %dma_start3A_11] : memref<32x250x40xi32, #tpu.memory_space<hbm>> -> memref<1x1x40xi32, #tpu.memory_space<hbm>>
    %dma_start3A_13 = tpu.memref_squeeze %dma_start3A_12 : memref<1x1x40xi32, #tpu.memory_space<hbm>> -> memref<40xi32, #tpu.memory_space<hbm>>
    %dma_start3A_14 = arith.constant 0 : i32
    %dma_start3A_15 = tpu.memref_slice %arg7[%dma_start3A_7, %dma_start3A_14] : memref<7x40xi32, #tpu.memory_space<vmem>> -> memref<1x40xi32, #tpu.memory_space<vmem>>
    %dma_start3A_16 = tpu.memref_squeeze %dma_start3A_15 : memref<1x40xi32, #tpu.memory_space<vmem>> -> memref<40xi32, #tpu.memory_space<vmem>>
    %dma_start3A_17 = arith.constant 0 : i32
    %dma_start3A_18 = tpu.memref_slice %arg3[%add3A, %dma_start3A, %dma_start3A_17] : memref<32x250x40xi32, #tpu.memory_space<hbm>> -> memref<1x1x40xi32, #tpu.memory_space<hbm>>
    %dma_start3A_19 = tpu.memref_squeeze %dma_start3A_18 : memref<1x1x40xi32, #tpu.memory_space<hbm>> -> memref<40xi32, #tpu.memory_space<hbm>>
    tpu.enqueue_dma source(%dma_start3A_19 : memref<40xi32, #tpu.memory_space<hbm>>) target(%dma_start3A_16 : memref<40xi32, #tpu.memory_space<vmem>>) target_semaphore(%arg18 : memref<!tpu.dma_semaphore, #tpu.memory_space<semaphore_mem>>)
    %dma_start3A_20 = arith.constant 0 : i32
    %dma_start3A_21 = arith.constant 0 : i32
    %dma_start3A_22 = arith.constant 0 : i32
    %dma_start3A_23 = tpu.memref_slice %arg8[%dma_start3A_21, %dma_start3A_22] : memref<7x40xi32, #tpu.memory_space<vmem>> -> memref<1x40xi32, #tpu.memory_space<vmem>>
    %dma_start3A_24 = tpu.memref_squeeze %dma_start3A_23 : memref<1x40xi32, #tpu.memory_space<vmem>> -> memref<40xi32, #tpu.memory_space<vmem>>
    %dma_start3A_25 = arith.constant 0 : i32
    %dma_start3A_26 = tpu.memref_slice %arg4[%add3A, %dma_start3A_20, %dma_start3A_25] : memref<32x250x40xi32, #tpu.memory_space<hbm>> -> memref<1x1x40xi32, #tpu.memory_space<hbm>>
    %dma_start3A_27 = tpu.memref_squeeze %dma_start3A_26 : memref<1x1x40xi32, #tpu.memory_space<hbm>> -> memref<40xi32, #tpu.memory_space<hbm>>
    %dma_start3A_28 = arith.constant 0 : i32
    %dma_start3A_29 = tpu.memref_slice %arg8[%dma_start3A_21, %dma_start3A_28] : memref<7x40xi32, #tpu.memory_space<vmem>> -> memref<1x40xi32, #tpu.memory_space<vmem>>
    %dma_start3A_30 = tpu.memref_squeeze %dma_start3A_29 : memref<1x40xi32, #tpu.memory_space<vmem>> -> memref<40xi32, #tpu.memory_space<vmem>>
    %dma_start3A_31 = arith.constant 0 : i32
    %dma_start3A_32 = tpu.memref_slice %arg4[%add3A, %dma_start3A_20, %dma_start3A_31] : memref<32x250x40xi32, #tpu.memory_space<hbm>> -> memref<1x1x40xi32, #tpu.memory_space<hbm>>
    %dma_start3A_33 = tpu.memref_squeeze %dma_start3A_32 : memref<1x1x40xi32, #tpu.memory_space<hbm>> -> memref<40xi32, #tpu.memory_space<hbm>>
    tpu.enqueue_dma source(%dma_start3A_33 : memref<40xi32, #tpu.memory_space<hbm>>) target(%dma_start3A_30 : memref<40xi32, #tpu.memory_space<vmem>>) target_semaphore(%arg18 : memref<!tpu.dma_semaphore, #tpu.memory_space<semaphore_mem>>)
    %dma_start3A_34 = arith.constant 1 : i32
    %dma_start3A_35 = arith.constant 1 : i32
    %dma_start3A_36 = arith.constant 0 : i32
    %dma_start3A_37 = tpu.memref_slice %arg7[%dma_start3A_35, %dma_start3A_36] : memref<7x40xi32, #tpu.memory_space<vmem>> -> memref<1x40xi32, #tpu.memory_space<vmem>>
    %dma_start3A_38 = tpu.memref_squeeze %dma_start3A_37 : memref<1x40xi32, #tpu.memory_space<vmem>> -> memref<40xi32, #tpu.memory_space<vmem>>
    %dma_start3A_39 = arith.constant 0 : i32
    %dma_start3A_40 = tpu.memref_slice %arg3[%add3A, %dma_start3A_34, %dma_start3A_39] : memref<32x250x40xi32, #tpu.memory_space<hbm>> -> memref<1x1x40xi32, #tpu.memory_space<hbm>>
    %dma_start3A_41 = tpu.memref_squeeze %dma_start3A_40 : memref<1x1x40xi32, #tpu.memory_space<hbm>> -> memref<40xi32, #tpu.memory_space<hbm>>
    %dma_start3A_42 = arith.constant 0 : i32
    %dma_start3A_43 = tpu.memref_slice %arg7[%dma_start3A_35, %dma_start3A_42] : memref<7x40xi32, #tpu.memory_space<vmem>> -> memref<1x40xi32, #tpu.memory_space<vmem>>
    %dma_start3A_44 = tpu.memref_squeeze %dma_start3A_43 : memref<1x40xi32, #tpu.memory_space<vmem>> -> memref<40xi32, #tpu.memory_space<vmem>>
    %dma_start3A_45 = arith.constant 0 : i32
    %dma_start3A_46 = tpu.memref_slice %arg3[%add3A, %dma_start3A_34, %dma_start3A_45] : memref<32x250x40xi32, #tpu.memory_space<hbm>> -> memref<1x1x40xi32, #tpu.memory_space<hbm>>
    %dma_start3A_47 = tpu.memref_squeeze %dma_start3A_46 : memref<1x1x40xi32, #tpu.memory_space<hbm>> -> memref<40xi32, #tpu.memory_space<hbm>>
    tpu.enqueue_dma source(%dma_start3A_47 : memref<40xi32, #tpu.memory_space<hbm>>) target(%dma_start3A_44 : memref<40xi32, #tpu.memory_space<vmem>>) target_semaphore(%arg19 : memref<!tpu.dma_semaphore, #tpu.memory_space<semaphore_mem>>)
    %dma_start3A_48 = arith.constant 1 : i32
    %dma_start3A_49 = arith.constant 1 : i32
    %dma_start3A_50 = arith.constant 0 : i32
    %dma_start3A_51 = tpu.memref_slice %arg8[%dma_start3A_49, %dma_start3A_50] : memref<7x40xi32, #tpu.memory_space<vmem>> -> memref<1x40xi32, #tpu.memory_space<vmem>>
    %dma_start3A_52 = tpu.memref_squeeze %dma_start3A_51 : memref<1x40xi32, #tpu.memory_space<vmem>> -> memref<40xi32, #tpu.memory_space<vmem>>
    %dma_start3A_53 = arith.constant 0 : i32
    %dma_start3A_54 = tpu.memref_slice %arg4[%add3A, %dma_start3A_48, %dma_start3A_53] : memref<32x250x40xi32, #tpu.memory_space<hbm>> -> memref<1x1x40xi32, #tpu.memory_space<hbm>>
    %dma_start3A_55 = tpu.memref_squeeze %dma_start3A_54 : memref<1x1x40xi32, #tpu.memory_space<hbm>> -> memref<40xi32, #tpu.memory_space<hbm>>
    %dma_start3A_56 = arith.constant 0 : i32
    %dma_start3A_57 = tpu.memref_slice %arg8[%dma_start3A_49, %dma_start3A_56] : memref<7x40xi32, #tpu.memory_space<vmem>> -> memref<1x40xi32, #tpu.memory_space<vmem>>
    %dma_start3A_58 = tpu.memref_squeeze %dma_start3A_57 : memref<1x40xi32, #tpu.memory_space<vmem>> -> memref<40xi32, #tpu.memory_space<vmem>>
    %dma_start3A_59 = arith.constant 0 : i32
    %dma_start3A_60 = tpu.memref_slice %arg4[%add3A, %dma_start3A_48, %dma_start3A_59] : memref<32x250x40xi32, #tpu.memory_space<hbm>> -> memref<1x1x40xi32, #tpu.memory_space<hbm>>
    %dma_start3A_61 = tpu.memref_squeeze %dma_start3A_60 : memref<1x1x40xi32, #tpu.memory_space<hbm>> -> memref<40xi32, #tpu.memory_space<hbm>>
    tpu.enqueue_dma source(%dma_start3A_61 : memref<40xi32, #tpu.memory_space<hbm>>) target(%dma_start3A_58 : memref<40xi32, #tpu.memory_space<vmem>>) target_semaphore(%arg19 : memref<!tpu.dma_semaphore, #tpu.memory_space<semaphore_mem>>)
    %dma_start3A_62 = arith.constant 2 : i32
    %dma_start3A_63 = arith.constant 2 : i32
    %dma_start3A_64 = arith.constant 0 : i32
    %dma_start3A_65 = tpu.memref_slice %arg7[%dma_start3A_63, %dma_start3A_64] : memref<7x40xi32, #tpu.memory_space<vmem>> -> memref<1x40xi32, #tpu.memory_space<vmem>>
    %dma_start3A_66 = tpu.memref_squeeze %dma_start3A_65 : memref<1x40xi32, #tpu.memory_space<vmem>> -> memref<40xi32, #tpu.memory_space<vmem>>
    %dma_start3A_67 = arith.constant 0 : i32
    %dma_start3A_68 = tpu.memref_slice %arg3[%add3A, %dma_start3A_62, %dma_start3A_67] : memref<32x250x40xi32, #tpu.memory_space<hbm>> -> memref<1x1x40xi32, #tpu.memory_space<hbm>>
    %dma_start3A_69 = tpu.memref_squeeze %dma_start3A_68 : memref<1x1x40xi32, #tpu.memory_space<hbm>> -> memref<40xi32, #tpu.memory_space<hbm>>
    %dma_start3A_70 = arith.constant 0 : i32
    %dma_start3A_71 = tpu.memref_slice %arg7[%dma_start3A_63, %dma_start3A_70] : memref<7x40xi32, #tpu.memory_space<vmem>> -> memref<1x40xi32, #tpu.memory_space<vmem>>
    %dma_start3A_72 = tpu.memref_squeeze %dma_start3A_71 : memref<1x40xi32, #tpu.memory_space<vmem>> -> memref<40xi32, #tpu.memory_space<vmem>>
    %dma_start3A_73 = arith.constant 0 : i32
    %dma_start3A_74 = tpu.memref_slice %arg3[%add3A, %dma_start3A_62, %dma_start3A_73] : memref<32x250x40xi32, #tpu.memory_space<hbm>> -> memref<1x1x40xi32, #tpu.memory_space<hbm>>
    %dma_start3A_75 = tpu.memref_squeeze %dma_start3A_74 : memref<1x1x40xi32, #tpu.memory_space<hbm>> -> memref<40xi32, #tpu.memory_space<hbm>>
    tpu.enqueue_dma source(%dma_start3A_75 : memref<40xi32, #tpu.memory_space<hbm>>) target(%dma_start3A_72 : memref<40xi32, #tpu.memory_space<vmem>>) target_semaphore(%arg20 : memref<!tpu.dma_semaphore, #tpu.memory_space<semaphore_mem>>)
    %dma_start3A_76 = arith.constant 2 : i32
    %dma_start3A_77 = arith.constant 2 : i32
    %dma_start3A_78 = arith.constant 0 : i32
    %dma_start3A_79 = tpu.memref_slice %arg8[%dma_start3A_77, %dma_start3A_78] : memref<7x40xi32, #tpu.memory_space<vmem>> -> memref<1x40xi32, #tpu.memory_space<vmem>>
    %dma_start3A_80 = tpu.memref_squeeze %dma_start3A_79 : memref<1x40xi32, #tpu.memory_space<vmem>> -> memref<40xi32, #tpu.memory_space<vmem>>
    %dma_start3A_81 = arith.constant 0 : i32
    %dma_start3A_82 = tpu.memref_slice %arg4[%add3A, %dma_start3A_76, %dma_start3A_81] : memref<32x250x40xi32, #tpu.memory_space<hbm>> -> memref<1x1x40xi32, #tpu.memory_space<hbm>>
    %dma_start3A_83 = tpu.memref_squeeze %dma_start3A_82 : memref<1x1x40xi32, #tpu.memory_space<hbm>> -> memref<40xi32, #tpu.memory_space<hbm>>
    %dma_start3A_84 = arith.constant 0 : i32
    %dma_start3A_85 = tpu.memref_slice %arg8[%dma_start3A_77, %dma_start3A_84] : memref<7x40xi32, #tpu.memory_space<vmem>> -> memref<1x40xi32, #tpu.memory_space<vmem>>
    %dma_start3A_86 = tpu.memref_squeeze %dma_start3A_85 : memref<1x40xi32, #tpu.memory_space<vmem>> -> memref<40xi32, #tpu.memory_space<vmem>>
    %dma_start3A_87 = arith.constant 0 : i32
    %dma_start3A_88 = tpu.memref_slice %arg4[%add3A, %dma_start3A_76, %dma_start3A_87] : memref<32x250x40xi32, #tpu.memory_space<hbm>> -> memref<1x1x40xi32, #tpu.memory_space<hbm>>
    %dma_start3A_89 = tpu.memref_squeeze %dma_start3A_88 : memref<1x1x40xi32, #tpu.memory_space<hbm>> -> memref<40xi32, #tpu.memory_space<hbm>>
    tpu.enqueue_dma source(%dma_start3A_89 : memref<40xi32, #tpu.memory_space<hbm>>) target(%dma_start3A_86 : memref<40xi32, #tpu.memory_space<vmem>>) target_semaphore(%arg20 : memref<!tpu.dma_semaphore, #tpu.memory_space<semaphore_mem>>)
    %dma_start3A_90 = arith.constant 3 : i32
    %dma_start3A_91 = arith.constant 3 : i32
    %dma_start3A_92 = arith.constant 0 : i32
    %dma_start3A_93 = tpu.memref_slice %arg7[%dma_start3A_91, %dma_start3A_92] : memref<7x40xi32, #tpu.memory_space<vmem>> -> memref<1x40xi32, #tpu.memory_space<vmem>>
    %dma_start3A_94 = tpu.memref_squeeze %dma_start3A_93 : memref<1x40xi32, #tpu.memory_space<vmem>> -> memref<40xi32, #tpu.memory_space<vmem>>
    %dma_start3A_95 = arith.constant 0 : i32
    %dma_start3A_96 = tpu.memref_slice %arg3[%add3A, %dma_start3A_90, %dma_start3A_95] : memref<32x250x40xi32, #tpu.memory_space<hbm>> -> memref<1x1x40xi32, #tpu.memory_space<hbm>>
    %dma_start3A_97 = tpu.memref_squeeze %dma_start3A_96 : memref<1x1x40xi32, #tpu.memory_space<hbm>> -> memref<40xi32, #tpu.memory_space<hbm>>
    %dma_start3A_98 = arith.constant 0 : i32
    %dma_start3A_99 = tpu.memref_slice %arg7[%dma_start3A_91, %dma_start3A_98] : memref<7x40xi32, #tpu.memory_space<vmem>> -> memref<1x40xi32, #tpu.memory_space<vmem>>
    %dma_start3A_100 = tpu.memref_squeeze %dma_start3A_99 : memref<1x40xi32, #tpu.memory_space<vmem>> -> memref<40xi32, #tpu.memory_space<vmem>>
    %dma_start3A_101 = arith.constant 0 : i32
    %dma_start3A_102 = tpu.memref_slice %arg3[%add3A, %dma_start3A_90, %dma_start3A_101] : memref<32x250x40xi32, #tpu.memory_space<hbm>> -> memref<1x1x40xi32, #tpu.memory_space<hbm>>
    %dma_start3A_103 = tpu.memref_squeeze %dma_start3A_102 : memref<1x1x40xi32, #tpu.memory_space<hbm>> -> memref<40xi32, #tpu.memory_space<hbm>>
    tpu.enqueue_dma source(%dma_start3A_103 : memref<40xi32, #tpu.memory_space<hbm>>) target(%dma_start3A_100 : memref<40xi32, #tpu.memory_space<vmem>>) target_semaphore(%arg21 : memref<!tpu.dma_semaphore, #tpu.memory_space<semaphore_mem>>)
    %dma_start3A_104 = arith.constant 3 : i32
    %dma_start3A_105 = arith.constant 3 : i32
    %dma_start3A_106 = arith.constant 0 : i32
    %dma_start3A_107 = tpu.memref_slice %arg8[%dma_start3A_105, %dma_start3A_106] : memref<7x40xi32, #tpu.memory_space<vmem>> -> memref<1x40xi32, #tpu.memory_space<vmem>>
    %dma_start3A_108 = tpu.memref_squeeze %dma_start3A_107 : memref<1x40xi32, #tpu.memory_space<vmem>> -> memref<40xi32, #tpu.memory_space<vmem>>
    %dma_start3A_109 = arith.constant 0 : i32
    %dma_start3A_110 = tpu.memref_slice %arg4[%add3A, %dma_start3A_104, %dma_start3A_109] : memref<32x250x40xi32, #tpu.memory_space<hbm>> -> memref<1x1x40xi32, #tpu.memory_space<hbm>>
    %dma_start3A_111 = tpu.memref_squeeze %dma_start3A_110 : memref<1x1x40xi32, #tpu.memory_space<hbm>> -> memref<40xi32, #tpu.memory_space<hbm>>
    %dma_start3A_112 = arith.constant 0 : i32
    %dma_start3A_113 = tpu.memref_slice %arg8[%dma_start3A_105, %dma_start3A_112] : memref<7x40xi32, #tpu.memory_space<vmem>> -> memref<1x40xi32, #tpu.memory_space<vmem>>
    %dma_start3A_114 = tpu.memref_squeeze %dma_start3A_113 : memref<1x40xi32, #tpu.memory_space<vmem>> -> memref<40xi32, #tpu.memory_space<vmem>>
    %dma_start3A_115 = arith.constant 0 : i32
    %dma_start3A_116 = tpu.memref_slice %arg4[%add3A, %dma_start3A_104, %dma_start3A_115] : memref<32x250x40xi32, #tpu.memory_space<hbm>> -> memref<1x1x40xi32, #tpu.memory_space<hbm>>
    %dma_start3A_117 = tpu.memref_squeeze %dma_start3A_116 : memref<1x1x40xi32, #tpu.memory_space<hbm>> -> memref<40xi32, #tpu.memory_space<hbm>>
    tpu.enqueue_dma source(%dma_start3A_117 : memref<40xi32, #tpu.memory_space<hbm>>) target(%dma_start3A_114 : memref<40xi32, #tpu.memory_space<vmem>>) target_semaphore(%arg21 : memref<!tpu.dma_semaphore, #tpu.memory_space<semaphore_mem>>)
    %dma_start3A_118 = arith.constant 4 : i32
    %dma_start3A_119 = arith.constant 4 : i32
    %dma_start3A_120 = arith.constant 0 : i32
    %dma_start3A_121 = tpu.memref_slice %arg7[%dma_start3A_119, %dma_start3A_120] : memref<7x40xi32, #tpu.memory_space<vmem>> -> memref<1x40xi32, #tpu.memory_space<vmem>>
    %dma_start3A_122 = tpu.memref_squeeze %dma_start3A_121 : memref<1x40xi32, #tpu.memory_space<vmem>> -> memref<40xi32, #tpu.memory_space<vmem>>
    %dma_start3A_123 = arith.constant 0 : i32
    %dma_start3A_124 = tpu.memref_slice %arg3[%add3A, %dma_start3A_118, %dma_start3A_123] : memref<32x250x40xi32, #tpu.memory_space<hbm>> -> memref<1x1x40xi32, #tpu.memory_space<hbm>>
    %dma_start3A_125 = tpu.memref_squeeze %dma_start3A_124 : memref<1x1x40xi32, #tpu.memory_space<hbm>> -> memref<40xi32, #tpu.memory_space<hbm>>
    %dma_start3A_126 = arith.constant 0 : i32
    %dma_start3A_127 = tpu.memref_slice %arg7[%dma_start3A_119, %dma_start3A_126] : memref<7x40xi32, #tpu.memory_space<vmem>> -> memref<1x40xi32, #tpu.memory_space<vmem>>
    %dma_start3A_128 = tpu.memref_squeeze %dma_start3A_127 : memref<1x40xi32, #tpu.memory_space<vmem>> -> memref<40xi32, #tpu.memory_space<vmem>>
    %dma_start3A_129 = arith.constant 0 : i32
    %dma_start3A_130 = tpu.memref_slice %arg3[%add3A, %dma_start3A_118, %dma_start3A_129] : memref<32x250x40xi32, #tpu.memory_space<hbm>> -> memref<1x1x40xi32, #tpu.memory_space<hbm>>
    %dma_start3A_131 = tpu.memref_squeeze %dma_start3A_130 : memref<1x1x40xi32, #tpu.memory_space<hbm>> -> memref<40xi32, #tpu.memory_space<hbm>>
    tpu.enqueue_dma source(%dma_start3A_131 : memref<40xi32, #tpu.memory_space<hbm>>) target(%dma_start3A_128 : memref<40xi32, #tpu.memory_space<vmem>>) target_semaphore(%arg22 : memref<!tpu.dma_semaphore, #tpu.memory_space<semaphore_mem>>)
    %dma_start3A_132 = arith.constant 4 : i32
    %dma_start3A_133 = arith.constant 4 : i32
    %dma_start3A_134 = arith.constant 0 : i32
    %dma_start3A_135 = tpu.memref_slice %arg8[%dma_start3A_133, %dma_start3A_134] : memref<7x40xi32, #tpu.memory_space<vmem>> -> memref<1x40xi32, #tpu.memory_space<vmem>>
    %dma_start3A_136 = tpu.memref_squeeze %dma_start3A_135 : memref<1x40xi32, #tpu.memory_space<vmem>> -> memref<40xi32, #tpu.memory_space<vmem>>
    %dma_start3A_137 = arith.constant 0 : i32
    %dma_start3A_138 = tpu.memref_slice %arg4[%add3A, %dma_start3A_132, %dma_start3A_137] : memref<32x250x40xi32, #tpu.memory_space<hbm>> -> memref<1x1x40xi32, #tpu.memory_space<hbm>>
    %dma_start3A_139 = tpu.memref_squeeze %dma_start3A_138 : memref<1x1x40xi32, #tpu.memory_space<hbm>> -> memref<40xi32, #tpu.memory_space<hbm>>
    %dma_start3A_140 = arith.constant 0 : i32
    %dma_start3A_141 = tpu.memref_slice %arg8[%dma_start3A_133, %dma_start3A_140] : memref<7x40xi32, #tpu.memory_space<vmem>> -> memref<1x40xi32, #tpu.memory_space<vmem>>
    %dma_start3A_142 = tpu.memref_squeeze %dma_start3A_141 : memref<1x40xi32, #tpu.memory_space<vmem>> -> memref<40xi32, #tpu.memory_space<vmem>>
    %dma_start3A_143 = arith.constant 0 : i32
    %dma_start3A_144 = tpu.memref_slice %arg4[%add3A, %dma_start3A_132, %dma_start3A_143] : memref<32x250x40xi32, #tpu.memory_space<hbm>> -> memref<1x1x40xi32, #tpu.memory_space<hbm>>
    %dma_start3A_145 = tpu.memref_squeeze %dma_start3A_144 : memref<1x1x40xi32, #tpu.memory_space<hbm>> -> memref<40xi32, #tpu.memory_space<hbm>>
    tpu.enqueue_dma source(%dma_start3A_145 : memref<40xi32, #tpu.memory_space<hbm>>) target(%dma_start3A_142 : memref<40xi32, #tpu.memory_space<vmem>>) target_semaphore(%arg22 : memref<!tpu.dma_semaphore, #tpu.memory_space<semaphore_mem>>)
    %dma_start3A_146 = arith.constant 5 : i32
    %dma_start3A_147 = arith.constant 5 : i32
    %dma_start3A_148 = arith.constant 0 : i32
    %dma_start3A_149 = tpu.memref_slice %arg7[%dma_start3A_147, %dma_start3A_148] : memref<7x40xi32, #tpu.memory_space<vmem>> -> memref<1x40xi32, #tpu.memory_space<vmem>>
    %dma_start3A_150 = tpu.memref_squeeze %dma_start3A_149 : memref<1x40xi32, #tpu.memory_space<vmem>> -> memref<40xi32, #tpu.memory_space<vmem>>
    %dma_start3A_151 = arith.constant 0 : i32
    %dma_start3A_152 = tpu.memref_slice %arg3[%add3A, %dma_start3A_146, %dma_start3A_151] : memref<32x250x40xi32, #tpu.memory_space<hbm>> -> memref<1x1x40xi32, #tpu.memory_space<hbm>>
    %dma_start3A_153 = tpu.memref_squeeze %dma_start3A_152 : memref<1x1x40xi32, #tpu.memory_space<hbm>> -> memref<40xi32, #tpu.memory_space<hbm>>
    %dma_start3A_154 = arith.constant 0 : i32
    %dma_start3A_155 = tpu.memref_slice %arg7[%dma_start3A_147, %dma_start3A_154] : memref<7x40xi32, #tpu.memory_space<vmem>> -> memref<1x40xi32, #tpu.memory_space<vmem>>
    %dma_start3A_156 = tpu.memref_squeeze %dma_start3A_155 : memref<1x40xi32, #tpu.memory_space<vmem>> -> memref<40xi32, #tpu.memory_space<vmem>>
    %dma_start3A_157 = arith.constant 0 : i32
    %dma_start3A_158 = tpu.memref_slice %arg3[%add3A, %dma_start3A_146, %dma_start3A_157] : memref<32x250x40xi32, #tpu.memory_space<hbm>> -> memref<1x1x40xi32, #tpu.memory_space<hbm>>
    %dma_start3A_159 = tpu.memref_squeeze %dma_start3A_158 : memref<1x1x40xi32, #tpu.memory_space<hbm>> -> memref<40xi32, #tpu.memory_space<hbm>>
    tpu.enqueue_dma source(%dma_start3A_159 : memref<40xi32, #tpu.memory_space<hbm>>) target(%dma_start3A_156 : memref<40xi32, #tpu.memory_space<vmem>>) target_semaphore(%arg23 : memref<!tpu.dma_semaphore, #tpu.memory_space<semaphore_mem>>)
    %dma_start3A_160 = arith.constant 5 : i32
    %dma_start3A_161 = arith.constant 5 : i32
    %dma_start3A_162 = arith.constant 0 : i32
    %dma_start3A_163 = tpu.memref_slice %arg8[%dma_start3A_161, %dma_start3A_162] : memref<7x40xi32, #tpu.memory_space<vmem>> -> memref<1x40xi32, #tpu.memory_space<vmem>>
    %dma_start3A_164 = tpu.memref_squeeze %dma_start3A_163 : memref<1x40xi32, #tpu.memory_space<vmem>> -> memref<40xi32, #tpu.memory_space<vmem>>
    %dma_start3A_165 = arith.constant 0 : i32
    %dma_start3A_166 = tpu.memref_slice %arg4[%add3A, %dma_start3A_160, %dma_start3A_165] : memref<32x250x40xi32, #tpu.memory_space<hbm>> -> memref<1x1x40xi32, #tpu.memory_space<hbm>>
    %dma_start3A_167 = tpu.memref_squeeze %dma_start3A_166 : memref<1x1x40xi32, #tpu.memory_space<hbm>> -> memref<40xi32, #tpu.memory_space<hbm>>
    %dma_start3A_168 = arith.constant 0 : i32
    %dma_start3A_169 = tpu.memref_slice %arg8[%dma_start3A_161, %dma_start3A_168] : memref<7x40xi32, #tpu.memory_space<vmem>> -> memref<1x40xi32, #tpu.memory_space<vmem>>
    %dma_start3A_170 = tpu.memref_squeeze %dma_start3A_169 : memref<1x40xi32, #tpu.memory_space<vmem>> -> memref<40xi32, #tpu.memory_space<vmem>>
    %dma_start3A_171 = arith.constant 0 : i32
    %dma_start3A_172 = tpu.memref_slice %arg4[%add3A, %dma_start3A_160, %dma_start3A_171] : memref<32x250x40xi32, #tpu.memory_space<hbm>> -> memref<1x1x40xi32, #tpu.memory_space<hbm>>
    %dma_start3A_173 = tpu.memref_squeeze %dma_start3A_172 : memref<1x1x40xi32, #tpu.memory_space<hbm>> -> memref<40xi32, #tpu.memory_space<hbm>>
    tpu.enqueue_dma source(%dma_start3A_173 : memref<40xi32, #tpu.memory_space<hbm>>) target(%dma_start3A_170 : memref<40xi32, #tpu.memory_space<vmem>>) target_semaphore(%arg23 : memref<!tpu.dma_semaphore, #tpu.memory_space<semaphore_mem>>)
    %dma_start3A_174 = arith.constant 6 : i32
    %dma_start3A_175 = arith.constant 6 : i32
    %dma_start3A_176 = arith.constant 0 : i32
    %dma_start3A_177 = tpu.memref_slice %arg7[%dma_start3A_175, %dma_start3A_176] : memref<7x40xi32, #tpu.memory_space<vmem>> -> memref<1x40xi32, #tpu.memory_space<vmem>>
    %dma_start3A_178 = tpu.memref_squeeze %dma_start3A_177 : memref<1x40xi32, #tpu.memory_space<vmem>> -> memref<40xi32, #tpu.memory_space<vmem>>
    %dma_start3A_179 = arith.constant 0 : i32
    %dma_start3A_180 = tpu.memref_slice %arg3[%add3A, %dma_start3A_174, %dma_start3A_179] : memref<32x250x40xi32, #tpu.memory_space<hbm>> -> memref<1x1x40xi32, #tpu.memory_space<hbm>>
    %dma_start3A_181 = tpu.memref_squeeze %dma_start3A_180 : memref<1x1x40xi32, #tpu.memory_space<hbm>> -> memref<40xi32, #tpu.memory_space<hbm>>
    %dma_start3A_182 = arith.constant 0 : i32
    %dma_start3A_183 = tpu.memref_slice %arg7[%dma_start3A_175, %dma_start3A_182] : memref<7x40xi32, #tpu.memory_space<vmem>> -> memref<1x40xi32, #tpu.memory_space<vmem>>
    %dma_start3A_184 = tpu.memref_squeeze %dma_start3A_183 : memref<1x40xi32, #tpu.memory_space<vmem>> -> memref<40xi32, #tpu.memory_space<vmem>>
    %dma_start3A_185 = arith.constant 0 : i32
    %dma_start3A_186 = tpu.memref_slice %arg3[%add3A, %dma_start3A_174, %dma_start3A_185] : memref<32x250x40xi32, #tpu.memory_space<hbm>> -> memref<1x1x40xi32, #tpu.memory_space<hbm>>
    %dma_start3A_187 = tpu.memref_squeeze %dma_start3A_186 : memref<1x1x40xi32, #tpu.memory_space<hbm>> -> memref<40xi32, #tpu.memory_space<hbm>>
    tpu.enqueue_dma source(%dma_start3A_187 : memref<40xi32, #tpu.memory_space<hbm>>) target(%dma_start3A_184 : memref<40xi32, #tpu.memory_space<vmem>>) target_semaphore(%arg24 : memref<!tpu.dma_semaphore, #tpu.memory_space<semaphore_mem>>)
    %dma_start3A_188 = arith.constant 6 : i32
    %dma_start3A_189 = arith.constant 6 : i32
    %dma_start3A_190 = arith.constant 0 : i32
    %dma_start3A_191 = tpu.memref_slice %arg8[%dma_start3A_189, %dma_start3A_190] : memref<7x40xi32, #tpu.memory_space<vmem>> -> memref<1x40xi32, #tpu.memory_space<vmem>>
    %dma_start3A_192 = tpu.memref_squeeze %dma_start3A_191 : memref<1x40xi32, #tpu.memory_space<vmem>> -> memref<40xi32, #tpu.memory_space<vmem>>
    %dma_start3A_193 = arith.constant 0 : i32
    %dma_start3A_194 = tpu.memref_slice %arg4[%add3A, %dma_start3A_188, %dma_start3A_193] : memref<32x250x40xi32, #tpu.memory_space<hbm>> -> memref<1x1x40xi32, #tpu.memory_space<hbm>>
    %dma_start3A_195 = tpu.memref_squeeze %dma_start3A_194 : memref<1x1x40xi32, #tpu.memory_space<hbm>> -> memref<40xi32, #tpu.memory_space<hbm>>
    %dma_start3A_196 = arith.constant 0 : i32
    %dma_start3A_197 = tpu.memref_slice %arg8[%dma_start3A_189, %dma_start3A_196] : memref<7x40xi32, #tpu.memory_space<vmem>> -> memref<1x40xi32, #tpu.memory_space<vmem>>
    %dma_start3A_198 = tpu.memref_squeeze %dma_start3A_197 : memref<1x40xi32, #tpu.memory_space<vmem>> -> memref<40xi32, #tpu.memory_space<vmem>>
    %dma_start3A_199 = arith.constant 0 : i32
    %dma_start3A_200 = tpu.memref_slice %arg4[%add3A, %dma_start3A_188, %dma_start3A_199] : memref<32x250x40xi32, #tpu.memory_space<hbm>> -> memref<1x1x40xi32, #tpu.memory_space<hbm>>
    %dma_start3A_201 = tpu.memref_squeeze %dma_start3A_200 : memref<1x1x40xi32, #tpu.memory_space<hbm>> -> memref<40xi32, #tpu.memory_space<hbm>>
    tpu.enqueue_dma source(%dma_start3A_201 : memref<40xi32, #tpu.memory_space<hbm>>) target(%dma_start3A_198 : memref<40xi32, #tpu.memory_space<vmem>>) target_semaphore(%arg24 : memref<!tpu.dma_semaphore, #tpu.memory_space<semaphore_mem>>)
    %barrier3A = arith.constant 0 : index
    tpu.barrier barrier_id(%barrier3A)
    %dma_wait3A = arith.constant 0 : i32
    %dma_wait3A_202 = arith.constant 0 : i32
    %dma_wait3A_203 = arith.constant 0 : i32
    %dma_wait3A_204 = tpu.memref_slice %arg7[%dma_wait3A_202, %dma_wait3A_203] : memref<7x40xi32, #tpu.memory_space<vmem>> -> memref<1x40xi32, #tpu.memory_space<vmem>>
    %dma_wait3A_205 = tpu.memref_squeeze %dma_wait3A_204 : memref<1x40xi32, #tpu.memory_space<vmem>> -> memref<40xi32, #tpu.memory_space<vmem>>
    %dma_wait3A_206 = arith.constant 0 : i32
    %dma_wait3A_207 = tpu.memref_slice %arg3[%add3A, %dma_wait3A, %dma_wait3A_206] : memref<32x250x40xi32, #tpu.memory_space<hbm>> -> memref<1x1x40xi32, #tpu.memory_space<hbm>>
    %dma_wait3A_208 = tpu.memref_squeeze %dma_wait3A_207 : memref<1x1x40xi32, #tpu.memory_space<hbm>> -> memref<40xi32, #tpu.memory_space<hbm>>
    %dma_wait3A_209 = arith.constant 0 : i32
    %dma_wait3A_210 = tpu.memref_slice %arg7[%dma_wait3A_202, %dma_wait3A_209] : memref<7x40xi32, #tpu.memory_space<vmem>> -> memref<1x40xi32, #tpu.memory_space<vmem>>
    %dma_wait3A_211 = tpu.memref_squeeze %dma_wait3A_210 : memref<1x40xi32, #tpu.memory_space<vmem>> -> memref<40xi32, #tpu.memory_space<vmem>>
    %dma_wait3A_212 = arith.constant 0 : i32
    %dma_wait3A_213 = tpu.memref_slice %arg3[%add3A, %dma_wait3A, %dma_wait3A_212] : memref<32x250x40xi32, #tpu.memory_space<hbm>> -> memref<1x1x40xi32, #tpu.memory_space<hbm>>
    %dma_wait3A_214 = tpu.memref_squeeze %dma_wait3A_213 : memref<1x1x40xi32, #tpu.memory_space<hbm>> -> memref<40xi32, #tpu.memory_space<hbm>>
    tpu.wait_dma2 semaphore(%arg18 : memref<!tpu.dma_semaphore, #tpu.memory_space<semaphore_mem>>) src(%dma_wait3A_214 : memref<40xi32, #tpu.memory_space<hbm>>) dst(%dma_wait3A_211 : memref<40xi32, #tpu.memory_space<vmem>>)
    %dma_wait3A_215 = arith.constant 0 : i32
    %dma_wait3A_216 = arith.constant 0 : i32
    %dma_wait3A_217 = arith.constant 0 : i32
    %dma_wait3A_218 = tpu.memref_slice %arg8[%dma_wait3A_216, %dma_wait3A_217] : memref<7x40xi32, #tpu.memory_space<vmem>> -> memref<1x40xi32, #tpu.memory_space<vmem>>
    %dma_wait3A_219 = tpu.memref_squeeze %dma_wait3A_218 : memref<1x40xi32, #tpu.memory_space<vmem>> -> memref<40xi32, #tpu.memory_space<vmem>>
    %dma_wait3A_220 = arith.constant 0 : i32
    %dma_wait3A_221 = tpu.memref_slice %arg4[%add3A, %dma_wait3A_215, %dma_wait3A_220] : memref<32x250x40xi32, #tpu.memory_space<hbm>> -> memref<1x1x40xi32, #tpu.memory_space<hbm>>
    %dma_wait3A_222 = tpu.memref_squeeze %dma_wait3A_221 : memref<1x1x40xi32, #tpu.memory_space<hbm>> -> memref<40xi32, #tpu.memory_space<hbm>>
    %dma_wait3A_223 = arith.constant 0 : i32
    %dma_wait3A_224 = tpu.memref_slice %arg8[%dma_wait3A_216, %dma_wait3A_223] : memref<7x40xi32, #tpu.memory_space<vmem>> -> memref<1x40xi32, #tpu.memory_space<vmem>>
    %dma_wait3A_225 = tpu.memref_squeeze %dma_wait3A_224 : memref<1x40xi32, #tpu.memory_space<vmem>> -> memref<40xi32, #tpu.memory_space<vmem>>
    %dma_wait3A_226 = arith.constant 0 : i32
    %dma_wait3A_227 = tpu.memref_slice %arg4[%add3A, %dma_wait3A_215, %dma_wait3A_226] : memref<32x250x40xi32, #tpu.memory_space<hbm>> -> memref<1x1x40xi32, #tpu.memory_space<hbm>>
    %dma_wait3A_228 = tpu.memref_squeeze %dma_wait3A_227 : memref<1x1x40xi32, #tpu.memory_space<hbm>> -> memref<40xi32, #tpu.memory_space<hbm>>
    tpu.wait_dma2 semaphore(%arg18 : memref<!tpu.dma_semaphore, #tpu.memory_space<semaphore_mem>>) src(%dma_wait3A_228 : memref<40xi32, #tpu.memory_space<hbm>>) dst(%dma_wait3A_225 : memref<40xi32, #tpu.memory_space<vmem>>)
    %dma_start3A_229 = arith.constant 0 : i32
    %dma_start3A_230 = arith.constant 0 : i32
    %dma_start3A_231 = arith.constant 0 : i32
    %dma_start3A_232 = arith.constant 0 : i32
    %dma_start3A_233 = tpu.memref_slice %arg9[%dma_start3A_230, %dma_start3A_231, %dma_start3A_232] : memref<7x40x128xf32, #tpu.memory_space<vmem>> -> memref<1x40x128xf32, #tpu.memory_space<vmem>>
    %dma_start3A_234 = tpu.memref_squeeze %dma_start3A_233 : memref<1x40x128xf32, #tpu.memory_space<vmem>> -> memref<40x128xf32, #tpu.memory_space<vmem>>
    %dma_start3A_235 = arith.constant 0 : i32
    %dma_start3A_236 = tpu.memref_slice %arg7[%dma_start3A_229, %dma_start3A_235] : memref<7x40xi32, #tpu.memory_space<vmem>> -> memref<1x40xi32, #tpu.memory_space<vmem>>
    %dma_start3A_237 = tpu.memref_squeeze %dma_start3A_236 : memref<1x40xi32, #tpu.memory_space<vmem>> -> memref<40xi32, #tpu.memory_space<vmem>>
    %dma_start3A_238 = arith.constant 0 : i32
    %dma_start3A_239 = arith.constant 0 : i32
    %dma_start3A_240 = tpu.memref_slice %arg2[%dma_start3A_238, %dma_start3A_239] : memref<10000x128xf32, #tpu.memory_space<hbm>> -> memref<10000x128xf32, #tpu.memory_space<hbm>>
    tpu.enqueue_indirect_dma source(%dma_start3A_240 : memref<10000x128xf32, #tpu.memory_space<hbm>>) target(%dma_start3A_234 : memref<40x128xf32, #tpu.memory_space<vmem>>) offsets(%dma_start3A_237 : memref<40xi32, #tpu.memory_space<vmem>>) semaphore(%arg11 : memref<!tpu.dma_semaphore, #tpu.memory_space<semaphore_mem>>)
    %dma_wait3A_241 = arith.constant 0 : i32
    %dma_wait3A_242 = arith.constant 1 : i32
    %dma_wait3A_243 = arith.constant 0 : i32
    %dma_wait3A_244 = tpu.memref_slice %arg7[%dma_wait3A_242, %dma_wait3A_243] : memref<7x40xi32, #tpu.memory_space<vmem>> -> memref<1x40xi32, #tpu.memory_space<vmem>>
    %dma_wait3A_245 = tpu.memref_squeeze %dma_wait3A_244 : memref<1x40xi32, #tpu.memory_space<vmem>> -> memref<40xi32, #tpu.memory_space<vmem>>
    %dma_wait3A_246 = arith.constant 0 : i32
    %dma_wait3A_247 = tpu.memref_slice %arg3[%add3A, %dma_wait3A_241, %dma_wait3A_246] : memref<32x250x40xi32, #tpu.memory_space<hbm>> -> memref<1x1x40xi32, #tpu.memory_space<hbm>>
    %dma_wait3A_248 = tpu.memref_squeeze %dma_wait3A_247 : memref<1x1x40xi32, #tpu.memory_space<hbm>> -> memref<40xi32, #tpu.memory_space<hbm>>
    %dma_wait3A_249 = arith.constant 0 : i32
    %dma_wait3A_250 = tpu.memref_slice %arg7[%dma_wait3A_242, %dma_wait3A_249] : memref<7x40xi32, #tpu.memory_space<vmem>> -> memref<1x40xi32, #tpu.memory_space<vmem>>
    %dma_wait3A_251 = tpu.memref_squeeze %dma_wait3A_250 : memref<1x40xi32, #tpu.memory_space<vmem>> -> memref<40xi32, #tpu.memory_space<vmem>>
    %dma_wait3A_252 = arith.constant 0 : i32
    %dma_wait3A_253 = tpu.memref_slice %arg3[%add3A, %dma_wait3A_241, %dma_wait3A_252] : memref<32x250x40xi32, #tpu.memory_space<hbm>> -> memref<1x1x40xi32, #tpu.memory_space<hbm>>
    %dma_wait3A_254 = tpu.memref_squeeze %dma_wait3A_253 : memref<1x1x40xi32, #tpu.memory_space<hbm>> -> memref<40xi32, #tpu.memory_space<hbm>>
    tpu.wait_dma2 semaphore(%arg19 : memref<!tpu.dma_semaphore, #tpu.memory_space<semaphore_mem>>) src(%dma_wait3A_254 : memref<40xi32, #tpu.memory_space<hbm>>) dst(%dma_wait3A_251 : memref<40xi32, #tpu.memory_space<vmem>>)
    %dma_wait3A_255 = arith.constant 0 : i32
    %dma_wait3A_256 = arith.constant 1 : i32
    %dma_wait3A_257 = arith.constant 0 : i32
    %dma_wait3A_258 = tpu.memref_slice %arg8[%dma_wait3A_256, %dma_wait3A_257] : memref<7x40xi32, #tpu.memory_space<vmem>> -> memref<1x40xi32, #tpu.memory_space<vmem>>
    %dma_wait3A_259 = tpu.memref_squeeze %dma_wait3A_258 : memref<1x40xi32, #tpu.memory_space<vmem>> -> memref<40xi32, #tpu.memory_space<vmem>>
    %dma_wait3A_260 = arith.constant 0 : i32
    %dma_wait3A_261 = tpu.memref_slice %arg4[%add3A, %dma_wait3A_255, %dma_wait3A_260] : memref<32x250x40xi32, #tpu.memory_space<hbm>> -> memref<1x1x40xi32, #tpu.memory_space<hbm>>
    %dma_wait3A_262 = tpu.memref_squeeze %dma_wait3A_261 : memref<1x1x40xi32, #tpu.memory_space<hbm>> -> memref<40xi32, #tpu.memory_space<hbm>>
    %dma_wait3A_263 = arith.constant 0 : i32
    %dma_wait3A_264 = tpu.memref_slice %arg8[%dma_wait3A_256, %dma_wait3A_263] : memref<7x40xi32, #tpu.memory_space<vmem>> -> memref<1x40xi32, #tpu.memory_space<vmem>>
    %dma_wait3A_265 = tpu.memref_squeeze %dma_wait3A_264 : memref<1x40xi32, #tpu.memory_space<vmem>> -> memref<40xi32, #tpu.memory_space<vmem>>
    %dma_wait3A_266 = arith.constant 0 : i32
    %dma_wait3A_267 = tpu.memref_slice %arg4[%add3A, %dma_wait3A_255, %dma_wait3A_266] : memref<32x250x40xi32, #tpu.memory_space<hbm>> -> memref<1x1x40xi32, #tpu.memory_space<hbm>>
    %dma_wait3A_268 = tpu.memref_squeeze %dma_wait3A_267 : memref<1x1x40xi32, #tpu.memory_space<hbm>> -> memref<40xi32, #tpu.memory_space<hbm>>
    tpu.wait_dma2 semaphore(%arg19 : memref<!tpu.dma_semaphore, #tpu.memory_space<semaphore_mem>>) src(%dma_wait3A_268 : memref<40xi32, #tpu.memory_space<hbm>>) dst(%dma_wait3A_265 : memref<40xi32, #tpu.memory_space<vmem>>)
    %dma_start3A_269 = arith.constant 1 : i32
    %dma_start3A_270 = arith.constant 1 : i32
    %dma_start3A_271 = arith.constant 0 : i32
    %dma_start3A_272 = arith.constant 0 : i32
    %dma_start3A_273 = tpu.memref_slice %arg9[%dma_start3A_270, %dma_start3A_271, %dma_start3A_272] : memref<7x40x128xf32, #tpu.memory_space<vmem>> -> memref<1x40x128xf32, #tpu.memory_space<vmem>>
    %dma_start3A_274 = tpu.memref_squeeze %dma_start3A_273 : memref<1x40x128xf32, #tpu.memory_space<vmem>> -> memref<40x128xf32, #tpu.memory_space<vmem>>
    %dma_start3A_275 = arith.constant 0 : i32
    %dma_start3A_276 = tpu.memref_slice %arg7[%dma_start3A_269, %dma_start3A_275] : memref<7x40xi32, #tpu.memory_space<vmem>> -> memref<1x40xi32, #tpu.memory_space<vmem>>
    %dma_start3A_277 = tpu.memref_squeeze %dma_start3A_276 : memref<1x40xi32, #tpu.memory_space<vmem>> -> memref<40xi32, #tpu.memory_space<vmem>>
    %dma_start3A_278 = arith.constant 0 : i32
    %dma_start3A_279 = arith.constant 0 : i32
    %dma_start3A_280 = tpu.memref_slice %arg2[%dma_start3A_278, %dma_start3A_279] : memref<10000x128xf32, #tpu.memory_space<hbm>> -> memref<10000x128xf32, #tpu.memory_space<hbm>>
    tpu.enqueue_indirect_dma source(%dma_start3A_280 : memref<10000x128xf32, #tpu.memory_space<hbm>>) target(%dma_start3A_274 : memref<40x128xf32, #tpu.memory_space<vmem>>) offsets(%dma_start3A_277 : memref<40xi32, #tpu.memory_space<vmem>>) semaphore(%arg12 : memref<!tpu.dma_semaphore, #tpu.memory_space<semaphore_mem>>)
    %dma_wait3A_281 = arith.constant 0 : i32
    %dma_wait3A_282 = arith.constant 2 : i32
    %dma_wait3A_283 = arith.constant 0 : i32
    %dma_wait3A_284 = tpu.memref_slice %arg7[%dma_wait3A_282, %dma_wait3A_283] : memref<7x40xi32, #tpu.memory_space<vmem>> -> memref<1x40xi32, #tpu.memory_space<vmem>>
    %dma_wait3A_285 = tpu.memref_squeeze %dma_wait3A_284 : memref<1x40xi32, #tpu.memory_space<vmem>> -> memref<40xi32, #tpu.memory_space<vmem>>
    %dma_wait3A_286 = arith.constant 0 : i32
    %dma_wait3A_287 = tpu.memref_slice %arg3[%add3A, %dma_wait3A_281, %dma_wait3A_286] : memref<32x250x40xi32, #tpu.memory_space<hbm>> -> memref<1x1x40xi32, #tpu.memory_space<hbm>>
    %dma_wait3A_288 = tpu.memref_squeeze %dma_wait3A_287 : memref<1x1x40xi32, #tpu.memory_space<hbm>> -> memref<40xi32, #tpu.memory_space<hbm>>
    %dma_wait3A_289 = arith.constant 0 : i32
    %dma_wait3A_290 = tpu.memref_slice %arg7[%dma_wait3A_282, %dma_wait3A_289] : memref<7x40xi32, #tpu.memory_space<vmem>> -> memref<1x40xi32, #tpu.memory_space<vmem>>
    %dma_wait3A_291 = tpu.memref_squeeze %dma_wait3A_290 : memref<1x40xi32, #tpu.memory_space<vmem>> -> memref<40xi32, #tpu.memory_space<vmem>>
    %dma_wait3A_292 = arith.constant 0 : i32
    %dma_wait3A_293 = tpu.memref_slice %arg3[%add3A, %dma_wait3A_281, %dma_wait3A_292] : memref<32x250x40xi32, #tpu.memory_space<hbm>> -> memref<1x1x40xi32, #tpu.memory_space<hbm>>
    %dma_wait3A_294 = tpu.memref_squeeze %dma_wait3A_293 : memref<1x1x40xi32, #tpu.memory_space<hbm>> -> memref<40xi32, #tpu.memory_space<hbm>>
    tpu.wait_dma2 semaphore(%arg20 : memref<!tpu.dma_semaphore, #tpu.memory_space<semaphore_mem>>) src(%dma_wait3A_294 : memref<40xi32, #tpu.memory_space<hbm>>) dst(%dma_wait3A_291 : memref<40xi32, #tpu.memory_space<vmem>>)
    %dma_wait3A_295 = arith.constant 0 : i32
    %dma_wait3A_296 = arith.constant 2 : i32
    %dma_wait3A_297 = arith.constant 0 : i32
    %dma_wait3A_298 = tpu.memref_slice %arg8[%dma_wait3A_296, %dma_wait3A_297] : memref<7x40xi32, #tpu.memory_space<vmem>> -> memref<1x40xi32, #tpu.memory_space<vmem>>
    %dma_wait3A_299 = tpu.memref_squeeze %dma_wait3A_298 : memref<1x40xi32, #tpu.memory_space<vmem>> -> memref<40xi32, #tpu.memory_space<vmem>>
    %dma_wait3A_300 = arith.constant 0 : i32
    %dma_wait3A_301 = tpu.memref_slice %arg4[%add3A, %dma_wait3A_295, %dma_wait3A_300] : memref<32x250x40xi32, #tpu.memory_space<hbm>> -> memref<1x1x40xi32, #tpu.memory_space<hbm>>
    %dma_wait3A_302 = tpu.memref_squeeze %dma_wait3A_301 : memref<1x1x40xi32, #tpu.memory_space<hbm>> -> memref<40xi32, #tpu.memory_space<hbm>>
    %dma_wait3A_303 = arith.constant 0 : i32
    %dma_wait3A_304 = tpu.memref_slice %arg8[%dma_wait3A_296, %dma_wait3A_303] : memref<7x40xi32, #tpu.memory_space<vmem>> -> memref<1x40xi32, #tpu.memory_space<vmem>>
    %dma_wait3A_305 = tpu.memref_squeeze %dma_wait3A_304 : memref<1x40xi32, #tpu.memory_space<vmem>> -> memref<40xi32, #tpu.memory_space<vmem>>
    %dma_wait3A_306 = arith.constant 0 : i32
    %dma_wait3A_307 = tpu.memref_slice %arg4[%add3A, %dma_wait3A_295, %dma_wait3A_306] : memref<32x250x40xi32, #tpu.memory_space<hbm>> -> memref<1x1x40xi32, #tpu.memory_space<hbm>>
    %dma_wait3A_308 = tpu.memref_squeeze %dma_wait3A_307 : memref<1x1x40xi32, #tpu.memory_space<hbm>> -> memref<40xi32, #tpu.memory_space<hbm>>
    tpu.wait_dma2 semaphore(%arg20 : memref<!tpu.dma_semaphore, #tpu.memory_space<semaphore_mem>>) src(%dma_wait3A_308 : memref<40xi32, #tpu.memory_space<hbm>>) dst(%dma_wait3A_305 : memref<40xi32, #tpu.memory_space<vmem>>)
    %dma_start3A_309 = arith.constant 2 : i32
    %dma_start3A_310 = arith.constant 2 : i32
    %dma_start3A_311 = arith.constant 0 : i32
    %dma_start3A_312 = arith.constant 0 : i32
    %dma_start3A_313 = tpu.memref_slice %arg9[%dma_start3A_310, %dma_start3A_311, %dma_start3A_312] : memref<7x40x128xf32, #tpu.memory_space<vmem>> -> memref<1x40x128xf32, #tpu.memory_space<vmem>>
    %dma_start3A_314 = tpu.memref_squeeze %dma_start3A_313 : memref<1x40x128xf32, #tpu.memory_space<vmem>> -> memref<40x128xf32, #tpu.memory_space<vmem>>
    %dma_start3A_315 = arith.constant 0 : i32
    %dma_start3A_316 = tpu.memref_slice %arg7[%dma_start3A_309, %dma_start3A_315] : memref<7x40xi32, #tpu.memory_space<vmem>> -> memref<1x40xi32, #tpu.memory_space<vmem>>
    %dma_start3A_317 = tpu.memref_squeeze %dma_start3A_316 : memref<1x40xi32, #tpu.memory_space<vmem>> -> memref<40xi32, #tpu.memory_space<vmem>>
    %dma_start3A_318 = arith.constant 0 : i32
    %dma_start3A_319 = arith.constant 0 : i32
    %dma_start3A_320 = tpu.memref_slice %arg2[%dma_start3A_318, %dma_start3A_319] : memref<10000x128xf32, #tpu.memory_space<hbm>> -> memref<10000x128xf32, #tpu.memory_space<hbm>>
    tpu.enqueue_indirect_dma source(%dma_start3A_320 : memref<10000x128xf32, #tpu.memory_space<hbm>>) target(%dma_start3A_314 : memref<40x128xf32, #tpu.memory_space<vmem>>) offsets(%dma_start3A_317 : memref<40xi32, #tpu.memory_space<vmem>>) semaphore(%arg13 : memref<!tpu.dma_semaphore, #tpu.memory_space<semaphore_mem>>)
    %dma_wait3A_321 = arith.constant 0 : i32
    %dma_wait3A_322 = arith.constant 3 : i32
    %dma_wait3A_323 = arith.constant 0 : i32
    %dma_wait3A_324 = tpu.memref_slice %arg7[%dma_wait3A_322, %dma_wait3A_323] : memref<7x40xi32, #tpu.memory_space<vmem>> -> memref<1x40xi32, #tpu.memory_space<vmem>>
    %dma_wait3A_325 = tpu.memref_squeeze %dma_wait3A_324 : memref<1x40xi32, #tpu.memory_space<vmem>> -> memref<40xi32, #tpu.memory_space<vmem>>
    %dma_wait3A_326 = arith.constant 0 : i32
    %dma_wait3A_327 = tpu.memref_slice %arg3[%add3A, %dma_wait3A_321, %dma_wait3A_326] : memref<32x250x40xi32, #tpu.memory_space<hbm>> -> memref<1x1x40xi32, #tpu.memory_space<hbm>>
    %dma_wait3A_328 = tpu.memref_squeeze %dma_wait3A_327 : memref<1x1x40xi32, #tpu.memory_space<hbm>> -> memref<40xi32, #tpu.memory_space<hbm>>
    %dma_wait3A_329 = arith.constant 0 : i32
    %dma_wait3A_330 = tpu.memref_slice %arg7[%dma_wait3A_322, %dma_wait3A_329] : memref<7x40xi32, #tpu.memory_space<vmem>> -> memref<1x40xi32, #tpu.memory_space<vmem>>
    %dma_wait3A_331 = tpu.memref_squeeze %dma_wait3A_330 : memref<1x40xi32, #tpu.memory_space<vmem>> -> memref<40xi32, #tpu.memory_space<vmem>>
    %dma_wait3A_332 = arith.constant 0 : i32
    %dma_wait3A_333 = tpu.memref_slice %arg3[%add3A, %dma_wait3A_321, %dma_wait3A_332] : memref<32x250x40xi32, #tpu.memory_space<hbm>> -> memref<1x1x40xi32, #tpu.memory_space<hbm>>
    %dma_wait3A_334 = tpu.memref_squeeze %dma_wait3A_333 : memref<1x1x40xi32, #tpu.memory_space<hbm>> -> memref<40xi32, #tpu.memory_space<hbm>>
    tpu.wait_dma2 semaphore(%arg21 : memref<!tpu.dma_semaphore, #tpu.memory_space<semaphore_mem>>) src(%dma_wait3A_334 : memref<40xi32, #tpu.memory_space<hbm>>) dst(%dma_wait3A_331 : memref<40xi32, #tpu.memory_space<vmem>>)
    %dma_wait3A_335 = arith.constant 0 : i32
    %dma_wait3A_336 = arith.constant 3 : i32
    %dma_wait3A_337 = arith.constant 0 : i32
    %dma_wait3A_338 = tpu.memref_slice %arg8[%dma_wait3A_336, %dma_wait3A_337] : memref<7x40xi32, #tpu.memory_space<vmem>> -> memref<1x40xi32, #tpu.memory_space<vmem>>
    %dma_wait3A_339 = tpu.memref_squeeze %dma_wait3A_338 : memref<1x40xi32, #tpu.memory_space<vmem>> -> memref<40xi32, #tpu.memory_space<vmem>>
    %dma_wait3A_340 = arith.constant 0 : i32
    %dma_wait3A_341 = tpu.memref_slice %arg4[%add3A, %dma_wait3A_335, %dma_wait3A_340] : memref<32x250x40xi32, #tpu.memory_space<hbm>> -> memref<1x1x40xi32, #tpu.memory_space<hbm>>
    %dma_wait3A_342 = tpu.memref_squeeze %dma_wait3A_341 : memref<1x1x40xi32, #tpu.memory_space<hbm>> -> memref<40xi32, #tpu.memory_space<hbm>>
    %dma_wait3A_343 = arith.constant 0 : i32
    %dma_wait3A_344 = tpu.memref_slice %arg8[%dma_wait3A_336, %dma_wait3A_343] : memref<7x40xi32, #tpu.memory_space<vmem>> -> memref<1x40xi32, #tpu.memory_space<vmem>>
    %dma_wait3A_345 = tpu.memref_squeeze %dma_wait3A_344 : memref<1x40xi32, #tpu.memory_space<vmem>> -> memref<40xi32, #tpu.memory_space<vmem>>
    %dma_wait3A_346 = arith.constant 0 : i32
    %dma_wait3A_347 = tpu.memref_slice %arg4[%add3A, %dma_wait3A_335, %dma_wait3A_346] : memref<32x250x40xi32, #tpu.memory_space<hbm>> -> memref<1x1x40xi32, #tpu.memory_space<hbm>>
    %dma_wait3A_348 = tpu.memref_squeeze %dma_wait3A_347 : memref<1x1x40xi32, #tpu.memory_space<hbm>> -> memref<40xi32, #tpu.memory_space<hbm>>
    tpu.wait_dma2 semaphore(%arg21 : memref<!tpu.dma_semaphore, #tpu.memory_space<semaphore_mem>>) src(%dma_wait3A_348 : memref<40xi32, #tpu.memory_space<hbm>>) dst(%dma_wait3A_345 : memref<40xi32, #tpu.memory_space<vmem>>)
    %dma_start3A_349 = arith.constant 3 : i32
    %dma_start3A_350 = arith.constant 3 : i32
    %dma_start3A_351 = arith.constant 0 : i32
    %dma_start3A_352 = arith.constant 0 : i32
    %dma_start3A_353 = tpu.memref_slice %arg9[%dma_start3A_350, %dma_start3A_351, %dma_start3A_352] : memref<7x40x128xf32, #tpu.memory_space<vmem>> -> memref<1x40x128xf32, #tpu.memory_space<vmem>>
    %dma_start3A_354 = tpu.memref_squeeze %dma_start3A_353 : memref<1x40x128xf32, #tpu.memory_space<vmem>> -> memref<40x128xf32, #tpu.memory_space<vmem>>
    %dma_start3A_355 = arith.constant 0 : i32
    %dma_start3A_356 = tpu.memref_slice %arg7[%dma_start3A_349, %dma_start3A_355] : memref<7x40xi32, #tpu.memory_space<vmem>> -> memref<1x40xi32, #tpu.memory_space<vmem>>
    %dma_start3A_357 = tpu.memref_squeeze %dma_start3A_356 : memref<1x40xi32, #tpu.memory_space<vmem>> -> memref<40xi32, #tpu.memory_space<vmem>>
    %dma_start3A_358 = arith.constant 0 : i32
    %dma_start3A_359 = arith.constant 0 : i32
    %dma_start3A_360 = tpu.memref_slice %arg2[%dma_start3A_358, %dma_start3A_359] : memref<10000x128xf32, #tpu.memory_space<hbm>> -> memref<10000x128xf32, #tpu.memory_space<hbm>>
    tpu.enqueue_indirect_dma source(%dma_start3A_360 : memref<10000x128xf32, #tpu.memory_space<hbm>>) target(%dma_start3A_354 : memref<40x128xf32, #tpu.memory_space<vmem>>) offsets(%dma_start3A_357 : memref<40xi32, #tpu.memory_space<vmem>>) semaphore(%arg14 : memref<!tpu.dma_semaphore, #tpu.memory_space<semaphore_mem>>)
    %dma_wait3A_361 = arith.constant 0 : i32
    %dma_wait3A_362 = arith.constant 4 : i32
    %dma_wait3A_363 = arith.constant 0 : i32
    %dma_wait3A_364 = tpu.memref_slice %arg7[%dma_wait3A_362, %dma_wait3A_363] : memref<7x40xi32, #tpu.memory_space<vmem>> -> memref<1x40xi32, #tpu.memory_space<vmem>>
    %dma_wait3A_365 = tpu.memref_squeeze %dma_wait3A_364 : memref<1x40xi32, #tpu.memory_space<vmem>> -> memref<40xi32, #tpu.memory_space<vmem>>
    %dma_wait3A_366 = arith.constant 0 : i32
    %dma_wait3A_367 = tpu.memref_slice %arg3[%add3A, %dma_wait3A_361, %dma_wait3A_366] : memref<32x250x40xi32, #tpu.memory_space<hbm>> -> memref<1x1x40xi32, #tpu.memory_space<hbm>>
    %dma_wait3A_368 = tpu.memref_squeeze %dma_wait3A_367 : memref<1x1x40xi32, #tpu.memory_space<hbm>> -> memref<40xi32, #tpu.memory_space<hbm>>
    %dma_wait3A_369 = arith.constant 0 : i32
    %dma_wait3A_370 = tpu.memref_slice %arg7[%dma_wait3A_362, %dma_wait3A_369] : memref<7x40xi32, #tpu.memory_space<vmem>> -> memref<1x40xi32, #tpu.memory_space<vmem>>
    %dma_wait3A_371 = tpu.memref_squeeze %dma_wait3A_370 : memref<1x40xi32, #tpu.memory_space<vmem>> -> memref<40xi32, #tpu.memory_space<vmem>>
    %dma_wait3A_372 = arith.constant 0 : i32
    %dma_wait3A_373 = tpu.memref_slice %arg3[%add3A, %dma_wait3A_361, %dma_wait3A_372] : memref<32x250x40xi32, #tpu.memory_space<hbm>> -> memref<1x1x40xi32, #tpu.memory_space<hbm>>
    %dma_wait3A_374 = tpu.memref_squeeze %dma_wait3A_373 : memref<1x1x40xi32, #tpu.memory_space<hbm>> -> memref<40xi32, #tpu.memory_space<hbm>>
    tpu.wait_dma2 semaphore(%arg22 : memref<!tpu.dma_semaphore, #tpu.memory_space<semaphore_mem>>) src(%dma_wait3A_374 : memref<40xi32, #tpu.memory_space<hbm>>) dst(%dma_wait3A_371 : memref<40xi32, #tpu.memory_space<vmem>>)
    %dma_wait3A_375 = arith.constant 0 : i32
    %dma_wait3A_376 = arith.constant 4 : i32
    %dma_wait3A_377 = arith.constant 0 : i32
    %dma_wait3A_378 = tpu.memref_slice %arg8[%dma_wait3A_376, %dma_wait3A_377] : memref<7x40xi32, #tpu.memory_space<vmem>> -> memref<1x40xi32, #tpu.memory_space<vmem>>
    %dma_wait3A_379 = tpu.memref_squeeze %dma_wait3A_378 : memref<1x40xi32, #tpu.memory_space<vmem>> -> memref<40xi32, #tpu.memory_space<vmem>>
    %dma_wait3A_380 = arith.constant 0 : i32
    %dma_wait3A_381 = tpu.memref_slice %arg4[%add3A, %dma_wait3A_375, %dma_wait3A_380] : memref<32x250x40xi32, #tpu.memory_space<hbm>> -> memref<1x1x40xi32, #tpu.memory_space<hbm>>
    %dma_wait3A_382 = tpu.memref_squeeze %dma_wait3A_381 : memref<1x1x40xi32, #tpu.memory_space<hbm>> -> memref<40xi32, #tpu.memory_space<hbm>>
    %dma_wait3A_383 = arith.constant 0 : i32
    %dma_wait3A_384 = tpu.memref_slice %arg8[%dma_wait3A_376, %dma_wait3A_383] : memref<7x40xi32, #tpu.memory_space<vmem>> -> memref<1x40xi32, #tpu.memory_space<vmem>>
    %dma_wait3A_385 = tpu.memref_squeeze %dma_wait3A_384 : memref<1x40xi32, #tpu.memory_space<vmem>> -> memref<40xi32, #tpu.memory_space<vmem>>
    %dma_wait3A_386 = arith.constant 0 : i32
    %dma_wait3A_387 = tpu.memref_slice %arg4[%add3A, %dma_wait3A_375, %dma_wait3A_386] : memref<32x250x40xi32, #tpu.memory_space<hbm>> -> memref<1x1x40xi32, #tpu.memory_space<hbm>>
    %dma_wait3A_388 = tpu.memref_squeeze %dma_wait3A_387 : memref<1x1x40xi32, #tpu.memory_space<hbm>> -> memref<40xi32, #tpu.memory_space<hbm>>
    tpu.wait_dma2 semaphore(%arg22 : memref<!tpu.dma_semaphore, #tpu.memory_space<semaphore_mem>>) src(%dma_wait3A_388 : memref<40xi32, #tpu.memory_space<hbm>>) dst(%dma_wait3A_385 : memref<40xi32, #tpu.memory_space<vmem>>)
    %dma_start3A_389 = arith.constant 4 : i32
    %dma_start3A_390 = arith.constant 4 : i32
    %dma_start3A_391 = arith.constant 0 : i32
    %dma_start3A_392 = arith.constant 0 : i32
    %dma_start3A_393 = tpu.memref_slice %arg9[%dma_start3A_390, %dma_start3A_391, %dma_start3A_392] : memref<7x40x128xf32, #tpu.memory_space<vmem>> -> memref<1x40x128xf32, #tpu.memory_space<vmem>>
    %dma_start3A_394 = tpu.memref_squeeze %dma_start3A_393 : memref<1x40x128xf32, #tpu.memory_space<vmem>> -> memref<40x128xf32, #tpu.memory_space<vmem>>
    %dma_start3A_395 = arith.constant 0 : i32
    %dma_start3A_396 = tpu.memref_slice %arg7[%dma_start3A_389, %dma_start3A_395] : memref<7x40xi32, #tpu.memory_space<vmem>> -> memref<1x40xi32, #tpu.memory_space<vmem>>
    %dma_start3A_397 = tpu.memref_squeeze %dma_start3A_396 : memref<1x40xi32, #tpu.memory_space<vmem>> -> memref<40xi32, #tpu.memory_space<vmem>>
    %dma_start3A_398 = arith.constant 0 : i32
    %dma_start3A_399 = arith.constant 0 : i32
    %dma_start3A_400 = tpu.memref_slice %arg2[%dma_start3A_398, %dma_start3A_399] : memref<10000x128xf32, #tpu.memory_space<hbm>> -> memref<10000x128xf32, #tpu.memory_space<hbm>>
    tpu.enqueue_indirect_dma source(%dma_start3A_400 : memref<10000x128xf32, #tpu.memory_space<hbm>>) target(%dma_start3A_394 : memref<40x128xf32, #tpu.memory_space<vmem>>) offsets(%dma_start3A_397 : memref<40xi32, #tpu.memory_space<vmem>>) semaphore(%arg15 : memref<!tpu.dma_semaphore, #tpu.memory_space<semaphore_mem>>)
    %scan3A = arith.constant 0 : i32
    %scan3A_401 = arith.constant 0 : i32
    %scan3A_402 = arith.constant 35 : i32
    %scan3A_403 = arith.addi %scan3A_401, %scan3A_402 : i32
    %scan3A_404 = arith.constant 1 : i32
    scf.for %scan3A_485 = %scan3A_401 to %scan3A_403 step %scan3A_404  : i32 {
      %mul3A_486 = arith.constant 7 : i32
      %mul3A_487 = arith.muli %mul3A_486, %scan3A_485 : i32
      %add3A_488 = arith.constant 0 : i32
      %add3A_489 = arith.addi %mul3A_487, %add3A_488 : i32
      %add3A_490 = arith.constant 7 : i32
      %add3A_491 = arith.addi %add3A_489, %add3A_490 : i32
      %sub3A = arith.constant 2 : i32
      %sub3A_492 = arith.subi %add3A_491, %sub3A : i32
      %lt3A = arith.constant 250 : i32
      %lt3A_493 = arith.cmpi slt, %sub3A_492, %lt3A : i32
      %convert_element_type3A_494 = arith.extui %lt3A_493 : i1 to i32
      %cond3A_495 = arith.constant 0 : i32
      %cond3A_496 = arith.cmpi ne, %convert_element_type3A_494, %cond3A_495 : i32
      scf.if %cond3A_496 {
        %dma_wait3A_722 = arith.constant 0 : i32
        %dma_wait3A_723 = arith.constant 5 : i32
        %dma_wait3A_724 = arith.constant 0 : i32
        %dma_wait3A_725 = tpu.memref_slice %arg7[%dma_wait3A_723, %dma_wait3A_724] : memref<7x40xi32, #tpu.memory_space<vmem>> -> memref<1x40xi32, #tpu.memory_space<vmem>>
        %dma_wait3A_726 = tpu.memref_squeeze %dma_wait3A_725 : memref<1x40xi32, #tpu.memory_space<vmem>> -> memref<40xi32, #tpu.memory_space<vmem>>
        %dma_wait3A_727 = arith.constant 0 : i32
        %dma_wait3A_728 = tpu.memref_slice %arg3[%add3A, %dma_wait3A_722, %dma_wait3A_727] : memref<32x250x40xi32, #tpu.memory_space<hbm>> -> memref<1x1x40xi32, #tpu.memory_space<hbm>>
        %dma_wait3A_729 = tpu.memref_squeeze %dma_wait3A_728 : memref<1x1x40xi32, #tpu.memory_space<hbm>> -> memref<40xi32, #tpu.memory_space<hbm>>
        %dma_wait3A_730 = arith.constant 0 : i32
        %dma_wait3A_731 = tpu.memref_slice %arg7[%dma_wait3A_723, %dma_wait3A_730] : memref<7x40xi32, #tpu.memory_space<vmem>> -> memref<1x40xi32, #tpu.memory_space<vmem>>
        %dma_wait3A_732 = tpu.memref_squeeze %dma_wait3A_731 : memref<1x40xi32, #tpu.memory_space<vmem>> -> memref<40xi32, #tpu.memory_space<vmem>>
        %dma_wait3A_733 = arith.constant 0 : i32
        %dma_wait3A_734 = tpu.memref_slice %arg3[%add3A, %dma_wait3A_722, %dma_wait3A_733] : memref<32x250x40xi32, #tpu.memory_space<hbm>> -> memref<1x1x40xi32, #tpu.memory_space<hbm>>
        %dma_wait3A_735 = tpu.memref_squeeze %dma_wait3A_734 : memref<1x1x40xi32, #tpu.memory_space<hbm>> -> memref<40xi32, #tpu.memory_space<hbm>>
        tpu.wait_dma2 semaphore(%arg23 : memref<!tpu.dma_semaphore, #tpu.memory_space<semaphore_mem>>) src(%dma_wait3A_735 : memref<40xi32, #tpu.memory_space<hbm>>) dst(%dma_wait3A_732 : memref<40xi32, #tpu.memory_space<vmem>>)
        %dma_wait3A_736 = arith.constant 0 : i32
        %dma_wait3A_737 = arith.constant 5 : i32
        %dma_wait3A_738 = arith.constant 0 : i32
        %dma_wait3A_739 = tpu.memref_slice %arg8[%dma_wait3A_737, %dma_wait3A_738] : memref<7x40xi32, #tpu.memory_space<vmem>> -> memref<1x40xi32, #tpu.memory_space<vmem>>
        %dma_wait3A_740 = tpu.memref_squeeze %dma_wait3A_739 : memref<1x40xi32, #tpu.memory_space<vmem>> -> memref<40xi32, #tpu.memory_space<vmem>>
        %dma_wait3A_741 = arith.constant 0 : i32
        %dma_wait3A_742 = tpu.memref_slice %arg4[%add3A, %dma_wait3A_736, %dma_wait3A_741] : memref<32x250x40xi32, #tpu.memory_space<hbm>> -> memref<1x1x40xi32, #tpu.memory_space<hbm>>
        %dma_wait3A_743 = tpu.memref_squeeze %dma_wait3A_742 : memref<1x1x40xi32, #tpu.memory_space<hbm>> -> memref<40xi32, #tpu.memory_space<hbm>>
        %dma_wait3A_744 = arith.constant 0 : i32
        %dma_wait3A_745 = tpu.memref_slice %arg8[%dma_wait3A_737, %dma_wait3A_744] : memref<7x40xi32, #tpu.memory_space<vmem>> -> memref<1x40xi32, #tpu.memory_space<vmem>>
        %dma_wait3A_746 = tpu.memref_squeeze %dma_wait3A_745 : memref<1x40xi32, #tpu.memory_space<vmem>> -> memref<40xi32, #tpu.memory_space<vmem>>
        %dma_wait3A_747 = arith.constant 0 : i32
        %dma_wait3A_748 = tpu.memref_slice %arg4[%add3A, %dma_wait3A_736, %dma_wait3A_747] : memref<32x250x40xi32, #tpu.memory_space<hbm>> -> memref<1x1x40xi32, #tpu.memory_space<hbm>>
        %dma_wait3A_749 = tpu.memref_squeeze %dma_wait3A_748 : memref<1x1x40xi32, #tpu.memory_space<hbm>> -> memref<40xi32, #tpu.memory_space<hbm>>
        tpu.wait_dma2 semaphore(%arg23 : memref<!tpu.dma_semaphore, #tpu.memory_space<semaphore_mem>>) src(%dma_wait3A_749 : memref<40xi32, #tpu.memory_space<hbm>>) dst(%dma_wait3A_746 : memref<40xi32, #tpu.memory_space<vmem>>)
        %dma_start3A_750 = arith.constant 5 : i32
        %dma_start3A_751 = arith.constant 5 : i32
        %dma_start3A_752 = arith.constant 0 : i32
        %dma_start3A_753 = arith.constant 0 : i32
        %dma_start3A_754 = tpu.memref_slice %arg9[%dma_start3A_751, %dma_start3A_752, %dma_start3A_753] : memref<7x40x128xf32, #tpu.memory_space<vmem>> -> memref<1x40x128xf32, #tpu.memory_space<vmem>>
        %dma_start3A_755 = tpu.memref_squeeze %dma_start3A_754 : memref<1x40x128xf32, #tpu.memory_space<vmem>> -> memref<40x128xf32, #tpu.memory_space<vmem>>
        %dma_start3A_756 = arith.constant 0 : i32
        %dma_start3A_757 = tpu.memref_slice %arg7[%dma_start3A_750, %dma_start3A_756] : memref<7x40xi32, #tpu.memory_space<vmem>> -> memref<1x40xi32, #tpu.memory_space<vmem>>
        %dma_start3A_758 = tpu.memref_squeeze %dma_start3A_757 : memref<1x40xi32, #tpu.memory_space<vmem>> -> memref<40xi32, #tpu.memory_space<vmem>>
        %dma_start3A_759 = arith.constant 0 : i32
        %dma_start3A_760 = arith.constant 0 : i32
        %dma_start3A_761 = tpu.memref_slice %arg2[%dma_start3A_759, %dma_start3A_760] : memref<10000x128xf32, #tpu.memory_space<hbm>> -> memref<10000x128xf32, #tpu.memory_space<hbm>>
        tpu.enqueue_indirect_dma source(%dma_start3A_761 : memref<10000x128xf32, #tpu.memory_space<hbm>>) target(%dma_start3A_755 : memref<40x128xf32, #tpu.memory_space<vmem>>) offsets(%dma_start3A_758 : memref<40xi32, #tpu.memory_space<vmem>>) semaphore(%arg16 : memref<!tpu.dma_semaphore, #tpu.memory_space<semaphore_mem>>)
      } else {
      }
      %dma_wait3A_497 = arith.constant 0 : i32
      %dma_wait3A_498 = arith.constant 0 : i32
      %dma_wait3A_499 = arith.constant 0 : i32
      %dma_wait3A_500 = arith.constant 0 : i32
      %dma_wait3A_501 = tpu.memref_slice %arg9[%dma_wait3A_498, %dma_wait3A_499, %dma_wait3A_500] : memref<7x40x128xf32, #tpu.memory_space<vmem>> -> memref<1x40x128xf32, #tpu.memory_space<vmem>>
      %dma_wait3A_502 = tpu.memref_squeeze %dma_wait3A_501 : memref<1x40x128xf32, #tpu.memory_space<vmem>> -> memref<40x128xf32, #tpu.memory_space<vmem>>
      %dma_wait3A_503 = arith.constant 0 : i32
      %dma_wait3A_504 = tpu.memref_slice %arg7[%dma_wait3A_497, %dma_wait3A_503] : memref<7x40xi32, #tpu.memory_space<vmem>> -> memref<1x40xi32, #tpu.memory_space<vmem>>
      %dma_wait3A_505 = tpu.memref_squeeze %dma_wait3A_504 : memref<1x40xi32, #tpu.memory_space<vmem>> -> memref<40xi32, #tpu.memory_space<vmem>>
      %dma_wait3A_506 = arith.constant 0 : i32
      %dma_wait3A_507 = arith.constant 0 : i32
      %dma_wait3A_508 = tpu.memref_slice %arg2[%dma_wait3A_506, %dma_wait3A_507] : memref<10000x128xf32, #tpu.memory_space<hbm>> -> memref<10000x128xf32, #tpu.memory_space<hbm>>
      tpu.wait_indirect_dma semaphore(%arg11 : memref<!tpu.dma_semaphore, #tpu.memory_space<semaphore_mem>>) src(%dma_wait3A_508 : memref<10000x128xf32, #tpu.memory_space<hbm>>) dst(%dma_wait3A_502 : memref<40x128xf32, #tpu.memory_space<vmem>>)
      %run_scoped3A_509 = arith.constant 0 : i32
      %run_scoped3A_510 = arith.constant 0 : i32
      "tpu.region"() ({
        %run_scoped3A_722 = tpu.sem_alloc : memref<!tpu.dma_semaphore, #tpu.memory_space<semaphore_mem>>
        %dma_start3A_723 = arith.constant 0 : i32
        %dma_start3A_724 = arith.constant 0 : i32
        %dma_start3A_725 = tpu.memref_slice %arg9[%run_scoped3A_509, %dma_start3A_723, %dma_start3A_724] : memref<7x40x128xf32, #tpu.memory_space<vmem>> -> memref<1x40x128xf32, #tpu.memory_space<vmem>>
        %dma_start3A_726 = tpu.memref_squeeze %dma_start3A_725 : memref<1x40x128xf32, #tpu.memory_space<vmem>> -> memref<40x128xf32, #tpu.memory_space<vmem>>
        %dma_start3A_727 = arith.constant 0 : i32
        %dma_start3A_728 = tpu.memref_slice %arg8[%run_scoped3A_510, %dma_start3A_727] : memref<7x40xi32, #tpu.memory_space<vmem>> -> memref<1x40xi32, #tpu.memory_space<vmem>>
        %dma_start3A_729 = tpu.memref_squeeze %dma_start3A_728 : memref<1x40xi32, #tpu.memory_space<vmem>> -> memref<40xi32, #tpu.memory_space<vmem>>
        %dma_start3A_730 = arith.constant 0 : i32
        %dma_start3A_731 = arith.constant 0 : i32
        %dma_start3A_732 = tpu.memref_slice %arg10[%dma_start3A_730, %dma_start3A_731] : memref<10000x128xf32, #tpu.memory_space<vmem_shared>> -> memref<10000x128xf32, #tpu.memory_space<vmem_shared>>
        tpu.enqueue_indirect_dma source(%dma_start3A_726 : memref<40x128xf32, #tpu.memory_space<vmem>>) target(%dma_start3A_732 : memref<10000x128xf32, #tpu.memory_space<vmem_shared>>) offsets(%dma_start3A_729 : memref<40xi32, #tpu.memory_space<vmem>>) semaphore(%run_scoped3A_722 : memref<!tpu.dma_semaphore, #tpu.memory_space<semaphore_mem>>) {add = true}
        %dma_wait3A_733 = arith.constant 0 : i32
        %dma_wait3A_734 = arith.constant 0 : i32
        %dma_wait3A_735 = tpu.memref_slice %arg9[%run_scoped3A_509, %dma_wait3A_733, %dma_wait3A_734] : memref<7x40x128xf32, #tpu.memory_space<vmem>> -> memref<1x40x128xf32, #tpu.memory_space<vmem>>
        %dma_wait3A_736 = tpu.memref_squeeze %dma_wait3A_735 : memref<1x40x128xf32, #tpu.memory_space<vmem>> -> memref<40x128xf32, #tpu.memory_space<vmem>>
        %dma_wait3A_737 = arith.constant 0 : i32
        %dma_wait3A_738 = tpu.memref_slice %arg8[%run_scoped3A_510, %dma_wait3A_737] : memref<7x40xi32, #tpu.memory_space<vmem>> -> memref<1x40xi32, #tpu.memory_space<vmem>>
        %dma_wait3A_739 = tpu.memref_squeeze %dma_wait3A_738 : memref<1x40xi32, #tpu.memory_space<vmem>> -> memref<40xi32, #tpu.memory_space<vmem>>
        %dma_wait3A_740 = arith.constant 0 : i32
        %dma_wait3A_741 = arith.constant 0 : i32
        %dma_wait3A_742 = tpu.memref_slice %arg10[%dma_wait3A_740, %dma_wait3A_741] : memref<10000x128xf32, #tpu.memory_space<vmem_shared>> -> memref<10000x128xf32, #tpu.memory_space<vmem_shared>>
        tpu.wait_indirect_dma semaphore(%run_scoped3A_722 : memref<!tpu.dma_semaphore, #tpu.memory_space<semaphore_mem>>) src(%dma_wait3A_736 : memref<40x128xf32, #tpu.memory_space<vmem>>) dst(%dma_wait3A_742 : memref<10000x128xf32, #tpu.memory_space<vmem_shared>>)
        tpu.yield
      }) : () -> ()
      %add3A_511 = arith.constant 7 : i32
      %add3A_512 = arith.addi %add3A_489, %add3A_511 : i32
      %lt3A_513 = arith.constant 250 : i32
      %lt3A_514 = arith.cmpi slt, %add3A_512, %lt3A_513 : i32
      %convert_element_type3A_515 = arith.extui %lt3A_514 : i1 to i32
      %cond3A_516 = arith.constant 0 : i32
      %cond3A_517 = arith.cmpi ne, %convert_element_type3A_515, %cond3A_516 : i32
      scf.if %cond3A_517 {
        %add3A_722 = arith.constant 7 : i32
        %add3A_723 = arith.addi %add3A_489, %add3A_722 : i32
        %dma_start3A_724 = arith.constant 0 : i32
        %dma_start3A_725 = arith.constant 0 : i32
        %dma_start3A_726 = tpu.memref_slice %arg7[%dma_start3A_724, %dma_start3A_725] : memref<7x40xi32, #tpu.memory_space<vmem>> -> memref<1x40xi32, #tpu.memory_space<vmem>>
        %dma_start3A_727 = tpu.memref_squeeze %dma_start3A_726 : memref<1x40xi32, #tpu.memory_space<vmem>> -> memref<40xi32, #tpu.memory_space<vmem>>
        %dma_start3A_728 = arith.constant 0 : i32
        %dma_start3A_729 = tpu.memref_slice %arg3[%add3A, %add3A_723, %dma_start3A_728] : memref<32x250x40xi32, #tpu.memory_space<hbm>> -> memref<1x1x40xi32, #tpu.memory_space<hbm>>
        %dma_start3A_730 = tpu.memref_squeeze %dma_start3A_729 : memref<1x1x40xi32, #tpu.memory_space<hbm>> -> memref<40xi32, #tpu.memory_space<hbm>>
        %dma_start3A_731 = arith.constant 0 : i32
        %dma_start3A_732 = tpu.memref_slice %arg7[%dma_start3A_724, %dma_start3A_731] : memref<7x40xi32, #tpu.memory_space<vmem>> -> memref<1x40xi32, #tpu.memory_space<vmem>>
        %dma_start3A_733 = tpu.memref_squeeze %dma_start3A_732 : memref<1x40xi32, #tpu.memory_space<vmem>> -> memref<40xi32, #tpu.memory_space<vmem>>
        %dma_start3A_734 = arith.constant 0 : i32
        %dma_start3A_735 = tpu.memref_slice %arg3[%add3A, %add3A_723, %dma_start3A_734] : memref<32x250x40xi32, #tpu.memory_space<hbm>> -> memref<1x1x40xi32, #tpu.memory_space<hbm>>
        %dma_start3A_736 = tpu.memref_squeeze %dma_start3A_735 : memref<1x1x40xi32, #tpu.memory_space<hbm>> -> memref<40xi32, #tpu.memory_space<hbm>>
        tpu.enqueue_dma source(%dma_start3A_736 : memref<40xi32, #tpu.memory_space<hbm>>) target(%dma_start3A_733 : memref<40xi32, #tpu.memory_space<vmem>>) target_semaphore(%arg18 : memref<!tpu.dma_semaphore, #tpu.memory_space<semaphore_mem>>)
        %dma_start3A_737 = arith.constant 0 : i32
        %dma_start3A_738 = arith.constant 0 : i32
        %dma_start3A_739 = tpu.memref_slice %arg8[%dma_start3A_737, %dma_start3A_738] : memref<7x40xi32, #tpu.memory_space<vmem>> -> memref<1x40xi32, #tpu.memory_space<vmem>>
        %dma_start3A_740 = tpu.memref_squeeze %dma_start3A_739 : memref<1x40xi32, #tpu.memory_space<vmem>> -> memref<40xi32, #tpu.memory_space<vmem>>
        %dma_start3A_741 = arith.constant 0 : i32
        %dma_start3A_742 = tpu.memref_slice %arg4[%add3A, %add3A_723, %dma_start3A_741] : memref<32x250x40xi32, #tpu.memory_space<hbm>> -> memref<1x1x40xi32, #tpu.memory_space<hbm>>
        %dma_start3A_743 = tpu.memref_squeeze %dma_start3A_742 : memref<1x1x40xi32, #tpu.memory_space<hbm>> -> memref<40xi32, #tpu.memory_space<hbm>>
        %dma_start3A_744 = arith.constant 0 : i32
        %dma_start3A_745 = tpu.memref_slice %arg8[%dma_start3A_737, %dma_start3A_744] : memref<7x40xi32, #tpu.memory_space<vmem>> -> memref<1x40xi32, #tpu.memory_space<vmem>>
        %dma_start3A_746 = tpu.memref_squeeze %dma_start3A_745 : memref<1x40xi32, #tpu.memory_space<vmem>> -> memref<40xi32, #tpu.memory_space<vmem>>
        %dma_start3A_747 = arith.constant 0 : i32
        %dma_start3A_748 = tpu.memref_slice %arg4[%add3A, %add3A_723, %dma_start3A_747] : memref<32x250x40xi32, #tpu.memory_space<hbm>> -> memref<1x1x40xi32, #tpu.memory_space<hbm>>
        %dma_start3A_749 = tpu.memref_squeeze %dma_start3A_748 : memref<1x1x40xi32, #tpu.memory_space<hbm>> -> memref<40xi32, #tpu.memory_space<hbm>>
        tpu.enqueue_dma source(%dma_start3A_749 : memref<40xi32, #tpu.memory_space<hbm>>) target(%dma_start3A_746 : memref<40xi32, #tpu.memory_space<vmem>>) target_semaphore(%arg18 : memref<!tpu.dma_semaphore, #tpu.memory_space<semaphore_mem>>)
      } else {
      }
      %mul3A_518 = arith.constant 7 : i32
      %mul3A_519 = arith.muli %mul3A_518, %scan3A_485 : i32
      %add3A_520 = arith.constant 1 : i32
      %add3A_521 = arith.addi %mul3A_519, %add3A_520 : i32
      %add3A_522 = arith.constant 7 : i32
      %add3A_523 = arith.addi %add3A_521, %add3A_522 : i32
      %sub3A_524 = arith.constant 2 : i32
      %sub3A_525 = arith.subi %add3A_523, %sub3A_524 : i32
      %lt3A_526 = arith.constant 250 : i32
      %lt3A_527 = arith.cmpi slt, %sub3A_525, %lt3A_526 : i32
      %convert_element_type3A_528 = arith.extui %lt3A_527 : i1 to i32
      %cond3A_529 = arith.constant 0 : i32
      %cond3A_530 = arith.cmpi ne, %convert_element_type3A_528, %cond3A_529 : i32
      scf.if %cond3A_530 {
        %dma_wait3A_722 = arith.constant 0 : i32
        %dma_wait3A_723 = arith.constant 6 : i32
        %dma_wait3A_724 = arith.constant 0 : i32
        %dma_wait3A_725 = tpu.memref_slice %arg7[%dma_wait3A_723, %dma_wait3A_724] : memref<7x40xi32, #tpu.memory_space<vmem>> -> memref<1x40xi32, #tpu.memory_space<vmem>>
        %dma_wait3A_726 = tpu.memref_squeeze %dma_wait3A_725 : memref<1x40xi32, #tpu.memory_space<vmem>> -> memref<40xi32, #tpu.memory_space<vmem>>
        %dma_wait3A_727 = arith.constant 0 : i32
        %dma_wait3A_728 = tpu.memref_slice %arg3[%add3A, %dma_wait3A_722, %dma_wait3A_727] : memref<32x250x40xi32, #tpu.memory_space<hbm>> -> memref<1x1x40xi32, #tpu.memory_space<hbm>>
        %dma_wait3A_729 = tpu.memref_squeeze %dma_wait3A_728 : memref<1x1x40xi32, #tpu.memory_space<hbm>> -> memref<40xi32, #tpu.memory_space<hbm>>
        %dma_wait3A_730 = arith.constant 0 : i32
        %dma_wait3A_731 = tpu.memref_slice %arg7[%dma_wait3A_723, %dma_wait3A_730] : memref<7x40xi32, #tpu.memory_space<vmem>> -> memref<1x40xi32, #tpu.memory_space<vmem>>
        %dma_wait3A_732 = tpu.memref_squeeze %dma_wait3A_731 : memref<1x40xi32, #tpu.memory_space<vmem>> -> memref<40xi32, #tpu.memory_space<vmem>>
        %dma_wait3A_733 = arith.constant 0 : i32
        %dma_wait3A_734 = tpu.memref_slice %arg3[%add3A, %dma_wait3A_722, %dma_wait3A_733] : memref<32x250x40xi32, #tpu.memory_space<hbm>> -> memref<1x1x40xi32, #tpu.memory_space<hbm>>
        %dma_wait3A_735 = tpu.memref_squeeze %dma_wait3A_734 : memref<1x1x40xi32, #tpu.memory_space<hbm>> -> memref<40xi32, #tpu.memory_space<hbm>>
        tpu.wait_dma2 semaphore(%arg24 : memref<!tpu.dma_semaphore, #tpu.memory_space<semaphore_mem>>) src(%dma_wait3A_735 : memref<40xi32, #tpu.memory_space<hbm>>) dst(%dma_wait3A_732 : memref<40xi32, #tpu.memory_space<vmem>>)
        %dma_wait3A_736 = arith.constant 0 : i32
        %dma_wait3A_737 = arith.constant 6 : i32
        %dma_wait3A_738 = arith.constant 0 : i32
        %dma_wait3A_739 = tpu.memref_slice %arg8[%dma_wait3A_737, %dma_wait3A_738] : memref<7x40xi32, #tpu.memory_space<vmem>> -> memref<1x40xi32, #tpu.memory_space<vmem>>
        %dma_wait3A_740 = tpu.memref_squeeze %dma_wait3A_739 : memref<1x40xi32, #tpu.memory_space<vmem>> -> memref<40xi32, #tpu.memory_space<vmem>>
        %dma_wait3A_741 = arith.constant 0 : i32
        %dma_wait3A_742 = tpu.memref_slice %arg4[%add3A, %dma_wait3A_736, %dma_wait3A_741] : memref<32x250x40xi32, #tpu.memory_space<hbm>> -> memref<1x1x40xi32, #tpu.memory_space<hbm>>
        %dma_wait3A_743 = tpu.memref_squeeze %dma_wait3A_742 : memref<1x1x40xi32, #tpu.memory_space<hbm>> -> memref<40xi32, #tpu.memory_space<hbm>>
        %dma_wait3A_744 = arith.constant 0 : i32
        %dma_wait3A_745 = tpu.memref_slice %arg8[%dma_wait3A_737, %dma_wait3A_744] : memref<7x40xi32, #tpu.memory_space<vmem>> -> memref<1x40xi32, #tpu.memory_space<vmem>>
        %dma_wait3A_746 = tpu.memref_squeeze %dma_wait3A_745 : memref<1x40xi32, #tpu.memory_space<vmem>> -> memref<40xi32, #tpu.memory_space<vmem>>
        %dma_wait3A_747 = arith.constant 0 : i32
        %dma_wait3A_748 = tpu.memref_slice %arg4[%add3A, %dma_wait3A_736, %dma_wait3A_747] : memref<32x250x40xi32, #tpu.memory_space<hbm>> -> memref<1x1x40xi32, #tpu.memory_space<hbm>>
        %dma_wait3A_749 = tpu.memref_squeeze %dma_wait3A_748 : memref<1x1x40xi32, #tpu.memory_space<hbm>> -> memref<40xi32, #tpu.memory_space<hbm>>
        tpu.wait_dma2 semaphore(%arg24 : memref<!tpu.dma_semaphore, #tpu.memory_space<semaphore_mem>>) src(%dma_wait3A_749 : memref<40xi32, #tpu.memory_space<hbm>>) dst(%dma_wait3A_746 : memref<40xi32, #tpu.memory_space<vmem>>)
        %dma_start3A_750 = arith.constant 6 : i32
        %dma_start3A_751 = arith.constant 6 : i32
        %dma_start3A_752 = arith.constant 0 : i32
        %dma_start3A_753 = arith.constant 0 : i32
        %dma_start3A_754 = tpu.memref_slice %arg9[%dma_start3A_751, %dma_start3A_752, %dma_start3A_753] : memref<7x40x128xf32, #tpu.memory_space<vmem>> -> memref<1x40x128xf32, #tpu.memory_space<vmem>>
        %dma_start3A_755 = tpu.memref_squeeze %dma_start3A_754 : memref<1x40x128xf32, #tpu.memory_space<vmem>> -> memref<40x128xf32, #tpu.memory_space<vmem>>
        %dma_start3A_756 = arith.constant 0 : i32
        %dma_start3A_757 = tpu.memref_slice %arg7[%dma_start3A_750, %dma_start3A_756] : memref<7x40xi32, #tpu.memory_space<vmem>> -> memref<1x40xi32, #tpu.memory_space<vmem>>
        %dma_start3A_758 = tpu.memref_squeeze %dma_start3A_757 : memref<1x40xi32, #tpu.memory_space<vmem>> -> memref<40xi32, #tpu.memory_space<vmem>>
        %dma_start3A_759 = arith.constant 0 : i32
        %dma_start3A_760 = arith.constant 0 : i32
        %dma_start3A_761 = tpu.memref_slice %arg2[%dma_start3A_759, %dma_start3A_760] : memref<10000x128xf32, #tpu.memory_space<hbm>> -> memref<10000x128xf32, #tpu.memory_space<hbm>>
        tpu.enqueue_indirect_dma source(%dma_start3A_761 : memref<10000x128xf32, #tpu.memory_space<hbm>>) target(%dma_start3A_755 : memref<40x128xf32, #tpu.memory_space<vmem>>) offsets(%dma_start3A_758 : memref<40xi32, #tpu.memory_space<vmem>>) semaphore(%arg17 : memref<!tpu.dma_semaphore, #tpu.memory_space<semaphore_mem>>)
      } else {
      }
      %dma_wait3A_531 = arith.constant 0 : i32
      %dma_wait3A_532 = arith.constant 1 : i32
      %dma_wait3A_533 = arith.constant 0 : i32
      %dma_wait3A_534 = arith.constant 0 : i32
      %dma_wait3A_535 = tpu.memref_slice %arg9[%dma_wait3A_532, %dma_wait3A_533, %dma_wait3A_534] : memref<7x40x128xf32, #tpu.memory_space<vmem>> -> memref<1x40x128xf32, #tpu.memory_space<vmem>>
      %dma_wait3A_536 = tpu.memref_squeeze %dma_wait3A_535 : memref<1x40x128xf32, #tpu.memory_space<vmem>> -> memref<40x128xf32, #tpu.memory_space<vmem>>
      %dma_wait3A_537 = arith.constant 0 : i32
      %dma_wait3A_538 = tpu.memref_slice %arg7[%dma_wait3A_531, %dma_wait3A_537] : memref<7x40xi32, #tpu.memory_space<vmem>> -> memref<1x40xi32, #tpu.memory_space<vmem>>
      %dma_wait3A_539 = tpu.memref_squeeze %dma_wait3A_538 : memref<1x40xi32, #tpu.memory_space<vmem>> -> memref<40xi32, #tpu.memory_space<vmem>>
      %dma_wait3A_540 = arith.constant 0 : i32
      %dma_wait3A_541 = arith.constant 0 : i32
      %dma_wait3A_542 = tpu.memref_slice %arg2[%dma_wait3A_540, %dma_wait3A_541] : memref<10000x128xf32, #tpu.memory_space<hbm>> -> memref<10000x128xf32, #tpu.memory_space<hbm>>
      tpu.wait_indirect_dma semaphore(%arg12 : memref<!tpu.dma_semaphore, #tpu.memory_space<semaphore_mem>>) src(%dma_wait3A_542 : memref<10000x128xf32, #tpu.memory_space<hbm>>) dst(%dma_wait3A_536 : memref<40x128xf32, #tpu.memory_space<vmem>>)
      %run_scoped3A_543 = arith.constant 1 : i32
      %run_scoped3A_544 = arith.constant 1 : i32
      "tpu.region"() ({
        %run_scoped3A_722 = tpu.sem_alloc : memref<!tpu.dma_semaphore, #tpu.memory_space<semaphore_mem>>
        %dma_start3A_723 = arith.constant 0 : i32
        %dma_start3A_724 = arith.constant 0 : i32
        %dma_start3A_725 = tpu.memref_slice %arg9[%run_scoped3A_543, %dma_start3A_723, %dma_start3A_724] : memref<7x40x128xf32, #tpu.memory_space<vmem>> -> memref<1x40x128xf32, #tpu.memory_space<vmem>>
        %dma_start3A_726 = tpu.memref_squeeze %dma_start3A_725 : memref<1x40x128xf32, #tpu.memory_space<vmem>> -> memref<40x128xf32, #tpu.memory_space<vmem>>
        %dma_start3A_727 = arith.constant 0 : i32
        %dma_start3A_728 = tpu.memref_slice %arg8[%run_scoped3A_544, %dma_start3A_727] : memref<7x40xi32, #tpu.memory_space<vmem>> -> memref<1x40xi32, #tpu.memory_space<vmem>>
        %dma_start3A_729 = tpu.memref_squeeze %dma_start3A_728 : memref<1x40xi32, #tpu.memory_space<vmem>> -> memref<40xi32, #tpu.memory_space<vmem>>
        %dma_start3A_730 = arith.constant 0 : i32
        %dma_start3A_731 = arith.constant 0 : i32
        %dma_start3A_732 = tpu.memref_slice %arg10[%dma_start3A_730, %dma_start3A_731] : memref<10000x128xf32, #tpu.memory_space<vmem_shared>> -> memref<10000x128xf32, #tpu.memory_space<vmem_shared>>
        tpu.enqueue_indirect_dma source(%dma_start3A_726 : memref<40x128xf32, #tpu.memory_space<vmem>>) target(%dma_start3A_732 : memref<10000x128xf32, #tpu.memory_space<vmem_shared>>) offsets(%dma_start3A_729 : memref<40xi32, #tpu.memory_space<vmem>>) semaphore(%run_scoped3A_722 : memref<!tpu.dma_semaphore, #tpu.memory_space<semaphore_mem>>) {add = true}
        %dma_wait3A_733 = arith.constant 0 : i32
        %dma_wait3A_734 = arith.constant 0 : i32
        %dma_wait3A_735 = tpu.memref_slice %arg9[%run_scoped3A_543, %dma_wait3A_733, %dma_wait3A_734] : memref<7x40x128xf32, #tpu.memory_space<vmem>> -> memref<1x40x128xf32, #tpu.memory_space<vmem>>
        %dma_wait3A_736 = tpu.memref_squeeze %dma_wait3A_735 : memref<1x40x128xf32, #tpu.memory_space<vmem>> -> memref<40x128xf32, #tpu.memory_space<vmem>>
        %dma_wait3A_737 = arith.constant 0 : i32
        %dma_wait3A_738 = tpu.memref_slice %arg8[%run_scoped3A_544, %dma_wait3A_737] : memref<7x40xi32, #tpu.memory_space<vmem>> -> memref<1x40xi32, #tpu.memory_space<vmem>>
        %dma_wait3A_739 = tpu.memref_squeeze %dma_wait3A_738 : memref<1x40xi32, #tpu.memory_space<vmem>> -> memref<40xi32, #tpu.memory_space<vmem>>
        %dma_wait3A_740 = arith.constant 0 : i32
        %dma_wait3A_741 = arith.constant 0 : i32
        %dma_wait3A_742 = tpu.memref_slice %arg10[%dma_wait3A_740, %dma_wait3A_741] : memref<10000x128xf32, #tpu.memory_space<vmem_shared>> -> memref<10000x128xf32, #tpu.memory_space<vmem_shared>>
        tpu.wait_indirect_dma semaphore(%run_scoped3A_722 : memref<!tpu.dma_semaphore, #tpu.memory_space<semaphore_mem>>) src(%dma_wait3A_736 : memref<40x128xf32, #tpu.memory_space<vmem>>) dst(%dma_wait3A_742 : memref<10000x128xf32, #tpu.memory_space<vmem_shared>>)
        tpu.yield
      }) : () -> ()
      %add3A_545 = arith.constant 7 : i32
      %add3A_546 = arith.addi %add3A_521, %add3A_545 : i32
      %lt3A_547 = arith.constant 250 : i32
      %lt3A_548 = arith.cmpi slt, %add3A_546, %lt3A_547 : i32
      %convert_element_type3A_549 = arith.extui %lt3A_548 : i1 to i32
      %cond3A_550 = arith.constant 0 : i32
      %cond3A_551 = arith.cmpi ne, %convert_element_type3A_549, %cond3A_550 : i32
      scf.if %cond3A_551 {
        %add3A_722 = arith.constant 7 : i32
        %add3A_723 = arith.addi %add3A_521, %add3A_722 : i32
        %dma_start3A_724 = arith.constant 1 : i32
        %dma_start3A_725 = arith.constant 0 : i32
        %dma_start3A_726 = tpu.memref_slice %arg7[%dma_start3A_724, %dma_start3A_725] : memref<7x40xi32, #tpu.memory_space<vmem>> -> memref<1x40xi32, #tpu.memory_space<vmem>>
        %dma_start3A_727 = tpu.memref_squeeze %dma_start3A_726 : memref<1x40xi32, #tpu.memory_space<vmem>> -> memref<40xi32, #tpu.memory_space<vmem>>
        %dma_start3A_728 = arith.constant 0 : i32
        %dma_start3A_729 = tpu.memref_slice %arg3[%add3A, %add3A_723, %dma_start3A_728] : memref<32x250x40xi32, #tpu.memory_space<hbm>> -> memref<1x1x40xi32, #tpu.memory_space<hbm>>
        %dma_start3A_730 = tpu.memref_squeeze %dma_start3A_729 : memref<1x1x40xi32, #tpu.memory_space<hbm>> -> memref<40xi32, #tpu.memory_space<hbm>>
        %dma_start3A_731 = arith.constant 0 : i32
        %dma_start3A_732 = tpu.memref_slice %arg7[%dma_start3A_724, %dma_start3A_731] : memref<7x40xi32, #tpu.memory_space<vmem>> -> memref<1x40xi32, #tpu.memory_space<vmem>>
        %dma_start3A_733 = tpu.memref_squeeze %dma_start3A_732 : memref<1x40xi32, #tpu.memory_space<vmem>> -> memref<40xi32, #tpu.memory_space<vmem>>
        %dma_start3A_734 = arith.constant 0 : i32
        %dma_start3A_735 = tpu.memref_slice %arg3[%add3A, %add3A_723, %dma_start3A_734] : memref<32x250x40xi32, #tpu.memory_space<hbm>> -> memref<1x1x40xi32, #tpu.memory_space<hbm>>
        %dma_start3A_736 = tpu.memref_squeeze %dma_start3A_735 : memref<1x1x40xi32, #tpu.memory_space<hbm>> -> memref<40xi32, #tpu.memory_space<hbm>>
        tpu.enqueue_dma source(%dma_start3A_736 : memref<40xi32, #tpu.memory_space<hbm>>) target(%dma_start3A_733 : memref<40xi32, #tpu.memory_space<vmem>>) target_semaphore(%arg19 : memref<!tpu.dma_semaphore, #tpu.memory_space<semaphore_mem>>)
        %dma_start3A_737 = arith.constant 1 : i32
        %dma_start3A_738 = arith.constant 0 : i32
        %dma_start3A_739 = tpu.memref_slice %arg8[%dma_start3A_737, %dma_start3A_738] : memref<7x40xi32, #tpu.memory_space<vmem>> -> memref<1x40xi32, #tpu.memory_space<vmem>>
        %dma_start3A_740 = tpu.memref_squeeze %dma_start3A_739 : memref<1x40xi32, #tpu.memory_space<vmem>> -> memref<40xi32, #tpu.memory_space<vmem>>
        %dma_start3A_741 = arith.constant 0 : i32
        %dma_start3A_742 = tpu.memref_slice %arg4[%add3A, %add3A_723, %dma_start3A_741] : memref<32x250x40xi32, #tpu.memory_space<hbm>> -> memref<1x1x40xi32, #tpu.memory_space<hbm>>
        %dma_start3A_743 = tpu.memref_squeeze %dma_start3A_742 : memref<1x1x40xi32, #tpu.memory_space<hbm>> -> memref<40xi32, #tpu.memory_space<hbm>>
        %dma_start3A_744 = arith.constant 0 : i32
        %dma_start3A_745 = tpu.memref_slice %arg8[%dma_start3A_737, %dma_start3A_744] : memref<7x40xi32, #tpu.memory_space<vmem>> -> memref<1x40xi32, #tpu.memory_space<vmem>>
        %dma_start3A_746 = tpu.memref_squeeze %dma_start3A_745 : memref<1x40xi32, #tpu.memory_space<vmem>> -> memref<40xi32, #tpu.memory_space<vmem>>
        %dma_start3A_747 = arith.constant 0 : i32
        %dma_start3A_748 = tpu.memref_slice %arg4[%add3A, %add3A_723, %dma_start3A_747] : memref<32x250x40xi32, #tpu.memory_space<hbm>> -> memref<1x1x40xi32, #tpu.memory_space<hbm>>
        %dma_start3A_749 = tpu.memref_squeeze %dma_start3A_748 : memref<1x1x40xi32, #tpu.memory_space<hbm>> -> memref<40xi32, #tpu.memory_space<hbm>>
        tpu.enqueue_dma source(%dma_start3A_749 : memref<40xi32, #tpu.memory_space<hbm>>) target(%dma_start3A_746 : memref<40xi32, #tpu.memory_space<vmem>>) target_semaphore(%arg19 : memref<!tpu.dma_semaphore, #tpu.memory_space<semaphore_mem>>)
      } else {
      }
      %mul3A_552 = arith.constant 7 : i32
      %mul3A_553 = arith.muli %mul3A_552, %scan3A_485 : i32
      %add3A_554 = arith.constant 2 : i32
      %add3A_555 = arith.addi %mul3A_553, %add3A_554 : i32
      %add3A_556 = arith.constant 7 : i32
      %add3A_557 = arith.addi %add3A_555, %add3A_556 : i32
      %sub3A_558 = arith.constant 2 : i32
      %sub3A_559 = arith.subi %add3A_557, %sub3A_558 : i32
      %lt3A_560 = arith.constant 250 : i32
      %lt3A_561 = arith.cmpi slt, %sub3A_559, %lt3A_560 : i32
      %convert_element_type3A_562 = arith.extui %lt3A_561 : i1 to i32
      %cond3A_563 = arith.constant 0 : i32
      %cond3A_564 = arith.cmpi ne, %convert_element_type3A_562, %cond3A_563 : i32
      scf.if %cond3A_564 {
        %dma_wait3A_722 = arith.constant 0 : i32
        %dma_wait3A_723 = arith.constant 0 : i32
        %dma_wait3A_724 = arith.constant 0 : i32
        %dma_wait3A_725 = tpu.memref_slice %arg7[%dma_wait3A_723, %dma_wait3A_724] : memref<7x40xi32, #tpu.memory_space<vmem>> -> memref<1x40xi32, #tpu.memory_space<vmem>>
        %dma_wait3A_726 = tpu.memref_squeeze %dma_wait3A_725 : memref<1x40xi32, #tpu.memory_space<vmem>> -> memref<40xi32, #tpu.memory_space<vmem>>
        %dma_wait3A_727 = arith.constant 0 : i32
        %dma_wait3A_728 = tpu.memref_slice %arg3[%add3A, %dma_wait3A_722, %dma_wait3A_727] : memref<32x250x40xi32, #tpu.memory_space<hbm>> -> memref<1x1x40xi32, #tpu.memory_space<hbm>>
        %dma_wait3A_729 = tpu.memref_squeeze %dma_wait3A_728 : memref<1x1x40xi32, #tpu.memory_space<hbm>> -> memref<40xi32, #tpu.memory_space<hbm>>
        %dma_wait3A_730 = arith.constant 0 : i32
        %dma_wait3A_731 = tpu.memref_slice %arg7[%dma_wait3A_723, %dma_wait3A_730] : memref<7x40xi32, #tpu.memory_space<vmem>> -> memref<1x40xi32, #tpu.memory_space<vmem>>
        %dma_wait3A_732 = tpu.memref_squeeze %dma_wait3A_731 : memref<1x40xi32, #tpu.memory_space<vmem>> -> memref<40xi32, #tpu.memory_space<vmem>>
        %dma_wait3A_733 = arith.constant 0 : i32
        %dma_wait3A_734 = tpu.memref_slice %arg3[%add3A, %dma_wait3A_722, %dma_wait3A_733] : memref<32x250x40xi32, #tpu.memory_space<hbm>> -> memref<1x1x40xi32, #tpu.memory_space<hbm>>
        %dma_wait3A_735 = tpu.memref_squeeze %dma_wait3A_734 : memref<1x1x40xi32, #tpu.memory_space<hbm>> -> memref<40xi32, #tpu.memory_space<hbm>>
        tpu.wait_dma2 semaphore(%arg18 : memref<!tpu.dma_semaphore, #tpu.memory_space<semaphore_mem>>) src(%dma_wait3A_735 : memref<40xi32, #tpu.memory_space<hbm>>) dst(%dma_wait3A_732 : memref<40xi32, #tpu.memory_space<vmem>>)
        %dma_wait3A_736 = arith.constant 0 : i32
        %dma_wait3A_737 = arith.constant 0 : i32
        %dma_wait3A_738 = arith.constant 0 : i32
        %dma_wait3A_739 = tpu.memref_slice %arg8[%dma_wait3A_737, %dma_wait3A_738] : memref<7x40xi32, #tpu.memory_space<vmem>> -> memref<1x40xi32, #tpu.memory_space<vmem>>
        %dma_wait3A_740 = tpu.memref_squeeze %dma_wait3A_739 : memref<1x40xi32, #tpu.memory_space<vmem>> -> memref<40xi32, #tpu.memory_space<vmem>>
        %dma_wait3A_741 = arith.constant 0 : i32
        %dma_wait3A_742 = tpu.memref_slice %arg4[%add3A, %dma_wait3A_736, %dma_wait3A_741] : memref<32x250x40xi32, #tpu.memory_space<hbm>> -> memref<1x1x40xi32, #tpu.memory_space<hbm>>
        %dma_wait3A_743 = tpu.memref_squeeze %dma_wait3A_742 : memref<1x1x40xi32, #tpu.memory_space<hbm>> -> memref<40xi32, #tpu.memory_space<hbm>>
        %dma_wait3A_744 = arith.constant 0 : i32
        %dma_wait3A_745 = tpu.memref_slice %arg8[%dma_wait3A_737, %dma_wait3A_744] : memref<7x40xi32, #tpu.memory_space<vmem>> -> memref<1x40xi32, #tpu.memory_space<vmem>>
        %dma_wait3A_746 = tpu.memref_squeeze %dma_wait3A_745 : memref<1x40xi32, #tpu.memory_space<vmem>> -> memref<40xi32, #tpu.memory_space<vmem>>
        %dma_wait3A_747 = arith.constant 0 : i32
        %dma_wait3A_748 = tpu.memref_slice %arg4[%add3A, %dma_wait3A_736, %dma_wait3A_747] : memref<32x250x40xi32, #tpu.memory_space<hbm>> -> memref<1x1x40xi32, #tpu.memory_space<hbm>>
        %dma_wait3A_749 = tpu.memref_squeeze %dma_wait3A_748 : memref<1x1x40xi32, #tpu.memory_space<hbm>> -> memref<40xi32, #tpu.memory_space<hbm>>
        tpu.wait_dma2 semaphore(%arg18 : memref<!tpu.dma_semaphore, #tpu.memory_space<semaphore_mem>>) src(%dma_wait3A_749 : memref<40xi32, #tpu.memory_space<hbm>>) dst(%dma_wait3A_746 : memref<40xi32, #tpu.memory_space<vmem>>)
        %dma_start3A_750 = arith.constant 0 : i32
        %dma_start3A_751 = arith.constant 0 : i32
        %dma_start3A_752 = arith.constant 0 : i32
        %dma_start3A_753 = arith.constant 0 : i32
        %dma_start3A_754 = tpu.memref_slice %arg9[%dma_start3A_751, %dma_start3A_752, %dma_start3A_753] : memref<7x40x128xf32, #tpu.memory_space<vmem>> -> memref<1x40x128xf32, #tpu.memory_space<vmem>>
        %dma_start3A_755 = tpu.memref_squeeze %dma_start3A_754 : memref<1x40x128xf32, #tpu.memory_space<vmem>> -> memref<40x128xf32, #tpu.memory_space<vmem>>
        %dma_start3A_756 = arith.constant 0 : i32
        %dma_start3A_757 = tpu.memref_slice %arg7[%dma_start3A_750, %dma_start3A_756] : memref<7x40xi32, #tpu.memory_space<vmem>> -> memref<1x40xi32, #tpu.memory_space<vmem>>
        %dma_start3A_758 = tpu.memref_squeeze %dma_start3A_757 : memref<1x40xi32, #tpu.memory_space<vmem>> -> memref<40xi32, #tpu.memory_space<vmem>>
        %dma_start3A_759 = arith.constant 0 : i32
        %dma_start3A_760 = arith.constant 0 : i32
        %dma_start3A_761 = tpu.memref_slice %arg2[%dma_start3A_759, %dma_start3A_760] : memref<10000x128xf32, #tpu.memory_space<hbm>> -> memref<10000x128xf32, #tpu.memory_space<hbm>>
        tpu.enqueue_indirect_dma source(%dma_start3A_761 : memref<10000x128xf32, #tpu.memory_space<hbm>>) target(%dma_start3A_755 : memref<40x128xf32, #tpu.memory_space<vmem>>) offsets(%dma_start3A_758 : memref<40xi32, #tpu.memory_space<vmem>>) semaphore(%arg11 : memref<!tpu.dma_semaphore, #tpu.memory_space<semaphore_mem>>)
      } else {
      }
      %dma_wait3A_565 = arith.constant 0 : i32
      %dma_wait3A_566 = arith.constant 2 : i32
      %dma_wait3A_567 = arith.constant 0 : i32
      %dma_wait3A_568 = arith.constant 0 : i32
      %dma_wait3A_569 = tpu.memref_slice %arg9[%dma_wait3A_566, %dma_wait3A_567, %dma_wait3A_568] : memref<7x40x128xf32, #tpu.memory_space<vmem>> -> memref<1x40x128xf32, #tpu.memory_space<vmem>>
      %dma_wait3A_570 = tpu.memref_squeeze %dma_wait3A_569 : memref<1x40x128xf32, #tpu.memory_space<vmem>> -> memref<40x128xf32, #tpu.memory_space<vmem>>
      %dma_wait3A_571 = arith.constant 0 : i32
      %dma_wait3A_572 = tpu.memref_slice %arg7[%dma_wait3A_565, %dma_wait3A_571] : memref<7x40xi32, #tpu.memory_space<vmem>> -> memref<1x40xi32, #tpu.memory_space<vmem>>
      %dma_wait3A_573 = tpu.memref_squeeze %dma_wait3A_572 : memref<1x40xi32, #tpu.memory_space<vmem>> -> memref<40xi32, #tpu.memory_space<vmem>>
      %dma_wait3A_574 = arith.constant 0 : i32
      %dma_wait3A_575 = arith.constant 0 : i32
      %dma_wait3A_576 = tpu.memref_slice %arg2[%dma_wait3A_574, %dma_wait3A_575] : memref<10000x128xf32, #tpu.memory_space<hbm>> -> memref<10000x128xf32, #tpu.memory_space<hbm>>
      tpu.wait_indirect_dma semaphore(%arg13 : memref<!tpu.dma_semaphore, #tpu.memory_space<semaphore_mem>>) src(%dma_wait3A_576 : memref<10000x128xf32, #tpu.memory_space<hbm>>) dst(%dma_wait3A_570 : memref<40x128xf32, #tpu.memory_space<vmem>>)
      %run_scoped3A_577 = arith.constant 2 : i32
      %run_scoped3A_578 = arith.constant 2 : i32
      "tpu.region"() ({
        %run_scoped3A_722 = tpu.sem_alloc : memref<!tpu.dma_semaphore, #tpu.memory_space<semaphore_mem>>
        %dma_start3A_723 = arith.constant 0 : i32
        %dma_start3A_724 = arith.constant 0 : i32
        %dma_start3A_725 = tpu.memref_slice %arg9[%run_scoped3A_577, %dma_start3A_723, %dma_start3A_724] : memref<7x40x128xf32, #tpu.memory_space<vmem>> -> memref<1x40x128xf32, #tpu.memory_space<vmem>>
        %dma_start3A_726 = tpu.memref_squeeze %dma_start3A_725 : memref<1x40x128xf32, #tpu.memory_space<vmem>> -> memref<40x128xf32, #tpu.memory_space<vmem>>
        %dma_start3A_727 = arith.constant 0 : i32
        %dma_start3A_728 = tpu.memref_slice %arg8[%run_scoped3A_578, %dma_start3A_727] : memref<7x40xi32, #tpu.memory_space<vmem>> -> memref<1x40xi32, #tpu.memory_space<vmem>>
        %dma_start3A_729 = tpu.memref_squeeze %dma_start3A_728 : memref<1x40xi32, #tpu.memory_space<vmem>> -> memref<40xi32, #tpu.memory_space<vmem>>
        %dma_start3A_730 = arith.constant 0 : i32
        %dma_start3A_731 = arith.constant 0 : i32
        %dma_start3A_732 = tpu.memref_slice %arg10[%dma_start3A_730, %dma_start3A_731] : memref<10000x128xf32, #tpu.memory_space<vmem_shared>> -> memref<10000x128xf32, #tpu.memory_space<vmem_shared>>
        tpu.enqueue_indirect_dma source(%dma_start3A_726 : memref<40x128xf32, #tpu.memory_space<vmem>>) target(%dma_start3A_732 : memref<10000x128xf32, #tpu.memory_space<vmem_shared>>) offsets(%dma_start3A_729 : memref<40xi32, #tpu.memory_space<vmem>>) semaphore(%run_scoped3A_722 : memref<!tpu.dma_semaphore, #tpu.memory_space<semaphore_mem>>) {add = true}
        %dma_wait3A_733 = arith.constant 0 : i32
        %dma_wait3A_734 = arith.constant 0 : i32
        %dma_wait3A_735 = tpu.memref_slice %arg9[%run_scoped3A_577, %dma_wait3A_733, %dma_wait3A_734] : memref<7x40x128xf32, #tpu.memory_space<vmem>> -> memref<1x40x128xf32, #tpu.memory_space<vmem>>
        %dma_wait3A_736 = tpu.memref_squeeze %dma_wait3A_735 : memref<1x40x128xf32, #tpu.memory_space<vmem>> -> memref<40x128xf32, #tpu.memory_space<vmem>>
        %dma_wait3A_737 = arith.constant 0 : i32
        %dma_wait3A_738 = tpu.memref_slice %arg8[%run_scoped3A_578, %dma_wait3A_737] : memref<7x40xi32, #tpu.memory_space<vmem>> -> memref<1x40xi32, #tpu.memory_space<vmem>>
        %dma_wait3A_739 = tpu.memref_squeeze %dma_wait3A_738 : memref<1x40xi32, #tpu.memory_space<vmem>> -> memref<40xi32, #tpu.memory_space<vmem>>
        %dma_wait3A_740 = arith.constant 0 : i32
        %dma_wait3A_741 = arith.constant 0 : i32
        %dma_wait3A_742 = tpu.memref_slice %arg10[%dma_wait3A_740, %dma_wait3A_741] : memref<10000x128xf32, #tpu.memory_space<vmem_shared>> -> memref<10000x128xf32, #tpu.memory_space<vmem_shared>>
        tpu.wait_indirect_dma semaphore(%run_scoped3A_722 : memref<!tpu.dma_semaphore, #tpu.memory_space<semaphore_mem>>) src(%dma_wait3A_736 : memref<40x128xf32, #tpu.memory_space<vmem>>) dst(%dma_wait3A_742 : memref<10000x128xf32, #tpu.memory_space<vmem_shared>>)
        tpu.yield
      }) : () -> ()
      %add3A_579 = arith.constant 7 : i32
      %add3A_580 = arith.addi %add3A_555, %add3A_579 : i32
      %lt3A_581 = arith.constant 250 : i32
      %lt3A_582 = arith.cmpi slt, %add3A_580, %lt3A_581 : i32
      %convert_element_type3A_583 = arith.extui %lt3A_582 : i1 to i32
      %cond3A_584 = arith.constant 0 : i32
      %cond3A_585 = arith.cmpi ne, %convert_element_type3A_583, %cond3A_584 : i32
      scf.if %cond3A_585 {
        %add3A_722 = arith.constant 7 : i32
        %add3A_723 = arith.addi %add3A_555, %add3A_722 : i32
        %dma_start3A_724 = arith.constant 2 : i32
        %dma_start3A_725 = arith.constant 0 : i32
        %dma_start3A_726 = tpu.memref_slice %arg7[%dma_start3A_724, %dma_start3A_725] : memref<7x40xi32, #tpu.memory_space<vmem>> -> memref<1x40xi32, #tpu.memory_space<vmem>>
        %dma_start3A_727 = tpu.memref_squeeze %dma_start3A_726 : memref<1x40xi32, #tpu.memory_space<vmem>> -> memref<40xi32, #tpu.memory_space<vmem>>
        %dma_start3A_728 = arith.constant 0 : i32
        %dma_start3A_729 = tpu.memref_slice %arg3[%add3A, %add3A_723, %dma_start3A_728] : memref<32x250x40xi32, #tpu.memory_space<hbm>> -> memref<1x1x40xi32, #tpu.memory_space<hbm>>
        %dma_start3A_730 = tpu.memref_squeeze %dma_start3A_729 : memref<1x1x40xi32, #tpu.memory_space<hbm>> -> memref<40xi32, #tpu.memory_space<hbm>>
        %dma_start3A_731 = arith.constant 0 : i32
        %dma_start3A_732 = tpu.memref_slice %arg7[%dma_start3A_724, %dma_start3A_731] : memref<7x40xi32, #tpu.memory_space<vmem>> -> memref<1x40xi32, #tpu.memory_space<vmem>>
        %dma_start3A_733 = tpu.memref_squeeze %dma_start3A_732 : memref<1x40xi32, #tpu.memory_space<vmem>> -> memref<40xi32, #tpu.memory_space<vmem>>
        %dma_start3A_734 = arith.constant 0 : i32
        %dma_start3A_735 = tpu.memref_slice %arg3[%add3A, %add3A_723, %dma_start3A_734] : memref<32x250x40xi32, #tpu.memory_space<hbm>> -> memref<1x1x40xi32, #tpu.memory_space<hbm>>
        %dma_start3A_736 = tpu.memref_squeeze %dma_start3A_735 : memref<1x1x40xi32, #tpu.memory_space<hbm>> -> memref<40xi32, #tpu.memory_space<hbm>>
        tpu.enqueue_dma source(%dma_start3A_736 : memref<40xi32, #tpu.memory_space<hbm>>) target(%dma_start3A_733 : memref<40xi32, #tpu.memory_space<vmem>>) target_semaphore(%arg20 : memref<!tpu.dma_semaphore, #tpu.memory_space<semaphore_mem>>)
        %dma_start3A_737 = arith.constant 2 : i32
        %dma_start3A_738 = arith.constant 0 : i32
        %dma_start3A_739 = tpu.memref_slice %arg8[%dma_start3A_737, %dma_start3A_738] : memref<7x40xi32, #tpu.memory_space<vmem>> -> memref<1x40xi32, #tpu.memory_space<vmem>>
        %dma_start3A_740 = tpu.memref_squeeze %dma_start3A_739 : memref<1x40xi32, #tpu.memory_space<vmem>> -> memref<40xi32, #tpu.memory_space<vmem>>
        %dma_start3A_741 = arith.constant 0 : i32
        %dma_start3A_742 = tpu.memref_slice %arg4[%add3A, %add3A_723, %dma_start3A_741] : memref<32x250x40xi32, #tpu.memory_space<hbm>> -> memref<1x1x40xi32, #tpu.memory_space<hbm>>
        %dma_start3A_743 = tpu.memref_squeeze %dma_start3A_742 : memref<1x1x40xi32, #tpu.memory_space<hbm>> -> memref<40xi32, #tpu.memory_space<hbm>>
        %dma_start3A_744 = arith.constant 0 : i32
        %dma_start3A_745 = tpu.memref_slice %arg8[%dma_start3A_737, %dma_start3A_744] : memref<7x40xi32, #tpu.memory_space<vmem>> -> memref<1x40xi32, #tpu.memory_space<vmem>>
        %dma_start3A_746 = tpu.memref_squeeze %dma_start3A_745 : memref<1x40xi32, #tpu.memory_space<vmem>> -> memref<40xi32, #tpu.memory_space<vmem>>
        %dma_start3A_747 = arith.constant 0 : i32
        %dma_start3A_748 = tpu.memref_slice %arg4[%add3A, %add3A_723, %dma_start3A_747] : memref<32x250x40xi32, #tpu.memory_space<hbm>> -> memref<1x1x40xi32, #tpu.memory_space<hbm>>
        %dma_start3A_749 = tpu.memref_squeeze %dma_start3A_748 : memref<1x1x40xi32, #tpu.memory_space<hbm>> -> memref<40xi32, #tpu.memory_space<hbm>>
        tpu.enqueue_dma source(%dma_start3A_749 : memref<40xi32, #tpu.memory_space<hbm>>) target(%dma_start3A_746 : memref<40xi32, #tpu.memory_space<vmem>>) target_semaphore(%arg20 : memref<!tpu.dma_semaphore, #tpu.memory_space<semaphore_mem>>)
      } else {
      }
      %mul3A_586 = arith.constant 7 : i32
      %mul3A_587 = arith.muli %mul3A_586, %scan3A_485 : i32
      %add3A_588 = arith.constant 3 : i32
      %add3A_589 = arith.addi %mul3A_587, %add3A_588 : i32
      %add3A_590 = arith.constant 7 : i32
      %add3A_591 = arith.addi %add3A_589, %add3A_590 : i32
      %sub3A_592 = arith.constant 2 : i32
      %sub3A_593 = arith.subi %add3A_591, %sub3A_592 : i32
      %lt3A_594 = arith.constant 250 : i32
      %lt3A_595 = arith.cmpi slt, %sub3A_593, %lt3A_594 : i32
      %convert_element_type3A_596 = arith.extui %lt3A_595 : i1 to i32
      %cond3A_597 = arith.constant 0 : i32
      %cond3A_598 = arith.cmpi ne, %convert_element_type3A_596, %cond3A_597 : i32
      scf.if %cond3A_598 {
        %dma_wait3A_722 = arith.constant 0 : i32
        %dma_wait3A_723 = arith.constant 1 : i32
        %dma_wait3A_724 = arith.constant 0 : i32
        %dma_wait3A_725 = tpu.memref_slice %arg7[%dma_wait3A_723, %dma_wait3A_724] : memref<7x40xi32, #tpu.memory_space<vmem>> -> memref<1x40xi32, #tpu.memory_space<vmem>>
        %dma_wait3A_726 = tpu.memref_squeeze %dma_wait3A_725 : memref<1x40xi32, #tpu.memory_space<vmem>> -> memref<40xi32, #tpu.memory_space<vmem>>
        %dma_wait3A_727 = arith.constant 0 : i32
        %dma_wait3A_728 = tpu.memref_slice %arg3[%add3A, %dma_wait3A_722, %dma_wait3A_727] : memref<32x250x40xi32, #tpu.memory_space<hbm>> -> memref<1x1x40xi32, #tpu.memory_space<hbm>>
        %dma_wait3A_729 = tpu.memref_squeeze %dma_wait3A_728 : memref<1x1x40xi32, #tpu.memory_space<hbm>> -> memref<40xi32, #tpu.memory_space<hbm>>
        %dma_wait3A_730 = arith.constant 0 : i32
        %dma_wait3A_731 = tpu.memref_slice %arg7[%dma_wait3A_723, %dma_wait3A_730] : memref<7x40xi32, #tpu.memory_space<vmem>> -> memref<1x40xi32, #tpu.memory_space<vmem>>
        %dma_wait3A_732 = tpu.memref_squeeze %dma_wait3A_731 : memref<1x40xi32, #tpu.memory_space<vmem>> -> memref<40xi32, #tpu.memory_space<vmem>>
        %dma_wait3A_733 = arith.constant 0 : i32
        %dma_wait3A_734 = tpu.memref_slice %arg3[%add3A, %dma_wait3A_722, %dma_wait3A_733] : memref<32x250x40xi32, #tpu.memory_space<hbm>> -> memref<1x1x40xi32, #tpu.memory_space<hbm>>
        %dma_wait3A_735 = tpu.memref_squeeze %dma_wait3A_734 : memref<1x1x40xi32, #tpu.memory_space<hbm>> -> memref<40xi32, #tpu.memory_space<hbm>>
        tpu.wait_dma2 semaphore(%arg19 : memref<!tpu.dma_semaphore, #tpu.memory_space<semaphore_mem>>) src(%dma_wait3A_735 : memref<40xi32, #tpu.memory_space<hbm>>) dst(%dma_wait3A_732 : memref<40xi32, #tpu.memory_space<vmem>>)
        %dma_wait3A_736 = arith.constant 0 : i32
        %dma_wait3A_737 = arith.constant 1 : i32
        %dma_wait3A_738 = arith.constant 0 : i32
        %dma_wait3A_739 = tpu.memref_slice %arg8[%dma_wait3A_737, %dma_wait3A_738] : memref<7x40xi32, #tpu.memory_space<vmem>> -> memref<1x40xi32, #tpu.memory_space<vmem>>
        %dma_wait3A_740 = tpu.memref_squeeze %dma_wait3A_739 : memref<1x40xi32, #tpu.memory_space<vmem>> -> memref<40xi32, #tpu.memory_space<vmem>>
        %dma_wait3A_741 = arith.constant 0 : i32
        %dma_wait3A_742 = tpu.memref_slice %arg4[%add3A, %dma_wait3A_736, %dma_wait3A_741] : memref<32x250x40xi32, #tpu.memory_space<hbm>> -> memref<1x1x40xi32, #tpu.memory_space<hbm>>
        %dma_wait3A_743 = tpu.memref_squeeze %dma_wait3A_742 : memref<1x1x40xi32, #tpu.memory_space<hbm>> -> memref<40xi32, #tpu.memory_space<hbm>>
        %dma_wait3A_744 = arith.constant 0 : i32
        %dma_wait3A_745 = tpu.memref_slice %arg8[%dma_wait3A_737, %dma_wait3A_744] : memref<7x40xi32, #tpu.memory_space<vmem>> -> memref<1x40xi32, #tpu.memory_space<vmem>>
        %dma_wait3A_746 = tpu.memref_squeeze %dma_wait3A_745 : memref<1x40xi32, #tpu.memory_space<vmem>> -> memref<40xi32, #tpu.memory_space<vmem>>
        %dma_wait3A_747 = arith.constant 0 : i32
        %dma_wait3A_748 = tpu.memref_slice %arg4[%add3A, %dma_wait3A_736, %dma_wait3A_747] : memref<32x250x40xi32, #tpu.memory_space<hbm>> -> memref<1x1x40xi32, #tpu.memory_space<hbm>>
        %dma_wait3A_749 = tpu.memref_squeeze %dma_wait3A_748 : memref<1x1x40xi32, #tpu.memory_space<hbm>> -> memref<40xi32, #tpu.memory_space<hbm>>
        tpu.wait_dma2 semaphore(%arg19 : memref<!tpu.dma_semaphore, #tpu.memory_space<semaphore_mem>>) src(%dma_wait3A_749 : memref<40xi32, #tpu.memory_space<hbm>>) dst(%dma_wait3A_746 : memref<40xi32, #tpu.memory_space<vmem>>)
        %dma_start3A_750 = arith.constant 1 : i32
        %dma_start3A_751 = arith.constant 1 : i32
        %dma_start3A_752 = arith.constant 0 : i32
        %dma_start3A_753 = arith.constant 0 : i32
        %dma_start3A_754 = tpu.memref_slice %arg9[%dma_start3A_751, %dma_start3A_752, %dma_start3A_753] : memref<7x40x128xf32, #tpu.memory_space<vmem>> -> memref<1x40x128xf32, #tpu.memory_space<vmem>>
        %dma_start3A_755 = tpu.memref_squeeze %dma_start3A_754 : memref<1x40x128xf32, #tpu.memory_space<vmem>> -> memref<40x128xf32, #tpu.memory_space<vmem>>
        %dma_start3A_756 = arith.constant 0 : i32
        %dma_start3A_757 = tpu.memref_slice %arg7[%dma_start3A_750, %dma_start3A_756] : memref<7x40xi32, #tpu.memory_space<vmem>> -> memref<1x40xi32, #tpu.memory_space<vmem>>
        %dma_start3A_758 = tpu.memref_squeeze %dma_start3A_757 : memref<1x40xi32, #tpu.memory_space<vmem>> -> memref<40xi32, #tpu.memory_space<vmem>>
        %dma_start3A_759 = arith.constant 0 : i32
        %dma_start3A_760 = arith.constant 0 : i32
        %dma_start3A_761 = tpu.memref_slice %arg2[%dma_start3A_759, %dma_start3A_760] : memref<10000x128xf32, #tpu.memory_space<hbm>> -> memref<10000x128xf32, #tpu.memory_space<hbm>>
        tpu.enqueue_indirect_dma source(%dma_start3A_761 : memref<10000x128xf32, #tpu.memory_space<hbm>>) target(%dma_start3A_755 : memref<40x128xf32, #tpu.memory_space<vmem>>) offsets(%dma_start3A_758 : memref<40xi32, #tpu.memory_space<vmem>>) semaphore(%arg12 : memref<!tpu.dma_semaphore, #tpu.memory_space<semaphore_mem>>)
      } else {
      }
      %dma_wait3A_599 = arith.constant 0 : i32
      %dma_wait3A_600 = arith.constant 3 : i32
      %dma_wait3A_601 = arith.constant 0 : i32
      %dma_wait3A_602 = arith.constant 0 : i32
      %dma_wait3A_603 = tpu.memref_slice %arg9[%dma_wait3A_600, %dma_wait3A_601, %dma_wait3A_602] : memref<7x40x128xf32, #tpu.memory_space<vmem>> -> memref<1x40x128xf32, #tpu.memory_space<vmem>>
      %dma_wait3A_604 = tpu.memref_squeeze %dma_wait3A_603 : memref<1x40x128xf32, #tpu.memory_space<vmem>> -> memref<40x128xf32, #tpu.memory_space<vmem>>
      %dma_wait3A_605 = arith.constant 0 : i32
      %dma_wait3A_606 = tpu.memref_slice %arg7[%dma_wait3A_599, %dma_wait3A_605] : memref<7x40xi32, #tpu.memory_space<vmem>> -> memref<1x40xi32, #tpu.memory_space<vmem>>
      %dma_wait3A_607 = tpu.memref_squeeze %dma_wait3A_606 : memref<1x40xi32, #tpu.memory_space<vmem>> -> memref<40xi32, #tpu.memory_space<vmem>>
      %dma_wait3A_608 = arith.constant 0 : i32
      %dma_wait3A_609 = arith.constant 0 : i32
      %dma_wait3A_610 = tpu.memref_slice %arg2[%dma_wait3A_608, %dma_wait3A_609] : memref<10000x128xf32, #tpu.memory_space<hbm>> -> memref<10000x128xf32, #tpu.memory_space<hbm>>
      tpu.wait_indirect_dma semaphore(%arg14 : memref<!tpu.dma_semaphore, #tpu.memory_space<semaphore_mem>>) src(%dma_wait3A_610 : memref<10000x128xf32, #tpu.memory_space<hbm>>) dst(%dma_wait3A_604 : memref<40x128xf32, #tpu.memory_space<vmem>>)
      %run_scoped3A_611 = arith.constant 3 : i32
      %run_scoped3A_612 = arith.constant 3 : i32
      "tpu.region"() ({
        %run_scoped3A_722 = tpu.sem_alloc : memref<!tpu.dma_semaphore, #tpu.memory_space<semaphore_mem>>
        %dma_start3A_723 = arith.constant 0 : i32
        %dma_start3A_724 = arith.constant 0 : i32
        %dma_start3A_725 = tpu.memref_slice %arg9[%run_scoped3A_611, %dma_start3A_723, %dma_start3A_724] : memref<7x40x128xf32, #tpu.memory_space<vmem>> -> memref<1x40x128xf32, #tpu.memory_space<vmem>>
        %dma_start3A_726 = tpu.memref_squeeze %dma_start3A_725 : memref<1x40x128xf32, #tpu.memory_space<vmem>> -> memref<40x128xf32, #tpu.memory_space<vmem>>
        %dma_start3A_727 = arith.constant 0 : i32
        %dma_start3A_728 = tpu.memref_slice %arg8[%run_scoped3A_612, %dma_start3A_727] : memref<7x40xi32, #tpu.memory_space<vmem>> -> memref<1x40xi32, #tpu.memory_space<vmem>>
        %dma_start3A_729 = tpu.memref_squeeze %dma_start3A_728 : memref<1x40xi32, #tpu.memory_space<vmem>> -> memref<40xi32, #tpu.memory_space<vmem>>
        %dma_start3A_730 = arith.constant 0 : i32
        %dma_start3A_731 = arith.constant 0 : i32
        %dma_start3A_732 = tpu.memref_slice %arg10[%dma_start3A_730, %dma_start3A_731] : memref<10000x128xf32, #tpu.memory_space<vmem_shared>> -> memref<10000x128xf32, #tpu.memory_space<vmem_shared>>
        tpu.enqueue_indirect_dma source(%dma_start3A_726 : memref<40x128xf32, #tpu.memory_space<vmem>>) target(%dma_start3A_732 : memref<10000x128xf32, #tpu.memory_space<vmem_shared>>) offsets(%dma_start3A_729 : memref<40xi32, #tpu.memory_space<vmem>>) semaphore(%run_scoped3A_722 : memref<!tpu.dma_semaphore, #tpu.memory_space<semaphore_mem>>) {add = true}
        %dma_wait3A_733 = arith.constant 0 : i32
        %dma_wait3A_734 = arith.constant 0 : i32
        %dma_wait3A_735 = tpu.memref_slice %arg9[%run_scoped3A_611, %dma_wait3A_733, %dma_wait3A_734] : memref<7x40x128xf32, #tpu.memory_space<vmem>> -> memref<1x40x128xf32, #tpu.memory_space<vmem>>
        %dma_wait3A_736 = tpu.memref_squeeze %dma_wait3A_735 : memref<1x40x128xf32, #tpu.memory_space<vmem>> -> memref<40x128xf32, #tpu.memory_space<vmem>>
        %dma_wait3A_737 = arith.constant 0 : i32
        %dma_wait3A_738 = tpu.memref_slice %arg8[%run_scoped3A_612, %dma_wait3A_737] : memref<7x40xi32, #tpu.memory_space<vmem>> -> memref<1x40xi32, #tpu.memory_space<vmem>>
        %dma_wait3A_739 = tpu.memref_squeeze %dma_wait3A_738 : memref<1x40xi32, #tpu.memory_space<vmem>> -> memref<40xi32, #tpu.memory_space<vmem>>
        %dma_wait3A_740 = arith.constant 0 : i32
        %dma_wait3A_741 = arith.constant 0 : i32
        %dma_wait3A_742 = tpu.memref_slice %arg10[%dma_wait3A_740, %dma_wait3A_741] : memref<10000x128xf32, #tpu.memory_space<vmem_shared>> -> memref<10000x128xf32, #tpu.memory_space<vmem_shared>>
        tpu.wait_indirect_dma semaphore(%run_scoped3A_722 : memref<!tpu.dma_semaphore, #tpu.memory_space<semaphore_mem>>) src(%dma_wait3A_736 : memref<40x128xf32, #tpu.memory_space<vmem>>) dst(%dma_wait3A_742 : memref<10000x128xf32, #tpu.memory_space<vmem_shared>>)
        tpu.yield
      }) : () -> ()
      %add3A_613 = arith.constant 7 : i32
      %add3A_614 = arith.addi %add3A_589, %add3A_613 : i32
      %lt3A_615 = arith.constant 250 : i32
      %lt3A_616 = arith.cmpi slt, %add3A_614, %lt3A_615 : i32
      %convert_element_type3A_617 = arith.extui %lt3A_616 : i1 to i32
      %cond3A_618 = arith.constant 0 : i32
      %cond3A_619 = arith.cmpi ne, %convert_element_type3A_617, %cond3A_618 : i32
      scf.if %cond3A_619 {
        %add3A_722 = arith.constant 7 : i32
        %add3A_723 = arith.addi %add3A_589, %add3A_722 : i32
        %dma_start3A_724 = arith.constant 3 : i32
        %dma_start3A_725 = arith.constant 0 : i32
        %dma_start3A_726 = tpu.memref_slice %arg7[%dma_start3A_724, %dma_start3A_725] : memref<7x40xi32, #tpu.memory_space<vmem>> -> memref<1x40xi32, #tpu.memory_space<vmem>>
        %dma_start3A_727 = tpu.memref_squeeze %dma_start3A_726 : memref<1x40xi32, #tpu.memory_space<vmem>> -> memref<40xi32, #tpu.memory_space<vmem>>
        %dma_start3A_728 = arith.constant 0 : i32
        %dma_start3A_729 = tpu.memref_slice %arg3[%add3A, %add3A_723, %dma_start3A_728] : memref<32x250x40xi32, #tpu.memory_space<hbm>> -> memref<1x1x40xi32, #tpu.memory_space<hbm>>
        %dma_start3A_730 = tpu.memref_squeeze %dma_start3A_729 : memref<1x1x40xi32, #tpu.memory_space<hbm>> -> memref<40xi32, #tpu.memory_space<hbm>>
        %dma_start3A_731 = arith.constant 0 : i32
        %dma_start3A_732 = tpu.memref_slice %arg7[%dma_start3A_724, %dma_start3A_731] : memref<7x40xi32, #tpu.memory_space<vmem>> -> memref<1x40xi32, #tpu.memory_space<vmem>>
        %dma_start3A_733 = tpu.memref_squeeze %dma_start3A_732 : memref<1x40xi32, #tpu.memory_space<vmem>> -> memref<40xi32, #tpu.memory_space<vmem>>
        %dma_start3A_734 = arith.constant 0 : i32
        %dma_start3A_735 = tpu.memref_slice %arg3[%add3A, %add3A_723, %dma_start3A_734] : memref<32x250x40xi32, #tpu.memory_space<hbm>> -> memref<1x1x40xi32, #tpu.memory_space<hbm>>
        %dma_start3A_736 = tpu.memref_squeeze %dma_start3A_735 : memref<1x1x40xi32, #tpu.memory_space<hbm>> -> memref<40xi32, #tpu.memory_space<hbm>>
        tpu.enqueue_dma source(%dma_start3A_736 : memref<40xi32, #tpu.memory_space<hbm>>) target(%dma_start3A_733 : memref<40xi32, #tpu.memory_space<vmem>>) target_semaphore(%arg21 : memref<!tpu.dma_semaphore, #tpu.memory_space<semaphore_mem>>)
        %dma_start3A_737 = arith.constant 3 : i32
        %dma_start3A_738 = arith.constant 0 : i32
        %dma_start3A_739 = tpu.memref_slice %arg8[%dma_start3A_737, %dma_start3A_738] : memref<7x40xi32, #tpu.memory_space<vmem>> -> memref<1x40xi32, #tpu.memory_space<vmem>>
        %dma_start3A_740 = tpu.memref_squeeze %dma_start3A_739 : memref<1x40xi32, #tpu.memory_space<vmem>> -> memref<40xi32, #tpu.memory_space<vmem>>
        %dma_start3A_741 = arith.constant 0 : i32
        %dma_start3A_742 = tpu.memref_slice %arg4[%add3A, %add3A_723, %dma_start3A_741] : memref<32x250x40xi32, #tpu.memory_space<hbm>> -> memref<1x1x40xi32, #tpu.memory_space<hbm>>
        %dma_start3A_743 = tpu.memref_squeeze %dma_start3A_742 : memref<1x1x40xi32, #tpu.memory_space<hbm>> -> memref<40xi32, #tpu.memory_space<hbm>>
        %dma_start3A_744 = arith.constant 0 : i32
        %dma_start3A_745 = tpu.memref_slice %arg8[%dma_start3A_737, %dma_start3A_744] : memref<7x40xi32, #tpu.memory_space<vmem>> -> memref<1x40xi32, #tpu.memory_space<vmem>>
        %dma_start3A_746 = tpu.memref_squeeze %dma_start3A_745 : memref<1x40xi32, #tpu.memory_space<vmem>> -> memref<40xi32, #tpu.memory_space<vmem>>
        %dma_start3A_747 = arith.constant 0 : i32
        %dma_start3A_748 = tpu.memref_slice %arg4[%add3A, %add3A_723, %dma_start3A_747] : memref<32x250x40xi32, #tpu.memory_space<hbm>> -> memref<1x1x40xi32, #tpu.memory_space<hbm>>
        %dma_start3A_749 = tpu.memref_squeeze %dma_start3A_748 : memref<1x1x40xi32, #tpu.memory_space<hbm>> -> memref<40xi32, #tpu.memory_space<hbm>>
        tpu.enqueue_dma source(%dma_start3A_749 : memref<40xi32, #tpu.memory_space<hbm>>) target(%dma_start3A_746 : memref<40xi32, #tpu.memory_space<vmem>>) target_semaphore(%arg21 : memref<!tpu.dma_semaphore, #tpu.memory_space<semaphore_mem>>)
      } else {
      }
      %mul3A_620 = arith.constant 7 : i32
      %mul3A_621 = arith.muli %mul3A_620, %scan3A_485 : i32
      %add3A_622 = arith.constant 4 : i32
      %add3A_623 = arith.addi %mul3A_621, %add3A_622 : i32
      %add3A_624 = arith.constant 7 : i32
      %add3A_625 = arith.addi %add3A_623, %add3A_624 : i32
      %sub3A_626 = arith.constant 2 : i32
      %sub3A_627 = arith.subi %add3A_625, %sub3A_626 : i32
      %lt3A_628 = arith.constant 250 : i32
      %lt3A_629 = arith.cmpi slt, %sub3A_627, %lt3A_628 : i32
      %convert_element_type3A_630 = arith.extui %lt3A_629 : i1 to i32
      %cond3A_631 = arith.constant 0 : i32
      %cond3A_632 = arith.cmpi ne, %convert_element_type3A_630, %cond3A_631 : i32
      scf.if %cond3A_632 {
        %dma_wait3A_722 = arith.constant 0 : i32
        %dma_wait3A_723 = arith.constant 2 : i32
        %dma_wait3A_724 = arith.constant 0 : i32
        %dma_wait3A_725 = tpu.memref_slice %arg7[%dma_wait3A_723, %dma_wait3A_724] : memref<7x40xi32, #tpu.memory_space<vmem>> -> memref<1x40xi32, #tpu.memory_space<vmem>>
        %dma_wait3A_726 = tpu.memref_squeeze %dma_wait3A_725 : memref<1x40xi32, #tpu.memory_space<vmem>> -> memref<40xi32, #tpu.memory_space<vmem>>
        %dma_wait3A_727 = arith.constant 0 : i32
        %dma_wait3A_728 = tpu.memref_slice %arg3[%add3A, %dma_wait3A_722, %dma_wait3A_727] : memref<32x250x40xi32, #tpu.memory_space<hbm>> -> memref<1x1x40xi32, #tpu.memory_space<hbm>>
        %dma_wait3A_729 = tpu.memref_squeeze %dma_wait3A_728 : memref<1x1x40xi32, #tpu.memory_space<hbm>> -> memref<40xi32, #tpu.memory_space<hbm>>
        %dma_wait3A_730 = arith.constant 0 : i32
        %dma_wait3A_731 = tpu.memref_slice %arg7[%dma_wait3A_723, %dma_wait3A_730] : memref<7x40xi32, #tpu.memory_space<vmem>> -> memref<1x40xi32, #tpu.memory_space<vmem>>
        %dma_wait3A_732 = tpu.memref_squeeze %dma_wait3A_731 : memref<1x40xi32, #tpu.memory_space<vmem>> -> memref<40xi32, #tpu.memory_space<vmem>>
        %dma_wait3A_733 = arith.constant 0 : i32
        %dma_wait3A_734 = tpu.memref_slice %arg3[%add3A, %dma_wait3A_722, %dma_wait3A_733] : memref<32x250x40xi32, #tpu.memory_space<hbm>> -> memref<1x1x40xi32, #tpu.memory_space<hbm>>
        %dma_wait3A_735 = tpu.memref_squeeze %dma_wait3A_734 : memref<1x1x40xi32, #tpu.memory_space<hbm>> -> memref<40xi32, #tpu.memory_space<hbm>>
        tpu.wait_dma2 semaphore(%arg20 : memref<!tpu.dma_semaphore, #tpu.memory_space<semaphore_mem>>) src(%dma_wait3A_735 : memref<40xi32, #tpu.memory_space<hbm>>) dst(%dma_wait3A_732 : memref<40xi32, #tpu.memory_space<vmem>>)
        %dma_wait3A_736 = arith.constant 0 : i32
        %dma_wait3A_737 = arith.constant 2 : i32
        %dma_wait3A_738 = arith.constant 0 : i32
        %dma_wait3A_739 = tpu.memref_slice %arg8[%dma_wait3A_737, %dma_wait3A_738] : memref<7x40xi32, #tpu.memory_space<vmem>> -> memref<1x40xi32, #tpu.memory_space<vmem>>
        %dma_wait3A_740 = tpu.memref_squeeze %dma_wait3A_739 : memref<1x40xi32, #tpu.memory_space<vmem>> -> memref<40xi32, #tpu.memory_space<vmem>>
        %dma_wait3A_741 = arith.constant 0 : i32
        %dma_wait3A_742 = tpu.memref_slice %arg4[%add3A, %dma_wait3A_736, %dma_wait3A_741] : memref<32x250x40xi32, #tpu.memory_space<hbm>> -> memref<1x1x40xi32, #tpu.memory_space<hbm>>
        %dma_wait3A_743 = tpu.memref_squeeze %dma_wait3A_742 : memref<1x1x40xi32, #tpu.memory_space<hbm>> -> memref<40xi32, #tpu.memory_space<hbm>>
        %dma_wait3A_744 = arith.constant 0 : i32
        %dma_wait3A_745 = tpu.memref_slice %arg8[%dma_wait3A_737, %dma_wait3A_744] : memref<7x40xi32, #tpu.memory_space<vmem>> -> memref<1x40xi32, #tpu.memory_space<vmem>>
        %dma_wait3A_746 = tpu.memref_squeeze %dma_wait3A_745 : memref<1x40xi32, #tpu.memory_space<vmem>> -> memref<40xi32, #tpu.memory_space<vmem>>
        %dma_wait3A_747 = arith.constant 0 : i32
        %dma_wait3A_748 = tpu.memref_slice %arg4[%add3A, %dma_wait3A_736, %dma_wait3A_747] : memref<32x250x40xi32, #tpu.memory_space<hbm>> -> memref<1x1x40xi32, #tpu.memory_space<hbm>>
        %dma_wait3A_749 = tpu.memref_squeeze %dma_wait3A_748 : memref<1x1x40xi32, #tpu.memory_space<hbm>> -> memref<40xi32, #tpu.memory_space<hbm>>
        tpu.wait_dma2 semaphore(%arg20 : memref<!tpu.dma_semaphore, #tpu.memory_space<semaphore_mem>>) src(%dma_wait3A_749 : memref<40xi32, #tpu.memory_space<hbm>>) dst(%dma_wait3A_746 : memref<40xi32, #tpu.memory_space<vmem>>)
        %dma_start3A_750 = arith.constant 2 : i32
        %dma_start3A_751 = arith.constant 2 : i32
        %dma_start3A_752 = arith.constant 0 : i32
        %dma_start3A_753 = arith.constant 0 : i32
        %dma_start3A_754 = tpu.memref_slice %arg9[%dma_start3A_751, %dma_start3A_752, %dma_start3A_753] : memref<7x40x128xf32, #tpu.memory_space<vmem>> -> memref<1x40x128xf32, #tpu.memory_space<vmem>>
        %dma_start3A_755 = tpu.memref_squeeze %dma_start3A_754 : memref<1x40x128xf32, #tpu.memory_space<vmem>> -> memref<40x128xf32, #tpu.memory_space<vmem>>
        %dma_start3A_756 = arith.constant 0 : i32
        %dma_start3A_757 = tpu.memref_slice %arg7[%dma_start3A_750, %dma_start3A_756] : memref<7x40xi32, #tpu.memory_space<vmem>> -> memref<1x40xi32, #tpu.memory_space<vmem>>
        %dma_start3A_758 = tpu.memref_squeeze %dma_start3A_757 : memref<1x40xi32, #tpu.memory_space<vmem>> -> memref<40xi32, #tpu.memory_space<vmem>>
        %dma_start3A_759 = arith.constant 0 : i32
        %dma_start3A_760 = arith.constant 0 : i32
        %dma_start3A_761 = tpu.memref_slice %arg2[%dma_start3A_759, %dma_start3A_760] : memref<10000x128xf32, #tpu.memory_space<hbm>> -> memref<10000x128xf32, #tpu.memory_space<hbm>>
        tpu.enqueue_indirect_dma source(%dma_start3A_761 : memref<10000x128xf32, #tpu.memory_space<hbm>>) target(%dma_start3A_755 : memref<40x128xf32, #tpu.memory_space<vmem>>) offsets(%dma_start3A_758 : memref<40xi32, #tpu.memory_space<vmem>>) semaphore(%arg13 : memref<!tpu.dma_semaphore, #tpu.memory_space<semaphore_mem>>)
      } else {
      }
      %dma_wait3A_633 = arith.constant 0 : i32
      %dma_wait3A_634 = arith.constant 4 : i32
      %dma_wait3A_635 = arith.constant 0 : i32
      %dma_wait3A_636 = arith.constant 0 : i32
      %dma_wait3A_637 = tpu.memref_slice %arg9[%dma_wait3A_634, %dma_wait3A_635, %dma_wait3A_636] : memref<7x40x128xf32, #tpu.memory_space<vmem>> -> memref<1x40x128xf32, #tpu.memory_space<vmem>>
      %dma_wait3A_638 = tpu.memref_squeeze %dma_wait3A_637 : memref<1x40x128xf32, #tpu.memory_space<vmem>> -> memref<40x128xf32, #tpu.memory_space<vmem>>
      %dma_wait3A_639 = arith.constant 0 : i32
      %dma_wait3A_640 = tpu.memref_slice %arg7[%dma_wait3A_633, %dma_wait3A_639] : memref<7x40xi32, #tpu.memory_space<vmem>> -> memref<1x40xi32, #tpu.memory_space<vmem>>
      %dma_wait3A_641 = tpu.memref_squeeze %dma_wait3A_640 : memref<1x40xi32, #tpu.memory_space<vmem>> -> memref<40xi32, #tpu.memory_space<vmem>>
      %dma_wait3A_642 = arith.constant 0 : i32
      %dma_wait3A_643 = arith.constant 0 : i32
      %dma_wait3A_644 = tpu.memref_slice %arg2[%dma_wait3A_642, %dma_wait3A_643] : memref<10000x128xf32, #tpu.memory_space<hbm>> -> memref<10000x128xf32, #tpu.memory_space<hbm>>
      tpu.wait_indirect_dma semaphore(%arg15 : memref<!tpu.dma_semaphore, #tpu.memory_space<semaphore_mem>>) src(%dma_wait3A_644 : memref<10000x128xf32, #tpu.memory_space<hbm>>) dst(%dma_wait3A_638 : memref<40x128xf32, #tpu.memory_space<vmem>>)
      %run_scoped3A_645 = arith.constant 4 : i32
      %run_scoped3A_646 = arith.constant 4 : i32
      "tpu.region"() ({
        %run_scoped3A_722 = tpu.sem_alloc : memref<!tpu.dma_semaphore, #tpu.memory_space<semaphore_mem>>
        %dma_start3A_723 = arith.constant 0 : i32
        %dma_start3A_724 = arith.constant 0 : i32
        %dma_start3A_725 = tpu.memref_slice %arg9[%run_scoped3A_645, %dma_start3A_723, %dma_start3A_724] : memref<7x40x128xf32, #tpu.memory_space<vmem>> -> memref<1x40x128xf32, #tpu.memory_space<vmem>>
        %dma_start3A_726 = tpu.memref_squeeze %dma_start3A_725 : memref<1x40x128xf32, #tpu.memory_space<vmem>> -> memref<40x128xf32, #tpu.memory_space<vmem>>
        %dma_start3A_727 = arith.constant 0 : i32
        %dma_start3A_728 = tpu.memref_slice %arg8[%run_scoped3A_646, %dma_start3A_727] : memref<7x40xi32, #tpu.memory_space<vmem>> -> memref<1x40xi32, #tpu.memory_space<vmem>>
        %dma_start3A_729 = tpu.memref_squeeze %dma_start3A_728 : memref<1x40xi32, #tpu.memory_space<vmem>> -> memref<40xi32, #tpu.memory_space<vmem>>
        %dma_start3A_730 = arith.constant 0 : i32
        %dma_start3A_731 = arith.constant 0 : i32
        %dma_start3A_732 = tpu.memref_slice %arg10[%dma_start3A_730, %dma_start3A_731] : memref<10000x128xf32, #tpu.memory_space<vmem_shared>> -> memref<10000x128xf32, #tpu.memory_space<vmem_shared>>
        tpu.enqueue_indirect_dma source(%dma_start3A_726 : memref<40x128xf32, #tpu.memory_space<vmem>>) target(%dma_start3A_732 : memref<10000x128xf32, #tpu.memory_space<vmem_shared>>) offsets(%dma_start3A_729 : memref<40xi32, #tpu.memory_space<vmem>>) semaphore(%run_scoped3A_722 : memref<!tpu.dma_semaphore, #tpu.memory_space<semaphore_mem>>) {add = true}
        %dma_wait3A_733 = arith.constant 0 : i32
        %dma_wait3A_734 = arith.constant 0 : i32
        %dma_wait3A_735 = tpu.memref_slice %arg9[%run_scoped3A_645, %dma_wait3A_733, %dma_wait3A_734] : memref<7x40x128xf32, #tpu.memory_space<vmem>> -> memref<1x40x128xf32, #tpu.memory_space<vmem>>
        %dma_wait3A_736 = tpu.memref_squeeze %dma_wait3A_735 : memref<1x40x128xf32, #tpu.memory_space<vmem>> -> memref<40x128xf32, #tpu.memory_space<vmem>>
        %dma_wait3A_737 = arith.constant 0 : i32
        %dma_wait3A_738 = tpu.memref_slice %arg8[%run_scoped3A_646, %dma_wait3A_737] : memref<7x40xi32, #tpu.memory_space<vmem>> -> memref<1x40xi32, #tpu.memory_space<vmem>>
        %dma_wait3A_739 = tpu.memref_squeeze %dma_wait3A_738 : memref<1x40xi32, #tpu.memory_space<vmem>> -> memref<40xi32, #tpu.memory_space<vmem>>
        %dma_wait3A_740 = arith.constant 0 : i32
        %dma_wait3A_741 = arith.constant 0 : i32
        %dma_wait3A_742 = tpu.memref_slice %arg10[%dma_wait3A_740, %dma_wait3A_741] : memref<10000x128xf32, #tpu.memory_space<vmem_shared>> -> memref<10000x128xf32, #tpu.memory_space<vmem_shared>>
        tpu.wait_indirect_dma semaphore(%run_scoped3A_722 : memref<!tpu.dma_semaphore, #tpu.memory_space<semaphore_mem>>) src(%dma_wait3A_736 : memref<40x128xf32, #tpu.memory_space<vmem>>) dst(%dma_wait3A_742 : memref<10000x128xf32, #tpu.memory_space<vmem_shared>>)
        tpu.yield
      }) : () -> ()
      %add3A_647 = arith.constant 7 : i32
      %add3A_648 = arith.addi %add3A_623, %add3A_647 : i32
      %lt3A_649 = arith.constant 250 : i32
      %lt3A_650 = arith.cmpi slt, %add3A_648, %lt3A_649 : i32
      %convert_element_type3A_651 = arith.extui %lt3A_650 : i1 to i32
      %cond3A_652 = arith.constant 0 : i32
      %cond3A_653 = arith.cmpi ne, %convert_element_type3A_651, %cond3A_652 : i32
      scf.if %cond3A_653 {
        %add3A_722 = arith.constant 7 : i32
        %add3A_723 = arith.addi %add3A_623, %add3A_722 : i32
        %dma_start3A_724 = arith.constant 4 : i32
        %dma_start3A_725 = arith.constant 0 : i32
        %dma_start3A_726 = tpu.memref_slice %arg7[%dma_start3A_724, %dma_start3A_725] : memref<7x40xi32, #tpu.memory_space<vmem>> -> memref<1x40xi32, #tpu.memory_space<vmem>>
        %dma_start3A_727 = tpu.memref_squeeze %dma_start3A_726 : memref<1x40xi32, #tpu.memory_space<vmem>> -> memref<40xi32, #tpu.memory_space<vmem>>
        %dma_start3A_728 = arith.constant 0 : i32
        %dma_start3A_729 = tpu.memref_slice %arg3[%add3A, %add3A_723, %dma_start3A_728] : memref<32x250x40xi32, #tpu.memory_space<hbm>> -> memref<1x1x40xi32, #tpu.memory_space<hbm>>
        %dma_start3A_730 = tpu.memref_squeeze %dma_start3A_729 : memref<1x1x40xi32, #tpu.memory_space<hbm>> -> memref<40xi32, #tpu.memory_space<hbm>>
        %dma_start3A_731 = arith.constant 0 : i32
        %dma_start3A_732 = tpu.memref_slice %arg7[%dma_start3A_724, %dma_start3A_731] : memref<7x40xi32, #tpu.memory_space<vmem>> -> memref<1x40xi32, #tpu.memory_space<vmem>>
        %dma_start3A_733 = tpu.memref_squeeze %dma_start3A_732 : memref<1x40xi32, #tpu.memory_space<vmem>> -> memref<40xi32, #tpu.memory_space<vmem>>
        %dma_start3A_734 = arith.constant 0 : i32
        %dma_start3A_735 = tpu.memref_slice %arg3[%add3A, %add3A_723, %dma_start3A_734] : memref<32x250x40xi32, #tpu.memory_space<hbm>> -> memref<1x1x40xi32, #tpu.memory_space<hbm>>
        %dma_start3A_736 = tpu.memref_squeeze %dma_start3A_735 : memref<1x1x40xi32, #tpu.memory_space<hbm>> -> memref<40xi32, #tpu.memory_space<hbm>>
        tpu.enqueue_dma source(%dma_start3A_736 : memref<40xi32, #tpu.memory_space<hbm>>) target(%dma_start3A_733 : memref<40xi32, #tpu.memory_space<vmem>>) target_semaphore(%arg22 : memref<!tpu.dma_semaphore, #tpu.memory_space<semaphore_mem>>)
        %dma_start3A_737 = arith.constant 4 : i32
        %dma_start3A_738 = arith.constant 0 : i32
        %dma_start3A_739 = tpu.memref_slice %arg8[%dma_start3A_737, %dma_start3A_738] : memref<7x40xi32, #tpu.memory_space<vmem>> -> memref<1x40xi32, #tpu.memory_space<vmem>>
        %dma_start3A_740 = tpu.memref_squeeze %dma_start3A_739 : memref<1x40xi32, #tpu.memory_space<vmem>> -> memref<40xi32, #tpu.memory_space<vmem>>
        %dma_start3A_741 = arith.constant 0 : i32
        %dma_start3A_742 = tpu.memref_slice %arg4[%add3A, %add3A_723, %dma_start3A_741] : memref<32x250x40xi32, #tpu.memory_space<hbm>> -> memref<1x1x40xi32, #tpu.memory_space<hbm>>
        %dma_start3A_743 = tpu.memref_squeeze %dma_start3A_742 : memref<1x1x40xi32, #tpu.memory_space<hbm>> -> memref<40xi32, #tpu.memory_space<hbm>>
        %dma_start3A_744 = arith.constant 0 : i32
        %dma_start3A_745 = tpu.memref_slice %arg8[%dma_start3A_737, %dma_start3A_744] : memref<7x40xi32, #tpu.memory_space<vmem>> -> memref<1x40xi32, #tpu.memory_space<vmem>>
        %dma_start3A_746 = tpu.memref_squeeze %dma_start3A_745 : memref<1x40xi32, #tpu.memory_space<vmem>> -> memref<40xi32, #tpu.memory_space<vmem>>
        %dma_start3A_747 = arith.constant 0 : i32
        %dma_start3A_748 = tpu.memref_slice %arg4[%add3A, %add3A_723, %dma_start3A_747] : memref<32x250x40xi32, #tpu.memory_space<hbm>> -> memref<1x1x40xi32, #tpu.memory_space<hbm>>
        %dma_start3A_749 = tpu.memref_squeeze %dma_start3A_748 : memref<1x1x40xi32, #tpu.memory_space<hbm>> -> memref<40xi32, #tpu.memory_space<hbm>>
        tpu.enqueue_dma source(%dma_start3A_749 : memref<40xi32, #tpu.memory_space<hbm>>) target(%dma_start3A_746 : memref<40xi32, #tpu.memory_space<vmem>>) target_semaphore(%arg22 : memref<!tpu.dma_semaphore, #tpu.memory_space<semaphore_mem>>)
      } else {
      }
      %mul3A_654 = arith.constant 7 : i32
      %mul3A_655 = arith.muli %mul3A_654, %scan3A_485 : i32
      %add3A_656 = arith.constant 5 : i32
      %add3A_657 = arith.addi %mul3A_655, %add3A_656 : i32
      %add3A_658 = arith.constant 7 : i32
      %add3A_659 = arith.addi %add3A_657, %add3A_658 : i32
      %sub3A_660 = arith.constant 2 : i32
      %sub3A_661 = arith.subi %add3A_659, %sub3A_660 : i32
      %lt3A_662 = arith.constant 250 : i32
      %lt3A_663 = arith.cmpi slt, %sub3A_661, %lt3A_662 : i32
      %convert_element_type3A_664 = arith.extui %lt3A_663 : i1 to i32
      %cond3A_665 = arith.constant 0 : i32
      %cond3A_666 = arith.cmpi ne, %convert_element_type3A_664, %cond3A_665 : i32
      scf.if %cond3A_666 {
        %dma_wait3A_722 = arith.constant 0 : i32
        %dma_wait3A_723 = arith.constant 3 : i32
        %dma_wait3A_724 = arith.constant 0 : i32
        %dma_wait3A_725 = tpu.memref_slice %arg7[%dma_wait3A_723, %dma_wait3A_724] : memref<7x40xi32, #tpu.memory_space<vmem>> -> memref<1x40xi32, #tpu.memory_space<vmem>>
        %dma_wait3A_726 = tpu.memref_squeeze %dma_wait3A_725 : memref<1x40xi32, #tpu.memory_space<vmem>> -> memref<40xi32, #tpu.memory_space<vmem>>
        %dma_wait3A_727 = arith.constant 0 : i32
        %dma_wait3A_728 = tpu.memref_slice %arg3[%add3A, %dma_wait3A_722, %dma_wait3A_727] : memref<32x250x40xi32, #tpu.memory_space<hbm>> -> memref<1x1x40xi32, #tpu.memory_space<hbm>>
        %dma_wait3A_729 = tpu.memref_squeeze %dma_wait3A_728 : memref<1x1x40xi32, #tpu.memory_space<hbm>> -> memref<40xi32, #tpu.memory_space<hbm>>
        %dma_wait3A_730 = arith.constant 0 : i32
        %dma_wait3A_731 = tpu.memref_slice %arg7[%dma_wait3A_723, %dma_wait3A_730] : memref<7x40xi32, #tpu.memory_space<vmem>> -> memref<1x40xi32, #tpu.memory_space<vmem>>
        %dma_wait3A_732 = tpu.memref_squeeze %dma_wait3A_731 : memref<1x40xi32, #tpu.memory_space<vmem>> -> memref<40xi32, #tpu.memory_space<vmem>>
        %dma_wait3A_733 = arith.constant 0 : i32
        %dma_wait3A_734 = tpu.memref_slice %arg3[%add3A, %dma_wait3A_722, %dma_wait3A_733] : memref<32x250x40xi32, #tpu.memory_space<hbm>> -> memref<1x1x40xi32, #tpu.memory_space<hbm>>
        %dma_wait3A_735 = tpu.memref_squeeze %dma_wait3A_734 : memref<1x1x40xi32, #tpu.memory_space<hbm>> -> memref<40xi32, #tpu.memory_space<hbm>>
        tpu.wait_dma2 semaphore(%arg21 : memref<!tpu.dma_semaphore, #tpu.memory_space<semaphore_mem>>) src(%dma_wait3A_735 : memref<40xi32, #tpu.memory_space<hbm>>) dst(%dma_wait3A_732 : memref<40xi32, #tpu.memory_space<vmem>>)
        %dma_wait3A_736 = arith.constant 0 : i32
        %dma_wait3A_737 = arith.constant 3 : i32
        %dma_wait3A_738 = arith.constant 0 : i32
        %dma_wait3A_739 = tpu.memref_slice %arg8[%dma_wait3A_737, %dma_wait3A_738] : memref<7x40xi32, #tpu.memory_space<vmem>> -> memref<1x40xi32, #tpu.memory_space<vmem>>
        %dma_wait3A_740 = tpu.memref_squeeze %dma_wait3A_739 : memref<1x40xi32, #tpu.memory_space<vmem>> -> memref<40xi32, #tpu.memory_space<vmem>>
        %dma_wait3A_741 = arith.constant 0 : i32
        %dma_wait3A_742 = tpu.memref_slice %arg4[%add3A, %dma_wait3A_736, %dma_wait3A_741] : memref<32x250x40xi32, #tpu.memory_space<hbm>> -> memref<1x1x40xi32, #tpu.memory_space<hbm>>
        %dma_wait3A_743 = tpu.memref_squeeze %dma_wait3A_742 : memref<1x1x40xi32, #tpu.memory_space<hbm>> -> memref<40xi32, #tpu.memory_space<hbm>>
        %dma_wait3A_744 = arith.constant 0 : i32
        %dma_wait3A_745 = tpu.memref_slice %arg8[%dma_wait3A_737, %dma_wait3A_744] : memref<7x40xi32, #tpu.memory_space<vmem>> -> memref<1x40xi32, #tpu.memory_space<vmem>>
        %dma_wait3A_746 = tpu.memref_squeeze %dma_wait3A_745 : memref<1x40xi32, #tpu.memory_space<vmem>> -> memref<40xi32, #tpu.memory_space<vmem>>
        %dma_wait3A_747 = arith.constant 0 : i32
        %dma_wait3A_748 = tpu.memref_slice %arg4[%add3A, %dma_wait3A_736, %dma_wait3A_747] : memref<32x250x40xi32, #tpu.memory_space<hbm>> -> memref<1x1x40xi32, #tpu.memory_space<hbm>>
        %dma_wait3A_749 = tpu.memref_squeeze %dma_wait3A_748 : memref<1x1x40xi32, #tpu.memory_space<hbm>> -> memref<40xi32, #tpu.memory_space<hbm>>
        tpu.wait_dma2 semaphore(%arg21 : memref<!tpu.dma_semaphore, #tpu.memory_space<semaphore_mem>>) src(%dma_wait3A_749 : memref<40xi32, #tpu.memory_space<hbm>>) dst(%dma_wait3A_746 : memref<40xi32, #tpu.memory_space<vmem>>)
        %dma_start3A_750 = arith.constant 3 : i32
        %dma_start3A_751 = arith.constant 3 : i32
        %dma_start3A_752 = arith.constant 0 : i32
        %dma_start3A_753 = arith.constant 0 : i32
        %dma_start3A_754 = tpu.memref_slice %arg9[%dma_start3A_751, %dma_start3A_752, %dma_start3A_753] : memref<7x40x128xf32, #tpu.memory_space<vmem>> -> memref<1x40x128xf32, #tpu.memory_space<vmem>>
        %dma_start3A_755 = tpu.memref_squeeze %dma_start3A_754 : memref<1x40x128xf32, #tpu.memory_space<vmem>> -> memref<40x128xf32, #tpu.memory_space<vmem>>
        %dma_start3A_756 = arith.constant 0 : i32
        %dma_start3A_757 = tpu.memref_slice %arg7[%dma_start3A_750, %dma_start3A_756] : memref<7x40xi32, #tpu.memory_space<vmem>> -> memref<1x40xi32, #tpu.memory_space<vmem>>
        %dma_start3A_758 = tpu.memref_squeeze %dma_start3A_757 : memref<1x40xi32, #tpu.memory_space<vmem>> -> memref<40xi32, #tpu.memory_space<vmem>>
        %dma_start3A_759 = arith.constant 0 : i32
        %dma_start3A_760 = arith.constant 0 : i32
        %dma_start3A_761 = tpu.memref_slice %arg2[%dma_start3A_759, %dma_start3A_760] : memref<10000x128xf32, #tpu.memory_space<hbm>> -> memref<10000x128xf32, #tpu.memory_space<hbm>>
        tpu.enqueue_indirect_dma source(%dma_start3A_761 : memref<10000x128xf32, #tpu.memory_space<hbm>>) target(%dma_start3A_755 : memref<40x128xf32, #tpu.memory_space<vmem>>) offsets(%dma_start3A_758 : memref<40xi32, #tpu.memory_space<vmem>>) semaphore(%arg14 : memref<!tpu.dma_semaphore, #tpu.memory_space<semaphore_mem>>)
      } else {
      }
      %dma_wait3A_667 = arith.constant 0 : i32
      %dma_wait3A_668 = arith.constant 5 : i32
      %dma_wait3A_669 = arith.constant 0 : i32
      %dma_wait3A_670 = arith.constant 0 : i32
      %dma_wait3A_671 = tpu.memref_slice %arg9[%dma_wait3A_668, %dma_wait3A_669, %dma_wait3A_670] : memref<7x40x128xf32, #tpu.memory_space<vmem>> -> memref<1x40x128xf32, #tpu.memory_space<vmem>>
      %dma_wait3A_672 = tpu.memref_squeeze %dma_wait3A_671 : memref<1x40x128xf32, #tpu.memory_space<vmem>> -> memref<40x128xf32, #tpu.memory_space<vmem>>
      %dma_wait3A_673 = arith.constant 0 : i32
      %dma_wait3A_674 = tpu.memref_slice %arg7[%dma_wait3A_667, %dma_wait3A_673] : memref<7x40xi32, #tpu.memory_space<vmem>> -> memref<1x40xi32, #tpu.memory_space<vmem>>
      %dma_wait3A_675 = tpu.memref_squeeze %dma_wait3A_674 : memref<1x40xi32, #tpu.memory_space<vmem>> -> memref<40xi32, #tpu.memory_space<vmem>>
      %dma_wait3A_676 = arith.constant 0 : i32
      %dma_wait3A_677 = arith.constant 0 : i32
      %dma_wait3A_678 = tpu.memref_slice %arg2[%dma_wait3A_676, %dma_wait3A_677] : memref<10000x128xf32, #tpu.memory_space<hbm>> -> memref<10000x128xf32, #tpu.memory_space<hbm>>
      tpu.wait_indirect_dma semaphore(%arg16 : memref<!tpu.dma_semaphore, #tpu.memory_space<semaphore_mem>>) src(%dma_wait3A_678 : memref<10000x128xf32, #tpu.memory_space<hbm>>) dst(%dma_wait3A_672 : memref<40x128xf32, #tpu.memory_space<vmem>>)
      %run_scoped3A_679 = arith.constant 5 : i32
      %run_scoped3A_680 = arith.constant 5 : i32
      "tpu.region"() ({
        %run_scoped3A_722 = tpu.sem_alloc : memref<!tpu.dma_semaphore, #tpu.memory_space<semaphore_mem>>
        %dma_start3A_723 = arith.constant 0 : i32
        %dma_start3A_724 = arith.constant 0 : i32
        %dma_start3A_725 = tpu.memref_slice %arg9[%run_scoped3A_679, %dma_start3A_723, %dma_start3A_724] : memref<7x40x128xf32, #tpu.memory_space<vmem>> -> memref<1x40x128xf32, #tpu.memory_space<vmem>>
        %dma_start3A_726 = tpu.memref_squeeze %dma_start3A_725 : memref<1x40x128xf32, #tpu.memory_space<vmem>> -> memref<40x128xf32, #tpu.memory_space<vmem>>
        %dma_start3A_727 = arith.constant 0 : i32
        %dma_start3A_728 = tpu.memref_slice %arg8[%run_scoped3A_680, %dma_start3A_727] : memref<7x40xi32, #tpu.memory_space<vmem>> -> memref<1x40xi32, #tpu.memory_space<vmem>>
        %dma_start3A_729 = tpu.memref_squeeze %dma_start3A_728 : memref<1x40xi32, #tpu.memory_space<vmem>> -> memref<40xi32, #tpu.memory_space<vmem>>
        %dma_start3A_730 = arith.constant 0 : i32
        %dma_start3A_731 = arith.constant 0 : i32
        %dma_start3A_732 = tpu.memref_slice %arg10[%dma_start3A_730, %dma_start3A_731] : memref<10000x128xf32, #tpu.memory_space<vmem_shared>> -> memref<10000x128xf32, #tpu.memory_space<vmem_shared>>
        tpu.enqueue_indirect_dma source(%dma_start3A_726 : memref<40x128xf32, #tpu.memory_space<vmem>>) target(%dma_start3A_732 : memref<10000x128xf32, #tpu.memory_space<vmem_shared>>) offsets(%dma_start3A_729 : memref<40xi32, #tpu.memory_space<vmem>>) semaphore(%run_scoped3A_722 : memref<!tpu.dma_semaphore, #tpu.memory_space<semaphore_mem>>) {add = true}
        %dma_wait3A_733 = arith.constant 0 : i32
        %dma_wait3A_734 = arith.constant 0 : i32
        %dma_wait3A_735 = tpu.memref_slice %arg9[%run_scoped3A_679, %dma_wait3A_733, %dma_wait3A_734] : memref<7x40x128xf32, #tpu.memory_space<vmem>> -> memref<1x40x128xf32, #tpu.memory_space<vmem>>
        %dma_wait3A_736 = tpu.memref_squeeze %dma_wait3A_735 : memref<1x40x128xf32, #tpu.memory_space<vmem>> -> memref<40x128xf32, #tpu.memory_space<vmem>>
        %dma_wait3A_737 = arith.constant 0 : i32
        %dma_wait3A_738 = tpu.memref_slice %arg8[%run_scoped3A_680, %dma_wait3A_737] : memref<7x40xi32, #tpu.memory_space<vmem>> -> memref<1x40xi32, #tpu.memory_space<vmem>>
        %dma_wait3A_739 = tpu.memref_squeeze %dma_wait3A_738 : memref<1x40xi32, #tpu.memory_space<vmem>> -> memref<40xi32, #tpu.memory_space<vmem>>
        %dma_wait3A_740 = arith.constant 0 : i32
        %dma_wait3A_741 = arith.constant 0 : i32
        %dma_wait3A_742 = tpu.memref_slice %arg10[%dma_wait3A_740, %dma_wait3A_741] : memref<10000x128xf32, #tpu.memory_space<vmem_shared>> -> memref<10000x128xf32, #tpu.memory_space<vmem_shared>>
        tpu.wait_indirect_dma semaphore(%run_scoped3A_722 : memref<!tpu.dma_semaphore, #tpu.memory_space<semaphore_mem>>) src(%dma_wait3A_736 : memref<40x128xf32, #tpu.memory_space<vmem>>) dst(%dma_wait3A_742 : memref<10000x128xf32, #tpu.memory_space<vmem_shared>>)
        tpu.yield
      }) : () -> ()
      %add3A_681 = arith.constant 7 : i32
      %add3A_682 = arith.addi %add3A_657, %add3A_681 : i32
      %lt3A_683 = arith.constant 250 : i32
      %lt3A_684 = arith.cmpi slt, %add3A_682, %lt3A_683 : i32
      %convert_element_type3A_685 = arith.extui %lt3A_684 : i1 to i32
      %cond3A_686 = arith.constant 0 : i32
      %cond3A_687 = arith.cmpi ne, %convert_element_type3A_685, %cond3A_686 : i32
      scf.if %cond3A_687 {
        %add3A_722 = arith.constant 7 : i32
        %add3A_723 = arith.addi %add3A_657, %add3A_722 : i32
        %dma_start3A_724 = arith.constant 5 : i32
        %dma_start3A_725 = arith.constant 0 : i32
        %dma_start3A_726 = tpu.memref_slice %arg7[%dma_start3A_724, %dma_start3A_725] : memref<7x40xi32, #tpu.memory_space<vmem>> -> memref<1x40xi32, #tpu.memory_space<vmem>>
        %dma_start3A_727 = tpu.memref_squeeze %dma_start3A_726 : memref<1x40xi32, #tpu.memory_space<vmem>> -> memref<40xi32, #tpu.memory_space<vmem>>
        %dma_start3A_728 = arith.constant 0 : i32
        %dma_start3A_729 = tpu.memref_slice %arg3[%add3A, %add3A_723, %dma_start3A_728] : memref<32x250x40xi32, #tpu.memory_space<hbm>> -> memref<1x1x40xi32, #tpu.memory_space<hbm>>
        %dma_start3A_730 = tpu.memref_squeeze %dma_start3A_729 : memref<1x1x40xi32, #tpu.memory_space<hbm>> -> memref<40xi32, #tpu.memory_space<hbm>>
        %dma_start3A_731 = arith.constant 0 : i32
        %dma_start3A_732 = tpu.memref_slice %arg7[%dma_start3A_724, %dma_start3A_731] : memref<7x40xi32, #tpu.memory_space<vmem>> -> memref<1x40xi32, #tpu.memory_space<vmem>>
        %dma_start3A_733 = tpu.memref_squeeze %dma_start3A_732 : memref<1x40xi32, #tpu.memory_space<vmem>> -> memref<40xi32, #tpu.memory_space<vmem>>
        %dma_start3A_734 = arith.constant 0 : i32
        %dma_start3A_735 = tpu.memref_slice %arg3[%add3A, %add3A_723, %dma_start3A_734] : memref<32x250x40xi32, #tpu.memory_space<hbm>> -> memref<1x1x40xi32, #tpu.memory_space<hbm>>
        %dma_start3A_736 = tpu.memref_squeeze %dma_start3A_735 : memref<1x1x40xi32, #tpu.memory_space<hbm>> -> memref<40xi32, #tpu.memory_space<hbm>>
        tpu.enqueue_dma source(%dma_start3A_736 : memref<40xi32, #tpu.memory_space<hbm>>) target(%dma_start3A_733 : memref<40xi32, #tpu.memory_space<vmem>>) target_semaphore(%arg23 : memref<!tpu.dma_semaphore, #tpu.memory_space<semaphore_mem>>)
        %dma_start3A_737 = arith.constant 5 : i32
        %dma_start3A_738 = arith.constant 0 : i32
        %dma_start3A_739 = tpu.memref_slice %arg8[%dma_start3A_737, %dma_start3A_738] : memref<7x40xi32, #tpu.memory_space<vmem>> -> memref<1x40xi32, #tpu.memory_space<vmem>>
        %dma_start3A_740 = tpu.memref_squeeze %dma_start3A_739 : memref<1x40xi32, #tpu.memory_space<vmem>> -> memref<40xi32, #tpu.memory_space<vmem>>
        %dma_start3A_741 = arith.constant 0 : i32
        %dma_start3A_742 = tpu.memref_slice %arg4[%add3A, %add3A_723, %dma_start3A_741] : memref<32x250x40xi32, #tpu.memory_space<hbm>> -> memref<1x1x40xi32, #tpu.memory_space<hbm>>
        %dma_start3A_743 = tpu.memref_squeeze %dma_start3A_742 : memref<1x1x40xi32, #tpu.memory_space<hbm>> -> memref<40xi32, #tpu.memory_space<hbm>>
        %dma_start3A_744 = arith.constant 0 : i32
        %dma_start3A_745 = tpu.memref_slice %arg8[%dma_start3A_737, %dma_start3A_744] : memref<7x40xi32, #tpu.memory_space<vmem>> -> memref<1x40xi32, #tpu.memory_space<vmem>>
        %dma_start3A_746 = tpu.memref_squeeze %dma_start3A_745 : memref<1x40xi32, #tpu.memory_space<vmem>> -> memref<40xi32, #tpu.memory_space<vmem>>
        %dma_start3A_747 = arith.constant 0 : i32
        %dma_start3A_748 = tpu.memref_slice %arg4[%add3A, %add3A_723, %dma_start3A_747] : memref<32x250x40xi32, #tpu.memory_space<hbm>> -> memref<1x1x40xi32, #tpu.memory_space<hbm>>
        %dma_start3A_749 = tpu.memref_squeeze %dma_start3A_748 : memref<1x1x40xi32, #tpu.memory_space<hbm>> -> memref<40xi32, #tpu.memory_space<hbm>>
        tpu.enqueue_dma source(%dma_start3A_749 : memref<40xi32, #tpu.memory_space<hbm>>) target(%dma_start3A_746 : memref<40xi32, #tpu.memory_space<vmem>>) target_semaphore(%arg23 : memref<!tpu.dma_semaphore, #tpu.memory_space<semaphore_mem>>)
      } else {
      }
      %mul3A_688 = arith.constant 7 : i32
      %mul3A_689 = arith.muli %mul3A_688, %scan3A_485 : i32
      %add3A_690 = arith.constant 6 : i32
      %add3A_691 = arith.addi %mul3A_689, %add3A_690 : i32
      %add3A_692 = arith.constant 7 : i32
      %add3A_693 = arith.addi %add3A_691, %add3A_692 : i32
      %sub3A_694 = arith.constant 2 : i32
      %sub3A_695 = arith.subi %add3A_693, %sub3A_694 : i32
      %lt3A_696 = arith.constant 250 : i32
      %lt3A_697 = arith.cmpi slt, %sub3A_695, %lt3A_696 : i32
      %convert_element_type3A_698 = arith.extui %lt3A_697 : i1 to i32
      %cond3A_699 = arith.constant 0 : i32
      %cond3A_700 = arith.cmpi ne, %convert_element_type3A_698, %cond3A_699 : i32
      scf.if %cond3A_700 {
        %dma_wait3A_722 = arith.constant 0 : i32
        %dma_wait3A_723 = arith.constant 4 : i32
        %dma_wait3A_724 = arith.constant 0 : i32
        %dma_wait3A_725 = tpu.memref_slice %arg7[%dma_wait3A_723, %dma_wait3A_724] : memref<7x40xi32, #tpu.memory_space<vmem>> -> memref<1x40xi32, #tpu.memory_space<vmem>>
        %dma_wait3A_726 = tpu.memref_squeeze %dma_wait3A_725 : memref<1x40xi32, #tpu.memory_space<vmem>> -> memref<40xi32, #tpu.memory_space<vmem>>
        %dma_wait3A_727 = arith.constant 0 : i32
        %dma_wait3A_728 = tpu.memref_slice %arg3[%add3A, %dma_wait3A_722, %dma_wait3A_727] : memref<32x250x40xi32, #tpu.memory_space<hbm>> -> memref<1x1x40xi32, #tpu.memory_space<hbm>>
        %dma_wait3A_729 = tpu.memref_squeeze %dma_wait3A_728 : memref<1x1x40xi32, #tpu.memory_space<hbm>> -> memref<40xi32, #tpu.memory_space<hbm>>
        %dma_wait3A_730 = arith.constant 0 : i32
        %dma_wait3A_731 = tpu.memref_slice %arg7[%dma_wait3A_723, %dma_wait3A_730] : memref<7x40xi32, #tpu.memory_space<vmem>> -> memref<1x40xi32, #tpu.memory_space<vmem>>
        %dma_wait3A_732 = tpu.memref_squeeze %dma_wait3A_731 : memref<1x40xi32, #tpu.memory_space<vmem>> -> memref<40xi32, #tpu.memory_space<vmem>>
        %dma_wait3A_733 = arith.constant 0 : i32
        %dma_wait3A_734 = tpu.memref_slice %arg3[%add3A, %dma_wait3A_722, %dma_wait3A_733] : memref<32x250x40xi32, #tpu.memory_space<hbm>> -> memref<1x1x40xi32, #tpu.memory_space<hbm>>
        %dma_wait3A_735 = tpu.memref_squeeze %dma_wait3A_734 : memref<1x1x40xi32, #tpu.memory_space<hbm>> -> memref<40xi32, #tpu.memory_space<hbm>>
        tpu.wait_dma2 semaphore(%arg22 : memref<!tpu.dma_semaphore, #tpu.memory_space<semaphore_mem>>) src(%dma_wait3A_735 : memref<40xi32, #tpu.memory_space<hbm>>) dst(%dma_wait3A_732 : memref<40xi32, #tpu.memory_space<vmem>>)
        %dma_wait3A_736 = arith.constant 0 : i32
        %dma_wait3A_737 = arith.constant 4 : i32
        %dma_wait3A_738 = arith.constant 0 : i32
        %dma_wait3A_739 = tpu.memref_slice %arg8[%dma_wait3A_737, %dma_wait3A_738] : memref<7x40xi32, #tpu.memory_space<vmem>> -> memref<1x40xi32, #tpu.memory_space<vmem>>
        %dma_wait3A_740 = tpu.memref_squeeze %dma_wait3A_739 : memref<1x40xi32, #tpu.memory_space<vmem>> -> memref<40xi32, #tpu.memory_space<vmem>>
        %dma_wait3A_741 = arith.constant 0 : i32
        %dma_wait3A_742 = tpu.memref_slice %arg4[%add3A, %dma_wait3A_736, %dma_wait3A_741] : memref<32x250x40xi32, #tpu.memory_space<hbm>> -> memref<1x1x40xi32, #tpu.memory_space<hbm>>
        %dma_wait3A_743 = tpu.memref_squeeze %dma_wait3A_742 : memref<1x1x40xi32, #tpu.memory_space<hbm>> -> memref<40xi32, #tpu.memory_space<hbm>>
        %dma_wait3A_744 = arith.constant 0 : i32
        %dma_wait3A_745 = tpu.memref_slice %arg8[%dma_wait3A_737, %dma_wait3A_744] : memref<7x40xi32, #tpu.memory_space<vmem>> -> memref<1x40xi32, #tpu.memory_space<vmem>>
        %dma_wait3A_746 = tpu.memref_squeeze %dma_wait3A_745 : memref<1x40xi32, #tpu.memory_space<vmem>> -> memref<40xi32, #tpu.memory_space<vmem>>
        %dma_wait3A_747 = arith.constant 0 : i32
        %dma_wait3A_748 = tpu.memref_slice %arg4[%add3A, %dma_wait3A_736, %dma_wait3A_747] : memref<32x250x40xi32, #tpu.memory_space<hbm>> -> memref<1x1x40xi32, #tpu.memory_space<hbm>>
        %dma_wait3A_749 = tpu.memref_squeeze %dma_wait3A_748 : memref<1x1x40xi32, #tpu.memory_space<hbm>> -> memref<40xi32, #tpu.memory_space<hbm>>
        tpu.wait_dma2 semaphore(%arg22 : memref<!tpu.dma_semaphore, #tpu.memory_space<semaphore_mem>>) src(%dma_wait3A_749 : memref<40xi32, #tpu.memory_space<hbm>>) dst(%dma_wait3A_746 : memref<40xi32, #tpu.memory_space<vmem>>)
        %dma_start3A_750 = arith.constant 4 : i32
        %dma_start3A_751 = arith.constant 4 : i32
        %dma_start3A_752 = arith.constant 0 : i32
        %dma_start3A_753 = arith.constant 0 : i32
        %dma_start3A_754 = tpu.memref_slice %arg9[%dma_start3A_751, %dma_start3A_752, %dma_start3A_753] : memref<7x40x128xf32, #tpu.memory_space<vmem>> -> memref<1x40x128xf32, #tpu.memory_space<vmem>>
        %dma_start3A_755 = tpu.memref_squeeze %dma_start3A_754 : memref<1x40x128xf32, #tpu.memory_space<vmem>> -> memref<40x128xf32, #tpu.memory_space<vmem>>
        %dma_start3A_756 = arith.constant 0 : i32
        %dma_start3A_757 = tpu.memref_slice %arg7[%dma_start3A_750, %dma_start3A_756] : memref<7x40xi32, #tpu.memory_space<vmem>> -> memref<1x40xi32, #tpu.memory_space<vmem>>
        %dma_start3A_758 = tpu.memref_squeeze %dma_start3A_757 : memref<1x40xi32, #tpu.memory_space<vmem>> -> memref<40xi32, #tpu.memory_space<vmem>>
        %dma_start3A_759 = arith.constant 0 : i32
        %dma_start3A_760 = arith.constant 0 : i32
        %dma_start3A_761 = tpu.memref_slice %arg2[%dma_start3A_759, %dma_start3A_760] : memref<10000x128xf32, #tpu.memory_space<hbm>> -> memref<10000x128xf32, #tpu.memory_space<hbm>>
        tpu.enqueue_indirect_dma source(%dma_start3A_761 : memref<10000x128xf32, #tpu.memory_space<hbm>>) target(%dma_start3A_755 : memref<40x128xf32, #tpu.memory_space<vmem>>) offsets(%dma_start3A_758 : memref<40xi32, #tpu.memory_space<vmem>>) semaphore(%arg15 : memref<!tpu.dma_semaphore, #tpu.memory_space<semaphore_mem>>)
      } else {
      }
      %dma_wait3A_701 = arith.constant 0 : i32
      %dma_wait3A_702 = arith.constant 6 : i32
      %dma_wait3A_703 = arith.constant 0 : i32
      %dma_wait3A_704 = arith.constant 0 : i32
      %dma_wait3A_705 = tpu.memref_slice %arg9[%dma_wait3A_702, %dma_wait3A_703, %dma_wait3A_704] : memref<7x40x128xf32, #tpu.memory_space<vmem>> -> memref<1x40x128xf32, #tpu.memory_space<vmem>>
      %dma_wait3A_706 = tpu.memref_squeeze %dma_wait3A_705 : memref<1x40x128xf32, #tpu.memory_space<vmem>> -> memref<40x128xf32, #tpu.memory_space<vmem>>
      %dma_wait3A_707 = arith.constant 0 : i32
      %dma_wait3A_708 = tpu.memref_slice %arg7[%dma_wait3A_701, %dma_wait3A_707] : memref<7x40xi32, #tpu.memory_space<vmem>> -> memref<1x40xi32, #tpu.memory_space<vmem>>
      %dma_wait3A_709 = tpu.memref_squeeze %dma_wait3A_708 : memref<1x40xi32, #tpu.memory_space<vmem>> -> memref<40xi32, #tpu.memory_space<vmem>>
      %dma_wait3A_710 = arith.constant 0 : i32
      %dma_wait3A_711 = arith.constant 0 : i32
      %dma_wait3A_712 = tpu.memref_slice %arg2[%dma_wait3A_710, %dma_wait3A_711] : memref<10000x128xf32, #tpu.memory_space<hbm>> -> memref<10000x128xf32, #tpu.memory_space<hbm>>
      tpu.wait_indirect_dma semaphore(%arg17 : memref<!tpu.dma_semaphore, #tpu.memory_space<semaphore_mem>>) src(%dma_wait3A_712 : memref<10000x128xf32, #tpu.memory_space<hbm>>) dst(%dma_wait3A_706 : memref<40x128xf32, #tpu.memory_space<vmem>>)
      %run_scoped3A_713 = arith.constant 6 : i32
      %run_scoped3A_714 = arith.constant 6 : i32
      "tpu.region"() ({
        %run_scoped3A_722 = tpu.sem_alloc : memref<!tpu.dma_semaphore, #tpu.memory_space<semaphore_mem>>
        %dma_start3A_723 = arith.constant 0 : i32
        %dma_start3A_724 = arith.constant 0 : i32
        %dma_start3A_725 = tpu.memref_slice %arg9[%run_scoped3A_713, %dma_start3A_723, %dma_start3A_724] : memref<7x40x128xf32, #tpu.memory_space<vmem>> -> memref<1x40x128xf32, #tpu.memory_space<vmem>>
        %dma_start3A_726 = tpu.memref_squeeze %dma_start3A_725 : memref<1x40x128xf32, #tpu.memory_space<vmem>> -> memref<40x128xf32, #tpu.memory_space<vmem>>
        %dma_start3A_727 = arith.constant 0 : i32
        %dma_start3A_728 = tpu.memref_slice %arg8[%run_scoped3A_714, %dma_start3A_727] : memref<7x40xi32, #tpu.memory_space<vmem>> -> memref<1x40xi32, #tpu.memory_space<vmem>>
        %dma_start3A_729 = tpu.memref_squeeze %dma_start3A_728 : memref<1x40xi32, #tpu.memory_space<vmem>> -> memref<40xi32, #tpu.memory_space<vmem>>
        %dma_start3A_730 = arith.constant 0 : i32
        %dma_start3A_731 = arith.constant 0 : i32
        %dma_start3A_732 = tpu.memref_slice %arg10[%dma_start3A_730, %dma_start3A_731] : memref<10000x128xf32, #tpu.memory_space<vmem_shared>> -> memref<10000x128xf32, #tpu.memory_space<vmem_shared>>
        tpu.enqueue_indirect_dma source(%dma_start3A_726 : memref<40x128xf32, #tpu.memory_space<vmem>>) target(%dma_start3A_732 : memref<10000x128xf32, #tpu.memory_space<vmem_shared>>) offsets(%dma_start3A_729 : memref<40xi32, #tpu.memory_space<vmem>>) semaphore(%run_scoped3A_722 : memref<!tpu.dma_semaphore, #tpu.memory_space<semaphore_mem>>) {add = true}
        %dma_wait3A_733 = arith.constant 0 : i32
        %dma_wait3A_734 = arith.constant 0 : i32
        %dma_wait3A_735 = tpu.memref_slice %arg9[%run_scoped3A_713, %dma_wait3A_733, %dma_wait3A_734] : memref<7x40x128xf32, #tpu.memory_space<vmem>> -> memref<1x40x128xf32, #tpu.memory_space<vmem>>
        %dma_wait3A_736 = tpu.memref_squeeze %dma_wait3A_735 : memref<1x40x128xf32, #tpu.memory_space<vmem>> -> memref<40x128xf32, #tpu.memory_space<vmem>>
        %dma_wait3A_737 = arith.constant 0 : i32
        %dma_wait3A_738 = tpu.memref_slice %arg8[%run_scoped3A_714, %dma_wait3A_737] : memref<7x40xi32, #tpu.memory_space<vmem>> -> memref<1x40xi32, #tpu.memory_space<vmem>>
        %dma_wait3A_739 = tpu.memref_squeeze %dma_wait3A_738 : memref<1x40xi32, #tpu.memory_space<vmem>> -> memref<40xi32, #tpu.memory_space<vmem>>
        %dma_wait3A_740 = arith.constant 0 : i32
        %dma_wait3A_741 = arith.constant 0 : i32
        %dma_wait3A_742 = tpu.memref_slice %arg10[%dma_wait3A_740, %dma_wait3A_741] : memref<10000x128xf32, #tpu.memory_space<vmem_shared>> -> memref<10000x128xf32, #tpu.memory_space<vmem_shared>>
        tpu.wait_indirect_dma semaphore(%run_scoped3A_722 : memref<!tpu.dma_semaphore, #tpu.memory_space<semaphore_mem>>) src(%dma_wait3A_736 : memref<40x128xf32, #tpu.memory_space<vmem>>) dst(%dma_wait3A_742 : memref<10000x128xf32, #tpu.memory_space<vmem_shared>>)
        tpu.yield
      }) : () -> ()
      %add3A_715 = arith.constant 7 : i32
      %add3A_716 = arith.addi %add3A_691, %add3A_715 : i32
      %lt3A_717 = arith.constant 250 : i32
      %lt3A_718 = arith.cmpi slt, %add3A_716, %lt3A_717 : i32
      %convert_element_type3A_719 = arith.extui %lt3A_718 : i1 to i32
      %cond3A_720 = arith.constant 0 : i32
      %cond3A_721 = arith.cmpi ne, %convert_element_type3A_719, %cond3A_720 : i32
      scf.if %cond3A_721 {
        %add3A_722 = arith.constant 7 : i32
        %add3A_723 = arith.addi %add3A_691, %add3A_722 : i32
        %dma_start3A_724 = arith.constant 6 : i32
        %dma_start3A_725 = arith.constant 0 : i32
        %dma_start3A_726 = tpu.memref_slice %arg7[%dma_start3A_724, %dma_start3A_725] : memref<7x40xi32, #tpu.memory_space<vmem>> -> memref<1x40xi32, #tpu.memory_space<vmem>>
        %dma_start3A_727 = tpu.memref_squeeze %dma_start3A_726 : memref<1x40xi32, #tpu.memory_space<vmem>> -> memref<40xi32, #tpu.memory_space<vmem>>
        %dma_start3A_728 = arith.constant 0 : i32
        %dma_start3A_729 = tpu.memref_slice %arg3[%add3A, %add3A_723, %dma_start3A_728] : memref<32x250x40xi32, #tpu.memory_space<hbm>> -> memref<1x1x40xi32, #tpu.memory_space<hbm>>
        %dma_start3A_730 = tpu.memref_squeeze %dma_start3A_729 : memref<1x1x40xi32, #tpu.memory_space<hbm>> -> memref<40xi32, #tpu.memory_space<hbm>>
        %dma_start3A_731 = arith.constant 0 : i32
        %dma_start3A_732 = tpu.memref_slice %arg7[%dma_start3A_724, %dma_start3A_731] : memref<7x40xi32, #tpu.memory_space<vmem>> -> memref<1x40xi32, #tpu.memory_space<vmem>>
        %dma_start3A_733 = tpu.memref_squeeze %dma_start3A_732 : memref<1x40xi32, #tpu.memory_space<vmem>> -> memref<40xi32, #tpu.memory_space<vmem>>
        %dma_start3A_734 = arith.constant 0 : i32
        %dma_start3A_735 = tpu.memref_slice %arg3[%add3A, %add3A_723, %dma_start3A_734] : memref<32x250x40xi32, #tpu.memory_space<hbm>> -> memref<1x1x40xi32, #tpu.memory_space<hbm>>
        %dma_start3A_736 = tpu.memref_squeeze %dma_start3A_735 : memref<1x1x40xi32, #tpu.memory_space<hbm>> -> memref<40xi32, #tpu.memory_space<hbm>>
        tpu.enqueue_dma source(%dma_start3A_736 : memref<40xi32, #tpu.memory_space<hbm>>) target(%dma_start3A_733 : memref<40xi32, #tpu.memory_space<vmem>>) target_semaphore(%arg24 : memref<!tpu.dma_semaphore, #tpu.memory_space<semaphore_mem>>)
        %dma_start3A_737 = arith.constant 6 : i32
        %dma_start3A_738 = arith.constant 0 : i32
        %dma_start3A_739 = tpu.memref_slice %arg8[%dma_start3A_737, %dma_start3A_738] : memref<7x40xi32, #tpu.memory_space<vmem>> -> memref<1x40xi32, #tpu.memory_space<vmem>>
        %dma_start3A_740 = tpu.memref_squeeze %dma_start3A_739 : memref<1x40xi32, #tpu.memory_space<vmem>> -> memref<40xi32, #tpu.memory_space<vmem>>
        %dma_start3A_741 = arith.constant 0 : i32
        %dma_start3A_742 = tpu.memref_slice %arg4[%add3A, %add3A_723, %dma_start3A_741] : memref<32x250x40xi32, #tpu.memory_space<hbm>> -> memref<1x1x40xi32, #tpu.memory_space<hbm>>
        %dma_start3A_743 = tpu.memref_squeeze %dma_start3A_742 : memref<1x1x40xi32, #tpu.memory_space<hbm>> -> memref<40xi32, #tpu.memory_space<hbm>>
        %dma_start3A_744 = arith.constant 0 : i32
        %dma_start3A_745 = tpu.memref_slice %arg8[%dma_start3A_737, %dma_start3A_744] : memref<7x40xi32, #tpu.memory_space<vmem>> -> memref<1x40xi32, #tpu.memory_space<vmem>>
        %dma_start3A_746 = tpu.memref_squeeze %dma_start3A_745 : memref<1x40xi32, #tpu.memory_space<vmem>> -> memref<40xi32, #tpu.memory_space<vmem>>
        %dma_start3A_747 = arith.constant 0 : i32
        %dma_start3A_748 = tpu.memref_slice %arg4[%add3A, %add3A_723, %dma_start3A_747] : memref<32x250x40xi32, #tpu.memory_space<hbm>> -> memref<1x1x40xi32, #tpu.memory_space<hbm>>
        %dma_start3A_749 = tpu.memref_squeeze %dma_start3A_748 : memref<1x1x40xi32, #tpu.memory_space<hbm>> -> memref<40xi32, #tpu.memory_space<hbm>>
        tpu.enqueue_dma source(%dma_start3A_749 : memref<40xi32, #tpu.memory_space<hbm>>) target(%dma_start3A_746 : memref<40xi32, #tpu.memory_space<vmem>>) target_semaphore(%arg24 : memref<!tpu.dma_semaphore, #tpu.memory_space<semaphore_mem>>)
      } else {
      }
    }
    %scan3A_405 = arith.constant 35 : i32
    %dma_wait3A_406 = arith.constant 0 : i32
    %dma_wait3A_407 = arith.constant 0 : i32
    %dma_wait3A_408 = arith.constant 0 : i32
    %dma_wait3A_409 = arith.constant 0 : i32
    %dma_wait3A_410 = tpu.memref_slice %arg9[%dma_wait3A_407, %dma_wait3A_408, %dma_wait3A_409] : memref<7x40x128xf32, #tpu.memory_space<vmem>> -> memref<1x40x128xf32, #tpu.memory_space<vmem>>
    %dma_wait3A_411 = tpu.memref_squeeze %dma_wait3A_410 : memref<1x40x128xf32, #tpu.memory_space<vmem>> -> memref<40x128xf32, #tpu.memory_space<vmem>>
    %dma_wait3A_412 = arith.constant 0 : i32
    %dma_wait3A_413 = tpu.memref_slice %arg7[%dma_wait3A_406, %dma_wait3A_412] : memref<7x40xi32, #tpu.memory_space<vmem>> -> memref<1x40xi32, #tpu.memory_space<vmem>>
    %dma_wait3A_414 = tpu.memref_squeeze %dma_wait3A_413 : memref<1x40xi32, #tpu.memory_space<vmem>> -> memref<40xi32, #tpu.memory_space<vmem>>
    %dma_wait3A_415 = arith.constant 0 : i32
    %dma_wait3A_416 = arith.constant 0 : i32
    %dma_wait3A_417 = tpu.memref_slice %arg2[%dma_wait3A_415, %dma_wait3A_416] : memref<10000x128xf32, #tpu.memory_space<hbm>> -> memref<10000x128xf32, #tpu.memory_space<hbm>>
    tpu.wait_indirect_dma semaphore(%arg11 : memref<!tpu.dma_semaphore, #tpu.memory_space<semaphore_mem>>) src(%dma_wait3A_417 : memref<10000x128xf32, #tpu.memory_space<hbm>>) dst(%dma_wait3A_411 : memref<40x128xf32, #tpu.memory_space<vmem>>)
    %run_scoped3A = arith.constant 0 : i32
    %run_scoped3A_418 = arith.constant 0 : i32
    "tpu.region"() ({
      %run_scoped3A_485 = tpu.sem_alloc : memref<!tpu.dma_semaphore, #tpu.memory_space<semaphore_mem>>
      %dma_start3A_486 = arith.constant 0 : i32
      %dma_start3A_487 = arith.constant 0 : i32
      %dma_start3A_488 = tpu.memref_slice %arg9[%run_scoped3A, %dma_start3A_486, %dma_start3A_487] : memref<7x40x128xf32, #tpu.memory_space<vmem>> -> memref<1x40x128xf32, #tpu.memory_space<vmem>>
      %dma_start3A_489 = tpu.memref_squeeze %dma_start3A_488 : memref<1x40x128xf32, #tpu.memory_space<vmem>> -> memref<40x128xf32, #tpu.memory_space<vmem>>
      %dma_start3A_490 = arith.constant 0 : i32
      %dma_start3A_491 = tpu.memref_slice %arg8[%run_scoped3A_418, %dma_start3A_490] : memref<7x40xi32, #tpu.memory_space<vmem>> -> memref<1x40xi32, #tpu.memory_space<vmem>>
      %dma_start3A_492 = tpu.memref_squeeze %dma_start3A_491 : memref<1x40xi32, #tpu.memory_space<vmem>> -> memref<40xi32, #tpu.memory_space<vmem>>
      %dma_start3A_493 = arith.constant 0 : i32
      %dma_start3A_494 = arith.constant 0 : i32
      %dma_start3A_495 = tpu.memref_slice %arg10[%dma_start3A_493, %dma_start3A_494] : memref<10000x128xf32, #tpu.memory_space<vmem_shared>> -> memref<10000x128xf32, #tpu.memory_space<vmem_shared>>
      tpu.enqueue_indirect_dma source(%dma_start3A_489 : memref<40x128xf32, #tpu.memory_space<vmem>>) target(%dma_start3A_495 : memref<10000x128xf32, #tpu.memory_space<vmem_shared>>) offsets(%dma_start3A_492 : memref<40xi32, #tpu.memory_space<vmem>>) semaphore(%run_scoped3A_485 : memref<!tpu.dma_semaphore, #tpu.memory_space<semaphore_mem>>) {add = true}
      %dma_wait3A_496 = arith.constant 0 : i32
      %dma_wait3A_497 = arith.constant 0 : i32
      %dma_wait3A_498 = tpu.memref_slice %arg9[%run_scoped3A, %dma_wait3A_496, %dma_wait3A_497] : memref<7x40x128xf32, #tpu.memory_space<vmem>> -> memref<1x40x128xf32, #tpu.memory_space<vmem>>
      %dma_wait3A_499 = tpu.memref_squeeze %dma_wait3A_498 : memref<1x40x128xf32, #tpu.memory_space<vmem>> -> memref<40x128xf32, #tpu.memory_space<vmem>>
      %dma_wait3A_500 = arith.constant 0 : i32
      %dma_wait3A_501 = tpu.memref_slice %arg8[%run_scoped3A_418, %dma_wait3A_500] : memref<7x40xi32, #tpu.memory_space<vmem>> -> memref<1x40xi32, #tpu.memory_space<vmem>>
      %dma_wait3A_502 = tpu.memref_squeeze %dma_wait3A_501 : memref<1x40xi32, #tpu.memory_space<vmem>> -> memref<40xi32, #tpu.memory_space<vmem>>
      %dma_wait3A_503 = arith.constant 0 : i32
      %dma_wait3A_504 = arith.constant 0 : i32
      %dma_wait3A_505 = tpu.memref_slice %arg10[%dma_wait3A_503, %dma_wait3A_504] : memref<10000x128xf32, #tpu.memory_space<vmem_shared>> -> memref<10000x128xf32, #tpu.memory_space<vmem_shared>>
      tpu.wait_indirect_dma semaphore(%run_scoped3A_485 : memref<!tpu.dma_semaphore, #tpu.memory_space<semaphore_mem>>) src(%dma_wait3A_499 : memref<40x128xf32, #tpu.memory_space<vmem>>) dst(%dma_wait3A_505 : memref<10000x128xf32, #tpu.memory_space<vmem_shared>>)
      tpu.yield
    }) : () -> ()
    %dma_wait3A_419 = arith.constant 0 : i32
    %dma_wait3A_420 = arith.constant 1 : i32
    %dma_wait3A_421 = arith.constant 0 : i32
    %dma_wait3A_422 = arith.constant 0 : i32
    %dma_wait3A_423 = tpu.memref_slice %arg9[%dma_wait3A_420, %dma_wait3A_421, %dma_wait3A_422] : memref<7x40x128xf32, #tpu.memory_space<vmem>> -> memref<1x40x128xf32, #tpu.memory_space<vmem>>
    %dma_wait3A_424 = tpu.memref_squeeze %dma_wait3A_423 : memref<1x40x128xf32, #tpu.memory_space<vmem>> -> memref<40x128xf32, #tpu.memory_space<vmem>>
    %dma_wait3A_425 = arith.constant 0 : i32
    %dma_wait3A_426 = tpu.memref_slice %arg7[%dma_wait3A_419, %dma_wait3A_425] : memref<7x40xi32, #tpu.memory_space<vmem>> -> memref<1x40xi32, #tpu.memory_space<vmem>>
    %dma_wait3A_427 = tpu.memref_squeeze %dma_wait3A_426 : memref<1x40xi32, #tpu.memory_space<vmem>> -> memref<40xi32, #tpu.memory_space<vmem>>
    %dma_wait3A_428 = arith.constant 0 : i32
    %dma_wait3A_429 = arith.constant 0 : i32
    %dma_wait3A_430 = tpu.memref_slice %arg2[%dma_wait3A_428, %dma_wait3A_429] : memref<10000x128xf32, #tpu.memory_space<hbm>> -> memref<10000x128xf32, #tpu.memory_space<hbm>>
    tpu.wait_indirect_dma semaphore(%arg12 : memref<!tpu.dma_semaphore, #tpu.memory_space<semaphore_mem>>) src(%dma_wait3A_430 : memref<10000x128xf32, #tpu.memory_space<hbm>>) dst(%dma_wait3A_424 : memref<40x128xf32, #tpu.memory_space<vmem>>)
    %run_scoped3A_431 = arith.constant 1 : i32
    %run_scoped3A_432 = arith.constant 1 : i32
    "tpu.region"() ({
      %run_scoped3A_485 = tpu.sem_alloc : memref<!tpu.dma_semaphore, #tpu.memory_space<semaphore_mem>>
      %dma_start3A_486 = arith.constant 0 : i32
      %dma_start3A_487 = arith.constant 0 : i32
      %dma_start3A_488 = tpu.memref_slice %arg9[%run_scoped3A_431, %dma_start3A_486, %dma_start3A_487] : memref<7x40x128xf32, #tpu.memory_space<vmem>> -> memref<1x40x128xf32, #tpu.memory_space<vmem>>
      %dma_start3A_489 = tpu.memref_squeeze %dma_start3A_488 : memref<1x40x128xf32, #tpu.memory_space<vmem>> -> memref<40x128xf32, #tpu.memory_space<vmem>>
      %dma_start3A_490 = arith.constant 0 : i32
      %dma_start3A_491 = tpu.memref_slice %arg8[%run_scoped3A_432, %dma_start3A_490] : memref<7x40xi32, #tpu.memory_space<vmem>> -> memref<1x40xi32, #tpu.memory_space<vmem>>
      %dma_start3A_492 = tpu.memref_squeeze %dma_start3A_491 : memref<1x40xi32, #tpu.memory_space<vmem>> -> memref<40xi32, #tpu.memory_space<vmem>>
      %dma_start3A_493 = arith.constant 0 : i32
      %dma_start3A_494 = arith.constant 0 : i32
      %dma_start3A_495 = tpu.memref_slice %arg10[%dma_start3A_493, %dma_start3A_494] : memref<10000x128xf32, #tpu.memory_space<vmem_shared>> -> memref<10000x128xf32, #tpu.memory_space<vmem_shared>>
      tpu.enqueue_indirect_dma source(%dma_start3A_489 : memref<40x128xf32, #tpu.memory_space<vmem>>) target(%dma_start3A_495 : memref<10000x128xf32, #tpu.memory_space<vmem_shared>>) offsets(%dma_start3A_492 : memref<40xi32, #tpu.memory_space<vmem>>) semaphore(%run_scoped3A_485 : memref<!tpu.dma_semaphore, #tpu.memory_space<semaphore_mem>>) {add = true}
      %dma_wait3A_496 = arith.constant 0 : i32
      %dma_wait3A_497 = arith.constant 0 : i32
      %dma_wait3A_498 = tpu.memref_slice %arg9[%run_scoped3A_431, %dma_wait3A_496, %dma_wait3A_497] : memref<7x40x128xf32, #tpu.memory_space<vmem>> -> memref<1x40x128xf32, #tpu.memory_space<vmem>>
      %dma_wait3A_499 = tpu.memref_squeeze %dma_wait3A_498 : memref<1x40x128xf32, #tpu.memory_space<vmem>> -> memref<40x128xf32, #tpu.memory_space<vmem>>
      %dma_wait3A_500 = arith.constant 0 : i32
      %dma_wait3A_501 = tpu.memref_slice %arg8[%run_scoped3A_432, %dma_wait3A_500] : memref<7x40xi32, #tpu.memory_space<vmem>> -> memref<1x40xi32, #tpu.memory_space<vmem>>
      %dma_wait3A_502 = tpu.memref_squeeze %dma_wait3A_501 : memref<1x40xi32, #tpu.memory_space<vmem>> -> memref<40xi32, #tpu.memory_space<vmem>>
      %dma_wait3A_503 = arith.constant 0 : i32
      %dma_wait3A_504 = arith.constant 0 : i32
      %dma_wait3A_505 = tpu.memref_slice %arg10[%dma_wait3A_503, %dma_wait3A_504] : memref<10000x128xf32, #tpu.memory_space<vmem_shared>> -> memref<10000x128xf32, #tpu.memory_space<vmem_shared>>
      tpu.wait_indirect_dma semaphore(%run_scoped3A_485 : memref<!tpu.dma_semaphore, #tpu.memory_space<semaphore_mem>>) src(%dma_wait3A_499 : memref<40x128xf32, #tpu.memory_space<vmem>>) dst(%dma_wait3A_505 : memref<10000x128xf32, #tpu.memory_space<vmem_shared>>)
      tpu.yield
    }) : () -> ()
    %dma_wait3A_433 = arith.constant 0 : i32
    %dma_wait3A_434 = arith.constant 2 : i32
    %dma_wait3A_435 = arith.constant 0 : i32
    %dma_wait3A_436 = arith.constant 0 : i32
    %dma_wait3A_437 = tpu.memref_slice %arg9[%dma_wait3A_434, %dma_wait3A_435, %dma_wait3A_436] : memref<7x40x128xf32, #tpu.memory_space<vmem>> -> memref<1x40x128xf32, #tpu.memory_space<vmem>>
    %dma_wait3A_438 = tpu.memref_squeeze %dma_wait3A_437 : memref<1x40x128xf32, #tpu.memory_space<vmem>> -> memref<40x128xf32, #tpu.memory_space<vmem>>
    %dma_wait3A_439 = arith.constant 0 : i32
    %dma_wait3A_440 = tpu.memref_slice %arg7[%dma_wait3A_433, %dma_wait3A_439] : memref<7x40xi32, #tpu.memory_space<vmem>> -> memref<1x40xi32, #tpu.memory_space<vmem>>
    %dma_wait3A_441 = tpu.memref_squeeze %dma_wait3A_440 : memref<1x40xi32, #tpu.memory_space<vmem>> -> memref<40xi32, #tpu.memory_space<vmem>>
    %dma_wait3A_442 = arith.constant 0 : i32
    %dma_wait3A_443 = arith.constant 0 : i32
    %dma_wait3A_444 = tpu.memref_slice %arg2[%dma_wait3A_442, %dma_wait3A_443] : memref<10000x128xf32, #tpu.memory_space<hbm>> -> memref<10000x128xf32, #tpu.memory_space<hbm>>
    tpu.wait_indirect_dma semaphore(%arg13 : memref<!tpu.dma_semaphore, #tpu.memory_space<semaphore_mem>>) src(%dma_wait3A_444 : memref<10000x128xf32, #tpu.memory_space<hbm>>) dst(%dma_wait3A_438 : memref<40x128xf32, #tpu.memory_space<vmem>>)
    %run_scoped3A_445 = arith.constant 2 : i32
    %run_scoped3A_446 = arith.constant 2 : i32
    "tpu.region"() ({
      %run_scoped3A_485 = tpu.sem_alloc : memref<!tpu.dma_semaphore, #tpu.memory_space<semaphore_mem>>
      %dma_start3A_486 = arith.constant 0 : i32
      %dma_start3A_487 = arith.constant 0 : i32
      %dma_start3A_488 = tpu.memref_slice %arg9[%run_scoped3A_445, %dma_start3A_486, %dma_start3A_487] : memref<7x40x128xf32, #tpu.memory_space<vmem>> -> memref<1x40x128xf32, #tpu.memory_space<vmem>>
      %dma_start3A_489 = tpu.memref_squeeze %dma_start3A_488 : memref<1x40x128xf32, #tpu.memory_space<vmem>> -> memref<40x128xf32, #tpu.memory_space<vmem>>
      %dma_start3A_490 = arith.constant 0 : i32
      %dma_start3A_491 = tpu.memref_slice %arg8[%run_scoped3A_446, %dma_start3A_490] : memref<7x40xi32, #tpu.memory_space<vmem>> -> memref<1x40xi32, #tpu.memory_space<vmem>>
      %dma_start3A_492 = tpu.memref_squeeze %dma_start3A_491 : memref<1x40xi32, #tpu.memory_space<vmem>> -> memref<40xi32, #tpu.memory_space<vmem>>
      %dma_start3A_493 = arith.constant 0 : i32
      %dma_start3A_494 = arith.constant 0 : i32
      %dma_start3A_495 = tpu.memref_slice %arg10[%dma_start3A_493, %dma_start3A_494] : memref<10000x128xf32, #tpu.memory_space<vmem_shared>> -> memref<10000x128xf32, #tpu.memory_space<vmem_shared>>
      tpu.enqueue_indirect_dma source(%dma_start3A_489 : memref<40x128xf32, #tpu.memory_space<vmem>>) target(%dma_start3A_495 : memref<10000x128xf32, #tpu.memory_space<vmem_shared>>) offsets(%dma_start3A_492 : memref<40xi32, #tpu.memory_space<vmem>>) semaphore(%run_scoped3A_485 : memref<!tpu.dma_semaphore, #tpu.memory_space<semaphore_mem>>) {add = true}
      %dma_wait3A_496 = arith.constant 0 : i32
      %dma_wait3A_497 = arith.constant 0 : i32
      %dma_wait3A_498 = tpu.memref_slice %arg9[%run_scoped3A_445, %dma_wait3A_496, %dma_wait3A_497] : memref<7x40x128xf32, #tpu.memory_space<vmem>> -> memref<1x40x128xf32, #tpu.memory_space<vmem>>
      %dma_wait3A_499 = tpu.memref_squeeze %dma_wait3A_498 : memref<1x40x128xf32, #tpu.memory_space<vmem>> -> memref<40x128xf32, #tpu.memory_space<vmem>>
      %dma_wait3A_500 = arith.constant 0 : i32
      %dma_wait3A_501 = tpu.memref_slice %arg8[%run_scoped3A_446, %dma_wait3A_500] : memref<7x40xi32, #tpu.memory_space<vmem>> -> memref<1x40xi32, #tpu.memory_space<vmem>>
      %dma_wait3A_502 = tpu.memref_squeeze %dma_wait3A_501 : memref<1x40xi32, #tpu.memory_space<vmem>> -> memref<40xi32, #tpu.memory_space<vmem>>
      %dma_wait3A_503 = arith.constant 0 : i32
      %dma_wait3A_504 = arith.constant 0 : i32
      %dma_wait3A_505 = tpu.memref_slice %arg10[%dma_wait3A_503, %dma_wait3A_504] : memref<10000x128xf32, #tpu.memory_space<vmem_shared>> -> memref<10000x128xf32, #tpu.memory_space<vmem_shared>>
      tpu.wait_indirect_dma semaphore(%run_scoped3A_485 : memref<!tpu.dma_semaphore, #tpu.memory_space<semaphore_mem>>) src(%dma_wait3A_499 : memref<40x128xf32, #tpu.memory_space<vmem>>) dst(%dma_wait3A_505 : memref<10000x128xf32, #tpu.memory_space<vmem_shared>>)
      tpu.yield
    }) : () -> ()
    %dma_wait3A_447 = arith.constant 0 : i32
    %dma_wait3A_448 = arith.constant 3 : i32
    %dma_wait3A_449 = arith.constant 0 : i32
    %dma_wait3A_450 = arith.constant 0 : i32
    %dma_wait3A_451 = tpu.memref_slice %arg9[%dma_wait3A_448, %dma_wait3A_449, %dma_wait3A_450] : memref<7x40x128xf32, #tpu.memory_space<vmem>> -> memref<1x40x128xf32, #tpu.memory_space<vmem>>
    %dma_wait3A_452 = tpu.memref_squeeze %dma_wait3A_451 : memref<1x40x128xf32, #tpu.memory_space<vmem>> -> memref<40x128xf32, #tpu.memory_space<vmem>>
    %dma_wait3A_453 = arith.constant 0 : i32
    %dma_wait3A_454 = tpu.memref_slice %arg7[%dma_wait3A_447, %dma_wait3A_453] : memref<7x40xi32, #tpu.memory_space<vmem>> -> memref<1x40xi32, #tpu.memory_space<vmem>>
    %dma_wait3A_455 = tpu.memref_squeeze %dma_wait3A_454 : memref<1x40xi32, #tpu.memory_space<vmem>> -> memref<40xi32, #tpu.memory_space<vmem>>
    %dma_wait3A_456 = arith.constant 0 : i32
    %dma_wait3A_457 = arith.constant 0 : i32
    %dma_wait3A_458 = tpu.memref_slice %arg2[%dma_wait3A_456, %dma_wait3A_457] : memref<10000x128xf32, #tpu.memory_space<hbm>> -> memref<10000x128xf32, #tpu.memory_space<hbm>>
    tpu.wait_indirect_dma semaphore(%arg14 : memref<!tpu.dma_semaphore, #tpu.memory_space<semaphore_mem>>) src(%dma_wait3A_458 : memref<10000x128xf32, #tpu.memory_space<hbm>>) dst(%dma_wait3A_452 : memref<40x128xf32, #tpu.memory_space<vmem>>)
    %run_scoped3A_459 = arith.constant 3 : i32
    %run_scoped3A_460 = arith.constant 3 : i32
    "tpu.region"() ({
      %run_scoped3A_485 = tpu.sem_alloc : memref<!tpu.dma_semaphore, #tpu.memory_space<semaphore_mem>>
      %dma_start3A_486 = arith.constant 0 : i32
      %dma_start3A_487 = arith.constant 0 : i32
      %dma_start3A_488 = tpu.memref_slice %arg9[%run_scoped3A_459, %dma_start3A_486, %dma_start3A_487] : memref<7x40x128xf32, #tpu.memory_space<vmem>> -> memref<1x40x128xf32, #tpu.memory_space<vmem>>
      %dma_start3A_489 = tpu.memref_squeeze %dma_start3A_488 : memref<1x40x128xf32, #tpu.memory_space<vmem>> -> memref<40x128xf32, #tpu.memory_space<vmem>>
      %dma_start3A_490 = arith.constant 0 : i32
      %dma_start3A_491 = tpu.memref_slice %arg8[%run_scoped3A_460, %dma_start3A_490] : memref<7x40xi32, #tpu.memory_space<vmem>> -> memref<1x40xi32, #tpu.memory_space<vmem>>
      %dma_start3A_492 = tpu.memref_squeeze %dma_start3A_491 : memref<1x40xi32, #tpu.memory_space<vmem>> -> memref<40xi32, #tpu.memory_space<vmem>>
      %dma_start3A_493 = arith.constant 0 : i32
      %dma_start3A_494 = arith.constant 0 : i32
      %dma_start3A_495 = tpu.memref_slice %arg10[%dma_start3A_493, %dma_start3A_494] : memref<10000x128xf32, #tpu.memory_space<vmem_shared>> -> memref<10000x128xf32, #tpu.memory_space<vmem_shared>>
      tpu.enqueue_indirect_dma source(%dma_start3A_489 : memref<40x128xf32, #tpu.memory_space<vmem>>) target(%dma_start3A_495 : memref<10000x128xf32, #tpu.memory_space<vmem_shared>>) offsets(%dma_start3A_492 : memref<40xi32, #tpu.memory_space<vmem>>) semaphore(%run_scoped3A_485 : memref<!tpu.dma_semaphore, #tpu.memory_space<semaphore_mem>>) {add = true}
      %dma_wait3A_496 = arith.constant 0 : i32
      %dma_wait3A_497 = arith.constant 0 : i32
      %dma_wait3A_498 = tpu.memref_slice %arg9[%run_scoped3A_459, %dma_wait3A_496, %dma_wait3A_497] : memref<7x40x128xf32, #tpu.memory_space<vmem>> -> memref<1x40x128xf32, #tpu.memory_space<vmem>>
      %dma_wait3A_499 = tpu.memref_squeeze %dma_wait3A_498 : memref<1x40x128xf32, #tpu.memory_space<vmem>> -> memref<40x128xf32, #tpu.memory_space<vmem>>
      %dma_wait3A_500 = arith.constant 0 : i32
      %dma_wait3A_501 = tpu.memref_slice %arg8[%run_scoped3A_460, %dma_wait3A_500] : memref<7x40xi32, #tpu.memory_space<vmem>> -> memref<1x40xi32, #tpu.memory_space<vmem>>
      %dma_wait3A_502 = tpu.memref_squeeze %dma_wait3A_501 : memref<1x40xi32, #tpu.memory_space<vmem>> -> memref<40xi32, #tpu.memory_space<vmem>>
      %dma_wait3A_503 = arith.constant 0 : i32
      %dma_wait3A_504 = arith.constant 0 : i32
      %dma_wait3A_505 = tpu.memref_slice %arg10[%dma_wait3A_503, %dma_wait3A_504] : memref<10000x128xf32, #tpu.memory_space<vmem_shared>> -> memref<10000x128xf32, #tpu.memory_space<vmem_shared>>
      tpu.wait_indirect_dma semaphore(%run_scoped3A_485 : memref<!tpu.dma_semaphore, #tpu.memory_space<semaphore_mem>>) src(%dma_wait3A_499 : memref<40x128xf32, #tpu.memory_space<vmem>>) dst(%dma_wait3A_505 : memref<10000x128xf32, #tpu.memory_space<vmem_shared>>)
      tpu.yield
    }) : () -> ()
    %dma_wait3A_461 = arith.constant 0 : i32
    %dma_wait3A_462 = arith.constant 4 : i32
    %dma_wait3A_463 = arith.constant 0 : i32
    %dma_wait3A_464 = arith.constant 0 : i32
    %dma_wait3A_465 = tpu.memref_slice %arg9[%dma_wait3A_462, %dma_wait3A_463, %dma_wait3A_464] : memref<7x40x128xf32, #tpu.memory_space<vmem>> -> memref<1x40x128xf32, #tpu.memory_space<vmem>>
    %dma_wait3A_466 = tpu.memref_squeeze %dma_wait3A_465 : memref<1x40x128xf32, #tpu.memory_space<vmem>> -> memref<40x128xf32, #tpu.memory_space<vmem>>
    %dma_wait3A_467 = arith.constant 0 : i32
    %dma_wait3A_468 = tpu.memref_slice %arg7[%dma_wait3A_461, %dma_wait3A_467] : memref<7x40xi32, #tpu.memory_space<vmem>> -> memref<1x40xi32, #tpu.memory_space<vmem>>
    %dma_wait3A_469 = tpu.memref_squeeze %dma_wait3A_468 : memref<1x40xi32, #tpu.memory_space<vmem>> -> memref<40xi32, #tpu.memory_space<vmem>>
    %dma_wait3A_470 = arith.constant 0 : i32
    %dma_wait3A_471 = arith.constant 0 : i32
    %dma_wait3A_472 = tpu.memref_slice %arg2[%dma_wait3A_470, %dma_wait3A_471] : memref<10000x128xf32, #tpu.memory_space<hbm>> -> memref<10000x128xf32, #tpu.memory_space<hbm>>
    tpu.wait_indirect_dma semaphore(%arg15 : memref<!tpu.dma_semaphore, #tpu.memory_space<semaphore_mem>>) src(%dma_wait3A_472 : memref<10000x128xf32, #tpu.memory_space<hbm>>) dst(%dma_wait3A_466 : memref<40x128xf32, #tpu.memory_space<vmem>>)
    %run_scoped3A_473 = arith.constant 4 : i32
    %run_scoped3A_474 = arith.constant 4 : i32
    "tpu.region"() ({
      %run_scoped3A_485 = tpu.sem_alloc : memref<!tpu.dma_semaphore, #tpu.memory_space<semaphore_mem>>
      %dma_start3A_486 = arith.constant 0 : i32
      %dma_start3A_487 = arith.constant 0 : i32
      %dma_start3A_488 = tpu.memref_slice %arg9[%run_scoped3A_473, %dma_start3A_486, %dma_start3A_487] : memref<7x40x128xf32, #tpu.memory_space<vmem>> -> memref<1x40x128xf32, #tpu.memory_space<vmem>>
      %dma_start3A_489 = tpu.memref_squeeze %dma_start3A_488 : memref<1x40x128xf32, #tpu.memory_space<vmem>> -> memref<40x128xf32, #tpu.memory_space<vmem>>
      %dma_start3A_490 = arith.constant 0 : i32
      %dma_start3A_491 = tpu.memref_slice %arg8[%run_scoped3A_474, %dma_start3A_490] : memref<7x40xi32, #tpu.memory_space<vmem>> -> memref<1x40xi32, #tpu.memory_space<vmem>>
      %dma_start3A_492 = tpu.memref_squeeze %dma_start3A_491 : memref<1x40xi32, #tpu.memory_space<vmem>> -> memref<40xi32, #tpu.memory_space<vmem>>
      %dma_start3A_493 = arith.constant 0 : i32
      %dma_start3A_494 = arith.constant 0 : i32
      %dma_start3A_495 = tpu.memref_slice %arg10[%dma_start3A_493, %dma_start3A_494] : memref<10000x128xf32, #tpu.memory_space<vmem_shared>> -> memref<10000x128xf32, #tpu.memory_space<vmem_shared>>
      tpu.enqueue_indirect_dma source(%dma_start3A_489 : memref<40x128xf32, #tpu.memory_space<vmem>>) target(%dma_start3A_495 : memref<10000x128xf32, #tpu.memory_space<vmem_shared>>) offsets(%dma_start3A_492 : memref<40xi32, #tpu.memory_space<vmem>>) semaphore(%run_scoped3A_485 : memref<!tpu.dma_semaphore, #tpu.memory_space<semaphore_mem>>) {add = true}
      %dma_wait3A_496 = arith.constant 0 : i32
      %dma_wait3A_497 = arith.constant 0 : i32
      %dma_wait3A_498 = tpu.memref_slice %arg9[%run_scoped3A_473, %dma_wait3A_496, %dma_wait3A_497] : memref<7x40x128xf32, #tpu.memory_space<vmem>> -> memref<1x40x128xf32, #tpu.memory_space<vmem>>
      %dma_wait3A_499 = tpu.memref_squeeze %dma_wait3A_498 : memref<1x40x128xf32, #tpu.memory_space<vmem>> -> memref<40x128xf32, #tpu.memory_space<vmem>>
      %dma_wait3A_500 = arith.constant 0 : i32
      %dma_wait3A_501 = tpu.memref_slice %arg8[%run_scoped3A_474, %dma_wait3A_500] : memref<7x40xi32, #tpu.memory_space<vmem>> -> memref<1x40xi32, #tpu.memory_space<vmem>>
      %dma_wait3A_502 = tpu.memref_squeeze %dma_wait3A_501 : memref<1x40xi32, #tpu.memory_space<vmem>> -> memref<40xi32, #tpu.memory_space<vmem>>
      %dma_wait3A_503 = arith.constant 0 : i32
      %dma_wait3A_504 = arith.constant 0 : i32
      %dma_wait3A_505 = tpu.memref_slice %arg10[%dma_wait3A_503, %dma_wait3A_504] : memref<10000x128xf32, #tpu.memory_space<vmem_shared>> -> memref<10000x128xf32, #tpu.memory_space<vmem_shared>>
      tpu.wait_indirect_dma semaphore(%run_scoped3A_485 : memref<!tpu.dma_semaphore, #tpu.memory_space<semaphore_mem>>) src(%dma_wait3A_499 : memref<40x128xf32, #tpu.memory_space<vmem>>) dst(%dma_wait3A_505 : memref<10000x128xf32, #tpu.memory_space<vmem_shared>>)
      tpu.yield
    }) : () -> ()
    %barrier3A_475 = arith.constant 0 : index
    tpu.barrier barrier_id(%barrier3A_475)
    %mul3A_476 = arith.constant 624 : i32
    %mul3A_477 = arith.muli %arg1, %mul3A_476 : i32
    %mul3A_478 = arith.constant 624 : i32
    %mul3A_479 = arith.muli %arg1, %mul3A_478 : i32
    "tpu.region"() ({
      %run_scoped3A_485 = tpu.sem_alloc : memref<!tpu.dma_semaphore, #tpu.memory_space<semaphore_mem>>
      %dma_start3A_486 = arith.constant 0 : i32
      %dma_start3A_487 = arith.constant 0 : i32
      %dma_start3A_488 = tpu.memref_slice %arg6[%arg0, %dma_start3A_486, %dma_start3A_487] : memref<2x10000x128xf32, #tpu.memory_space<hbm>> -> memref<1x10000x128xf32, #tpu.memory_space<hbm>>
      %dma_start3A_489 = tpu.memref_squeeze %dma_start3A_488 : memref<1x10000x128xf32, #tpu.memory_space<hbm>> -> memref<10000x128xf32, #tpu.memory_space<hbm>>
      %dma_start3A_490 = arith.constant 0 : i32
      %dma_start3A_491 = tpu.memref_slice %dma_start3A_489[%mul3A_479, %dma_start3A_490] : memref<10000x128xf32, #tpu.memory_space<hbm>> -> memref<624x128xf32, #tpu.memory_space<hbm>>
      %dma_start3A_492 = arith.constant 0 : i32
      %dma_start3A_493 = tpu.memref_slice %arg10[%mul3A_477, %dma_start3A_492] : memref<10000x128xf32, #tpu.memory_space<vmem_shared>> -> memref<624x128xf32, #tpu.memory_space<vmem_shared>>
      tpu.enqueue_dma source(%dma_start3A_493 : memref<624x128xf32, #tpu.memory_space<vmem_shared>>) target(%dma_start3A_491 : memref<624x128xf32, #tpu.memory_space<hbm>>) target_semaphore(%run_scoped3A_485 : memref<!tpu.dma_semaphore, #tpu.memory_space<semaphore_mem>>)
      %dma_wait3A_494 = arith.constant 0 : i32
      %dma_wait3A_495 = arith.constant 0 : i32
      %dma_wait3A_496 = tpu.memref_slice %arg6[%arg0, %dma_wait3A_494, %dma_wait3A_495] : memref<2x10000x128xf32, #tpu.memory_space<hbm>> -> memref<1x10000x128xf32, #tpu.memory_space<hbm>>
      %dma_wait3A_497 = tpu.memref_squeeze %dma_wait3A_496 : memref<1x10000x128xf32, #tpu.memory_space<hbm>> -> memref<10000x128xf32, #tpu.memory_space<hbm>>
      %dma_wait3A_498 = arith.constant 0 : i32
      %dma_wait3A_499 = tpu.memref_slice %dma_wait3A_497[%mul3A_479, %dma_wait3A_498] : memref<10000x128xf32, #tpu.memory_space<hbm>> -> memref<624x128xf32, #tpu.memory_space<hbm>>
      %dma_wait3A_500 = arith.constant 0 : i32
      %dma_wait3A_501 = tpu.memref_slice %arg10[%mul3A_477, %dma_wait3A_500] : memref<10000x128xf32, #tpu.memory_space<vmem_shared>> -> memref<624x128xf32, #tpu.memory_space<vmem_shared>>
      tpu.wait_dma2 semaphore(%run_scoped3A_485 : memref<!tpu.dma_semaphore, #tpu.memory_space<semaphore_mem>>) src(%dma_wait3A_501 : memref<624x128xf32, #tpu.memory_space<vmem_shared>>) dst(%dma_wait3A_499 : memref<624x128xf32, #tpu.memory_space<hbm>>)
      tpu.yield
    }) : () -> ()
    %eq3A_480 = arith.constant 0 : i32
    %eq3A_481 = arith.cmpi eq, %arg1, %eq3A_480 : i32
    %convert_element_type3A_482 = arith.extui %eq3A_481 : i1 to i32
    %cond3A_483 = arith.constant 0 : i32
    %cond3A_484 = arith.cmpi ne, %convert_element_type3A_482, %cond3A_483 : i32
    scf.if %cond3A_484 {
      "tpu.region"() ({
        %run_scoped3A_485 = tpu.sem_alloc : memref<!tpu.dma_semaphore, #tpu.memory_space<semaphore_mem>>
        %dma_start3A_486 = arith.constant 0 : i32
        %dma_start3A_487 = arith.constant 0 : i32
        %dma_start3A_488 = tpu.memref_slice %arg6[%arg0, %dma_start3A_486, %dma_start3A_487] : memref<2x10000x128xf32, #tpu.memory_space<hbm>> -> memref<1x10000x128xf32, #tpu.memory_space<hbm>>
        %dma_start3A_489 = tpu.memref_squeeze %dma_start3A_488 : memref<1x10000x128xf32, #tpu.memory_space<hbm>> -> memref<10000x128xf32, #tpu.memory_space<hbm>>
        %dma_start3A_490 = arith.constant 9984 : i32
        %dma_start3A_491 = arith.constant 0 : i32
        %dma_start3A_492 = tpu.memref_slice %dma_start3A_489[%dma_start3A_490, %dma_start3A_491] : memref<10000x128xf32, #tpu.memory_space<hbm>> -> memref<16x128xf32, #tpu.memory_space<hbm>>
        %dma_start3A_493 = arith.constant 9984 : i32
        %dma_start3A_494 = arith.constant 0 : i32
        %dma_start3A_495 = tpu.memref_slice %arg10[%dma_start3A_493, %dma_start3A_494] : memref<10000x128xf32, #tpu.memory_space<vmem_shared>> -> memref<16x128xf32, #tpu.memory_space<vmem_shared>>
        tpu.enqueue_dma source(%dma_start3A_495 : memref<16x128xf32, #tpu.memory_space<vmem_shared>>) target(%dma_start3A_492 : memref<16x128xf32, #tpu.memory_space<hbm>>) target_semaphore(%run_scoped3A_485 : memref<!tpu.dma_semaphore, #tpu.memory_space<semaphore_mem>>)
        %dma_wait3A_496 = arith.constant 0 : i32
        %dma_wait3A_497 = arith.constant 0 : i32
        %dma_wait3A_498 = tpu.memref_slice %arg6[%arg0, %dma_wait3A_496, %dma_wait3A_497] : memref<2x10000x128xf32, #tpu.memory_space<hbm>> -> memref<1x10000x128xf32, #tpu.memory_space<hbm>>
        %dma_wait3A_499 = tpu.memref_squeeze %dma_wait3A_498 : memref<1x10000x128xf32, #tpu.memory_space<hbm>> -> memref<10000x128xf32, #tpu.memory_space<hbm>>
        %dma_wait3A_500 = arith.constant 9984 : i32
        %dma_wait3A_501 = arith.constant 0 : i32
        %dma_wait3A_502 = tpu.memref_slice %dma_wait3A_499[%dma_wait3A_500, %dma_wait3A_501] : memref<10000x128xf32, #tpu.memory_space<hbm>> -> memref<16x128xf32, #tpu.memory_space<hbm>>
        %dma_wait3A_503 = arith.constant 9984 : i32
        %dma_wait3A_504 = arith.constant 0 : i32
        %dma_wait3A_505 = tpu.memref_slice %arg10[%dma_wait3A_503, %dma_wait3A_504] : memref<10000x128xf32, #tpu.memory_space<vmem_shared>> -> memref<16x128xf32, #tpu.memory_space<vmem_shared>>
        tpu.wait_dma2 semaphore(%run_scoped3A_485 : memref<!tpu.dma_semaphore, #tpu.memory_space<semaphore_mem>>) src(%dma_wait3A_505 : memref<16x128xf32, #tpu.memory_space<vmem_shared>>) dst(%dma_wait3A_502 : memref<16x128xf32, #tpu.memory_space<hbm>>)
        tpu.yield
      }) : () -> ()
    } else {
    }
    return
  }
}

#map = affine_map<(d0, d1) -> (0, 0)>
#map1 = affine_map<(d0, d1) -> (0, 0, 0)>
module attributes {stable_mosaic.version = 14 : i64} {
  func.func @seg_kernel(%arg0: i32, %arg1: i32, %arg2: memref<10000x128xf32, #tpu.memory_space<hbm>>, %arg3: memref<32x250x40xi32, #tpu.memory_space<hbm>>, %arg4: memref<32x250x40xi32, #tpu.memory_space<hbm>>, %arg5: memref<10000x128xf32, #tpu.memory_space<hbm>>, %arg6: memref<2x10000x128xf32, #tpu.memory_space<hbm>>, %arg7: memref<7x40xi32, #tpu.memory_space<vmem>>, %arg8: memref<7x40xi32, #tpu.memory_space<vmem>>, %arg9: memref<7x40x128xf32, #tpu.memory_space<vmem>>, %arg10: memref<10000x128xf32, #tpu.memory_space<vmem_shared>>, %arg11: memref<!tpu.dma_semaphore, #tpu.memory_space<semaphore_mem>>, %arg12: memref<!tpu.dma_semaphore, #tpu.memory_space<semaphore_mem>>, %arg13: memref<!tpu.dma_semaphore, #tpu.memory_space<semaphore_mem>>, %arg14: memref<!tpu.dma_semaphore, #tpu.memory_space<semaphore_mem>>, %arg15: memref<!tpu.dma_semaphore, #tpu.memory_space<semaphore_mem>>, %arg16: memref<!tpu.dma_semaphore, #tpu.memory_space<semaphore_mem>>, %arg17: memref<!tpu.dma_semaphore, #tpu.memory_space<semaphore_mem>>, %arg18: memref<!tpu.dma_semaphore, #tpu.memory_space<semaphore_mem>>, %arg19: memref<!tpu.dma_semaphore, #tpu.memory_space<semaphore_mem>>, %arg20: memref<!tpu.dma_semaphore, #tpu.memory_space<semaphore_mem>>, %arg21: memref<!tpu.dma_semaphore, #tpu.memory_space<semaphore_mem>>, %arg22: memref<!tpu.dma_semaphore, #tpu.memory_space<semaphore_mem>>, %arg23: memref<!tpu.dma_semaphore, #tpu.memory_space<semaphore_mem>>, %arg24: memref<!tpu.dma_semaphore, #tpu.memory_space<semaphore_mem>>) attributes {dimension_semantics = [#tpu.dimension_semantics<core_parallel>, #tpu.dimension_semantics<subcore_parallel>], iteration_bounds = array<i64: 2, 16>, scalar_prefetch = 0 : i64, scratch_operands = 18 : i64, tpu.core_type = #tpu.core_type<sc_vector_subcore>, window_params = [{transform_indices = #map}, {transform_indices = #map1}, {transform_indices = #map1}, {transform_indices = #map}, {transform_indices = #map1}]} {
    %mul3A = arith.constant 2 : i32
    %mul3A_0 = arith.muli %arg1, %mul3A : i32
    %add3A = arith.addi %mul3A_0, %arg0 : i32
    %mul3A_1 = arith.constant 624 : i32
    %mul3A_2 = arith.muli %arg1, %mul3A_1 : i32
    %mul3A_3 = arith.constant 624 : i32
    %mul3A_4 = arith.muli %arg1, %mul3A_3 : i32
    "tpu.region"() ({
      %run_scoped3A_485 = tpu.sem_alloc : memref<!tpu.dma_semaphore, #tpu.memory_space<semaphore_mem>>
      %dma_start3A_486 = arith.constant 0 : i32
      %dma_start3A_487 = tpu.memref_slice %arg10[%mul3A_4, %dma_start3A_486] : memref<10000x128xf32, #tpu.memory_space<vmem_shared>> -> memref<624x128xf32, #tpu.memory_space<vmem_shared>>
      %dma_start3A_488 = arith.constant 0 : i32
      %dma_start3A_489 = tpu.memref_slice %arg5[%mul3A_2, %dma_start3A_488] : memref<10000x128xf32, #tpu.memory_space<hbm>> -> memref<624x128xf32, #tpu.memory_space<hbm>>
      tpu.enqueue_dma source(%dma_start3A_489 : memref<624x128xf32, #tpu.memory_space<hbm>>) target(%dma_start3A_487 : memref<624x128xf32, #tpu.memory_space<vmem_shared>>) target_semaphore(%run_scoped3A_485 : memref<!tpu.dma_semaphore, #tpu.memory_space<semaphore_mem>>)
      %dma_wait3A_490 = arith.constant 0 : i32
      %dma_wait3A_491 = tpu.memref_slice %arg10[%mul3A_4, %dma_wait3A_490] : memref<10000x128xf32, #tpu.memory_space<vmem_shared>> -> memref<624x128xf32, #tpu.memory_space<vmem_shared>>
      %dma_wait3A_492 = arith.constant 0 : i32
      %dma_wait3A_493 = tpu.memref_slice %arg5[%mul3A_2, %dma_wait3A_492] : memref<10000x128xf32, #tpu.memory_space<hbm>> -> memref<624x128xf32, #tpu.memory_space<hbm>>
      tpu.wait_dma2 semaphore(%run_scoped3A_485 : memref<!tpu.dma_semaphore, #tpu.memory_space<semaphore_mem>>) src(%dma_wait3A_493 : memref<624x128xf32, #tpu.memory_space<hbm>>) dst(%dma_wait3A_491 : memref<624x128xf32, #tpu.memory_space<vmem_shared>>)
      tpu.yield
    }) : () -> ()
    %eq3A = arith.constant 0 : i32
    %eq3A_5 = arith.cmpi eq, %arg1, %eq3A : i32
    %convert_element_type3A = arith.extui %eq3A_5 : i1 to i32
    %cond3A = arith.constant 0 : i32
    %cond3A_6 = arith.cmpi ne, %convert_element_type3A, %cond3A : i32
    scf.if %cond3A_6 {
      "tpu.region"() ({
        %run_scoped3A_485 = tpu.sem_alloc : memref<!tpu.dma_semaphore, #tpu.memory_space<semaphore_mem>>
        %dma_start3A_486 = arith.constant 9984 : i32
        %dma_start3A_487 = arith.constant 0 : i32
        %dma_start3A_488 = tpu.memref_slice %arg10[%dma_start3A_486, %dma_start3A_487] : memref<10000x128xf32, #tpu.memory_space<vmem_shared>> -> memref<16x128xf32, #tpu.memory_space<vmem_shared>>
        %dma_start3A_489 = arith.constant 9984 : i32
        %dma_start3A_490 = arith.constant 0 : i32
        %dma_start3A_491 = tpu.memref_slice %arg5[%dma_start3A_489, %dma_start3A_490] : memref<10000x128xf32, #tpu.memory_space<hbm>> -> memref<16x128xf32, #tpu.memory_space<hbm>>
        tpu.enqueue_dma source(%dma_start3A_491 : memref<16x128xf32, #tpu.memory_space<hbm>>) target(%dma_start3A_488 : memref<16x128xf32, #tpu.memory_space<vmem_shared>>) target_semaphore(%run_scoped3A_485 : memref<!tpu.dma_semaphore, #tpu.memory_space<semaphore_mem>>)
        %dma_wait3A_492 = arith.constant 9984 : i32
        %dma_wait3A_493 = arith.constant 0 : i32
        %dma_wait3A_494 = tpu.memref_slice %arg10[%dma_wait3A_492, %dma_wait3A_493] : memref<10000x128xf32, #tpu.memory_space<vmem_shared>> -> memref<16x128xf32, #tpu.memory_space<vmem_shared>>
        %dma_wait3A_495 = arith.constant 9984 : i32
        %dma_wait3A_496 = arith.constant 0 : i32
        %dma_wait3A_497 = tpu.memref_slice %arg5[%dma_wait3A_495, %dma_wait3A_496] : memref<10000x128xf32, #tpu.memory_space<hbm>> -> memref<16x128xf32, #tpu.memory_space<hbm>>
        tpu.wait_dma2 semaphore(%run_scoped3A_485 : memref<!tpu.dma_semaphore, #tpu.memory_space<semaphore_mem>>) src(%dma_wait3A_497 : memref<16x128xf32, #tpu.memory_space<hbm>>) dst(%dma_wait3A_494 : memref<16x128xf32, #tpu.memory_space<vmem_shared>>)
        tpu.yield
      }) : () -> ()
    } else {
    }
    %dma_start3A = arith.constant 0 : i32
    %dma_start3A_7 = arith.constant 0 : i32
    %dma_start3A_8 = arith.constant 0 : i32
    %dma_start3A_9 = tpu.memref_slice %arg7[%dma_start3A_7, %dma_start3A_8] : memref<7x40xi32, #tpu.memory_space<vmem>> -> memref<1x40xi32, #tpu.memory_space<vmem>>
    %dma_start3A_10 = tpu.memref_squeeze %dma_start3A_9 : memref<1x40xi32, #tpu.memory_space<vmem>> -> memref<40xi32, #tpu.memory_space<vmem>>
    %dma_start3A_11 = arith.constant 0 : i32
    %dma_start3A_12 = tpu.memref_slice %arg3[%add3A, %dma_start3A, %dma_start3A_11] : memref<32x250x40xi32, #tpu.memory_space<hbm>> -> memref<1x1x40xi32, #tpu.memory_space<hbm>>
    %dma_start3A_13 = tpu.memref_squeeze %dma_start3A_12 : memref<1x1x40xi32, #tpu.memory_space<hbm>> -> memref<40xi32, #tpu.memory_space<hbm>>
    %dma_start3A_14 = arith.constant 0 : i32
    %dma_start3A_15 = tpu.memref_slice %arg7[%dma_start3A_7, %dma_start3A_14] : memref<7x40xi32, #tpu.memory_space<vmem>> -> memref<1x40xi32, #tpu.memory_space<vmem>>
    %dma_start3A_16 = tpu.memref_squeeze %dma_start3A_15 : memref<1x40xi32, #tpu.memory_space<vmem>> -> memref<40xi32, #tpu.memory_space<vmem>>
    %dma_start3A_17 = arith.constant 0 : i32
    %dma_start3A_18 = tpu.memref_slice %arg3[%add3A, %dma_start3A, %dma_start3A_17] : memref<32x250x40xi32, #tpu.memory_space<hbm>> -> memref<1x1x40xi32, #tpu.memory_space<hbm>>
    %dma_start3A_19 = tpu.memref_squeeze %dma_start3A_18 : memref<1x1x40xi32, #tpu.memory_space<hbm>> -> memref<40xi32, #tpu.memory_space<hbm>>
    tpu.enqueue_dma source(%dma_start3A_19 : memref<40xi32, #tpu.memory_space<hbm>>) target(%dma_start3A_16 : memref<40xi32, #tpu.memory_space<vmem>>) target_semaphore(%arg18 : memref<!tpu.dma_semaphore, #tpu.memory_space<semaphore_mem>>)
    %dma_start3A_20 = arith.constant 0 : i32
    %dma_start3A_21 = arith.constant 0 : i32
    %dma_start3A_22 = arith.constant 0 : i32
    %dma_start3A_23 = tpu.memref_slice %arg8[%dma_start3A_21, %dma_start3A_22] : memref<7x40xi32, #tpu.memory_space<vmem>> -> memref<1x40xi32, #tpu.memory_space<vmem>>
    %dma_start3A_24 = tpu.memref_squeeze %dma_start3A_23 : memref<1x40xi32, #tpu.memory_space<vmem>> -> memref<40xi32, #tpu.memory_space<vmem>>
    %dma_start3A_25 = arith.constant 0 : i32
    %dma_start3A_26 = tpu.memref_slice %arg4[%add3A, %dma_start3A_20, %dma_start3A_25] : memref<32x250x40xi32, #tpu.memory_space<hbm>> -> memref<1x1x40xi32, #tpu.memory_space<hbm>>
    %dma_start3A_27 = tpu.memref_squeeze %dma_start3A_26 : memref<1x1x40xi32, #tpu.memory_space<hbm>> -> memref<40xi32, #tpu.memory_space<hbm>>
    %dma_start3A_28 = arith.constant 0 : i32
    %dma_start3A_29 = tpu.memref_slice %arg8[%dma_start3A_21, %dma_start3A_28] : memref<7x40xi32, #tpu.memory_space<vmem>> -> memref<1x40xi32, #tpu.memory_space<vmem>>
    %dma_start3A_30 = tpu.memref_squeeze %dma_start3A_29 : memref<1x40xi32, #tpu.memory_space<vmem>> -> memref<40xi32, #tpu.memory_space<vmem>>
    %dma_start3A_31 = arith.constant 0 : i32
    %dma_start3A_32 = tpu.memref_slice %arg4[%add3A, %dma_start3A_20, %dma_start3A_31] : memref<32x250x40xi32, #tpu.memory_space<hbm>> -> memref<1x1x40xi32, #tpu.memory_space<hbm>>
    %dma_start3A_33 = tpu.memref_squeeze %dma_start3A_32 : memref<1x1x40xi32, #tpu.memory_space<hbm>> -> memref<40xi32, #tpu.memory_space<hbm>>
    tpu.enqueue_dma source(%dma_start3A_33 : memref<40xi32, #tpu.memory_space<hbm>>) target(%dma_start3A_30 : memref<40xi32, #tpu.memory_space<vmem>>) target_semaphore(%arg18 : memref<!tpu.dma_semaphore, #tpu.memory_space<semaphore_mem>>)
    %dma_start3A_34 = arith.constant 1 : i32
    %dma_start3A_35 = arith.constant 1 : i32
    %dma_start3A_36 = arith.constant 0 : i32
    %dma_start3A_37 = tpu.memref_slice %arg7[%dma_start3A_35, %dma_start3A_36] : memref<7x40xi32, #tpu.memory_space<vmem>> -> memref<1x40xi32, #tpu.memory_space<vmem>>
    %dma_start3A_38 = tpu.memref_squeeze %dma_start3A_37 : memref<1x40xi32, #tpu.memory_space<vmem>> -> memref<40xi32, #tpu.memory_space<vmem>>
    %dma_start3A_39 = arith.constant 0 : i32
    %dma_start3A_40 = tpu.memref_slice %arg3[%add3A, %dma_start3A_34, %dma_start3A_39] : memref<32x250x40xi32, #tpu.memory_space<hbm>> -> memref<1x1x40xi32, #tpu.memory_space<hbm>>
    %dma_start3A_41 = tpu.memref_squeeze %dma_start3A_40 : memref<1x1x40xi32, #tpu.memory_space<hbm>> -> memref<40xi32, #tpu.memory_space<hbm>>
    %dma_start3A_42 = arith.constant 0 : i32
    %dma_start3A_43 = tpu.memref_slice %arg7[%dma_start3A_35, %dma_start3A_42] : memref<7x40xi32, #tpu.memory_space<vmem>> -> memref<1x40xi32, #tpu.memory_space<vmem>>
    %dma_start3A_44 = tpu.memref_squeeze %dma_start3A_43 : memref<1x40xi32, #tpu.memory_space<vmem>> -> memref<40xi32, #tpu.memory_space<vmem>>
    %dma_start3A_45 = arith.constant 0 : i32
    %dma_start3A_46 = tpu.memref_slice %arg3[%add3A, %dma_start3A_34, %dma_start3A_45] : memref<32x250x40xi32, #tpu.memory_space<hbm>> -> memref<1x1x40xi32, #tpu.memory_space<hbm>>
    %dma_start3A_47 = tpu.memref_squeeze %dma_start3A_46 : memref<1x1x40xi32, #tpu.memory_space<hbm>> -> memref<40xi32, #tpu.memory_space<hbm>>
    tpu.enqueue_dma source(%dma_start3A_47 : memref<40xi32, #tpu.memory_space<hbm>>) target(%dma_start3A_44 : memref<40xi32, #tpu.memory_space<vmem>>) target_semaphore(%arg19 : memref<!tpu.dma_semaphore, #tpu.memory_space<semaphore_mem>>)
    %dma_start3A_48 = arith.constant 1 : i32
    %dma_start3A_49 = arith.constant 1 : i32
    %dma_start3A_50 = arith.constant 0 : i32
    %dma_start3A_51 = tpu.memref_slice %arg8[%dma_start3A_49, %dma_start3A_50] : memref<7x40xi32, #tpu.memory_space<vmem>> -> memref<1x40xi32, #tpu.memory_space<vmem>>
    %dma_start3A_52 = tpu.memref_squeeze %dma_start3A_51 : memref<1x40xi32, #tpu.memory_space<vmem>> -> memref<40xi32, #tpu.memory_space<vmem>>
    %dma_start3A_53 = arith.constant 0 : i32
    %dma_start3A_54 = tpu.memref_slice %arg4[%add3A, %dma_start3A_48, %dma_start3A_53] : memref<32x250x40xi32, #tpu.memory_space<hbm>> -> memref<1x1x40xi32, #tpu.memory_space<hbm>>
    %dma_start3A_55 = tpu.memref_squeeze %dma_start3A_54 : memref<1x1x40xi32, #tpu.memory_space<hbm>> -> memref<40xi32, #tpu.memory_space<hbm>>
    %dma_start3A_56 = arith.constant 0 : i32
    %dma_start3A_57 = tpu.memref_slice %arg8[%dma_start3A_49, %dma_start3A_56] : memref<7x40xi32, #tpu.memory_space<vmem>> -> memref<1x40xi32, #tpu.memory_space<vmem>>
    %dma_start3A_58 = tpu.memref_squeeze %dma_start3A_57 : memref<1x40xi32, #tpu.memory_space<vmem>> -> memref<40xi32, #tpu.memory_space<vmem>>
    %dma_start3A_59 = arith.constant 0 : i32
    %dma_start3A_60 = tpu.memref_slice %arg4[%add3A, %dma_start3A_48, %dma_start3A_59] : memref<32x250x40xi32, #tpu.memory_space<hbm>> -> memref<1x1x40xi32, #tpu.memory_space<hbm>>
    %dma_start3A_61 = tpu.memref_squeeze %dma_start3A_60 : memref<1x1x40xi32, #tpu.memory_space<hbm>> -> memref<40xi32, #tpu.memory_space<hbm>>
    tpu.enqueue_dma source(%dma_start3A_61 : memref<40xi32, #tpu.memory_space<hbm>>) target(%dma_start3A_58 : memref<40xi32, #tpu.memory_space<vmem>>) target_semaphore(%arg19 : memref<!tpu.dma_semaphore, #tpu.memory_space<semaphore_mem>>)
    %dma_start3A_62 = arith.constant 2 : i32
    %dma_start3A_63 = arith.constant 2 : i32
    %dma_start3A_64 = arith.constant 0 : i32
    %dma_start3A_65 = tpu.memref_slice %arg7[%dma_start3A_63, %dma_start3A_64] : memref<7x40xi32, #tpu.memory_space<vmem>> -> memref<1x40xi32, #tpu.memory_space<vmem>>
    %dma_start3A_66 = tpu.memref_squeeze %dma_start3A_65 : memref<1x40xi32, #tpu.memory_space<vmem>> -> memref<40xi32, #tpu.memory_space<vmem>>
    %dma_start3A_67 = arith.constant 0 : i32
    %dma_start3A_68 = tpu.memref_slice %arg3[%add3A, %dma_start3A_62, %dma_start3A_67] : memref<32x250x40xi32, #tpu.memory_space<hbm>> -> memref<1x1x40xi32, #tpu.memory_space<hbm>>
    %dma_start3A_69 = tpu.memref_squeeze %dma_start3A_68 : memref<1x1x40xi32, #tpu.memory_space<hbm>> -> memref<40xi32, #tpu.memory_space<hbm>>
    %dma_start3A_70 = arith.constant 0 : i32
    %dma_start3A_71 = tpu.memref_slice %arg7[%dma_start3A_63, %dma_start3A_70] : memref<7x40xi32, #tpu.memory_space<vmem>> -> memref<1x40xi32, #tpu.memory_space<vmem>>
    %dma_start3A_72 = tpu.memref_squeeze %dma_start3A_71 : memref<1x40xi32, #tpu.memory_space<vmem>> -> memref<40xi32, #tpu.memory_space<vmem>>
    %dma_start3A_73 = arith.constant 0 : i32
    %dma_start3A_74 = tpu.memref_slice %arg3[%add3A, %dma_start3A_62, %dma_start3A_73] : memref<32x250x40xi32, #tpu.memory_space<hbm>> -> memref<1x1x40xi32, #tpu.memory_space<hbm>>
    %dma_start3A_75 = tpu.memref_squeeze %dma_start3A_74 : memref<1x1x40xi32, #tpu.memory_space<hbm>> -> memref<40xi32, #tpu.memory_space<hbm>>
    tpu.enqueue_dma source(%dma_start3A_75 : memref<40xi32, #tpu.memory_space<hbm>>) target(%dma_start3A_72 : memref<40xi32, #tpu.memory_space<vmem>>) target_semaphore(%arg20 : memref<!tpu.dma_semaphore, #tpu.memory_space<semaphore_mem>>)
    %dma_start3A_76 = arith.constant 2 : i32
    %dma_start3A_77 = arith.constant 2 : i32
    %dma_start3A_78 = arith.constant 0 : i32
    %dma_start3A_79 = tpu.memref_slice %arg8[%dma_start3A_77, %dma_start3A_78] : memref<7x40xi32, #tpu.memory_space<vmem>> -> memref<1x40xi32, #tpu.memory_space<vmem>>
    %dma_start3A_80 = tpu.memref_squeeze %dma_start3A_79 : memref<1x40xi32, #tpu.memory_space<vmem>> -> memref<40xi32, #tpu.memory_space<vmem>>
    %dma_start3A_81 = arith.constant 0 : i32
    %dma_start3A_82 = tpu.memref_slice %arg4[%add3A, %dma_start3A_76, %dma_start3A_81] : memref<32x250x40xi32, #tpu.memory_space<hbm>> -> memref<1x1x40xi32, #tpu.memory_space<hbm>>
    %dma_start3A_83 = tpu.memref_squeeze %dma_start3A_82 : memref<1x1x40xi32, #tpu.memory_space<hbm>> -> memref<40xi32, #tpu.memory_space<hbm>>
    %dma_start3A_84 = arith.constant 0 : i32
    %dma_start3A_85 = tpu.memref_slice %arg8[%dma_start3A_77, %dma_start3A_84] : memref<7x40xi32, #tpu.memory_space<vmem>> -> memref<1x40xi32, #tpu.memory_space<vmem>>
    %dma_start3A_86 = tpu.memref_squeeze %dma_start3A_85 : memref<1x40xi32, #tpu.memory_space<vmem>> -> memref<40xi32, #tpu.memory_space<vmem>>
    %dma_start3A_87 = arith.constant 0 : i32
    %dma_start3A_88 = tpu.memref_slice %arg4[%add3A, %dma_start3A_76, %dma_start3A_87] : memref<32x250x40xi32, #tpu.memory_space<hbm>> -> memref<1x1x40xi32, #tpu.memory_space<hbm>>
    %dma_start3A_89 = tpu.memref_squeeze %dma_start3A_88 : memref<1x1x40xi32, #tpu.memory_space<hbm>> -> memref<40xi32, #tpu.memory_space<hbm>>
    tpu.enqueue_dma source(%dma_start3A_89 : memref<40xi32, #tpu.memory_space<hbm>>) target(%dma_start3A_86 : memref<40xi32, #tpu.memory_space<vmem>>) target_semaphore(%arg20 : memref<!tpu.dma_semaphore, #tpu.memory_space<semaphore_mem>>)
    %dma_start3A_90 = arith.constant 3 : i32
    %dma_start3A_91 = arith.constant 3 : i32
    %dma_start3A_92 = arith.constant 0 : i32
    %dma_start3A_93 = tpu.memref_slice %arg7[%dma_start3A_91, %dma_start3A_92] : memref<7x40xi32, #tpu.memory_space<vmem>> -> memref<1x40xi32, #tpu.memory_space<vmem>>
    %dma_start3A_94 = tpu.memref_squeeze %dma_start3A_93 : memref<1x40xi32, #tpu.memory_space<vmem>> -> memref<40xi32, #tpu.memory_space<vmem>>
    %dma_start3A_95 = arith.constant 0 : i32
    %dma_start3A_96 = tpu.memref_slice %arg3[%add3A, %dma_start3A_90, %dma_start3A_95] : memref<32x250x40xi32, #tpu.memory_space<hbm>> -> memref<1x1x40xi32, #tpu.memory_space<hbm>>
    %dma_start3A_97 = tpu.memref_squeeze %dma_start3A_96 : memref<1x1x40xi32, #tpu.memory_space<hbm>> -> memref<40xi32, #tpu.memory_space<hbm>>
    %dma_start3A_98 = arith.constant 0 : i32
    %dma_start3A_99 = tpu.memref_slice %arg7[%dma_start3A_91, %dma_start3A_98] : memref<7x40xi32, #tpu.memory_space<vmem>> -> memref<1x40xi32, #tpu.memory_space<vmem>>
    %dma_start3A_100 = tpu.memref_squeeze %dma_start3A_99 : memref<1x40xi32, #tpu.memory_space<vmem>> -> memref<40xi32, #tpu.memory_space<vmem>>
    %dma_start3A_101 = arith.constant 0 : i32
    %dma_start3A_102 = tpu.memref_slice %arg3[%add3A, %dma_start3A_90, %dma_start3A_101] : memref<32x250x40xi32, #tpu.memory_space<hbm>> -> memref<1x1x40xi32, #tpu.memory_space<hbm>>
    %dma_start3A_103 = tpu.memref_squeeze %dma_start3A_102 : memref<1x1x40xi32, #tpu.memory_space<hbm>> -> memref<40xi32, #tpu.memory_space<hbm>>
    tpu.enqueue_dma source(%dma_start3A_103 : memref<40xi32, #tpu.memory_space<hbm>>) target(%dma_start3A_100 : memref<40xi32, #tpu.memory_space<vmem>>) target_semaphore(%arg21 : memref<!tpu.dma_semaphore, #tpu.memory_space<semaphore_mem>>)
    %dma_start3A_104 = arith.constant 3 : i32
    %dma_start3A_105 = arith.constant 3 : i32
    %dma_start3A_106 = arith.constant 0 : i32
    %dma_start3A_107 = tpu.memref_slice %arg8[%dma_start3A_105, %dma_start3A_106] : memref<7x40xi32, #tpu.memory_space<vmem>> -> memref<1x40xi32, #tpu.memory_space<vmem>>
    %dma_start3A_108 = tpu.memref_squeeze %dma_start3A_107 : memref<1x40xi32, #tpu.memory_space<vmem>> -> memref<40xi32, #tpu.memory_space<vmem>>
    %dma_start3A_109 = arith.constant 0 : i32
    %dma_start3A_110 = tpu.memref_slice %arg4[%add3A, %dma_start3A_104, %dma_start3A_109] : memref<32x250x40xi32, #tpu.memory_space<hbm>> -> memref<1x1x40xi32, #tpu.memory_space<hbm>>
    %dma_start3A_111 = tpu.memref_squeeze %dma_start3A_110 : memref<1x1x40xi32, #tpu.memory_space<hbm>> -> memref<40xi32, #tpu.memory_space<hbm>>
    %dma_start3A_112 = arith.constant 0 : i32
    %dma_start3A_113 = tpu.memref_slice %arg8[%dma_start3A_105, %dma_start3A_112] : memref<7x40xi32, #tpu.memory_space<vmem>> -> memref<1x40xi32, #tpu.memory_space<vmem>>
    %dma_start3A_114 = tpu.memref_squeeze %dma_start3A_113 : memref<1x40xi32, #tpu.memory_space<vmem>> -> memref<40xi32, #tpu.memory_space<vmem>>
    %dma_start3A_115 = arith.constant 0 : i32
    %dma_start3A_116 = tpu.memref_slice %arg4[%add3A, %dma_start3A_104, %dma_start3A_115] : memref<32x250x40xi32, #tpu.memory_space<hbm>> -> memref<1x1x40xi32, #tpu.memory_space<hbm>>
    %dma_start3A_117 = tpu.memref_squeeze %dma_start3A_116 : memref<1x1x40xi32, #tpu.memory_space<hbm>> -> memref<40xi32, #tpu.memory_space<hbm>>
    tpu.enqueue_dma source(%dma_start3A_117 : memref<40xi32, #tpu.memory_space<hbm>>) target(%dma_start3A_114 : memref<40xi32, #tpu.memory_space<vmem>>) target_semaphore(%arg21 : memref<!tpu.dma_semaphore, #tpu.memory_space<semaphore_mem>>)
    %dma_start3A_118 = arith.constant 4 : i32
    %dma_start3A_119 = arith.constant 4 : i32
    %dma_start3A_120 = arith.constant 0 : i32
    %dma_start3A_121 = tpu.memref_slice %arg7[%dma_start3A_119, %dma_start3A_120] : memref<7x40xi32, #tpu.memory_space<vmem>> -> memref<1x40xi32, #tpu.memory_space<vmem>>
    %dma_start3A_122 = tpu.memref_squeeze %dma_start3A_121 : memref<1x40xi32, #tpu.memory_space<vmem>> -> memref<40xi32, #tpu.memory_space<vmem>>
    %dma_start3A_123 = arith.constant 0 : i32
    %dma_start3A_124 = tpu.memref_slice %arg3[%add3A, %dma_start3A_118, %dma_start3A_123] : memref<32x250x40xi32, #tpu.memory_space<hbm>> -> memref<1x1x40xi32, #tpu.memory_space<hbm>>
    %dma_start3A_125 = tpu.memref_squeeze %dma_start3A_124 : memref<1x1x40xi32, #tpu.memory_space<hbm>> -> memref<40xi32, #tpu.memory_space<hbm>>
    %dma_start3A_126 = arith.constant 0 : i32
    %dma_start3A_127 = tpu.memref_slice %arg7[%dma_start3A_119, %dma_start3A_126] : memref<7x40xi32, #tpu.memory_space<vmem>> -> memref<1x40xi32, #tpu.memory_space<vmem>>
    %dma_start3A_128 = tpu.memref_squeeze %dma_start3A_127 : memref<1x40xi32, #tpu.memory_space<vmem>> -> memref<40xi32, #tpu.memory_space<vmem>>
    %dma_start3A_129 = arith.constant 0 : i32
    %dma_start3A_130 = tpu.memref_slice %arg3[%add3A, %dma_start3A_118, %dma_start3A_129] : memref<32x250x40xi32, #tpu.memory_space<hbm>> -> memref<1x1x40xi32, #tpu.memory_space<hbm>>
    %dma_start3A_131 = tpu.memref_squeeze %dma_start3A_130 : memref<1x1x40xi32, #tpu.memory_space<hbm>> -> memref<40xi32, #tpu.memory_space<hbm>>
    tpu.enqueue_dma source(%dma_start3A_131 : memref<40xi32, #tpu.memory_space<hbm>>) target(%dma_start3A_128 : memref<40xi32, #tpu.memory_space<vmem>>) target_semaphore(%arg22 : memref<!tpu.dma_semaphore, #tpu.memory_space<semaphore_mem>>)
    %dma_start3A_132 = arith.constant 4 : i32
    %dma_start3A_133 = arith.constant 4 : i32
    %dma_start3A_134 = arith.constant 0 : i32
    %dma_start3A_135 = tpu.memref_slice %arg8[%dma_start3A_133, %dma_start3A_134] : memref<7x40xi32, #tpu.memory_space<vmem>> -> memref<1x40xi32, #tpu.memory_space<vmem>>
    %dma_start3A_136 = tpu.memref_squeeze %dma_start3A_135 : memref<1x40xi32, #tpu.memory_space<vmem>> -> memref<40xi32, #tpu.memory_space<vmem>>
    %dma_start3A_137 = arith.constant 0 : i32
    %dma_start3A_138 = tpu.memref_slice %arg4[%add3A, %dma_start3A_132, %dma_start3A_137] : memref<32x250x40xi32, #tpu.memory_space<hbm>> -> memref<1x1x40xi32, #tpu.memory_space<hbm>>
    %dma_start3A_139 = tpu.memref_squeeze %dma_start3A_138 : memref<1x1x40xi32, #tpu.memory_space<hbm>> -> memref<40xi32, #tpu.memory_space<hbm>>
    %dma_start3A_140 = arith.constant 0 : i32
    %dma_start3A_141 = tpu.memref_slice %arg8[%dma_start3A_133, %dma_start3A_140] : memref<7x40xi32, #tpu.memory_space<vmem>> -> memref<1x40xi32, #tpu.memory_space<vmem>>
    %dma_start3A_142 = tpu.memref_squeeze %dma_start3A_141 : memref<1x40xi32, #tpu.memory_space<vmem>> -> memref<40xi32, #tpu.memory_space<vmem>>
    %dma_start3A_143 = arith.constant 0 : i32
    %dma_start3A_144 = tpu.memref_slice %arg4[%add3A, %dma_start3A_132, %dma_start3A_143] : memref<32x250x40xi32, #tpu.memory_space<hbm>> -> memref<1x1x40xi32, #tpu.memory_space<hbm>>
    %dma_start3A_145 = tpu.memref_squeeze %dma_start3A_144 : memref<1x1x40xi32, #tpu.memory_space<hbm>> -> memref<40xi32, #tpu.memory_space<hbm>>
    tpu.enqueue_dma source(%dma_start3A_145 : memref<40xi32, #tpu.memory_space<hbm>>) target(%dma_start3A_142 : memref<40xi32, #tpu.memory_space<vmem>>) target_semaphore(%arg22 : memref<!tpu.dma_semaphore, #tpu.memory_space<semaphore_mem>>)
    %dma_start3A_146 = arith.constant 5 : i32
    %dma_start3A_147 = arith.constant 5 : i32
    %dma_start3A_148 = arith.constant 0 : i32
    %dma_start3A_149 = tpu.memref_slice %arg7[%dma_start3A_147, %dma_start3A_148] : memref<7x40xi32, #tpu.memory_space<vmem>> -> memref<1x40xi32, #tpu.memory_space<vmem>>
    %dma_start3A_150 = tpu.memref_squeeze %dma_start3A_149 : memref<1x40xi32, #tpu.memory_space<vmem>> -> memref<40xi32, #tpu.memory_space<vmem>>
    %dma_start3A_151 = arith.constant 0 : i32
    %dma_start3A_152 = tpu.memref_slice %arg3[%add3A, %dma_start3A_146, %dma_start3A_151] : memref<32x250x40xi32, #tpu.memory_space<hbm>> -> memref<1x1x40xi32, #tpu.memory_space<hbm>>
    %dma_start3A_153 = tpu.memref_squeeze %dma_start3A_152 : memref<1x1x40xi32, #tpu.memory_space<hbm>> -> memref<40xi32, #tpu.memory_space<hbm>>
    %dma_start3A_154 = arith.constant 0 : i32
    %dma_start3A_155 = tpu.memref_slice %arg7[%dma_start3A_147, %dma_start3A_154] : memref<7x40xi32, #tpu.memory_space<vmem>> -> memref<1x40xi32, #tpu.memory_space<vmem>>
    %dma_start3A_156 = tpu.memref_squeeze %dma_start3A_155 : memref<1x40xi32, #tpu.memory_space<vmem>> -> memref<40xi32, #tpu.memory_space<vmem>>
    %dma_start3A_157 = arith.constant 0 : i32
    %dma_start3A_158 = tpu.memref_slice %arg3[%add3A, %dma_start3A_146, %dma_start3A_157] : memref<32x250x40xi32, #tpu.memory_space<hbm>> -> memref<1x1x40xi32, #tpu.memory_space<hbm>>
    %dma_start3A_159 = tpu.memref_squeeze %dma_start3A_158 : memref<1x1x40xi32, #tpu.memory_space<hbm>> -> memref<40xi32, #tpu.memory_space<hbm>>
    tpu.enqueue_dma source(%dma_start3A_159 : memref<40xi32, #tpu.memory_space<hbm>>) target(%dma_start3A_156 : memref<40xi32, #tpu.memory_space<vmem>>) target_semaphore(%arg23 : memref<!tpu.dma_semaphore, #tpu.memory_space<semaphore_mem>>)
    %dma_start3A_160 = arith.constant 5 : i32
    %dma_start3A_161 = arith.constant 5 : i32
    %dma_start3A_162 = arith.constant 0 : i32
    %dma_start3A_163 = tpu.memref_slice %arg8[%dma_start3A_161, %dma_start3A_162] : memref<7x40xi32, #tpu.memory_space<vmem>> -> memref<1x40xi32, #tpu.memory_space<vmem>>
    %dma_start3A_164 = tpu.memref_squeeze %dma_start3A_163 : memref<1x40xi32, #tpu.memory_space<vmem>> -> memref<40xi32, #tpu.memory_space<vmem>>
    %dma_start3A_165 = arith.constant 0 : i32
    %dma_start3A_166 = tpu.memref_slice %arg4[%add3A, %dma_start3A_160, %dma_start3A_165] : memref<32x250x40xi32, #tpu.memory_space<hbm>> -> memref<1x1x40xi32, #tpu.memory_space<hbm>>
    %dma_start3A_167 = tpu.memref_squeeze %dma_start3A_166 : memref<1x1x40xi32, #tpu.memory_space<hbm>> -> memref<40xi32, #tpu.memory_space<hbm>>
    %dma_start3A_168 = arith.constant 0 : i32
    %dma_start3A_169 = tpu.memref_slice %arg8[%dma_start3A_161, %dma_start3A_168] : memref<7x40xi32, #tpu.memory_space<vmem>> -> memref<1x40xi32, #tpu.memory_space<vmem>>
    %dma_start3A_170 = tpu.memref_squeeze %dma_start3A_169 : memref<1x40xi32, #tpu.memory_space<vmem>> -> memref<40xi32, #tpu.memory_space<vmem>>
    %dma_start3A_171 = arith.constant 0 : i32
    %dma_start3A_172 = tpu.memref_slice %arg4[%add3A, %dma_start3A_160, %dma_start3A_171] : memref<32x250x40xi32, #tpu.memory_space<hbm>> -> memref<1x1x40xi32, #tpu.memory_space<hbm>>
    %dma_start3A_173 = tpu.memref_squeeze %dma_start3A_172 : memref<1x1x40xi32, #tpu.memory_space<hbm>> -> memref<40xi32, #tpu.memory_space<hbm>>
    tpu.enqueue_dma source(%dma_start3A_173 : memref<40xi32, #tpu.memory_space<hbm>>) target(%dma_start3A_170 : memref<40xi32, #tpu.memory_space<vmem>>) target_semaphore(%arg23 : memref<!tpu.dma_semaphore, #tpu.memory_space<semaphore_mem>>)
    %dma_start3A_174 = arith.constant 6 : i32
    %dma_start3A_175 = arith.constant 6 : i32
    %dma_start3A_176 = arith.constant 0 : i32
    %dma_start3A_177 = tpu.memref_slice %arg7[%dma_start3A_175, %dma_start3A_176] : memref<7x40xi32, #tpu.memory_space<vmem>> -> memref<1x40xi32, #tpu.memory_space<vmem>>
    %dma_start3A_178 = tpu.memref_squeeze %dma_start3A_177 : memref<1x40xi32, #tpu.memory_space<vmem>> -> memref<40xi32, #tpu.memory_space<vmem>>
    %dma_start3A_179 = arith.constant 0 : i32
    %dma_start3A_180 = tpu.memref_slice %arg3[%add3A, %dma_start3A_174, %dma_start3A_179] : memref<32x250x40xi32, #tpu.memory_space<hbm>> -> memref<1x1x40xi32, #tpu.memory_space<hbm>>
    %dma_start3A_181 = tpu.memref_squeeze %dma_start3A_180 : memref<1x1x40xi32, #tpu.memory_space<hbm>> -> memref<40xi32, #tpu.memory_space<hbm>>
    %dma_start3A_182 = arith.constant 0 : i32
    %dma_start3A_183 = tpu.memref_slice %arg7[%dma_start3A_175, %dma_start3A_182] : memref<7x40xi32, #tpu.memory_space<vmem>> -> memref<1x40xi32, #tpu.memory_space<vmem>>
    %dma_start3A_184 = tpu.memref_squeeze %dma_start3A_183 : memref<1x40xi32, #tpu.memory_space<vmem>> -> memref<40xi32, #tpu.memory_space<vmem>>
    %dma_start3A_185 = arith.constant 0 : i32
    %dma_start3A_186 = tpu.memref_slice %arg3[%add3A, %dma_start3A_174, %dma_start3A_185] : memref<32x250x40xi32, #tpu.memory_space<hbm>> -> memref<1x1x40xi32, #tpu.memory_space<hbm>>
    %dma_start3A_187 = tpu.memref_squeeze %dma_start3A_186 : memref<1x1x40xi32, #tpu.memory_space<hbm>> -> memref<40xi32, #tpu.memory_space<hbm>>
    tpu.enqueue_dma source(%dma_start3A_187 : memref<40xi32, #tpu.memory_space<hbm>>) target(%dma_start3A_184 : memref<40xi32, #tpu.memory_space<vmem>>) target_semaphore(%arg24 : memref<!tpu.dma_semaphore, #tpu.memory_space<semaphore_mem>>)
    %dma_start3A_188 = arith.constant 6 : i32
    %dma_start3A_189 = arith.constant 6 : i32
    %dma_start3A_190 = arith.constant 0 : i32
    %dma_start3A_191 = tpu.memref_slice %arg8[%dma_start3A_189, %dma_start3A_190] : memref<7x40xi32, #tpu.memory_space<vmem>> -> memref<1x40xi32, #tpu.memory_space<vmem>>
    %dma_start3A_192 = tpu.memref_squeeze %dma_start3A_191 : memref<1x40xi32, #tpu.memory_space<vmem>> -> memref<40xi32, #tpu.memory_space<vmem>>
    %dma_start3A_193 = arith.constant 0 : i32
    %dma_start3A_194 = tpu.memref_slice %arg4[%add3A, %dma_start3A_188, %dma_start3A_193] : memref<32x250x40xi32, #tpu.memory_space<hbm>> -> memref<1x1x40xi32, #tpu.memory_space<hbm>>
    %dma_start3A_195 = tpu.memref_squeeze %dma_start3A_194 : memref<1x1x40xi32, #tpu.memory_space<hbm>> -> memref<40xi32, #tpu.memory_space<hbm>>
    %dma_start3A_196 = arith.constant 0 : i32
    %dma_start3A_197 = tpu.memref_slice %arg8[%dma_start3A_189, %dma_start3A_196] : memref<7x40xi32, #tpu.memory_space<vmem>> -> memref<1x40xi32, #tpu.memory_space<vmem>>
    %dma_start3A_198 = tpu.memref_squeeze %dma_start3A_197 : memref<1x40xi32, #tpu.memory_space<vmem>> -> memref<40xi32, #tpu.memory_space<vmem>>
    %dma_start3A_199 = arith.constant 0 : i32
    %dma_start3A_200 = tpu.memref_slice %arg4[%add3A, %dma_start3A_188, %dma_start3A_199] : memref<32x250x40xi32, #tpu.memory_space<hbm>> -> memref<1x1x40xi32, #tpu.memory_space<hbm>>
    %dma_start3A_201 = tpu.memref_squeeze %dma_start3A_200 : memref<1x1x40xi32, #tpu.memory_space<hbm>> -> memref<40xi32, #tpu.memory_space<hbm>>
    tpu.enqueue_dma source(%dma_start3A_201 : memref<40xi32, #tpu.memory_space<hbm>>) target(%dma_start3A_198 : memref<40xi32, #tpu.memory_space<vmem>>) target_semaphore(%arg24 : memref<!tpu.dma_semaphore, #tpu.memory_space<semaphore_mem>>)
    %barrier3A = arith.constant 0 : index
    tpu.barrier barrier_id(%barrier3A)
    %dma_wait3A = arith.constant 0 : i32
    %dma_wait3A_202 = arith.constant 0 : i32
    %dma_wait3A_203 = arith.constant 0 : i32
    %dma_wait3A_204 = tpu.memref_slice %arg7[%dma_wait3A_202, %dma_wait3A_203] : memref<7x40xi32, #tpu.memory_space<vmem>> -> memref<1x40xi32, #tpu.memory_space<vmem>>
    %dma_wait3A_205 = tpu.memref_squeeze %dma_wait3A_204 : memref<1x40xi32, #tpu.memory_space<vmem>> -> memref<40xi32, #tpu.memory_space<vmem>>
    %dma_wait3A_206 = arith.constant 0 : i32
    %dma_wait3A_207 = tpu.memref_slice %arg3[%add3A, %dma_wait3A, %dma_wait3A_206] : memref<32x250x40xi32, #tpu.memory_space<hbm>> -> memref<1x1x40xi32, #tpu.memory_space<hbm>>
    %dma_wait3A_208 = tpu.memref_squeeze %dma_wait3A_207 : memref<1x1x40xi32, #tpu.memory_space<hbm>> -> memref<40xi32, #tpu.memory_space<hbm>>
    %dma_wait3A_209 = arith.constant 0 : i32
    %dma_wait3A_210 = tpu.memref_slice %arg7[%dma_wait3A_202, %dma_wait3A_209] : memref<7x40xi32, #tpu.memory_space<vmem>> -> memref<1x40xi32, #tpu.memory_space<vmem>>
    %dma_wait3A_211 = tpu.memref_squeeze %dma_wait3A_210 : memref<1x40xi32, #tpu.memory_space<vmem>> -> memref<40xi32, #tpu.memory_space<vmem>>
    %dma_wait3A_212 = arith.constant 0 : i32
    %dma_wait3A_213 = tpu.memref_slice %arg3[%add3A, %dma_wait3A, %dma_wait3A_212] : memref<32x250x40xi32, #tpu.memory_space<hbm>> -> memref<1x1x40xi32, #tpu.memory_space<hbm>>
    %dma_wait3A_214 = tpu.memref_squeeze %dma_wait3A_213 : memref<1x1x40xi32, #tpu.memory_space<hbm>> -> memref<40xi32, #tpu.memory_space<hbm>>
    tpu.wait_dma2 semaphore(%arg18 : memref<!tpu.dma_semaphore, #tpu.memory_space<semaphore_mem>>) src(%dma_wait3A_214 : memref<40xi32, #tpu.memory_space<hbm>>) dst(%dma_wait3A_211 : memref<40xi32, #tpu.memory_space<vmem>>)
    %dma_wait3A_215 = arith.constant 0 : i32
    %dma_wait3A_216 = arith.constant 0 : i32
    %dma_wait3A_217 = arith.constant 0 : i32
    %dma_wait3A_218 = tpu.memref_slice %arg8[%dma_wait3A_216, %dma_wait3A_217] : memref<7x40xi32, #tpu.memory_space<vmem>> -> memref<1x40xi32, #tpu.memory_space<vmem>>
    %dma_wait3A_219 = tpu.memref_squeeze %dma_wait3A_218 : memref<1x40xi32, #tpu.memory_space<vmem>> -> memref<40xi32, #tpu.memory_space<vmem>>
    %dma_wait3A_220 = arith.constant 0 : i32
    %dma_wait3A_221 = tpu.memref_slice %arg4[%add3A, %dma_wait3A_215, %dma_wait3A_220] : memref<32x250x40xi32, #tpu.memory_space<hbm>> -> memref<1x1x40xi32, #tpu.memory_space<hbm>>
    %dma_wait3A_222 = tpu.memref_squeeze %dma_wait3A_221 : memref<1x1x40xi32, #tpu.memory_space<hbm>> -> memref<40xi32, #tpu.memory_space<hbm>>
    %dma_wait3A_223 = arith.constant 0 : i32
    %dma_wait3A_224 = tpu.memref_slice %arg8[%dma_wait3A_216, %dma_wait3A_223] : memref<7x40xi32, #tpu.memory_space<vmem>> -> memref<1x40xi32, #tpu.memory_space<vmem>>
    %dma_wait3A_225 = tpu.memref_squeeze %dma_wait3A_224 : memref<1x40xi32, #tpu.memory_space<vmem>> -> memref<40xi32, #tpu.memory_space<vmem>>
    %dma_wait3A_226 = arith.constant 0 : i32
    %dma_wait3A_227 = tpu.memref_slice %arg4[%add3A, %dma_wait3A_215, %dma_wait3A_226] : memref<32x250x40xi32, #tpu.memory_space<hbm>> -> memref<1x1x40xi32, #tpu.memory_space<hbm>>
    %dma_wait3A_228 = tpu.memref_squeeze %dma_wait3A_227 : memref<1x1x40xi32, #tpu.memory_space<hbm>> -> memref<40xi32, #tpu.memory_space<hbm>>
    tpu.wait_dma2 semaphore(%arg18 : memref<!tpu.dma_semaphore, #tpu.memory_space<semaphore_mem>>) src(%dma_wait3A_228 : memref<40xi32, #tpu.memory_space<hbm>>) dst(%dma_wait3A_225 : memref<40xi32, #tpu.memory_space<vmem>>)
    %dma_start3A_229 = arith.constant 0 : i32
    %dma_start3A_230 = arith.constant 0 : i32
    %dma_start3A_231 = arith.constant 0 : i32
    %dma_start3A_232 = arith.constant 0 : i32
    %dma_start3A_233 = tpu.memref_slice %arg9[%dma_start3A_230, %dma_start3A_231, %dma_start3A_232] : memref<7x40x128xf32, #tpu.memory_space<vmem>> -> memref<1x40x128xf32, #tpu.memory_space<vmem>>
    %dma_start3A_234 = tpu.memref_squeeze %dma_start3A_233 : memref<1x40x128xf32, #tpu.memory_space<vmem>> -> memref<40x128xf32, #tpu.memory_space<vmem>>
    %dma_start3A_235 = arith.constant 0 : i32
    %dma_start3A_236 = tpu.memref_slice %arg7[%dma_start3A_229, %dma_start3A_235] : memref<7x40xi32, #tpu.memory_space<vmem>> -> memref<1x40xi32, #tpu.memory_space<vmem>>
    %dma_start3A_237 = tpu.memref_squeeze %dma_start3A_236 : memref<1x40xi32, #tpu.memory_space<vmem>> -> memref<40xi32, #tpu.memory_space<vmem>>
    %dma_start3A_238 = arith.constant 0 : i32
    %dma_start3A_239 = arith.constant 0 : i32
    %dma_start3A_240 = tpu.memref_slice %arg2[%dma_start3A_238, %dma_start3A_239] : memref<10000x128xf32, #tpu.memory_space<hbm>> -> memref<10000x128xf32, #tpu.memory_space<hbm>>
    tpu.enqueue_indirect_dma source(%dma_start3A_240 : memref<10000x128xf32, #tpu.memory_space<hbm>>) target(%dma_start3A_234 : memref<40x128xf32, #tpu.memory_space<vmem>>) offsets(%dma_start3A_237 : memref<40xi32, #tpu.memory_space<vmem>>) semaphore(%arg11 : memref<!tpu.dma_semaphore, #tpu.memory_space<semaphore_mem>>)
    %dma_wait3A_241 = arith.constant 0 : i32
    %dma_wait3A_242 = arith.constant 1 : i32
    %dma_wait3A_243 = arith.constant 0 : i32
    %dma_wait3A_244 = tpu.memref_slice %arg7[%dma_wait3A_242, %dma_wait3A_243] : memref<7x40xi32, #tpu.memory_space<vmem>> -> memref<1x40xi32, #tpu.memory_space<vmem>>
    %dma_wait3A_245 = tpu.memref_squeeze %dma_wait3A_244 : memref<1x40xi32, #tpu.memory_space<vmem>> -> memref<40xi32, #tpu.memory_space<vmem>>
    %dma_wait3A_246 = arith.constant 0 : i32
    %dma_wait3A_247 = tpu.memref_slice %arg3[%add3A, %dma_wait3A_241, %dma_wait3A_246] : memref<32x250x40xi32, #tpu.memory_space<hbm>> -> memref<1x1x40xi32, #tpu.memory_space<hbm>>
    %dma_wait3A_248 = tpu.memref_squeeze %dma_wait3A_247 : memref<1x1x40xi32, #tpu.memory_space<hbm>> -> memref<40xi32, #tpu.memory_space<hbm>>
    %dma_wait3A_249 = arith.constant 0 : i32
    %dma_wait3A_250 = tpu.memref_slice %arg7[%dma_wait3A_242, %dma_wait3A_249] : memref<7x40xi32, #tpu.memory_space<vmem>> -> memref<1x40xi32, #tpu.memory_space<vmem>>
    %dma_wait3A_251 = tpu.memref_squeeze %dma_wait3A_250 : memref<1x40xi32, #tpu.memory_space<vmem>> -> memref<40xi32, #tpu.memory_space<vmem>>
    %dma_wait3A_252 = arith.constant 0 : i32
    %dma_wait3A_253 = tpu.memref_slice %arg3[%add3A, %dma_wait3A_241, %dma_wait3A_252] : memref<32x250x40xi32, #tpu.memory_space<hbm>> -> memref<1x1x40xi32, #tpu.memory_space<hbm>>
    %dma_wait3A_254 = tpu.memref_squeeze %dma_wait3A_253 : memref<1x1x40xi32, #tpu.memory_space<hbm>> -> memref<40xi32, #tpu.memory_space<hbm>>
    tpu.wait_dma2 semaphore(%arg19 : memref<!tpu.dma_semaphore, #tpu.memory_space<semaphore_mem>>) src(%dma_wait3A_254 : memref<40xi32, #tpu.memory_space<hbm>>) dst(%dma_wait3A_251 : memref<40xi32, #tpu.memory_space<vmem>>)
    %dma_wait3A_255 = arith.constant 0 : i32
    %dma_wait3A_256 = arith.constant 1 : i32
    %dma_wait3A_257 = arith.constant 0 : i32
    %dma_wait3A_258 = tpu.memref_slice %arg8[%dma_wait3A_256, %dma_wait3A_257] : memref<7x40xi32, #tpu.memory_space<vmem>> -> memref<1x40xi32, #tpu.memory_space<vmem>>
    %dma_wait3A_259 = tpu.memref_squeeze %dma_wait3A_258 : memref<1x40xi32, #tpu.memory_space<vmem>> -> memref<40xi32, #tpu.memory_space<vmem>>
    %dma_wait3A_260 = arith.constant 0 : i32
    %dma_wait3A_261 = tpu.memref_slice %arg4[%add3A, %dma_wait3A_255, %dma_wait3A_260] : memref<32x250x40xi32, #tpu.memory_space<hbm>> -> memref<1x1x40xi32, #tpu.memory_space<hbm>>
    %dma_wait3A_262 = tpu.memref_squeeze %dma_wait3A_261 : memref<1x1x40xi32, #tpu.memory_space<hbm>> -> memref<40xi32, #tpu.memory_space<hbm>>
    %dma_wait3A_263 = arith.constant 0 : i32
    %dma_wait3A_264 = tpu.memref_slice %arg8[%dma_wait3A_256, %dma_wait3A_263] : memref<7x40xi32, #tpu.memory_space<vmem>> -> memref<1x40xi32, #tpu.memory_space<vmem>>
    %dma_wait3A_265 = tpu.memref_squeeze %dma_wait3A_264 : memref<1x40xi32, #tpu.memory_space<vmem>> -> memref<40xi32, #tpu.memory_space<vmem>>
    %dma_wait3A_266 = arith.constant 0 : i32
    %dma_wait3A_267 = tpu.memref_slice %arg4[%add3A, %dma_wait3A_255, %dma_wait3A_266] : memref<32x250x40xi32, #tpu.memory_space<hbm>> -> memref<1x1x40xi32, #tpu.memory_space<hbm>>
    %dma_wait3A_268 = tpu.memref_squeeze %dma_wait3A_267 : memref<1x1x40xi32, #tpu.memory_space<hbm>> -> memref<40xi32, #tpu.memory_space<hbm>>
    tpu.wait_dma2 semaphore(%arg19 : memref<!tpu.dma_semaphore, #tpu.memory_space<semaphore_mem>>) src(%dma_wait3A_268 : memref<40xi32, #tpu.memory_space<hbm>>) dst(%dma_wait3A_265 : memref<40xi32, #tpu.memory_space<vmem>>)
    %dma_start3A_269 = arith.constant 1 : i32
    %dma_start3A_270 = arith.constant 1 : i32
    %dma_start3A_271 = arith.constant 0 : i32
    %dma_start3A_272 = arith.constant 0 : i32
    %dma_start3A_273 = tpu.memref_slice %arg9[%dma_start3A_270, %dma_start3A_271, %dma_start3A_272] : memref<7x40x128xf32, #tpu.memory_space<vmem>> -> memref<1x40x128xf32, #tpu.memory_space<vmem>>
    %dma_start3A_274 = tpu.memref_squeeze %dma_start3A_273 : memref<1x40x128xf32, #tpu.memory_space<vmem>> -> memref<40x128xf32, #tpu.memory_space<vmem>>
    %dma_start3A_275 = arith.constant 0 : i32
    %dma_start3A_276 = tpu.memref_slice %arg7[%dma_start3A_269, %dma_start3A_275] : memref<7x40xi32, #tpu.memory_space<vmem>> -> memref<1x40xi32, #tpu.memory_space<vmem>>
    %dma_start3A_277 = tpu.memref_squeeze %dma_start3A_276 : memref<1x40xi32, #tpu.memory_space<vmem>> -> memref<40xi32, #tpu.memory_space<vmem>>
    %dma_start3A_278 = arith.constant 0 : i32
    %dma_start3A_279 = arith.constant 0 : i32
    %dma_start3A_280 = tpu.memref_slice %arg2[%dma_start3A_278, %dma_start3A_279] : memref<10000x128xf32, #tpu.memory_space<hbm>> -> memref<10000x128xf32, #tpu.memory_space<hbm>>
    tpu.enqueue_indirect_dma source(%dma_start3A_280 : memref<10000x128xf32, #tpu.memory_space<hbm>>) target(%dma_start3A_274 : memref<40x128xf32, #tpu.memory_space<vmem>>) offsets(%dma_start3A_277 : memref<40xi32, #tpu.memory_space<vmem>>) semaphore(%arg12 : memref<!tpu.dma_semaphore, #tpu.memory_space<semaphore_mem>>)
    %dma_wait3A_281 = arith.constant 0 : i32
    %dma_wait3A_282 = arith.constant 2 : i32
    %dma_wait3A_283 = arith.constant 0 : i32
    %dma_wait3A_284 = tpu.memref_slice %arg7[%dma_wait3A_282, %dma_wait3A_283] : memref<7x40xi32, #tpu.memory_space<vmem>> -> memref<1x40xi32, #tpu.memory_space<vmem>>
    %dma_wait3A_285 = tpu.memref_squeeze %dma_wait3A_284 : memref<1x40xi32, #tpu.memory_space<vmem>> -> memref<40xi32, #tpu.memory_space<vmem>>
    %dma_wait3A_286 = arith.constant 0 : i32
    %dma_wait3A_287 = tpu.memref_slice %arg3[%add3A, %dma_wait3A_281, %dma_wait3A_286] : memref<32x250x40xi32, #tpu.memory_space<hbm>> -> memref<1x1x40xi32, #tpu.memory_space<hbm>>
    %dma_wait3A_288 = tpu.memref_squeeze %dma_wait3A_287 : memref<1x1x40xi32, #tpu.memory_space<hbm>> -> memref<40xi32, #tpu.memory_space<hbm>>
    %dma_wait3A_289 = arith.constant 0 : i32
    %dma_wait3A_290 = tpu.memref_slice %arg7[%dma_wait3A_282, %dma_wait3A_289] : memref<7x40xi32, #tpu.memory_space<vmem>> -> memref<1x40xi32, #tpu.memory_space<vmem>>
    %dma_wait3A_291 = tpu.memref_squeeze %dma_wait3A_290 : memref<1x40xi32, #tpu.memory_space<vmem>> -> memref<40xi32, #tpu.memory_space<vmem>>
    %dma_wait3A_292 = arith.constant 0 : i32
    %dma_wait3A_293 = tpu.memref_slice %arg3[%add3A, %dma_wait3A_281, %dma_wait3A_292] : memref<32x250x40xi32, #tpu.memory_space<hbm>> -> memref<1x1x40xi32, #tpu.memory_space<hbm>>
    %dma_wait3A_294 = tpu.memref_squeeze %dma_wait3A_293 : memref<1x1x40xi32, #tpu.memory_space<hbm>> -> memref<40xi32, #tpu.memory_space<hbm>>
    tpu.wait_dma2 semaphore(%arg20 : memref<!tpu.dma_semaphore, #tpu.memory_space<semaphore_mem>>) src(%dma_wait3A_294 : memref<40xi32, #tpu.memory_space<hbm>>) dst(%dma_wait3A_291 : memref<40xi32, #tpu.memory_space<vmem>>)
    %dma_wait3A_295 = arith.constant 0 : i32
    %dma_wait3A_296 = arith.constant 2 : i32
    %dma_wait3A_297 = arith.constant 0 : i32
    %dma_wait3A_298 = tpu.memref_slice %arg8[%dma_wait3A_296, %dma_wait3A_297] : memref<7x40xi32, #tpu.memory_space<vmem>> -> memref<1x40xi32, #tpu.memory_space<vmem>>
    %dma_wait3A_299 = tpu.memref_squeeze %dma_wait3A_298 : memref<1x40xi32, #tpu.memory_space<vmem>> -> memref<40xi32, #tpu.memory_space<vmem>>
    %dma_wait3A_300 = arith.constant 0 : i32
    %dma_wait3A_301 = tpu.memref_slice %arg4[%add3A, %dma_wait3A_295, %dma_wait3A_300] : memref<32x250x40xi32, #tpu.memory_space<hbm>> -> memref<1x1x40xi32, #tpu.memory_space<hbm>>
    %dma_wait3A_302 = tpu.memref_squeeze %dma_wait3A_301 : memref<1x1x40xi32, #tpu.memory_space<hbm>> -> memref<40xi32, #tpu.memory_space<hbm>>
    %dma_wait3A_303 = arith.constant 0 : i32
    %dma_wait3A_304 = tpu.memref_slice %arg8[%dma_wait3A_296, %dma_wait3A_303] : memref<7x40xi32, #tpu.memory_space<vmem>> -> memref<1x40xi32, #tpu.memory_space<vmem>>
    %dma_wait3A_305 = tpu.memref_squeeze %dma_wait3A_304 : memref<1x40xi32, #tpu.memory_space<vmem>> -> memref<40xi32, #tpu.memory_space<vmem>>
    %dma_wait3A_306 = arith.constant 0 : i32
    %dma_wait3A_307 = tpu.memref_slice %arg4[%add3A, %dma_wait3A_295, %dma_wait3A_306] : memref<32x250x40xi32, #tpu.memory_space<hbm>> -> memref<1x1x40xi32, #tpu.memory_space<hbm>>
    %dma_wait3A_308 = tpu.memref_squeeze %dma_wait3A_307 : memref<1x1x40xi32, #tpu.memory_space<hbm>> -> memref<40xi32, #tpu.memory_space<hbm>>
    tpu.wait_dma2 semaphore(%arg20 : memref<!tpu.dma_semaphore, #tpu.memory_space<semaphore_mem>>) src(%dma_wait3A_308 : memref<40xi32, #tpu.memory_space<hbm>>) dst(%dma_wait3A_305 : memref<40xi32, #tpu.memory_space<vmem>>)
    %dma_start3A_309 = arith.constant 2 : i32
    %dma_start3A_310 = arith.constant 2 : i32
    %dma_start3A_311 = arith.constant 0 : i32
    %dma_start3A_312 = arith.constant 0 : i32
    %dma_start3A_313 = tpu.memref_slice %arg9[%dma_start3A_310, %dma_start3A_311, %dma_start3A_312] : memref<7x40x128xf32, #tpu.memory_space<vmem>> -> memref<1x40x128xf32, #tpu.memory_space<vmem>>
    %dma_start3A_314 = tpu.memref_squeeze %dma_start3A_313 : memref<1x40x128xf32, #tpu.memory_space<vmem>> -> memref<40x128xf32, #tpu.memory_space<vmem>>
    %dma_start3A_315 = arith.constant 0 : i32
    %dma_start3A_316 = tpu.memref_slice %arg7[%dma_start3A_309, %dma_start3A_315] : memref<7x40xi32, #tpu.memory_space<vmem>> -> memref<1x40xi32, #tpu.memory_space<vmem>>
    %dma_start3A_317 = tpu.memref_squeeze %dma_start3A_316 : memref<1x40xi32, #tpu.memory_space<vmem>> -> memref<40xi32, #tpu.memory_space<vmem>>
    %dma_start3A_318 = arith.constant 0 : i32
    %dma_start3A_319 = arith.constant 0 : i32
    %dma_start3A_320 = tpu.memref_slice %arg2[%dma_start3A_318, %dma_start3A_319] : memref<10000x128xf32, #tpu.memory_space<hbm>> -> memref<10000x128xf32, #tpu.memory_space<hbm>>
    tpu.enqueue_indirect_dma source(%dma_start3A_320 : memref<10000x128xf32, #tpu.memory_space<hbm>>) target(%dma_start3A_314 : memref<40x128xf32, #tpu.memory_space<vmem>>) offsets(%dma_start3A_317 : memref<40xi32, #tpu.memory_space<vmem>>) semaphore(%arg13 : memref<!tpu.dma_semaphore, #tpu.memory_space<semaphore_mem>>)
    %dma_wait3A_321 = arith.constant 0 : i32
    %dma_wait3A_322 = arith.constant 3 : i32
    %dma_wait3A_323 = arith.constant 0 : i32
    %dma_wait3A_324 = tpu.memref_slice %arg7[%dma_wait3A_322, %dma_wait3A_323] : memref<7x40xi32, #tpu.memory_space<vmem>> -> memref<1x40xi32, #tpu.memory_space<vmem>>
    %dma_wait3A_325 = tpu.memref_squeeze %dma_wait3A_324 : memref<1x40xi32, #tpu.memory_space<vmem>> -> memref<40xi32, #tpu.memory_space<vmem>>
    %dma_wait3A_326 = arith.constant 0 : i32
    %dma_wait3A_327 = tpu.memref_slice %arg3[%add3A, %dma_wait3A_321, %dma_wait3A_326] : memref<32x250x40xi32, #tpu.memory_space<hbm>> -> memref<1x1x40xi32, #tpu.memory_space<hbm>>
    %dma_wait3A_328 = tpu.memref_squeeze %dma_wait3A_327 : memref<1x1x40xi32, #tpu.memory_space<hbm>> -> memref<40xi32, #tpu.memory_space<hbm>>
    %dma_wait3A_329 = arith.constant 0 : i32
    %dma_wait3A_330 = tpu.memref_slice %arg7[%dma_wait3A_322, %dma_wait3A_329] : memref<7x40xi32, #tpu.memory_space<vmem>> -> memref<1x40xi32, #tpu.memory_space<vmem>>
    %dma_wait3A_331 = tpu.memref_squeeze %dma_wait3A_330 : memref<1x40xi32, #tpu.memory_space<vmem>> -> memref<40xi32, #tpu.memory_space<vmem>>
    %dma_wait3A_332 = arith.constant 0 : i32
    %dma_wait3A_333 = tpu.memref_slice %arg3[%add3A, %dma_wait3A_321, %dma_wait3A_332] : memref<32x250x40xi32, #tpu.memory_space<hbm>> -> memref<1x1x40xi32, #tpu.memory_space<hbm>>
    %dma_wait3A_334 = tpu.memref_squeeze %dma_wait3A_333 : memref<1x1x40xi32, #tpu.memory_space<hbm>> -> memref<40xi32, #tpu.memory_space<hbm>>
    tpu.wait_dma2 semaphore(%arg21 : memref<!tpu.dma_semaphore, #tpu.memory_space<semaphore_mem>>) src(%dma_wait3A_334 : memref<40xi32, #tpu.memory_space<hbm>>) dst(%dma_wait3A_331 : memref<40xi32, #tpu.memory_space<vmem>>)
    %dma_wait3A_335 = arith.constant 0 : i32
    %dma_wait3A_336 = arith.constant 3 : i32
    %dma_wait3A_337 = arith.constant 0 : i32
    %dma_wait3A_338 = tpu.memref_slice %arg8[%dma_wait3A_336, %dma_wait3A_337] : memref<7x40xi32, #tpu.memory_space<vmem>> -> memref<1x40xi32, #tpu.memory_space<vmem>>
    %dma_wait3A_339 = tpu.memref_squeeze %dma_wait3A_338 : memref<1x40xi32, #tpu.memory_space<vmem>> -> memref<40xi32, #tpu.memory_space<vmem>>
    %dma_wait3A_340 = arith.constant 0 : i32
    %dma_wait3A_341 = tpu.memref_slice %arg4[%add3A, %dma_wait3A_335, %dma_wait3A_340] : memref<32x250x40xi32, #tpu.memory_space<hbm>> -> memref<1x1x40xi32, #tpu.memory_space<hbm>>
    %dma_wait3A_342 = tpu.memref_squeeze %dma_wait3A_341 : memref<1x1x40xi32, #tpu.memory_space<hbm>> -> memref<40xi32, #tpu.memory_space<hbm>>
    %dma_wait3A_343 = arith.constant 0 : i32
    %dma_wait3A_344 = tpu.memref_slice %arg8[%dma_wait3A_336, %dma_wait3A_343] : memref<7x40xi32, #tpu.memory_space<vmem>> -> memref<1x40xi32, #tpu.memory_space<vmem>>
    %dma_wait3A_345 = tpu.memref_squeeze %dma_wait3A_344 : memref<1x40xi32, #tpu.memory_space<vmem>> -> memref<40xi32, #tpu.memory_space<vmem>>
    %dma_wait3A_346 = arith.constant 0 : i32
    %dma_wait3A_347 = tpu.memref_slice %arg4[%add3A, %dma_wait3A_335, %dma_wait3A_346] : memref<32x250x40xi32, #tpu.memory_space<hbm>> -> memref<1x1x40xi32, #tpu.memory_space<hbm>>
    %dma_wait3A_348 = tpu.memref_squeeze %dma_wait3A_347 : memref<1x1x40xi32, #tpu.memory_space<hbm>> -> memref<40xi32, #tpu.memory_space<hbm>>
    tpu.wait_dma2 semaphore(%arg21 : memref<!tpu.dma_semaphore, #tpu.memory_space<semaphore_mem>>) src(%dma_wait3A_348 : memref<40xi32, #tpu.memory_space<hbm>>) dst(%dma_wait3A_345 : memref<40xi32, #tpu.memory_space<vmem>>)
    %dma_start3A_349 = arith.constant 3 : i32
    %dma_start3A_350 = arith.constant 3 : i32
    %dma_start3A_351 = arith.constant 0 : i32
    %dma_start3A_352 = arith.constant 0 : i32
    %dma_start3A_353 = tpu.memref_slice %arg9[%dma_start3A_350, %dma_start3A_351, %dma_start3A_352] : memref<7x40x128xf32, #tpu.memory_space<vmem>> -> memref<1x40x128xf32, #tpu.memory_space<vmem>>
    %dma_start3A_354 = tpu.memref_squeeze %dma_start3A_353 : memref<1x40x128xf32, #tpu.memory_space<vmem>> -> memref<40x128xf32, #tpu.memory_space<vmem>>
    %dma_start3A_355 = arith.constant 0 : i32
    %dma_start3A_356 = tpu.memref_slice %arg7[%dma_start3A_349, %dma_start3A_355] : memref<7x40xi32, #tpu.memory_space<vmem>> -> memref<1x40xi32, #tpu.memory_space<vmem>>
    %dma_start3A_357 = tpu.memref_squeeze %dma_start3A_356 : memref<1x40xi32, #tpu.memory_space<vmem>> -> memref<40xi32, #tpu.memory_space<vmem>>
    %dma_start3A_358 = arith.constant 0 : i32
    %dma_start3A_359 = arith.constant 0 : i32
    %dma_start3A_360 = tpu.memref_slice %arg2[%dma_start3A_358, %dma_start3A_359] : memref<10000x128xf32, #tpu.memory_space<hbm>> -> memref<10000x128xf32, #tpu.memory_space<hbm>>
    tpu.enqueue_indirect_dma source(%dma_start3A_360 : memref<10000x128xf32, #tpu.memory_space<hbm>>) target(%dma_start3A_354 : memref<40x128xf32, #tpu.memory_space<vmem>>) offsets(%dma_start3A_357 : memref<40xi32, #tpu.memory_space<vmem>>) semaphore(%arg14 : memref<!tpu.dma_semaphore, #tpu.memory_space<semaphore_mem>>)
    %dma_wait3A_361 = arith.constant 0 : i32
    %dma_wait3A_362 = arith.constant 4 : i32
    %dma_wait3A_363 = arith.constant 0 : i32
    %dma_wait3A_364 = tpu.memref_slice %arg7[%dma_wait3A_362, %dma_wait3A_363] : memref<7x40xi32, #tpu.memory_space<vmem>> -> memref<1x40xi32, #tpu.memory_space<vmem>>
    %dma_wait3A_365 = tpu.memref_squeeze %dma_wait3A_364 : memref<1x40xi32, #tpu.memory_space<vmem>> -> memref<40xi32, #tpu.memory_space<vmem>>
    %dma_wait3A_366 = arith.constant 0 : i32
    %dma_wait3A_367 = tpu.memref_slice %arg3[%add3A, %dma_wait3A_361, %dma_wait3A_366] : memref<32x250x40xi32, #tpu.memory_space<hbm>> -> memref<1x1x40xi32, #tpu.memory_space<hbm>>
    %dma_wait3A_368 = tpu.memref_squeeze %dma_wait3A_367 : memref<1x1x40xi32, #tpu.memory_space<hbm>> -> memref<40xi32, #tpu.memory_space<hbm>>
    %dma_wait3A_369 = arith.constant 0 : i32
    %dma_wait3A_370 = tpu.memref_slice %arg7[%dma_wait3A_362, %dma_wait3A_369] : memref<7x40xi32, #tpu.memory_space<vmem>> -> memref<1x40xi32, #tpu.memory_space<vmem>>
    %dma_wait3A_371 = tpu.memref_squeeze %dma_wait3A_370 : memref<1x40xi32, #tpu.memory_space<vmem>> -> memref<40xi32, #tpu.memory_space<vmem>>
    %dma_wait3A_372 = arith.constant 0 : i32
    %dma_wait3A_373 = tpu.memref_slice %arg3[%add3A, %dma_wait3A_361, %dma_wait3A_372] : memref<32x250x40xi32, #tpu.memory_space<hbm>> -> memref<1x1x40xi32, #tpu.memory_space<hbm>>
    %dma_wait3A_374 = tpu.memref_squeeze %dma_wait3A_373 : memref<1x1x40xi32, #tpu.memory_space<hbm>> -> memref<40xi32, #tpu.memory_space<hbm>>
    tpu.wait_dma2 semaphore(%arg22 : memref<!tpu.dma_semaphore, #tpu.memory_space<semaphore_mem>>) src(%dma_wait3A_374 : memref<40xi32, #tpu.memory_space<hbm>>) dst(%dma_wait3A_371 : memref<40xi32, #tpu.memory_space<vmem>>)
    %dma_wait3A_375 = arith.constant 0 : i32
    %dma_wait3A_376 = arith.constant 4 : i32
    %dma_wait3A_377 = arith.constant 0 : i32
    %dma_wait3A_378 = tpu.memref_slice %arg8[%dma_wait3A_376, %dma_wait3A_377] : memref<7x40xi32, #tpu.memory_space<vmem>> -> memref<1x40xi32, #tpu.memory_space<vmem>>
    %dma_wait3A_379 = tpu.memref_squeeze %dma_wait3A_378 : memref<1x40xi32, #tpu.memory_space<vmem>> -> memref<40xi32, #tpu.memory_space<vmem>>
    %dma_wait3A_380 = arith.constant 0 : i32
    %dma_wait3A_381 = tpu.memref_slice %arg4[%add3A, %dma_wait3A_375, %dma_wait3A_380] : memref<32x250x40xi32, #tpu.memory_space<hbm>> -> memref<1x1x40xi32, #tpu.memory_space<hbm>>
    %dma_wait3A_382 = tpu.memref_squeeze %dma_wait3A_381 : memref<1x1x40xi32, #tpu.memory_space<hbm>> -> memref<40xi32, #tpu.memory_space<hbm>>
    %dma_wait3A_383 = arith.constant 0 : i32
    %dma_wait3A_384 = tpu.memref_slice %arg8[%dma_wait3A_376, %dma_wait3A_383] : memref<7x40xi32, #tpu.memory_space<vmem>> -> memref<1x40xi32, #tpu.memory_space<vmem>>
    %dma_wait3A_385 = tpu.memref_squeeze %dma_wait3A_384 : memref<1x40xi32, #tpu.memory_space<vmem>> -> memref<40xi32, #tpu.memory_space<vmem>>
    %dma_wait3A_386 = arith.constant 0 : i32
    %dma_wait3A_387 = tpu.memref_slice %arg4[%add3A, %dma_wait3A_375, %dma_wait3A_386] : memref<32x250x40xi32, #tpu.memory_space<hbm>> -> memref<1x1x40xi32, #tpu.memory_space<hbm>>
    %dma_wait3A_388 = tpu.memref_squeeze %dma_wait3A_387 : memref<1x1x40xi32, #tpu.memory_space<hbm>> -> memref<40xi32, #tpu.memory_space<hbm>>
    tpu.wait_dma2 semaphore(%arg22 : memref<!tpu.dma_semaphore, #tpu.memory_space<semaphore_mem>>) src(%dma_wait3A_388 : memref<40xi32, #tpu.memory_space<hbm>>) dst(%dma_wait3A_385 : memref<40xi32, #tpu.memory_space<vmem>>)
    %dma_start3A_389 = arith.constant 4 : i32
    %dma_start3A_390 = arith.constant 4 : i32
    %dma_start3A_391 = arith.constant 0 : i32
    %dma_start3A_392 = arith.constant 0 : i32
    %dma_start3A_393 = tpu.memref_slice %arg9[%dma_start3A_390, %dma_start3A_391, %dma_start3A_392] : memref<7x40x128xf32, #tpu.memory_space<vmem>> -> memref<1x40x128xf32, #tpu.memory_space<vmem>>
    %dma_start3A_394 = tpu.memref_squeeze %dma_start3A_393 : memref<1x40x128xf32, #tpu.memory_space<vmem>> -> memref<40x128xf32, #tpu.memory_space<vmem>>
    %dma_start3A_395 = arith.constant 0 : i32
    %dma_start3A_396 = tpu.memref_slice %arg7[%dma_start3A_389, %dma_start3A_395] : memref<7x40xi32, #tpu.memory_space<vmem>> -> memref<1x40xi32, #tpu.memory_space<vmem>>
    %dma_start3A_397 = tpu.memref_squeeze %dma_start3A_396 : memref<1x40xi32, #tpu.memory_space<vmem>> -> memref<40xi32, #tpu.memory_space<vmem>>
    %dma_start3A_398 = arith.constant 0 : i32
    %dma_start3A_399 = arith.constant 0 : i32
    %dma_start3A_400 = tpu.memref_slice %arg2[%dma_start3A_398, %dma_start3A_399] : memref<10000x128xf32, #tpu.memory_space<hbm>> -> memref<10000x128xf32, #tpu.memory_space<hbm>>
    tpu.enqueue_indirect_dma source(%dma_start3A_400 : memref<10000x128xf32, #tpu.memory_space<hbm>>) target(%dma_start3A_394 : memref<40x128xf32, #tpu.memory_space<vmem>>) offsets(%dma_start3A_397 : memref<40xi32, #tpu.memory_space<vmem>>) semaphore(%arg15 : memref<!tpu.dma_semaphore, #tpu.memory_space<semaphore_mem>>)
    %scan3A = arith.constant 0 : i32
    %scan3A_401 = arith.constant 0 : i32
    %scan3A_402 = arith.constant 35 : i32
    %scan3A_403 = arith.addi %scan3A_401, %scan3A_402 : i32
    %scan3A_404 = arith.constant 1 : i32
    scf.for %scan3A_485 = %scan3A_401 to %scan3A_403 step %scan3A_404  : i32 {
      %mul3A_486 = arith.constant 7 : i32
      %mul3A_487 = arith.muli %mul3A_486, %scan3A_485 : i32
      %add3A_488 = arith.constant 0 : i32
      %add3A_489 = arith.addi %mul3A_487, %add3A_488 : i32
      %add3A_490 = arith.constant 7 : i32
      %add3A_491 = arith.addi %add3A_489, %add3A_490 : i32
      %sub3A = arith.constant 2 : i32
      %sub3A_492 = arith.subi %add3A_491, %sub3A : i32
      %lt3A = arith.constant 250 : i32
      %lt3A_493 = arith.cmpi slt, %sub3A_492, %lt3A : i32
      %convert_element_type3A_494 = arith.extui %lt3A_493 : i1 to i32
      %cond3A_495 = arith.constant 0 : i32
      %cond3A_496 = arith.cmpi ne, %convert_element_type3A_494, %cond3A_495 : i32
      scf.if %cond3A_496 {
        %dma_wait3A_722 = arith.constant 0 : i32
        %dma_wait3A_723 = arith.constant 5 : i32
        %dma_wait3A_724 = arith.constant 0 : i32
        %dma_wait3A_725 = tpu.memref_slice %arg7[%dma_wait3A_723, %dma_wait3A_724] : memref<7x40xi32, #tpu.memory_space<vmem>> -> memref<1x40xi32, #tpu.memory_space<vmem>>
        %dma_wait3A_726 = tpu.memref_squeeze %dma_wait3A_725 : memref<1x40xi32, #tpu.memory_space<vmem>> -> memref<40xi32, #tpu.memory_space<vmem>>
        %dma_wait3A_727 = arith.constant 0 : i32
        %dma_wait3A_728 = tpu.memref_slice %arg3[%add3A, %dma_wait3A_722, %dma_wait3A_727] : memref<32x250x40xi32, #tpu.memory_space<hbm>> -> memref<1x1x40xi32, #tpu.memory_space<hbm>>
        %dma_wait3A_729 = tpu.memref_squeeze %dma_wait3A_728 : memref<1x1x40xi32, #tpu.memory_space<hbm>> -> memref<40xi32, #tpu.memory_space<hbm>>
        %dma_wait3A_730 = arith.constant 0 : i32
        %dma_wait3A_731 = tpu.memref_slice %arg7[%dma_wait3A_723, %dma_wait3A_730] : memref<7x40xi32, #tpu.memory_space<vmem>> -> memref<1x40xi32, #tpu.memory_space<vmem>>
        %dma_wait3A_732 = tpu.memref_squeeze %dma_wait3A_731 : memref<1x40xi32, #tpu.memory_space<vmem>> -> memref<40xi32, #tpu.memory_space<vmem>>
        %dma_wait3A_733 = arith.constant 0 : i32
        %dma_wait3A_734 = tpu.memref_slice %arg3[%add3A, %dma_wait3A_722, %dma_wait3A_733] : memref<32x250x40xi32, #tpu.memory_space<hbm>> -> memref<1x1x40xi32, #tpu.memory_space<hbm>>
        %dma_wait3A_735 = tpu.memref_squeeze %dma_wait3A_734 : memref<1x1x40xi32, #tpu.memory_space<hbm>> -> memref<40xi32, #tpu.memory_space<hbm>>
        tpu.wait_dma2 semaphore(%arg23 : memref<!tpu.dma_semaphore, #tpu.memory_space<semaphore_mem>>) src(%dma_wait3A_735 : memref<40xi32, #tpu.memory_space<hbm>>) dst(%dma_wait3A_732 : memref<40xi32, #tpu.memory_space<vmem>>)
        %dma_wait3A_736 = arith.constant 0 : i32
        %dma_wait3A_737 = arith.constant 5 : i32
        %dma_wait3A_738 = arith.constant 0 : i32
        %dma_wait3A_739 = tpu.memref_slice %arg8[%dma_wait3A_737, %dma_wait3A_738] : memref<7x40xi32, #tpu.memory_space<vmem>> -> memref<1x40xi32, #tpu.memory_space<vmem>>
        %dma_wait3A_740 = tpu.memref_squeeze %dma_wait3A_739 : memref<1x40xi32, #tpu.memory_space<vmem>> -> memref<40xi32, #tpu.memory_space<vmem>>
        %dma_wait3A_741 = arith.constant 0 : i32
        %dma_wait3A_742 = tpu.memref_slice %arg4[%add3A, %dma_wait3A_736, %dma_wait3A_741] : memref<32x250x40xi32, #tpu.memory_space<hbm>> -> memref<1x1x40xi32, #tpu.memory_space<hbm>>
        %dma_wait3A_743 = tpu.memref_squeeze %dma_wait3A_742 : memref<1x1x40xi32, #tpu.memory_space<hbm>> -> memref<40xi32, #tpu.memory_space<hbm>>
        %dma_wait3A_744 = arith.constant 0 : i32
        %dma_wait3A_745 = tpu.memref_slice %arg8[%dma_wait3A_737, %dma_wait3A_744] : memref<7x40xi32, #tpu.memory_space<vmem>> -> memref<1x40xi32, #tpu.memory_space<vmem>>
        %dma_wait3A_746 = tpu.memref_squeeze %dma_wait3A_745 : memref<1x40xi32, #tpu.memory_space<vmem>> -> memref<40xi32, #tpu.memory_space<vmem>>
        %dma_wait3A_747 = arith.constant 0 : i32
        %dma_wait3A_748 = tpu.memref_slice %arg4[%add3A, %dma_wait3A_736, %dma_wait3A_747] : memref<32x250x40xi32, #tpu.memory_space<hbm>> -> memref<1x1x40xi32, #tpu.memory_space<hbm>>
        %dma_wait3A_749 = tpu.memref_squeeze %dma_wait3A_748 : memref<1x1x40xi32, #tpu.memory_space<hbm>> -> memref<40xi32, #tpu.memory_space<hbm>>
        tpu.wait_dma2 semaphore(%arg23 : memref<!tpu.dma_semaphore, #tpu.memory_space<semaphore_mem>>) src(%dma_wait3A_749 : memref<40xi32, #tpu.memory_space<hbm>>) dst(%dma_wait3A_746 : memref<40xi32, #tpu.memory_space<vmem>>)
        %dma_start3A_750 = arith.constant 5 : i32
        %dma_start3A_751 = arith.constant 5 : i32
        %dma_start3A_752 = arith.constant 0 : i32
        %dma_start3A_753 = arith.constant 0 : i32
        %dma_start3A_754 = tpu.memref_slice %arg9[%dma_start3A_751, %dma_start3A_752, %dma_start3A_753] : memref<7x40x128xf32, #tpu.memory_space<vmem>> -> memref<1x40x128xf32, #tpu.memory_space<vmem>>
        %dma_start3A_755 = tpu.memref_squeeze %dma_start3A_754 : memref<1x40x128xf32, #tpu.memory_space<vmem>> -> memref<40x128xf32, #tpu.memory_space<vmem>>
        %dma_start3A_756 = arith.constant 0 : i32
        %dma_start3A_757 = tpu.memref_slice %arg7[%dma_start3A_750, %dma_start3A_756] : memref<7x40xi32, #tpu.memory_space<vmem>> -> memref<1x40xi32, #tpu.memory_space<vmem>>
        %dma_start3A_758 = tpu.memref_squeeze %dma_start3A_757 : memref<1x40xi32, #tpu.memory_space<vmem>> -> memref<40xi32, #tpu.memory_space<vmem>>
        %dma_start3A_759 = arith.constant 0 : i32
        %dma_start3A_760 = arith.constant 0 : i32
        %dma_start3A_761 = tpu.memref_slice %arg2[%dma_start3A_759, %dma_start3A_760] : memref<10000x128xf32, #tpu.memory_space<hbm>> -> memref<10000x128xf32, #tpu.memory_space<hbm>>
        tpu.enqueue_indirect_dma source(%dma_start3A_761 : memref<10000x128xf32, #tpu.memory_space<hbm>>) target(%dma_start3A_755 : memref<40x128xf32, #tpu.memory_space<vmem>>) offsets(%dma_start3A_758 : memref<40xi32, #tpu.memory_space<vmem>>) semaphore(%arg16 : memref<!tpu.dma_semaphore, #tpu.memory_space<semaphore_mem>>)
      } else {
      }
      %dma_wait3A_497 = arith.constant 0 : i32
      %dma_wait3A_498 = arith.constant 0 : i32
      %dma_wait3A_499 = arith.constant 0 : i32
      %dma_wait3A_500 = arith.constant 0 : i32
      %dma_wait3A_501 = tpu.memref_slice %arg9[%dma_wait3A_498, %dma_wait3A_499, %dma_wait3A_500] : memref<7x40x128xf32, #tpu.memory_space<vmem>> -> memref<1x40x128xf32, #tpu.memory_space<vmem>>
      %dma_wait3A_502 = tpu.memref_squeeze %dma_wait3A_501 : memref<1x40x128xf32, #tpu.memory_space<vmem>> -> memref<40x128xf32, #tpu.memory_space<vmem>>
      %dma_wait3A_503 = arith.constant 0 : i32
      %dma_wait3A_504 = tpu.memref_slice %arg7[%dma_wait3A_497, %dma_wait3A_503] : memref<7x40xi32, #tpu.memory_space<vmem>> -> memref<1x40xi32, #tpu.memory_space<vmem>>
      %dma_wait3A_505 = tpu.memref_squeeze %dma_wait3A_504 : memref<1x40xi32, #tpu.memory_space<vmem>> -> memref<40xi32, #tpu.memory_space<vmem>>
      %dma_wait3A_506 = arith.constant 0 : i32
      %dma_wait3A_507 = arith.constant 0 : i32
      %dma_wait3A_508 = tpu.memref_slice %arg2[%dma_wait3A_506, %dma_wait3A_507] : memref<10000x128xf32, #tpu.memory_space<hbm>> -> memref<10000x128xf32, #tpu.memory_space<hbm>>
      tpu.wait_indirect_dma semaphore(%arg11 : memref<!tpu.dma_semaphore, #tpu.memory_space<semaphore_mem>>) src(%dma_wait3A_508 : memref<10000x128xf32, #tpu.memory_space<hbm>>) dst(%dma_wait3A_502 : memref<40x128xf32, #tpu.memory_space<vmem>>)
      %run_scoped3A_509 = arith.constant 0 : i32
      %run_scoped3A_510 = arith.constant 0 : i32
      "tpu.region"() ({
        %run_scoped3A_722 = tpu.sem_alloc : memref<!tpu.dma_semaphore, #tpu.memory_space<semaphore_mem>>
        %dma_start3A_723 = arith.constant 0 : i32
        %dma_start3A_724 = arith.constant 0 : i32
        %dma_start3A_725 = tpu.memref_slice %arg9[%run_scoped3A_509, %dma_start3A_723, %dma_start3A_724] : memref<7x40x128xf32, #tpu.memory_space<vmem>> -> memref<1x40x128xf32, #tpu.memory_space<vmem>>
        %dma_start3A_726 = tpu.memref_squeeze %dma_start3A_725 : memref<1x40x128xf32, #tpu.memory_space<vmem>> -> memref<40x128xf32, #tpu.memory_space<vmem>>
        %dma_start3A_727 = arith.constant 0 : i32
        %dma_start3A_728 = tpu.memref_slice %arg8[%run_scoped3A_510, %dma_start3A_727] : memref<7x40xi32, #tpu.memory_space<vmem>> -> memref<1x40xi32, #tpu.memory_space<vmem>>
        %dma_start3A_729 = tpu.memref_squeeze %dma_start3A_728 : memref<1x40xi32, #tpu.memory_space<vmem>> -> memref<40xi32, #tpu.memory_space<vmem>>
        %dma_start3A_730 = arith.constant 0 : i32
        %dma_start3A_731 = arith.constant 0 : i32
        %dma_start3A_732 = tpu.memref_slice %arg10[%dma_start3A_730, %dma_start3A_731] : memref<10000x128xf32, #tpu.memory_space<vmem_shared>> -> memref<10000x128xf32, #tpu.memory_space<vmem_shared>>
        tpu.enqueue_indirect_dma source(%dma_start3A_726 : memref<40x128xf32, #tpu.memory_space<vmem>>) target(%dma_start3A_732 : memref<10000x128xf32, #tpu.memory_space<vmem_shared>>) offsets(%dma_start3A_729 : memref<40xi32, #tpu.memory_space<vmem>>) semaphore(%run_scoped3A_722 : memref<!tpu.dma_semaphore, #tpu.memory_space<semaphore_mem>>) {add = true}
        %dma_wait3A_733 = arith.constant 0 : i32
        %dma_wait3A_734 = arith.constant 0 : i32
        %dma_wait3A_735 = tpu.memref_slice %arg9[%run_scoped3A_509, %dma_wait3A_733, %dma_wait3A_734] : memref<7x40x128xf32, #tpu.memory_space<vmem>> -> memref<1x40x128xf32, #tpu.memory_space<vmem>>
        %dma_wait3A_736 = tpu.memref_squeeze %dma_wait3A_735 : memref<1x40x128xf32, #tpu.memory_space<vmem>> -> memref<40x128xf32, #tpu.memory_space<vmem>>
        %dma_wait3A_737 = arith.constant 0 : i32
        %dma_wait3A_738 = tpu.memref_slice %arg8[%run_scoped3A_510, %dma_wait3A_737] : memref<7x40xi32, #tpu.memory_space<vmem>> -> memref<1x40xi32, #tpu.memory_space<vmem>>
        %dma_wait3A_739 = tpu.memref_squeeze %dma_wait3A_738 : memref<1x40xi32, #tpu.memory_space<vmem>> -> memref<40xi32, #tpu.memory_space<vmem>>
        %dma_wait3A_740 = arith.constant 0 : i32
        %dma_wait3A_741 = arith.constant 0 : i32
        %dma_wait3A_742 = tpu.memref_slice %arg10[%dma_wait3A_740, %dma_wait3A_741] : memref<10000x128xf32, #tpu.memory_space<vmem_shared>> -> memref<10000x128xf32, #tpu.memory_space<vmem_shared>>
        tpu.wait_indirect_dma semaphore(%run_scoped3A_722 : memref<!tpu.dma_semaphore, #tpu.memory_space<semaphore_mem>>) src(%dma_wait3A_736 : memref<40x128xf32, #tpu.memory_space<vmem>>) dst(%dma_wait3A_742 : memref<10000x128xf32, #tpu.memory_space<vmem_shared>>)
        tpu.yield
      }) : () -> ()
      %add3A_511 = arith.constant 7 : i32
      %add3A_512 = arith.addi %add3A_489, %add3A_511 : i32
      %lt3A_513 = arith.constant 250 : i32
      %lt3A_514 = arith.cmpi slt, %add3A_512, %lt3A_513 : i32
      %convert_element_type3A_515 = arith.extui %lt3A_514 : i1 to i32
      %cond3A_516 = arith.constant 0 : i32
      %cond3A_517 = arith.cmpi ne, %convert_element_type3A_515, %cond3A_516 : i32
      scf.if %cond3A_517 {
        %add3A_722 = arith.constant 7 : i32
        %add3A_723 = arith.addi %add3A_489, %add3A_722 : i32
        %dma_start3A_724 = arith.constant 0 : i32
        %dma_start3A_725 = arith.constant 0 : i32
        %dma_start3A_726 = tpu.memref_slice %arg7[%dma_start3A_724, %dma_start3A_725] : memref<7x40xi32, #tpu.memory_space<vmem>> -> memref<1x40xi32, #tpu.memory_space<vmem>>
        %dma_start3A_727 = tpu.memref_squeeze %dma_start3A_726 : memref<1x40xi32, #tpu.memory_space<vmem>> -> memref<40xi32, #tpu.memory_space<vmem>>
        %dma_start3A_728 = arith.constant 0 : i32
        %dma_start3A_729 = tpu.memref_slice %arg3[%add3A, %add3A_723, %dma_start3A_728] : memref<32x250x40xi32, #tpu.memory_space<hbm>> -> memref<1x1x40xi32, #tpu.memory_space<hbm>>
        %dma_start3A_730 = tpu.memref_squeeze %dma_start3A_729 : memref<1x1x40xi32, #tpu.memory_space<hbm>> -> memref<40xi32, #tpu.memory_space<hbm>>
        %dma_start3A_731 = arith.constant 0 : i32
        %dma_start3A_732 = tpu.memref_slice %arg7[%dma_start3A_724, %dma_start3A_731] : memref<7x40xi32, #tpu.memory_space<vmem>> -> memref<1x40xi32, #tpu.memory_space<vmem>>
        %dma_start3A_733 = tpu.memref_squeeze %dma_start3A_732 : memref<1x40xi32, #tpu.memory_space<vmem>> -> memref<40xi32, #tpu.memory_space<vmem>>
        %dma_start3A_734 = arith.constant 0 : i32
        %dma_start3A_735 = tpu.memref_slice %arg3[%add3A, %add3A_723, %dma_start3A_734] : memref<32x250x40xi32, #tpu.memory_space<hbm>> -> memref<1x1x40xi32, #tpu.memory_space<hbm>>
        %dma_start3A_736 = tpu.memref_squeeze %dma_start3A_735 : memref<1x1x40xi32, #tpu.memory_space<hbm>> -> memref<40xi32, #tpu.memory_space<hbm>>
        tpu.enqueue_dma source(%dma_start3A_736 : memref<40xi32, #tpu.memory_space<hbm>>) target(%dma_start3A_733 : memref<40xi32, #tpu.memory_space<vmem>>) target_semaphore(%arg18 : memref<!tpu.dma_semaphore, #tpu.memory_space<semaphore_mem>>)
        %dma_start3A_737 = arith.constant 0 : i32
        %dma_start3A_738 = arith.constant 0 : i32
        %dma_start3A_739 = tpu.memref_slice %arg8[%dma_start3A_737, %dma_start3A_738] : memref<7x40xi32, #tpu.memory_space<vmem>> -> memref<1x40xi32, #tpu.memory_space<vmem>>
        %dma_start3A_740 = tpu.memref_squeeze %dma_start3A_739 : memref<1x40xi32, #tpu.memory_space<vmem>> -> memref<40xi32, #tpu.memory_space<vmem>>
        %dma_start3A_741 = arith.constant 0 : i32
        %dma_start3A_742 = tpu.memref_slice %arg4[%add3A, %add3A_723, %dma_start3A_741] : memref<32x250x40xi32, #tpu.memory_space<hbm>> -> memref<1x1x40xi32, #tpu.memory_space<hbm>>
        %dma_start3A_743 = tpu.memref_squeeze %dma_start3A_742 : memref<1x1x40xi32, #tpu.memory_space<hbm>> -> memref<40xi32, #tpu.memory_space<hbm>>
        %dma_start3A_744 = arith.constant 0 : i32
        %dma_start3A_745 = tpu.memref_slice %arg8[%dma_start3A_737, %dma_start3A_744] : memref<7x40xi32, #tpu.memory_space<vmem>> -> memref<1x40xi32, #tpu.memory_space<vmem>>
        %dma_start3A_746 = tpu.memref_squeeze %dma_start3A_745 : memref<1x40xi32, #tpu.memory_space<vmem>> -> memref<40xi32, #tpu.memory_space<vmem>>
        %dma_start3A_747 = arith.constant 0 : i32
        %dma_start3A_748 = tpu.memref_slice %arg4[%add3A, %add3A_723, %dma_start3A_747] : memref<32x250x40xi32, #tpu.memory_space<hbm>> -> memref<1x1x40xi32, #tpu.memory_space<hbm>>
        %dma_start3A_749 = tpu.memref_squeeze %dma_start3A_748 : memref<1x1x40xi32, #tpu.memory_space<hbm>> -> memref<40xi32, #tpu.memory_space<hbm>>
        tpu.enqueue_dma source(%dma_start3A_749 : memref<40xi32, #tpu.memory_space<hbm>>) target(%dma_start3A_746 : memref<40xi32, #tpu.memory_space<vmem>>) target_semaphore(%arg18 : memref<!tpu.dma_semaphore, #tpu.memory_space<semaphore_mem>>)
      } else {
      }
      %mul3A_518 = arith.constant 7 : i32
      %mul3A_519 = arith.muli %mul3A_518, %scan3A_485 : i32
      %add3A_520 = arith.constant 1 : i32
      %add3A_521 = arith.addi %mul3A_519, %add3A_520 : i32
      %add3A_522 = arith.constant 7 : i32
      %add3A_523 = arith.addi %add3A_521, %add3A_522 : i32
      %sub3A_524 = arith.constant 2 : i32
      %sub3A_525 = arith.subi %add3A_523, %sub3A_524 : i32
      %lt3A_526 = arith.constant 250 : i32
      %lt3A_527 = arith.cmpi slt, %sub3A_525, %lt3A_526 : i32
      %convert_element_type3A_528 = arith.extui %lt3A_527 : i1 to i32
      %cond3A_529 = arith.constant 0 : i32
      %cond3A_530 = arith.cmpi ne, %convert_element_type3A_528, %cond3A_529 : i32
      scf.if %cond3A_530 {
        %dma_wait3A_722 = arith.constant 0 : i32
        %dma_wait3A_723 = arith.constant 6 : i32
        %dma_wait3A_724 = arith.constant 0 : i32
        %dma_wait3A_725 = tpu.memref_slice %arg7[%dma_wait3A_723, %dma_wait3A_724] : memref<7x40xi32, #tpu.memory_space<vmem>> -> memref<1x40xi32, #tpu.memory_space<vmem>>
        %dma_wait3A_726 = tpu.memref_squeeze %dma_wait3A_725 : memref<1x40xi32, #tpu.memory_space<vmem>> -> memref<40xi32, #tpu.memory_space<vmem>>
        %dma_wait3A_727 = arith.constant 0 : i32
        %dma_wait3A_728 = tpu.memref_slice %arg3[%add3A, %dma_wait3A_722, %dma_wait3A_727] : memref<32x250x40xi32, #tpu.memory_space<hbm>> -> memref<1x1x40xi32, #tpu.memory_space<hbm>>
        %dma_wait3A_729 = tpu.memref_squeeze %dma_wait3A_728 : memref<1x1x40xi32, #tpu.memory_space<hbm>> -> memref<40xi32, #tpu.memory_space<hbm>>
        %dma_wait3A_730 = arith.constant 0 : i32
        %dma_wait3A_731 = tpu.memref_slice %arg7[%dma_wait3A_723, %dma_wait3A_730] : memref<7x40xi32, #tpu.memory_space<vmem>> -> memref<1x40xi32, #tpu.memory_space<vmem>>
        %dma_wait3A_732 = tpu.memref_squeeze %dma_wait3A_731 : memref<1x40xi32, #tpu.memory_space<vmem>> -> memref<40xi32, #tpu.memory_space<vmem>>
        %dma_wait3A_733 = arith.constant 0 : i32
        %dma_wait3A_734 = tpu.memref_slice %arg3[%add3A, %dma_wait3A_722, %dma_wait3A_733] : memref<32x250x40xi32, #tpu.memory_space<hbm>> -> memref<1x1x40xi32, #tpu.memory_space<hbm>>
        %dma_wait3A_735 = tpu.memref_squeeze %dma_wait3A_734 : memref<1x1x40xi32, #tpu.memory_space<hbm>> -> memref<40xi32, #tpu.memory_space<hbm>>
        tpu.wait_dma2 semaphore(%arg24 : memref<!tpu.dma_semaphore, #tpu.memory_space<semaphore_mem>>) src(%dma_wait3A_735 : memref<40xi32, #tpu.memory_space<hbm>>) dst(%dma_wait3A_732 : memref<40xi32, #tpu.memory_space<vmem>>)
        %dma_wait3A_736 = arith.constant 0 : i32
        %dma_wait3A_737 = arith.constant 6 : i32
        %dma_wait3A_738 = arith.constant 0 : i32
        %dma_wait3A_739 = tpu.memref_slice %arg8[%dma_wait3A_737, %dma_wait3A_738] : memref<7x40xi32, #tpu.memory_space<vmem>> -> memref<1x40xi32, #tpu.memory_space<vmem>>
        %dma_wait3A_740 = tpu.memref_squeeze %dma_wait3A_739 : memref<1x40xi32, #tpu.memory_space<vmem>> -> memref<40xi32, #tpu.memory_space<vmem>>
        %dma_wait3A_741 = arith.constant 0 : i32
        %dma_wait3A_742 = tpu.memref_slice %arg4[%add3A, %dma_wait3A_736, %dma_wait3A_741] : memref<32x250x40xi32, #tpu.memory_space<hbm>> -> memref<1x1x40xi32, #tpu.memory_space<hbm>>
        %dma_wait3A_743 = tpu.memref_squeeze %dma_wait3A_742 : memref<1x1x40xi32, #tpu.memory_space<hbm>> -> memref<40xi32, #tpu.memory_space<hbm>>
        %dma_wait3A_744 = arith.constant 0 : i32
        %dma_wait3A_745 = tpu.memref_slice %arg8[%dma_wait3A_737, %dma_wait3A_744] : memref<7x40xi32, #tpu.memory_space<vmem>> -> memref<1x40xi32, #tpu.memory_space<vmem>>
        %dma_wait3A_746 = tpu.memref_squeeze %dma_wait3A_745 : memref<1x40xi32, #tpu.memory_space<vmem>> -> memref<40xi32, #tpu.memory_space<vmem>>
        %dma_wait3A_747 = arith.constant 0 : i32
        %dma_wait3A_748 = tpu.memref_slice %arg4[%add3A, %dma_wait3A_736, %dma_wait3A_747] : memref<32x250x40xi32, #tpu.memory_space<hbm>> -> memref<1x1x40xi32, #tpu.memory_space<hbm>>
        %dma_wait3A_749 = tpu.memref_squeeze %dma_wait3A_748 : memref<1x1x40xi32, #tpu.memory_space<hbm>> -> memref<40xi32, #tpu.memory_space<hbm>>
        tpu.wait_dma2 semaphore(%arg24 : memref<!tpu.dma_semaphore, #tpu.memory_space<semaphore_mem>>) src(%dma_wait3A_749 : memref<40xi32, #tpu.memory_space<hbm>>) dst(%dma_wait3A_746 : memref<40xi32, #tpu.memory_space<vmem>>)
        %dma_start3A_750 = arith.constant 6 : i32
        %dma_start3A_751 = arith.constant 6 : i32
        %dma_start3A_752 = arith.constant 0 : i32
        %dma_start3A_753 = arith.constant 0 : i32
        %dma_start3A_754 = tpu.memref_slice %arg9[%dma_start3A_751, %dma_start3A_752, %dma_start3A_753] : memref<7x40x128xf32, #tpu.memory_space<vmem>> -> memref<1x40x128xf32, #tpu.memory_space<vmem>>
        %dma_start3A_755 = tpu.memref_squeeze %dma_start3A_754 : memref<1x40x128xf32, #tpu.memory_space<vmem>> -> memref<40x128xf32, #tpu.memory_space<vmem>>
        %dma_start3A_756 = arith.constant 0 : i32
        %dma_start3A_757 = tpu.memref_slice %arg7[%dma_start3A_750, %dma_start3A_756] : memref<7x40xi32, #tpu.memory_space<vmem>> -> memref<1x40xi32, #tpu.memory_space<vmem>>
        %dma_start3A_758 = tpu.memref_squeeze %dma_start3A_757 : memref<1x40xi32, #tpu.memory_space<vmem>> -> memref<40xi32, #tpu.memory_space<vmem>>
        %dma_start3A_759 = arith.constant 0 : i32
        %dma_start3A_760 = arith.constant 0 : i32
        %dma_start3A_761 = tpu.memref_slice %arg2[%dma_start3A_759, %dma_start3A_760] : memref<10000x128xf32, #tpu.memory_space<hbm>> -> memref<10000x128xf32, #tpu.memory_space<hbm>>
        tpu.enqueue_indirect_dma source(%dma_start3A_761 : memref<10000x128xf32, #tpu.memory_space<hbm>>) target(%dma_start3A_755 : memref<40x128xf32, #tpu.memory_space<vmem>>) offsets(%dma_start3A_758 : memref<40xi32, #tpu.memory_space<vmem>>) semaphore(%arg17 : memref<!tpu.dma_semaphore, #tpu.memory_space<semaphore_mem>>)
      } else {
      }
      %dma_wait3A_531 = arith.constant 0 : i32
      %dma_wait3A_532 = arith.constant 1 : i32
      %dma_wait3A_533 = arith.constant 0 : i32
      %dma_wait3A_534 = arith.constant 0 : i32
      %dma_wait3A_535 = tpu.memref_slice %arg9[%dma_wait3A_532, %dma_wait3A_533, %dma_wait3A_534] : memref<7x40x128xf32, #tpu.memory_space<vmem>> -> memref<1x40x128xf32, #tpu.memory_space<vmem>>
      %dma_wait3A_536 = tpu.memref_squeeze %dma_wait3A_535 : memref<1x40x128xf32, #tpu.memory_space<vmem>> -> memref<40x128xf32, #tpu.memory_space<vmem>>
      %dma_wait3A_537 = arith.constant 0 : i32
      %dma_wait3A_538 = tpu.memref_slice %arg7[%dma_wait3A_531, %dma_wait3A_537] : memref<7x40xi32, #tpu.memory_space<vmem>> -> memref<1x40xi32, #tpu.memory_space<vmem>>
      %dma_wait3A_539 = tpu.memref_squeeze %dma_wait3A_538 : memref<1x40xi32, #tpu.memory_space<vmem>> -> memref<40xi32, #tpu.memory_space<vmem>>
      %dma_wait3A_540 = arith.constant 0 : i32
      %dma_wait3A_541 = arith.constant 0 : i32
      %dma_wait3A_542 = tpu.memref_slice %arg2[%dma_wait3A_540, %dma_wait3A_541] : memref<10000x128xf32, #tpu.memory_space<hbm>> -> memref<10000x128xf32, #tpu.memory_space<hbm>>
      tpu.wait_indirect_dma semaphore(%arg12 : memref<!tpu.dma_semaphore, #tpu.memory_space<semaphore_mem>>) src(%dma_wait3A_542 : memref<10000x128xf32, #tpu.memory_space<hbm>>) dst(%dma_wait3A_536 : memref<40x128xf32, #tpu.memory_space<vmem>>)
      %run_scoped3A_543 = arith.constant 1 : i32
      %run_scoped3A_544 = arith.constant 1 : i32
      "tpu.region"() ({
        %run_scoped3A_722 = tpu.sem_alloc : memref<!tpu.dma_semaphore, #tpu.memory_space<semaphore_mem>>
        %dma_start3A_723 = arith.constant 0 : i32
        %dma_start3A_724 = arith.constant 0 : i32
        %dma_start3A_725 = tpu.memref_slice %arg9[%run_scoped3A_543, %dma_start3A_723, %dma_start3A_724] : memref<7x40x128xf32, #tpu.memory_space<vmem>> -> memref<1x40x128xf32, #tpu.memory_space<vmem>>
        %dma_start3A_726 = tpu.memref_squeeze %dma_start3A_725 : memref<1x40x128xf32, #tpu.memory_space<vmem>> -> memref<40x128xf32, #tpu.memory_space<vmem>>
        %dma_start3A_727 = arith.constant 0 : i32
        %dma_start3A_728 = tpu.memref_slice %arg8[%run_scoped3A_544, %dma_start3A_727] : memref<7x40xi32, #tpu.memory_space<vmem>> -> memref<1x40xi32, #tpu.memory_space<vmem>>
        %dma_start3A_729 = tpu.memref_squeeze %dma_start3A_728 : memref<1x40xi32, #tpu.memory_space<vmem>> -> memref<40xi32, #tpu.memory_space<vmem>>
        %dma_start3A_730 = arith.constant 0 : i32
        %dma_start3A_731 = arith.constant 0 : i32
        %dma_start3A_732 = tpu.memref_slice %arg10[%dma_start3A_730, %dma_start3A_731] : memref<10000x128xf32, #tpu.memory_space<vmem_shared>> -> memref<10000x128xf32, #tpu.memory_space<vmem_shared>>
        tpu.enqueue_indirect_dma source(%dma_start3A_726 : memref<40x128xf32, #tpu.memory_space<vmem>>) target(%dma_start3A_732 : memref<10000x128xf32, #tpu.memory_space<vmem_shared>>) offsets(%dma_start3A_729 : memref<40xi32, #tpu.memory_space<vmem>>) semaphore(%run_scoped3A_722 : memref<!tpu.dma_semaphore, #tpu.memory_space<semaphore_mem>>) {add = true}
        %dma_wait3A_733 = arith.constant 0 : i32
        %dma_wait3A_734 = arith.constant 0 : i32
        %dma_wait3A_735 = tpu.memref_slice %arg9[%run_scoped3A_543, %dma_wait3A_733, %dma_wait3A_734] : memref<7x40x128xf32, #tpu.memory_space<vmem>> -> memref<1x40x128xf32, #tpu.memory_space<vmem>>
        %dma_wait3A_736 = tpu.memref_squeeze %dma_wait3A_735 : memref<1x40x128xf32, #tpu.memory_space<vmem>> -> memref<40x128xf32, #tpu.memory_space<vmem>>
        %dma_wait3A_737 = arith.constant 0 : i32
        %dma_wait3A_738 = tpu.memref_slice %arg8[%run_scoped3A_544, %dma_wait3A_737] : memref<7x40xi32, #tpu.memory_space<vmem>> -> memref<1x40xi32, #tpu.memory_space<vmem>>
        %dma_wait3A_739 = tpu.memref_squeeze %dma_wait3A_738 : memref<1x40xi32, #tpu.memory_space<vmem>> -> memref<40xi32, #tpu.memory_space<vmem>>
        %dma_wait3A_740 = arith.constant 0 : i32
        %dma_wait3A_741 = arith.constant 0 : i32
        %dma_wait3A_742 = tpu.memref_slice %arg10[%dma_wait3A_740, %dma_wait3A_741] : memref<10000x128xf32, #tpu.memory_space<vmem_shared>> -> memref<10000x128xf32, #tpu.memory_space<vmem_shared>>
        tpu.wait_indirect_dma semaphore(%run_scoped3A_722 : memref<!tpu.dma_semaphore, #tpu.memory_space<semaphore_mem>>) src(%dma_wait3A_736 : memref<40x128xf32, #tpu.memory_space<vmem>>) dst(%dma_wait3A_742 : memref<10000x128xf32, #tpu.memory_space<vmem_shared>>)
        tpu.yield
      }) : () -> ()
      %add3A_545 = arith.constant 7 : i32
      %add3A_546 = arith.addi %add3A_521, %add3A_545 : i32
      %lt3A_547 = arith.constant 250 : i32
      %lt3A_548 = arith.cmpi slt, %add3A_546, %lt3A_547 : i32
      %convert_element_type3A_549 = arith.extui %lt3A_548 : i1 to i32
      %cond3A_550 = arith.constant 0 : i32
      %cond3A_551 = arith.cmpi ne, %convert_element_type3A_549, %cond3A_550 : i32
      scf.if %cond3A_551 {
        %add3A_722 = arith.constant 7 : i32
        %add3A_723 = arith.addi %add3A_521, %add3A_722 : i32
        %dma_start3A_724 = arith.constant 1 : i32
        %dma_start3A_725 = arith.constant 0 : i32
        %dma_start3A_726 = tpu.memref_slice %arg7[%dma_start3A_724, %dma_start3A_725] : memref<7x40xi32, #tpu.memory_space<vmem>> -> memref<1x40xi32, #tpu.memory_space<vmem>>
        %dma_start3A_727 = tpu.memref_squeeze %dma_start3A_726 : memref<1x40xi32, #tpu.memory_space<vmem>> -> memref<40xi32, #tpu.memory_space<vmem>>
        %dma_start3A_728 = arith.constant 0 : i32
        %dma_start3A_729 = tpu.memref_slice %arg3[%add3A, %add3A_723, %dma_start3A_728] : memref<32x250x40xi32, #tpu.memory_space<hbm>> -> memref<1x1x40xi32, #tpu.memory_space<hbm>>
        %dma_start3A_730 = tpu.memref_squeeze %dma_start3A_729 : memref<1x1x40xi32, #tpu.memory_space<hbm>> -> memref<40xi32, #tpu.memory_space<hbm>>
        %dma_start3A_731 = arith.constant 0 : i32
        %dma_start3A_732 = tpu.memref_slice %arg7[%dma_start3A_724, %dma_start3A_731] : memref<7x40xi32, #tpu.memory_space<vmem>> -> memref<1x40xi32, #tpu.memory_space<vmem>>
        %dma_start3A_733 = tpu.memref_squeeze %dma_start3A_732 : memref<1x40xi32, #tpu.memory_space<vmem>> -> memref<40xi32, #tpu.memory_space<vmem>>
        %dma_start3A_734 = arith.constant 0 : i32
        %dma_start3A_735 = tpu.memref_slice %arg3[%add3A, %add3A_723, %dma_start3A_734] : memref<32x250x40xi32, #tpu.memory_space<hbm>> -> memref<1x1x40xi32, #tpu.memory_space<hbm>>
        %dma_start3A_736 = tpu.memref_squeeze %dma_start3A_735 : memref<1x1x40xi32, #tpu.memory_space<hbm>> -> memref<40xi32, #tpu.memory_space<hbm>>
        tpu.enqueue_dma source(%dma_start3A_736 : memref<40xi32, #tpu.memory_space<hbm>>) target(%dma_start3A_733 : memref<40xi32, #tpu.memory_space<vmem>>) target_semaphore(%arg19 : memref<!tpu.dma_semaphore, #tpu.memory_space<semaphore_mem>>)
        %dma_start3A_737 = arith.constant 1 : i32
        %dma_start3A_738 = arith.constant 0 : i32
        %dma_start3A_739 = tpu.memref_slice %arg8[%dma_start3A_737, %dma_start3A_738] : memref<7x40xi32, #tpu.memory_space<vmem>> -> memref<1x40xi32, #tpu.memory_space<vmem>>
        %dma_start3A_740 = tpu.memref_squeeze %dma_start3A_739 : memref<1x40xi32, #tpu.memory_space<vmem>> -> memref<40xi32, #tpu.memory_space<vmem>>
        %dma_start3A_741 = arith.constant 0 : i32
        %dma_start3A_742 = tpu.memref_slice %arg4[%add3A, %add3A_723, %dma_start3A_741] : memref<32x250x40xi32, #tpu.memory_space<hbm>> -> memref<1x1x40xi32, #tpu.memory_space<hbm>>
        %dma_start3A_743 = tpu.memref_squeeze %dma_start3A_742 : memref<1x1x40xi32, #tpu.memory_space<hbm>> -> memref<40xi32, #tpu.memory_space<hbm>>
        %dma_start3A_744 = arith.constant 0 : i32
        %dma_start3A_745 = tpu.memref_slice %arg8[%dma_start3A_737, %dma_start3A_744] : memref<7x40xi32, #tpu.memory_space<vmem>> -> memref<1x40xi32, #tpu.memory_space<vmem>>
        %dma_start3A_746 = tpu.memref_squeeze %dma_start3A_745 : memref<1x40xi32, #tpu.memory_space<vmem>> -> memref<40xi32, #tpu.memory_space<vmem>>
        %dma_start3A_747 = arith.constant 0 : i32
        %dma_start3A_748 = tpu.memref_slice %arg4[%add3A, %add3A_723, %dma_start3A_747] : memref<32x250x40xi32, #tpu.memory_space<hbm>> -> memref<1x1x40xi32, #tpu.memory_space<hbm>>
        %dma_start3A_749 = tpu.memref_squeeze %dma_start3A_748 : memref<1x1x40xi32, #tpu.memory_space<hbm>> -> memref<40xi32, #tpu.memory_space<hbm>>
        tpu.enqueue_dma source(%dma_start3A_749 : memref<40xi32, #tpu.memory_space<hbm>>) target(%dma_start3A_746 : memref<40xi32, #tpu.memory_space<vmem>>) target_semaphore(%arg19 : memref<!tpu.dma_semaphore, #tpu.memory_space<semaphore_mem>>)
      } else {
      }
      %mul3A_552 = arith.constant 7 : i32
      %mul3A_553 = arith.muli %mul3A_552, %scan3A_485 : i32
      %add3A_554 = arith.constant 2 : i32
      %add3A_555 = arith.addi %mul3A_553, %add3A_554 : i32
      %add3A_556 = arith.constant 7 : i32
      %add3A_557 = arith.addi %add3A_555, %add3A_556 : i32
      %sub3A_558 = arith.constant 2 : i32
      %sub3A_559 = arith.subi %add3A_557, %sub3A_558 : i32
      %lt3A_560 = arith.constant 250 : i32
      %lt3A_561 = arith.cmpi slt, %sub3A_559, %lt3A_560 : i32
      %convert_element_type3A_562 = arith.extui %lt3A_561 : i1 to i32
      %cond3A_563 = arith.constant 0 : i32
      %cond3A_564 = arith.cmpi ne, %convert_element_type3A_562, %cond3A_563 : i32
      scf.if %cond3A_564 {
        %dma_wait3A_722 = arith.constant 0 : i32
        %dma_wait3A_723 = arith.constant 0 : i32
        %dma_wait3A_724 = arith.constant 0 : i32
        %dma_wait3A_725 = tpu.memref_slice %arg7[%dma_wait3A_723, %dma_wait3A_724] : memref<7x40xi32, #tpu.memory_space<vmem>> -> memref<1x40xi32, #tpu.memory_space<vmem>>
        %dma_wait3A_726 = tpu.memref_squeeze %dma_wait3A_725 : memref<1x40xi32, #tpu.memory_space<vmem>> -> memref<40xi32, #tpu.memory_space<vmem>>
        %dma_wait3A_727 = arith.constant 0 : i32
        %dma_wait3A_728 = tpu.memref_slice %arg3[%add3A, %dma_wait3A_722, %dma_wait3A_727] : memref<32x250x40xi32, #tpu.memory_space<hbm>> -> memref<1x1x40xi32, #tpu.memory_space<hbm>>
        %dma_wait3A_729 = tpu.memref_squeeze %dma_wait3A_728 : memref<1x1x40xi32, #tpu.memory_space<hbm>> -> memref<40xi32, #tpu.memory_space<hbm>>
        %dma_wait3A_730 = arith.constant 0 : i32
        %dma_wait3A_731 = tpu.memref_slice %arg7[%dma_wait3A_723, %dma_wait3A_730] : memref<7x40xi32, #tpu.memory_space<vmem>> -> memref<1x40xi32, #tpu.memory_space<vmem>>
        %dma_wait3A_732 = tpu.memref_squeeze %dma_wait3A_731 : memref<1x40xi32, #tpu.memory_space<vmem>> -> memref<40xi32, #tpu.memory_space<vmem>>
        %dma_wait3A_733 = arith.constant 0 : i32
        %dma_wait3A_734 = tpu.memref_slice %arg3[%add3A, %dma_wait3A_722, %dma_wait3A_733] : memref<32x250x40xi32, #tpu.memory_space<hbm>> -> memref<1x1x40xi32, #tpu.memory_space<hbm>>
        %dma_wait3A_735 = tpu.memref_squeeze %dma_wait3A_734 : memref<1x1x40xi32, #tpu.memory_space<hbm>> -> memref<40xi32, #tpu.memory_space<hbm>>
        tpu.wait_dma2 semaphore(%arg18 : memref<!tpu.dma_semaphore, #tpu.memory_space<semaphore_mem>>) src(%dma_wait3A_735 : memref<40xi32, #tpu.memory_space<hbm>>) dst(%dma_wait3A_732 : memref<40xi32, #tpu.memory_space<vmem>>)
        %dma_wait3A_736 = arith.constant 0 : i32
        %dma_wait3A_737 = arith.constant 0 : i32
        %dma_wait3A_738 = arith.constant 0 : i32
        %dma_wait3A_739 = tpu.memref_slice %arg8[%dma_wait3A_737, %dma_wait3A_738] : memref<7x40xi32, #tpu.memory_space<vmem>> -> memref<1x40xi32, #tpu.memory_space<vmem>>
        %dma_wait3A_740 = tpu.memref_squeeze %dma_wait3A_739 : memref<1x40xi32, #tpu.memory_space<vmem>> -> memref<40xi32, #tpu.memory_space<vmem>>
        %dma_wait3A_741 = arith.constant 0 : i32
        %dma_wait3A_742 = tpu.memref_slice %arg4[%add3A, %dma_wait3A_736, %dma_wait3A_741] : memref<32x250x40xi32, #tpu.memory_space<hbm>> -> memref<1x1x40xi32, #tpu.memory_space<hbm>>
        %dma_wait3A_743 = tpu.memref_squeeze %dma_wait3A_742 : memref<1x1x40xi32, #tpu.memory_space<hbm>> -> memref<40xi32, #tpu.memory_space<hbm>>
        %dma_wait3A_744 = arith.constant 0 : i32
        %dma_wait3A_745 = tpu.memref_slice %arg8[%dma_wait3A_737, %dma_wait3A_744] : memref<7x40xi32, #tpu.memory_space<vmem>> -> memref<1x40xi32, #tpu.memory_space<vmem>>
        %dma_wait3A_746 = tpu.memref_squeeze %dma_wait3A_745 : memref<1x40xi32, #tpu.memory_space<vmem>> -> memref<40xi32, #tpu.memory_space<vmem>>
        %dma_wait3A_747 = arith.constant 0 : i32
        %dma_wait3A_748 = tpu.memref_slice %arg4[%add3A, %dma_wait3A_736, %dma_wait3A_747] : memref<32x250x40xi32, #tpu.memory_space<hbm>> -> memref<1x1x40xi32, #tpu.memory_space<hbm>>
        %dma_wait3A_749 = tpu.memref_squeeze %dma_wait3A_748 : memref<1x1x40xi32, #tpu.memory_space<hbm>> -> memref<40xi32, #tpu.memory_space<hbm>>
        tpu.wait_dma2 semaphore(%arg18 : memref<!tpu.dma_semaphore, #tpu.memory_space<semaphore_mem>>) src(%dma_wait3A_749 : memref<40xi32, #tpu.memory_space<hbm>>) dst(%dma_wait3A_746 : memref<40xi32, #tpu.memory_space<vmem>>)
        %dma_start3A_750 = arith.constant 0 : i32
        %dma_start3A_751 = arith.constant 0 : i32
        %dma_start3A_752 = arith.constant 0 : i32
        %dma_start3A_753 = arith.constant 0 : i32
        %dma_start3A_754 = tpu.memref_slice %arg9[%dma_start3A_751, %dma_start3A_752, %dma_start3A_753] : memref<7x40x128xf32, #tpu.memory_space<vmem>> -> memref<1x40x128xf32, #tpu.memory_space<vmem>>
        %dma_start3A_755 = tpu.memref_squeeze %dma_start3A_754 : memref<1x40x128xf32, #tpu.memory_space<vmem>> -> memref<40x128xf32, #tpu.memory_space<vmem>>
        %dma_start3A_756 = arith.constant 0 : i32
        %dma_start3A_757 = tpu.memref_slice %arg7[%dma_start3A_750, %dma_start3A_756] : memref<7x40xi32, #tpu.memory_space<vmem>> -> memref<1x40xi32, #tpu.memory_space<vmem>>
        %dma_start3A_758 = tpu.memref_squeeze %dma_start3A_757 : memref<1x40xi32, #tpu.memory_space<vmem>> -> memref<40xi32, #tpu.memory_space<vmem>>
        %dma_start3A_759 = arith.constant 0 : i32
        %dma_start3A_760 = arith.constant 0 : i32
        %dma_start3A_761 = tpu.memref_slice %arg2[%dma_start3A_759, %dma_start3A_760] : memref<10000x128xf32, #tpu.memory_space<hbm>> -> memref<10000x128xf32, #tpu.memory_space<hbm>>
        tpu.enqueue_indirect_dma source(%dma_start3A_761 : memref<10000x128xf32, #tpu.memory_space<hbm>>) target(%dma_start3A_755 : memref<40x128xf32, #tpu.memory_space<vmem>>) offsets(%dma_start3A_758 : memref<40xi32, #tpu.memory_space<vmem>>) semaphore(%arg11 : memref<!tpu.dma_semaphore, #tpu.memory_space<semaphore_mem>>)
      } else {
      }
      %dma_wait3A_565 = arith.constant 0 : i32
      %dma_wait3A_566 = arith.constant 2 : i32
      %dma_wait3A_567 = arith.constant 0 : i32
      %dma_wait3A_568 = arith.constant 0 : i32
      %dma_wait3A_569 = tpu.memref_slice %arg9[%dma_wait3A_566, %dma_wait3A_567, %dma_wait3A_568] : memref<7x40x128xf32, #tpu.memory_space<vmem>> -> memref<1x40x128xf32, #tpu.memory_space<vmem>>
      %dma_wait3A_570 = tpu.memref_squeeze %dma_wait3A_569 : memref<1x40x128xf32, #tpu.memory_space<vmem>> -> memref<40x128xf32, #tpu.memory_space<vmem>>
      %dma_wait3A_571 = arith.constant 0 : i32
      %dma_wait3A_572 = tpu.memref_slice %arg7[%dma_wait3A_565, %dma_wait3A_571] : memref<7x40xi32, #tpu.memory_space<vmem>> -> memref<1x40xi32, #tpu.memory_space<vmem>>
      %dma_wait3A_573 = tpu.memref_squeeze %dma_wait3A_572 : memref<1x40xi32, #tpu.memory_space<vmem>> -> memref<40xi32, #tpu.memory_space<vmem>>
      %dma_wait3A_574 = arith.constant 0 : i32
      %dma_wait3A_575 = arith.constant 0 : i32
      %dma_wait3A_576 = tpu.memref_slice %arg2[%dma_wait3A_574, %dma_wait3A_575] : memref<10000x128xf32, #tpu.memory_space<hbm>> -> memref<10000x128xf32, #tpu.memory_space<hbm>>
      tpu.wait_indirect_dma semaphore(%arg13 : memref<!tpu.dma_semaphore, #tpu.memory_space<semaphore_mem>>) src(%dma_wait3A_576 : memref<10000x128xf32, #tpu.memory_space<hbm>>) dst(%dma_wait3A_570 : memref<40x128xf32, #tpu.memory_space<vmem>>)
      %run_scoped3A_577 = arith.constant 2 : i32
      %run_scoped3A_578 = arith.constant 2 : i32
      "tpu.region"() ({
        %run_scoped3A_722 = tpu.sem_alloc : memref<!tpu.dma_semaphore, #tpu.memory_space<semaphore_mem>>
        %dma_start3A_723 = arith.constant 0 : i32
        %dma_start3A_724 = arith.constant 0 : i32
        %dma_start3A_725 = tpu.memref_slice %arg9[%run_scoped3A_577, %dma_start3A_723, %dma_start3A_724] : memref<7x40x128xf32, #tpu.memory_space<vmem>> -> memref<1x40x128xf32, #tpu.memory_space<vmem>>
        %dma_start3A_726 = tpu.memref_squeeze %dma_start3A_725 : memref<1x40x128xf32, #tpu.memory_space<vmem>> -> memref<40x128xf32, #tpu.memory_space<vmem>>
        %dma_start3A_727 = arith.constant 0 : i32
        %dma_start3A_728 = tpu.memref_slice %arg8[%run_scoped3A_578, %dma_start3A_727] : memref<7x40xi32, #tpu.memory_space<vmem>> -> memref<1x40xi32, #tpu.memory_space<vmem>>
        %dma_start3A_729 = tpu.memref_squeeze %dma_start3A_728 : memref<1x40xi32, #tpu.memory_space<vmem>> -> memref<40xi32, #tpu.memory_space<vmem>>
        %dma_start3A_730 = arith.constant 0 : i32
        %dma_start3A_731 = arith.constant 0 : i32
        %dma_start3A_732 = tpu.memref_slice %arg10[%dma_start3A_730, %dma_start3A_731] : memref<10000x128xf32, #tpu.memory_space<vmem_shared>> -> memref<10000x128xf32, #tpu.memory_space<vmem_shared>>
        tpu.enqueue_indirect_dma source(%dma_start3A_726 : memref<40x128xf32, #tpu.memory_space<vmem>>) target(%dma_start3A_732 : memref<10000x128xf32, #tpu.memory_space<vmem_shared>>) offsets(%dma_start3A_729 : memref<40xi32, #tpu.memory_space<vmem>>) semaphore(%run_scoped3A_722 : memref<!tpu.dma_semaphore, #tpu.memory_space<semaphore_mem>>) {add = true}
        %dma_wait3A_733 = arith.constant 0 : i32
        %dma_wait3A_734 = arith.constant 0 : i32
        %dma_wait3A_735 = tpu.memref_slice %arg9[%run_scoped3A_577, %dma_wait3A_733, %dma_wait3A_734] : memref<7x40x128xf32, #tpu.memory_space<vmem>> -> memref<1x40x128xf32, #tpu.memory_space<vmem>>
        %dma_wait3A_736 = tpu.memref_squeeze %dma_wait3A_735 : memref<1x40x128xf32, #tpu.memory_space<vmem>> -> memref<40x128xf32, #tpu.memory_space<vmem>>
        %dma_wait3A_737 = arith.constant 0 : i32
        %dma_wait3A_738 = tpu.memref_slice %arg8[%run_scoped3A_578, %dma_wait3A_737] : memref<7x40xi32, #tpu.memory_space<vmem>> -> memref<1x40xi32, #tpu.memory_space<vmem>>
        %dma_wait3A_739 = tpu.memref_squeeze %dma_wait3A_738 : memref<1x40xi32, #tpu.memory_space<vmem>> -> memref<40xi32, #tpu.memory_space<vmem>>
        %dma_wait3A_740 = arith.constant 0 : i32
        %dma_wait3A_741 = arith.constant 0 : i32
        %dma_wait3A_742 = tpu.memref_slice %arg10[%dma_wait3A_740, %dma_wait3A_741] : memref<10000x128xf32, #tpu.memory_space<vmem_shared>> -> memref<10000x128xf32, #tpu.memory_space<vmem_shared>>
        tpu.wait_indirect_dma semaphore(%run_scoped3A_722 : memref<!tpu.dma_semaphore, #tpu.memory_space<semaphore_mem>>) src(%dma_wait3A_736 : memref<40x128xf32, #tpu.memory_space<vmem>>) dst(%dma_wait3A_742 : memref<10000x128xf32, #tpu.memory_space<vmem_shared>>)
        tpu.yield
      }) : () -> ()
      %add3A_579 = arith.constant 7 : i32
      %add3A_580 = arith.addi %add3A_555, %add3A_579 : i32
      %lt3A_581 = arith.constant 250 : i32
      %lt3A_582 = arith.cmpi slt, %add3A_580, %lt3A_581 : i32
      %convert_element_type3A_583 = arith.extui %lt3A_582 : i1 to i32
      %cond3A_584 = arith.constant 0 : i32
      %cond3A_585 = arith.cmpi ne, %convert_element_type3A_583, %cond3A_584 : i32
      scf.if %cond3A_585 {
        %add3A_722 = arith.constant 7 : i32
        %add3A_723 = arith.addi %add3A_555, %add3A_722 : i32
        %dma_start3A_724 = arith.constant 2 : i32
        %dma_start3A_725 = arith.constant 0 : i32
        %dma_start3A_726 = tpu.memref_slice %arg7[%dma_start3A_724, %dma_start3A_725] : memref<7x40xi32, #tpu.memory_space<vmem>> -> memref<1x40xi32, #tpu.memory_space<vmem>>
        %dma_start3A_727 = tpu.memref_squeeze %dma_start3A_726 : memref<1x40xi32, #tpu.memory_space<vmem>> -> memref<40xi32, #tpu.memory_space<vmem>>
        %dma_start3A_728 = arith.constant 0 : i32
        %dma_start3A_729 = tpu.memref_slice %arg3[%add3A, %add3A_723, %dma_start3A_728] : memref<32x250x40xi32, #tpu.memory_space<hbm>> -> memref<1x1x40xi32, #tpu.memory_space<hbm>>
        %dma_start3A_730 = tpu.memref_squeeze %dma_start3A_729 : memref<1x1x40xi32, #tpu.memory_space<hbm>> -> memref<40xi32, #tpu.memory_space<hbm>>
        %dma_start3A_731 = arith.constant 0 : i32
        %dma_start3A_732 = tpu.memref_slice %arg7[%dma_start3A_724, %dma_start3A_731] : memref<7x40xi32, #tpu.memory_space<vmem>> -> memref<1x40xi32, #tpu.memory_space<vmem>>
        %dma_start3A_733 = tpu.memref_squeeze %dma_start3A_732 : memref<1x40xi32, #tpu.memory_space<vmem>> -> memref<40xi32, #tpu.memory_space<vmem>>
        %dma_start3A_734 = arith.constant 0 : i32
        %dma_start3A_735 = tpu.memref_slice %arg3[%add3A, %add3A_723, %dma_start3A_734] : memref<32x250x40xi32, #tpu.memory_space<hbm>> -> memref<1x1x40xi32, #tpu.memory_space<hbm>>
        %dma_start3A_736 = tpu.memref_squeeze %dma_start3A_735 : memref<1x1x40xi32, #tpu.memory_space<hbm>> -> memref<40xi32, #tpu.memory_space<hbm>>
        tpu.enqueue_dma source(%dma_start3A_736 : memref<40xi32, #tpu.memory_space<hbm>>) target(%dma_start3A_733 : memref<40xi32, #tpu.memory_space<vmem>>) target_semaphore(%arg20 : memref<!tpu.dma_semaphore, #tpu.memory_space<semaphore_mem>>)
        %dma_start3A_737 = arith.constant 2 : i32
        %dma_start3A_738 = arith.constant 0 : i32
        %dma_start3A_739 = tpu.memref_slice %arg8[%dma_start3A_737, %dma_start3A_738] : memref<7x40xi32, #tpu.memory_space<vmem>> -> memref<1x40xi32, #tpu.memory_space<vmem>>
        %dma_start3A_740 = tpu.memref_squeeze %dma_start3A_739 : memref<1x40xi32, #tpu.memory_space<vmem>> -> memref<40xi32, #tpu.memory_space<vmem>>
        %dma_start3A_741 = arith.constant 0 : i32
        %dma_start3A_742 = tpu.memref_slice %arg4[%add3A, %add3A_723, %dma_start3A_741] : memref<32x250x40xi32, #tpu.memory_space<hbm>> -> memref<1x1x40xi32, #tpu.memory_space<hbm>>
        %dma_start3A_743 = tpu.memref_squeeze %dma_start3A_742 : memref<1x1x40xi32, #tpu.memory_space<hbm>> -> memref<40xi32, #tpu.memory_space<hbm>>
        %dma_start3A_744 = arith.constant 0 : i32
        %dma_start3A_745 = tpu.memref_slice %arg8[%dma_start3A_737, %dma_start3A_744] : memref<7x40xi32, #tpu.memory_space<vmem>> -> memref<1x40xi32, #tpu.memory_space<vmem>>
        %dma_start3A_746 = tpu.memref_squeeze %dma_start3A_745 : memref<1x40xi32, #tpu.memory_space<vmem>> -> memref<40xi32, #tpu.memory_space<vmem>>
        %dma_start3A_747 = arith.constant 0 : i32
        %dma_start3A_748 = tpu.memref_slice %arg4[%add3A, %add3A_723, %dma_start3A_747] : memref<32x250x40xi32, #tpu.memory_space<hbm>> -> memref<1x1x40xi32, #tpu.memory_space<hbm>>
        %dma_start3A_749 = tpu.memref_squeeze %dma_start3A_748 : memref<1x1x40xi32, #tpu.memory_space<hbm>> -> memref<40xi32, #tpu.memory_space<hbm>>
        tpu.enqueue_dma source(%dma_start3A_749 : memref<40xi32, #tpu.memory_space<hbm>>) target(%dma_start3A_746 : memref<40xi32, #tpu.memory_space<vmem>>) target_semaphore(%arg20 : memref<!tpu.dma_semaphore, #tpu.memory_space<semaphore_mem>>)
      } else {
      }
      %mul3A_586 = arith.constant 7 : i32
      %mul3A_587 = arith.muli %mul3A_586, %scan3A_485 : i32
      %add3A_588 = arith.constant 3 : i32
      %add3A_589 = arith.addi %mul3A_587, %add3A_588 : i32
      %add3A_590 = arith.constant 7 : i32
      %add3A_591 = arith.addi %add3A_589, %add3A_590 : i32
      %sub3A_592 = arith.constant 2 : i32
      %sub3A_593 = arith.subi %add3A_591, %sub3A_592 : i32
      %lt3A_594 = arith.constant 250 : i32
      %lt3A_595 = arith.cmpi slt, %sub3A_593, %lt3A_594 : i32
      %convert_element_type3A_596 = arith.extui %lt3A_595 : i1 to i32
      %cond3A_597 = arith.constant 0 : i32
      %cond3A_598 = arith.cmpi ne, %convert_element_type3A_596, %cond3A_597 : i32
      scf.if %cond3A_598 {
        %dma_wait3A_722 = arith.constant 0 : i32
        %dma_wait3A_723 = arith.constant 1 : i32
        %dma_wait3A_724 = arith.constant 0 : i32
        %dma_wait3A_725 = tpu.memref_slice %arg7[%dma_wait3A_723, %dma_wait3A_724] : memref<7x40xi32, #tpu.memory_space<vmem>> -> memref<1x40xi32, #tpu.memory_space<vmem>>
        %dma_wait3A_726 = tpu.memref_squeeze %dma_wait3A_725 : memref<1x40xi32, #tpu.memory_space<vmem>> -> memref<40xi32, #tpu.memory_space<vmem>>
        %dma_wait3A_727 = arith.constant 0 : i32
        %dma_wait3A_728 = tpu.memref_slice %arg3[%add3A, %dma_wait3A_722, %dma_wait3A_727] : memref<32x250x40xi32, #tpu.memory_space<hbm>> -> memref<1x1x40xi32, #tpu.memory_space<hbm>>
        %dma_wait3A_729 = tpu.memref_squeeze %dma_wait3A_728 : memref<1x1x40xi32, #tpu.memory_space<hbm>> -> memref<40xi32, #tpu.memory_space<hbm>>
        %dma_wait3A_730 = arith.constant 0 : i32
        %dma_wait3A_731 = tpu.memref_slice %arg7[%dma_wait3A_723, %dma_wait3A_730] : memref<7x40xi32, #tpu.memory_space<vmem>> -> memref<1x40xi32, #tpu.memory_space<vmem>>
        %dma_wait3A_732 = tpu.memref_squeeze %dma_wait3A_731 : memref<1x40xi32, #tpu.memory_space<vmem>> -> memref<40xi32, #tpu.memory_space<vmem>>
        %dma_wait3A_733 = arith.constant 0 : i32
        %dma_wait3A_734 = tpu.memref_slice %arg3[%add3A, %dma_wait3A_722, %dma_wait3A_733] : memref<32x250x40xi32, #tpu.memory_space<hbm>> -> memref<1x1x40xi32, #tpu.memory_space<hbm>>
        %dma_wait3A_735 = tpu.memref_squeeze %dma_wait3A_734 : memref<1x1x40xi32, #tpu.memory_space<hbm>> -> memref<40xi32, #tpu.memory_space<hbm>>
        tpu.wait_dma2 semaphore(%arg19 : memref<!tpu.dma_semaphore, #tpu.memory_space<semaphore_mem>>) src(%dma_wait3A_735 : memref<40xi32, #tpu.memory_space<hbm>>) dst(%dma_wait3A_732 : memref<40xi32, #tpu.memory_space<vmem>>)
        %dma_wait3A_736 = arith.constant 0 : i32
        %dma_wait3A_737 = arith.constant 1 : i32
        %dma_wait3A_738 = arith.constant 0 : i32
        %dma_wait3A_739 = tpu.memref_slice %arg8[%dma_wait3A_737, %dma_wait3A_738] : memref<7x40xi32, #tpu.memory_space<vmem>> -> memref<1x40xi32, #tpu.memory_space<vmem>>
        %dma_wait3A_740 = tpu.memref_squeeze %dma_wait3A_739 : memref<1x40xi32, #tpu.memory_space<vmem>> -> memref<40xi32, #tpu.memory_space<vmem>>
        %dma_wait3A_741 = arith.constant 0 : i32
        %dma_wait3A_742 = tpu.memref_slice %arg4[%add3A, %dma_wait3A_736, %dma_wait3A_741] : memref<32x250x40xi32, #tpu.memory_space<hbm>> -> memref<1x1x40xi32, #tpu.memory_space<hbm>>
        %dma_wait3A_743 = tpu.memref_squeeze %dma_wait3A_742 : memref<1x1x40xi32, #tpu.memory_space<hbm>> -> memref<40xi32, #tpu.memory_space<hbm>>
        %dma_wait3A_744 = arith.constant 0 : i32
        %dma_wait3A_745 = tpu.memref_slice %arg8[%dma_wait3A_737, %dma_wait3A_744] : memref<7x40xi32, #tpu.memory_space<vmem>> -> memref<1x40xi32, #tpu.memory_space<vmem>>
        %dma_wait3A_746 = tpu.memref_squeeze %dma_wait3A_745 : memref<1x40xi32, #tpu.memory_space<vmem>> -> memref<40xi32, #tpu.memory_space<vmem>>
        %dma_wait3A_747 = arith.constant 0 : i32
        %dma_wait3A_748 = tpu.memref_slice %arg4[%add3A, %dma_wait3A_736, %dma_wait3A_747] : memref<32x250x40xi32, #tpu.memory_space<hbm>> -> memref<1x1x40xi32, #tpu.memory_space<hbm>>
        %dma_wait3A_749 = tpu.memref_squeeze %dma_wait3A_748 : memref<1x1x40xi32, #tpu.memory_space<hbm>> -> memref<40xi32, #tpu.memory_space<hbm>>
        tpu.wait_dma2 semaphore(%arg19 : memref<!tpu.dma_semaphore, #tpu.memory_space<semaphore_mem>>) src(%dma_wait3A_749 : memref<40xi32, #tpu.memory_space<hbm>>) dst(%dma_wait3A_746 : memref<40xi32, #tpu.memory_space<vmem>>)
        %dma_start3A_750 = arith.constant 1 : i32
        %dma_start3A_751 = arith.constant 1 : i32
        %dma_start3A_752 = arith.constant 0 : i32
        %dma_start3A_753 = arith.constant 0 : i32
        %dma_start3A_754 = tpu.memref_slice %arg9[%dma_start3A_751, %dma_start3A_752, %dma_start3A_753] : memref<7x40x128xf32, #tpu.memory_space<vmem>> -> memref<1x40x128xf32, #tpu.memory_space<vmem>>
        %dma_start3A_755 = tpu.memref_squeeze %dma_start3A_754 : memref<1x40x128xf32, #tpu.memory_space<vmem>> -> memref<40x128xf32, #tpu.memory_space<vmem>>
        %dma_start3A_756 = arith.constant 0 : i32
        %dma_start3A_757 = tpu.memref_slice %arg7[%dma_start3A_750, %dma_start3A_756] : memref<7x40xi32, #tpu.memory_space<vmem>> -> memref<1x40xi32, #tpu.memory_space<vmem>>
        %dma_start3A_758 = tpu.memref_squeeze %dma_start3A_757 : memref<1x40xi32, #tpu.memory_space<vmem>> -> memref<40xi32, #tpu.memory_space<vmem>>
        %dma_start3A_759 = arith.constant 0 : i32
        %dma_start3A_760 = arith.constant 0 : i32
        %dma_start3A_761 = tpu.memref_slice %arg2[%dma_start3A_759, %dma_start3A_760] : memref<10000x128xf32, #tpu.memory_space<hbm>> -> memref<10000x128xf32, #tpu.memory_space<hbm>>
        tpu.enqueue_indirect_dma source(%dma_start3A_761 : memref<10000x128xf32, #tpu.memory_space<hbm>>) target(%dma_start3A_755 : memref<40x128xf32, #tpu.memory_space<vmem>>) offsets(%dma_start3A_758 : memref<40xi32, #tpu.memory_space<vmem>>) semaphore(%arg12 : memref<!tpu.dma_semaphore, #tpu.memory_space<semaphore_mem>>)
      } else {
      }
      %dma_wait3A_599 = arith.constant 0 : i32
      %dma_wait3A_600 = arith.constant 3 : i32
      %dma_wait3A_601 = arith.constant 0 : i32
      %dma_wait3A_602 = arith.constant 0 : i32
      %dma_wait3A_603 = tpu.memref_slice %arg9[%dma_wait3A_600, %dma_wait3A_601, %dma_wait3A_602] : memref<7x40x128xf32, #tpu.memory_space<vmem>> -> memref<1x40x128xf32, #tpu.memory_space<vmem>>
      %dma_wait3A_604 = tpu.memref_squeeze %dma_wait3A_603 : memref<1x40x128xf32, #tpu.memory_space<vmem>> -> memref<40x128xf32, #tpu.memory_space<vmem>>
      %dma_wait3A_605 = arith.constant 0 : i32
      %dma_wait3A_606 = tpu.memref_slice %arg7[%dma_wait3A_599, %dma_wait3A_605] : memref<7x40xi32, #tpu.memory_space<vmem>> -> memref<1x40xi32, #tpu.memory_space<vmem>>
      %dma_wait3A_607 = tpu.memref_squeeze %dma_wait3A_606 : memref<1x40xi32, #tpu.memory_space<vmem>> -> memref<40xi32, #tpu.memory_space<vmem>>
      %dma_wait3A_608 = arith.constant 0 : i32
      %dma_wait3A_609 = arith.constant 0 : i32
      %dma_wait3A_610 = tpu.memref_slice %arg2[%dma_wait3A_608, %dma_wait3A_609] : memref<10000x128xf32, #tpu.memory_space<hbm>> -> memref<10000x128xf32, #tpu.memory_space<hbm>>
      tpu.wait_indirect_dma semaphore(%arg14 : memref<!tpu.dma_semaphore, #tpu.memory_space<semaphore_mem>>) src(%dma_wait3A_610 : memref<10000x128xf32, #tpu.memory_space<hbm>>) dst(%dma_wait3A_604 : memref<40x128xf32, #tpu.memory_space<vmem>>)
      %run_scoped3A_611 = arith.constant 3 : i32
      %run_scoped3A_612 = arith.constant 3 : i32
      "tpu.region"() ({
        %run_scoped3A_722 = tpu.sem_alloc : memref<!tpu.dma_semaphore, #tpu.memory_space<semaphore_mem>>
        %dma_start3A_723 = arith.constant 0 : i32
        %dma_start3A_724 = arith.constant 0 : i32
        %dma_start3A_725 = tpu.memref_slice %arg9[%run_scoped3A_611, %dma_start3A_723, %dma_start3A_724] : memref<7x40x128xf32, #tpu.memory_space<vmem>> -> memref<1x40x128xf32, #tpu.memory_space<vmem>>
        %dma_start3A_726 = tpu.memref_squeeze %dma_start3A_725 : memref<1x40x128xf32, #tpu.memory_space<vmem>> -> memref<40x128xf32, #tpu.memory_space<vmem>>
        %dma_start3A_727 = arith.constant 0 : i32
        %dma_start3A_728 = tpu.memref_slice %arg8[%run_scoped3A_612, %dma_start3A_727] : memref<7x40xi32, #tpu.memory_space<vmem>> -> memref<1x40xi32, #tpu.memory_space<vmem>>
        %dma_start3A_729 = tpu.memref_squeeze %dma_start3A_728 : memref<1x40xi32, #tpu.memory_space<vmem>> -> memref<40xi32, #tpu.memory_space<vmem>>
        %dma_start3A_730 = arith.constant 0 : i32
        %dma_start3A_731 = arith.constant 0 : i32
        %dma_start3A_732 = tpu.memref_slice %arg10[%dma_start3A_730, %dma_start3A_731] : memref<10000x128xf32, #tpu.memory_space<vmem_shared>> -> memref<10000x128xf32, #tpu.memory_space<vmem_shared>>
        tpu.enqueue_indirect_dma source(%dma_start3A_726 : memref<40x128xf32, #tpu.memory_space<vmem>>) target(%dma_start3A_732 : memref<10000x128xf32, #tpu.memory_space<vmem_shared>>) offsets(%dma_start3A_729 : memref<40xi32, #tpu.memory_space<vmem>>) semaphore(%run_scoped3A_722 : memref<!tpu.dma_semaphore, #tpu.memory_space<semaphore_mem>>) {add = true}
        %dma_wait3A_733 = arith.constant 0 : i32
        %dma_wait3A_734 = arith.constant 0 : i32
        %dma_wait3A_735 = tpu.memref_slice %arg9[%run_scoped3A_611, %dma_wait3A_733, %dma_wait3A_734] : memref<7x40x128xf32, #tpu.memory_space<vmem>> -> memref<1x40x128xf32, #tpu.memory_space<vmem>>
        %dma_wait3A_736 = tpu.memref_squeeze %dma_wait3A_735 : memref<1x40x128xf32, #tpu.memory_space<vmem>> -> memref<40x128xf32, #tpu.memory_space<vmem>>
        %dma_wait3A_737 = arith.constant 0 : i32
        %dma_wait3A_738 = tpu.memref_slice %arg8[%run_scoped3A_612, %dma_wait3A_737] : memref<7x40xi32, #tpu.memory_space<vmem>> -> memref<1x40xi32, #tpu.memory_space<vmem>>
        %dma_wait3A_739 = tpu.memref_squeeze %dma_wait3A_738 : memref<1x40xi32, #tpu.memory_space<vmem>> -> memref<40xi32, #tpu.memory_space<vmem>>
        %dma_wait3A_740 = arith.constant 0 : i32
        %dma_wait3A_741 = arith.constant 0 : i32
        %dma_wait3A_742 = tpu.memref_slice %arg10[%dma_wait3A_740, %dma_wait3A_741] : memref<10000x128xf32, #tpu.memory_space<vmem_shared>> -> memref<10000x128xf32, #tpu.memory_space<vmem_shared>>
        tpu.wait_indirect_dma semaphore(%run_scoped3A_722 : memref<!tpu.dma_semaphore, #tpu.memory_space<semaphore_mem>>) src(%dma_wait3A_736 : memref<40x128xf32, #tpu.memory_space<vmem>>) dst(%dma_wait3A_742 : memref<10000x128xf32, #tpu.memory_space<vmem_shared>>)
        tpu.yield
      }) : () -> ()
      %add3A_613 = arith.constant 7 : i32
      %add3A_614 = arith.addi %add3A_589, %add3A_613 : i32
      %lt3A_615 = arith.constant 250 : i32
      %lt3A_616 = arith.cmpi slt, %add3A_614, %lt3A_615 : i32
      %convert_element_type3A_617 = arith.extui %lt3A_616 : i1 to i32
      %cond3A_618 = arith.constant 0 : i32
      %cond3A_619 = arith.cmpi ne, %convert_element_type3A_617, %cond3A_618 : i32
      scf.if %cond3A_619 {
        %add3A_722 = arith.constant 7 : i32
        %add3A_723 = arith.addi %add3A_589, %add3A_722 : i32
        %dma_start3A_724 = arith.constant 3 : i32
        %dma_start3A_725 = arith.constant 0 : i32
        %dma_start3A_726 = tpu.memref_slice %arg7[%dma_start3A_724, %dma_start3A_725] : memref<7x40xi32, #tpu.memory_space<vmem>> -> memref<1x40xi32, #tpu.memory_space<vmem>>
        %dma_start3A_727 = tpu.memref_squeeze %dma_start3A_726 : memref<1x40xi32, #tpu.memory_space<vmem>> -> memref<40xi32, #tpu.memory_space<vmem>>
        %dma_start3A_728 = arith.constant 0 : i32
        %dma_start3A_729 = tpu.memref_slice %arg3[%add3A, %add3A_723, %dma_start3A_728] : memref<32x250x40xi32, #tpu.memory_space<hbm>> -> memref<1x1x40xi32, #tpu.memory_space<hbm>>
        %dma_start3A_730 = tpu.memref_squeeze %dma_start3A_729 : memref<1x1x40xi32, #tpu.memory_space<hbm>> -> memref<40xi32, #tpu.memory_space<hbm>>
        %dma_start3A_731 = arith.constant 0 : i32
        %dma_start3A_732 = tpu.memref_slice %arg7[%dma_start3A_724, %dma_start3A_731] : memref<7x40xi32, #tpu.memory_space<vmem>> -> memref<1x40xi32, #tpu.memory_space<vmem>>
        %dma_start3A_733 = tpu.memref_squeeze %dma_start3A_732 : memref<1x40xi32, #tpu.memory_space<vmem>> -> memref<40xi32, #tpu.memory_space<vmem>>
        %dma_start3A_734 = arith.constant 0 : i32
        %dma_start3A_735 = tpu.memref_slice %arg3[%add3A, %add3A_723, %dma_start3A_734] : memref<32x250x40xi32, #tpu.memory_space<hbm>> -> memref<1x1x40xi32, #tpu.memory_space<hbm>>
        %dma_start3A_736 = tpu.memref_squeeze %dma_start3A_735 : memref<1x1x40xi32, #tpu.memory_space<hbm>> -> memref<40xi32, #tpu.memory_space<hbm>>
        tpu.enqueue_dma source(%dma_start3A_736 : memref<40xi32, #tpu.memory_space<hbm>>) target(%dma_start3A_733 : memref<40xi32, #tpu.memory_space<vmem>>) target_semaphore(%arg21 : memref<!tpu.dma_semaphore, #tpu.memory_space<semaphore_mem>>)
        %dma_start3A_737 = arith.constant 3 : i32
        %dma_start3A_738 = arith.constant 0 : i32
        %dma_start3A_739 = tpu.memref_slice %arg8[%dma_start3A_737, %dma_start3A_738] : memref<7x40xi32, #tpu.memory_space<vmem>> -> memref<1x40xi32, #tpu.memory_space<vmem>>
        %dma_start3A_740 = tpu.memref_squeeze %dma_start3A_739 : memref<1x40xi32, #tpu.memory_space<vmem>> -> memref<40xi32, #tpu.memory_space<vmem>>
        %dma_start3A_741 = arith.constant 0 : i32
        %dma_start3A_742 = tpu.memref_slice %arg4[%add3A, %add3A_723, %dma_start3A_741] : memref<32x250x40xi32, #tpu.memory_space<hbm>> -> memref<1x1x40xi32, #tpu.memory_space<hbm>>
        %dma_start3A_743 = tpu.memref_squeeze %dma_start3A_742 : memref<1x1x40xi32, #tpu.memory_space<hbm>> -> memref<40xi32, #tpu.memory_space<hbm>>
        %dma_start3A_744 = arith.constant 0 : i32
        %dma_start3A_745 = tpu.memref_slice %arg8[%dma_start3A_737, %dma_start3A_744] : memref<7x40xi32, #tpu.memory_space<vmem>> -> memref<1x40xi32, #tpu.memory_space<vmem>>
        %dma_start3A_746 = tpu.memref_squeeze %dma_start3A_745 : memref<1x40xi32, #tpu.memory_space<vmem>> -> memref<40xi32, #tpu.memory_space<vmem>>
        %dma_start3A_747 = arith.constant 0 : i32
        %dma_start3A_748 = tpu.memref_slice %arg4[%add3A, %add3A_723, %dma_start3A_747] : memref<32x250x40xi32, #tpu.memory_space<hbm>> -> memref<1x1x40xi32, #tpu.memory_space<hbm>>
        %dma_start3A_749 = tpu.memref_squeeze %dma_start3A_748 : memref<1x1x40xi32, #tpu.memory_space<hbm>> -> memref<40xi32, #tpu.memory_space<hbm>>
        tpu.enqueue_dma source(%dma_start3A_749 : memref<40xi32, #tpu.memory_space<hbm>>) target(%dma_start3A_746 : memref<40xi32, #tpu.memory_space<vmem>>) target_semaphore(%arg21 : memref<!tpu.dma_semaphore, #tpu.memory_space<semaphore_mem>>)
      } else {
      }
      %mul3A_620 = arith.constant 7 : i32
      %mul3A_621 = arith.muli %mul3A_620, %scan3A_485 : i32
      %add3A_622 = arith.constant 4 : i32
      %add3A_623 = arith.addi %mul3A_621, %add3A_622 : i32
      %add3A_624 = arith.constant 7 : i32
      %add3A_625 = arith.addi %add3A_623, %add3A_624 : i32
      %sub3A_626 = arith.constant 2 : i32
      %sub3A_627 = arith.subi %add3A_625, %sub3A_626 : i32
      %lt3A_628 = arith.constant 250 : i32
      %lt3A_629 = arith.cmpi slt, %sub3A_627, %lt3A_628 : i32
      %convert_element_type3A_630 = arith.extui %lt3A_629 : i1 to i32
      %cond3A_631 = arith.constant 0 : i32
      %cond3A_632 = arith.cmpi ne, %convert_element_type3A_630, %cond3A_631 : i32
      scf.if %cond3A_632 {
        %dma_wait3A_722 = arith.constant 0 : i32
        %dma_wait3A_723 = arith.constant 2 : i32
        %dma_wait3A_724 = arith.constant 0 : i32
        %dma_wait3A_725 = tpu.memref_slice %arg7[%dma_wait3A_723, %dma_wait3A_724] : memref<7x40xi32, #tpu.memory_space<vmem>> -> memref<1x40xi32, #tpu.memory_space<vmem>>
        %dma_wait3A_726 = tpu.memref_squeeze %dma_wait3A_725 : memref<1x40xi32, #tpu.memory_space<vmem>> -> memref<40xi32, #tpu.memory_space<vmem>>
        %dma_wait3A_727 = arith.constant 0 : i32
        %dma_wait3A_728 = tpu.memref_slice %arg3[%add3A, %dma_wait3A_722, %dma_wait3A_727] : memref<32x250x40xi32, #tpu.memory_space<hbm>> -> memref<1x1x40xi32, #tpu.memory_space<hbm>>
        %dma_wait3A_729 = tpu.memref_squeeze %dma_wait3A_728 : memref<1x1x40xi32, #tpu.memory_space<hbm>> -> memref<40xi32, #tpu.memory_space<hbm>>
        %dma_wait3A_730 = arith.constant 0 : i32
        %dma_wait3A_731 = tpu.memref_slice %arg7[%dma_wait3A_723, %dma_wait3A_730] : memref<7x40xi32, #tpu.memory_space<vmem>> -> memref<1x40xi32, #tpu.memory_space<vmem>>
        %dma_wait3A_732 = tpu.memref_squeeze %dma_wait3A_731 : memref<1x40xi32, #tpu.memory_space<vmem>> -> memref<40xi32, #tpu.memory_space<vmem>>
        %dma_wait3A_733 = arith.constant 0 : i32
        %dma_wait3A_734 = tpu.memref_slice %arg3[%add3A, %dma_wait3A_722, %dma_wait3A_733] : memref<32x250x40xi32, #tpu.memory_space<hbm>> -> memref<1x1x40xi32, #tpu.memory_space<hbm>>
        %dma_wait3A_735 = tpu.memref_squeeze %dma_wait3A_734 : memref<1x1x40xi32, #tpu.memory_space<hbm>> -> memref<40xi32, #tpu.memory_space<hbm>>
        tpu.wait_dma2 semaphore(%arg20 : memref<!tpu.dma_semaphore, #tpu.memory_space<semaphore_mem>>) src(%dma_wait3A_735 : memref<40xi32, #tpu.memory_space<hbm>>) dst(%dma_wait3A_732 : memref<40xi32, #tpu.memory_space<vmem>>)
        %dma_wait3A_736 = arith.constant 0 : i32
        %dma_wait3A_737 = arith.constant 2 : i32
        %dma_wait3A_738 = arith.constant 0 : i32
        %dma_wait3A_739 = tpu.memref_slice %arg8[%dma_wait3A_737, %dma_wait3A_738] : memref<7x40xi32, #tpu.memory_space<vmem>> -> memref<1x40xi32, #tpu.memory_space<vmem>>
        %dma_wait3A_740 = tpu.memref_squeeze %dma_wait3A_739 : memref<1x40xi32, #tpu.memory_space<vmem>> -> memref<40xi32, #tpu.memory_space<vmem>>
        %dma_wait3A_741 = arith.constant 0 : i32
        %dma_wait3A_742 = tpu.memref_slice %arg4[%add3A, %dma_wait3A_736, %dma_wait3A_741] : memref<32x250x40xi32, #tpu.memory_space<hbm>> -> memref<1x1x40xi32, #tpu.memory_space<hbm>>
        %dma_wait3A_743 = tpu.memref_squeeze %dma_wait3A_742 : memref<1x1x40xi32, #tpu.memory_space<hbm>> -> memref<40xi32, #tpu.memory_space<hbm>>
        %dma_wait3A_744 = arith.constant 0 : i32
        %dma_wait3A_745 = tpu.memref_slice %arg8[%dma_wait3A_737, %dma_wait3A_744] : memref<7x40xi32, #tpu.memory_space<vmem>> -> memref<1x40xi32, #tpu.memory_space<vmem>>
        %dma_wait3A_746 = tpu.memref_squeeze %dma_wait3A_745 : memref<1x40xi32, #tpu.memory_space<vmem>> -> memref<40xi32, #tpu.memory_space<vmem>>
        %dma_wait3A_747 = arith.constant 0 : i32
        %dma_wait3A_748 = tpu.memref_slice %arg4[%add3A, %dma_wait3A_736, %dma_wait3A_747] : memref<32x250x40xi32, #tpu.memory_space<hbm>> -> memref<1x1x40xi32, #tpu.memory_space<hbm>>
        %dma_wait3A_749 = tpu.memref_squeeze %dma_wait3A_748 : memref<1x1x40xi32, #tpu.memory_space<hbm>> -> memref<40xi32, #tpu.memory_space<hbm>>
        tpu.wait_dma2 semaphore(%arg20 : memref<!tpu.dma_semaphore, #tpu.memory_space<semaphore_mem>>) src(%dma_wait3A_749 : memref<40xi32, #tpu.memory_space<hbm>>) dst(%dma_wait3A_746 : memref<40xi32, #tpu.memory_space<vmem>>)
        %dma_start3A_750 = arith.constant 2 : i32
        %dma_start3A_751 = arith.constant 2 : i32
        %dma_start3A_752 = arith.constant 0 : i32
        %dma_start3A_753 = arith.constant 0 : i32
        %dma_start3A_754 = tpu.memref_slice %arg9[%dma_start3A_751, %dma_start3A_752, %dma_start3A_753] : memref<7x40x128xf32, #tpu.memory_space<vmem>> -> memref<1x40x128xf32, #tpu.memory_space<vmem>>
        %dma_start3A_755 = tpu.memref_squeeze %dma_start3A_754 : memref<1x40x128xf32, #tpu.memory_space<vmem>> -> memref<40x128xf32, #tpu.memory_space<vmem>>
        %dma_start3A_756 = arith.constant 0 : i32
        %dma_start3A_757 = tpu.memref_slice %arg7[%dma_start3A_750, %dma_start3A_756] : memref<7x40xi32, #tpu.memory_space<vmem>> -> memref<1x40xi32, #tpu.memory_space<vmem>>
        %dma_start3A_758 = tpu.memref_squeeze %dma_start3A_757 : memref<1x40xi32, #tpu.memory_space<vmem>> -> memref<40xi32, #tpu.memory_space<vmem>>
        %dma_start3A_759 = arith.constant 0 : i32
        %dma_start3A_760 = arith.constant 0 : i32
        %dma_start3A_761 = tpu.memref_slice %arg2[%dma_start3A_759, %dma_start3A_760] : memref<10000x128xf32, #tpu.memory_space<hbm>> -> memref<10000x128xf32, #tpu.memory_space<hbm>>
        tpu.enqueue_indirect_dma source(%dma_start3A_761 : memref<10000x128xf32, #tpu.memory_space<hbm>>) target(%dma_start3A_755 : memref<40x128xf32, #tpu.memory_space<vmem>>) offsets(%dma_start3A_758 : memref<40xi32, #tpu.memory_space<vmem>>) semaphore(%arg13 : memref<!tpu.dma_semaphore, #tpu.memory_space<semaphore_mem>>)
      } else {
      }
      %dma_wait3A_633 = arith.constant 0 : i32
      %dma_wait3A_634 = arith.constant 4 : i32
      %dma_wait3A_635 = arith.constant 0 : i32
      %dma_wait3A_636 = arith.constant 0 : i32
      %dma_wait3A_637 = tpu.memref_slice %arg9[%dma_wait3A_634, %dma_wait3A_635, %dma_wait3A_636] : memref<7x40x128xf32, #tpu.memory_space<vmem>> -> memref<1x40x128xf32, #tpu.memory_space<vmem>>
      %dma_wait3A_638 = tpu.memref_squeeze %dma_wait3A_637 : memref<1x40x128xf32, #tpu.memory_space<vmem>> -> memref<40x128xf32, #tpu.memory_space<vmem>>
      %dma_wait3A_639 = arith.constant 0 : i32
      %dma_wait3A_640 = tpu.memref_slice %arg7[%dma_wait3A_633, %dma_wait3A_639] : memref<7x40xi32, #tpu.memory_space<vmem>> -> memref<1x40xi32, #tpu.memory_space<vmem>>
      %dma_wait3A_641 = tpu.memref_squeeze %dma_wait3A_640 : memref<1x40xi32, #tpu.memory_space<vmem>> -> memref<40xi32, #tpu.memory_space<vmem>>
      %dma_wait3A_642 = arith.constant 0 : i32
      %dma_wait3A_643 = arith.constant 0 : i32
      %dma_wait3A_644 = tpu.memref_slice %arg2[%dma_wait3A_642, %dma_wait3A_643] : memref<10000x128xf32, #tpu.memory_space<hbm>> -> memref<10000x128xf32, #tpu.memory_space<hbm>>
      tpu.wait_indirect_dma semaphore(%arg15 : memref<!tpu.dma_semaphore, #tpu.memory_space<semaphore_mem>>) src(%dma_wait3A_644 : memref<10000x128xf32, #tpu.memory_space<hbm>>) dst(%dma_wait3A_638 : memref<40x128xf32, #tpu.memory_space<vmem>>)
      %run_scoped3A_645 = arith.constant 4 : i32
      %run_scoped3A_646 = arith.constant 4 : i32
      "tpu.region"() ({
        %run_scoped3A_722 = tpu.sem_alloc : memref<!tpu.dma_semaphore, #tpu.memory_space<semaphore_mem>>
        %dma_start3A_723 = arith.constant 0 : i32
        %dma_start3A_724 = arith.constant 0 : i32
        %dma_start3A_725 = tpu.memref_slice %arg9[%run_scoped3A_645, %dma_start3A_723, %dma_start3A_724] : memref<7x40x128xf32, #tpu.memory_space<vmem>> -> memref<1x40x128xf32, #tpu.memory_space<vmem>>
        %dma_start3A_726 = tpu.memref_squeeze %dma_start3A_725 : memref<1x40x128xf32, #tpu.memory_space<vmem>> -> memref<40x128xf32, #tpu.memory_space<vmem>>
        %dma_start3A_727 = arith.constant 0 : i32
        %dma_start3A_728 = tpu.memref_slice %arg8[%run_scoped3A_646, %dma_start3A_727] : memref<7x40xi32, #tpu.memory_space<vmem>> -> memref<1x40xi32, #tpu.memory_space<vmem>>
        %dma_start3A_729 = tpu.memref_squeeze %dma_start3A_728 : memref<1x40xi32, #tpu.memory_space<vmem>> -> memref<40xi32, #tpu.memory_space<vmem>>
        %dma_start3A_730 = arith.constant 0 : i32
        %dma_start3A_731 = arith.constant 0 : i32
        %dma_start3A_732 = tpu.memref_slice %arg10[%dma_start3A_730, %dma_start3A_731] : memref<10000x128xf32, #tpu.memory_space<vmem_shared>> -> memref<10000x128xf32, #tpu.memory_space<vmem_shared>>
        tpu.enqueue_indirect_dma source(%dma_start3A_726 : memref<40x128xf32, #tpu.memory_space<vmem>>) target(%dma_start3A_732 : memref<10000x128xf32, #tpu.memory_space<vmem_shared>>) offsets(%dma_start3A_729 : memref<40xi32, #tpu.memory_space<vmem>>) semaphore(%run_scoped3A_722 : memref<!tpu.dma_semaphore, #tpu.memory_space<semaphore_mem>>) {add = true}
        %dma_wait3A_733 = arith.constant 0 : i32
        %dma_wait3A_734 = arith.constant 0 : i32
        %dma_wait3A_735 = tpu.memref_slice %arg9[%run_scoped3A_645, %dma_wait3A_733, %dma_wait3A_734] : memref<7x40x128xf32, #tpu.memory_space<vmem>> -> memref<1x40x128xf32, #tpu.memory_space<vmem>>
        %dma_wait3A_736 = tpu.memref_squeeze %dma_wait3A_735 : memref<1x40x128xf32, #tpu.memory_space<vmem>> -> memref<40x128xf32, #tpu.memory_space<vmem>>
        %dma_wait3A_737 = arith.constant 0 : i32
        %dma_wait3A_738 = tpu.memref_slice %arg8[%run_scoped3A_646, %dma_wait3A_737] : memref<7x40xi32, #tpu.memory_space<vmem>> -> memref<1x40xi32, #tpu.memory_space<vmem>>
        %dma_wait3A_739 = tpu.memref_squeeze %dma_wait3A_738 : memref<1x40xi32, #tpu.memory_space<vmem>> -> memref<40xi32, #tpu.memory_space<vmem>>
        %dma_wait3A_740 = arith.constant 0 : i32
        %dma_wait3A_741 = arith.constant 0 : i32
        %dma_wait3A_742 = tpu.memref_slice %arg10[%dma_wait3A_740, %dma_wait3A_741] : memref<10000x128xf32, #tpu.memory_space<vmem_shared>> -> memref<10000x128xf32, #tpu.memory_space<vmem_shared>>
        tpu.wait_indirect_dma semaphore(%run_scoped3A_722 : memref<!tpu.dma_semaphore, #tpu.memory_space<semaphore_mem>>) src(%dma_wait3A_736 : memref<40x128xf32, #tpu.memory_space<vmem>>) dst(%dma_wait3A_742 : memref<10000x128xf32, #tpu.memory_space<vmem_shared>>)
        tpu.yield
      }) : () -> ()
      %add3A_647 = arith.constant 7 : i32
      %add3A_648 = arith.addi %add3A_623, %add3A_647 : i32
      %lt3A_649 = arith.constant 250 : i32
      %lt3A_650 = arith.cmpi slt, %add3A_648, %lt3A_649 : i32
      %convert_element_type3A_651 = arith.extui %lt3A_650 : i1 to i32
      %cond3A_652 = arith.constant 0 : i32
      %cond3A_653 = arith.cmpi ne, %convert_element_type3A_651, %cond3A_652 : i32
      scf.if %cond3A_653 {
        %add3A_722 = arith.constant 7 : i32
        %add3A_723 = arith.addi %add3A_623, %add3A_722 : i32
        %dma_start3A_724 = arith.constant 4 : i32
        %dma_start3A_725 = arith.constant 0 : i32
        %dma_start3A_726 = tpu.memref_slice %arg7[%dma_start3A_724, %dma_start3A_725] : memref<7x40xi32, #tpu.memory_space<vmem>> -> memref<1x40xi32, #tpu.memory_space<vmem>>
        %dma_start3A_727 = tpu.memref_squeeze %dma_start3A_726 : memref<1x40xi32, #tpu.memory_space<vmem>> -> memref<40xi32, #tpu.memory_space<vmem>>
        %dma_start3A_728 = arith.constant 0 : i32
        %dma_start3A_729 = tpu.memref_slice %arg3[%add3A, %add3A_723, %dma_start3A_728] : memref<32x250x40xi32, #tpu.memory_space<hbm>> -> memref<1x1x40xi32, #tpu.memory_space<hbm>>
        %dma_start3A_730 = tpu.memref_squeeze %dma_start3A_729 : memref<1x1x40xi32, #tpu.memory_space<hbm>> -> memref<40xi32, #tpu.memory_space<hbm>>
        %dma_start3A_731 = arith.constant 0 : i32
        %dma_start3A_732 = tpu.memref_slice %arg7[%dma_start3A_724, %dma_start3A_731] : memref<7x40xi32, #tpu.memory_space<vmem>> -> memref<1x40xi32, #tpu.memory_space<vmem>>
        %dma_start3A_733 = tpu.memref_squeeze %dma_start3A_732 : memref<1x40xi32, #tpu.memory_space<vmem>> -> memref<40xi32, #tpu.memory_space<vmem>>
        %dma_start3A_734 = arith.constant 0 : i32
        %dma_start3A_735 = tpu.memref_slice %arg3[%add3A, %add3A_723, %dma_start3A_734] : memref<32x250x40xi32, #tpu.memory_space<hbm>> -> memref<1x1x40xi32, #tpu.memory_space<hbm>>
        %dma_start3A_736 = tpu.memref_squeeze %dma_start3A_735 : memref<1x1x40xi32, #tpu.memory_space<hbm>> -> memref<40xi32, #tpu.memory_space<hbm>>
        tpu.enqueue_dma source(%dma_start3A_736 : memref<40xi32, #tpu.memory_space<hbm>>) target(%dma_start3A_733 : memref<40xi32, #tpu.memory_space<vmem>>) target_semaphore(%arg22 : memref<!tpu.dma_semaphore, #tpu.memory_space<semaphore_mem>>)
        %dma_start3A_737 = arith.constant 4 : i32
        %dma_start3A_738 = arith.constant 0 : i32
        %dma_start3A_739 = tpu.memref_slice %arg8[%dma_start3A_737, %dma_start3A_738] : memref<7x40xi32, #tpu.memory_space<vmem>> -> memref<1x40xi32, #tpu.memory_space<vmem>>
        %dma_start3A_740 = tpu.memref_squeeze %dma_start3A_739 : memref<1x40xi32, #tpu.memory_space<vmem>> -> memref<40xi32, #tpu.memory_space<vmem>>
        %dma_start3A_741 = arith.constant 0 : i32
        %dma_start3A_742 = tpu.memref_slice %arg4[%add3A, %add3A_723, %dma_start3A_741] : memref<32x250x40xi32, #tpu.memory_space<hbm>> -> memref<1x1x40xi32, #tpu.memory_space<hbm>>
        %dma_start3A_743 = tpu.memref_squeeze %dma_start3A_742 : memref<1x1x40xi32, #tpu.memory_space<hbm>> -> memref<40xi32, #tpu.memory_space<hbm>>
        %dma_start3A_744 = arith.constant 0 : i32
        %dma_start3A_745 = tpu.memref_slice %arg8[%dma_start3A_737, %dma_start3A_744] : memref<7x40xi32, #tpu.memory_space<vmem>> -> memref<1x40xi32, #tpu.memory_space<vmem>>
        %dma_start3A_746 = tpu.memref_squeeze %dma_start3A_745 : memref<1x40xi32, #tpu.memory_space<vmem>> -> memref<40xi32, #tpu.memory_space<vmem>>
        %dma_start3A_747 = arith.constant 0 : i32
        %dma_start3A_748 = tpu.memref_slice %arg4[%add3A, %add3A_723, %dma_start3A_747] : memref<32x250x40xi32, #tpu.memory_space<hbm>> -> memref<1x1x40xi32, #tpu.memory_space<hbm>>
        %dma_start3A_749 = tpu.memref_squeeze %dma_start3A_748 : memref<1x1x40xi32, #tpu.memory_space<hbm>> -> memref<40xi32, #tpu.memory_space<hbm>>
        tpu.enqueue_dma source(%dma_start3A_749 : memref<40xi32, #tpu.memory_space<hbm>>) target(%dma_start3A_746 : memref<40xi32, #tpu.memory_space<vmem>>) target_semaphore(%arg22 : memref<!tpu.dma_semaphore, #tpu.memory_space<semaphore_mem>>)
      } else {
      }
      %mul3A_654 = arith.constant 7 : i32
      %mul3A_655 = arith.muli %mul3A_654, %scan3A_485 : i32
      %add3A_656 = arith.constant 5 : i32
      %add3A_657 = arith.addi %mul3A_655, %add3A_656 : i32
      %add3A_658 = arith.constant 7 : i32
      %add3A_659 = arith.addi %add3A_657, %add3A_658 : i32
      %sub3A_660 = arith.constant 2 : i32
      %sub3A_661 = arith.subi %add3A_659, %sub3A_660 : i32
      %lt3A_662 = arith.constant 250 : i32
      %lt3A_663 = arith.cmpi slt, %sub3A_661, %lt3A_662 : i32
      %convert_element_type3A_664 = arith.extui %lt3A_663 : i1 to i32
      %cond3A_665 = arith.constant 0 : i32
      %cond3A_666 = arith.cmpi ne, %convert_element_type3A_664, %cond3A_665 : i32
      scf.if %cond3A_666 {
        %dma_wait3A_722 = arith.constant 0 : i32
        %dma_wait3A_723 = arith.constant 3 : i32
        %dma_wait3A_724 = arith.constant 0 : i32
        %dma_wait3A_725 = tpu.memref_slice %arg7[%dma_wait3A_723, %dma_wait3A_724] : memref<7x40xi32, #tpu.memory_space<vmem>> -> memref<1x40xi32, #tpu.memory_space<vmem>>
        %dma_wait3A_726 = tpu.memref_squeeze %dma_wait3A_725 : memref<1x40xi32, #tpu.memory_space<vmem>> -> memref<40xi32, #tpu.memory_space<vmem>>
        %dma_wait3A_727 = arith.constant 0 : i32
        %dma_wait3A_728 = tpu.memref_slice %arg3[%add3A, %dma_wait3A_722, %dma_wait3A_727] : memref<32x250x40xi32, #tpu.memory_space<hbm>> -> memref<1x1x40xi32, #tpu.memory_space<hbm>>
        %dma_wait3A_729 = tpu.memref_squeeze %dma_wait3A_728 : memref<1x1x40xi32, #tpu.memory_space<hbm>> -> memref<40xi32, #tpu.memory_space<hbm>>
        %dma_wait3A_730 = arith.constant 0 : i32
        %dma_wait3A_731 = tpu.memref_slice %arg7[%dma_wait3A_723, %dma_wait3A_730] : memref<7x40xi32, #tpu.memory_space<vmem>> -> memref<1x40xi32, #tpu.memory_space<vmem>>
        %dma_wait3A_732 = tpu.memref_squeeze %dma_wait3A_731 : memref<1x40xi32, #tpu.memory_space<vmem>> -> memref<40xi32, #tpu.memory_space<vmem>>
        %dma_wait3A_733 = arith.constant 0 : i32
        %dma_wait3A_734 = tpu.memref_slice %arg3[%add3A, %dma_wait3A_722, %dma_wait3A_733] : memref<32x250x40xi32, #tpu.memory_space<hbm>> -> memref<1x1x40xi32, #tpu.memory_space<hbm>>
        %dma_wait3A_735 = tpu.memref_squeeze %dma_wait3A_734 : memref<1x1x40xi32, #tpu.memory_space<hbm>> -> memref<40xi32, #tpu.memory_space<hbm>>
        tpu.wait_dma2 semaphore(%arg21 : memref<!tpu.dma_semaphore, #tpu.memory_space<semaphore_mem>>) src(%dma_wait3A_735 : memref<40xi32, #tpu.memory_space<hbm>>) dst(%dma_wait3A_732 : memref<40xi32, #tpu.memory_space<vmem>>)
        %dma_wait3A_736 = arith.constant 0 : i32
        %dma_wait3A_737 = arith.constant 3 : i32
        %dma_wait3A_738 = arith.constant 0 : i32
        %dma_wait3A_739 = tpu.memref_slice %arg8[%dma_wait3A_737, %dma_wait3A_738] : memref<7x40xi32, #tpu.memory_space<vmem>> -> memref<1x40xi32, #tpu.memory_space<vmem>>
        %dma_wait3A_740 = tpu.memref_squeeze %dma_wait3A_739 : memref<1x40xi32, #tpu.memory_space<vmem>> -> memref<40xi32, #tpu.memory_space<vmem>>
        %dma_wait3A_741 = arith.constant 0 : i32
        %dma_wait3A_742 = tpu.memref_slice %arg4[%add3A, %dma_wait3A_736, %dma_wait3A_741] : memref<32x250x40xi32, #tpu.memory_space<hbm>> -> memref<1x1x40xi32, #tpu.memory_space<hbm>>
        %dma_wait3A_743 = tpu.memref_squeeze %dma_wait3A_742 : memref<1x1x40xi32, #tpu.memory_space<hbm>> -> memref<40xi32, #tpu.memory_space<hbm>>
        %dma_wait3A_744 = arith.constant 0 : i32
        %dma_wait3A_745 = tpu.memref_slice %arg8[%dma_wait3A_737, %dma_wait3A_744] : memref<7x40xi32, #tpu.memory_space<vmem>> -> memref<1x40xi32, #tpu.memory_space<vmem>>
        %dma_wait3A_746 = tpu.memref_squeeze %dma_wait3A_745 : memref<1x40xi32, #tpu.memory_space<vmem>> -> memref<40xi32, #tpu.memory_space<vmem>>
        %dma_wait3A_747 = arith.constant 0 : i32
        %dma_wait3A_748 = tpu.memref_slice %arg4[%add3A, %dma_wait3A_736, %dma_wait3A_747] : memref<32x250x40xi32, #tpu.memory_space<hbm>> -> memref<1x1x40xi32, #tpu.memory_space<hbm>>
        %dma_wait3A_749 = tpu.memref_squeeze %dma_wait3A_748 : memref<1x1x40xi32, #tpu.memory_space<hbm>> -> memref<40xi32, #tpu.memory_space<hbm>>
        tpu.wait_dma2 semaphore(%arg21 : memref<!tpu.dma_semaphore, #tpu.memory_space<semaphore_mem>>) src(%dma_wait3A_749 : memref<40xi32, #tpu.memory_space<hbm>>) dst(%dma_wait3A_746 : memref<40xi32, #tpu.memory_space<vmem>>)
        %dma_start3A_750 = arith.constant 3 : i32
        %dma_start3A_751 = arith.constant 3 : i32
        %dma_start3A_752 = arith.constant 0 : i32
        %dma_start3A_753 = arith.constant 0 : i32
        %dma_start3A_754 = tpu.memref_slice %arg9[%dma_start3A_751, %dma_start3A_752, %dma_start3A_753] : memref<7x40x128xf32, #tpu.memory_space<vmem>> -> memref<1x40x128xf32, #tpu.memory_space<vmem>>
        %dma_start3A_755 = tpu.memref_squeeze %dma_start3A_754 : memref<1x40x128xf32, #tpu.memory_space<vmem>> -> memref<40x128xf32, #tpu.memory_space<vmem>>
        %dma_start3A_756 = arith.constant 0 : i32
        %dma_start3A_757 = tpu.memref_slice %arg7[%dma_start3A_750, %dma_start3A_756] : memref<7x40xi32, #tpu.memory_space<vmem>> -> memref<1x40xi32, #tpu.memory_space<vmem>>
        %dma_start3A_758 = tpu.memref_squeeze %dma_start3A_757 : memref<1x40xi32, #tpu.memory_space<vmem>> -> memref<40xi32, #tpu.memory_space<vmem>>
        %dma_start3A_759 = arith.constant 0 : i32
        %dma_start3A_760 = arith.constant 0 : i32
        %dma_start3A_761 = tpu.memref_slice %arg2[%dma_start3A_759, %dma_start3A_760] : memref<10000x128xf32, #tpu.memory_space<hbm>> -> memref<10000x128xf32, #tpu.memory_space<hbm>>
        tpu.enqueue_indirect_dma source(%dma_start3A_761 : memref<10000x128xf32, #tpu.memory_space<hbm>>) target(%dma_start3A_755 : memref<40x128xf32, #tpu.memory_space<vmem>>) offsets(%dma_start3A_758 : memref<40xi32, #tpu.memory_space<vmem>>) semaphore(%arg14 : memref<!tpu.dma_semaphore, #tpu.memory_space<semaphore_mem>>)
      } else {
      }
      %dma_wait3A_667 = arith.constant 0 : i32
      %dma_wait3A_668 = arith.constant 5 : i32
      %dma_wait3A_669 = arith.constant 0 : i32
      %dma_wait3A_670 = arith.constant 0 : i32
      %dma_wait3A_671 = tpu.memref_slice %arg9[%dma_wait3A_668, %dma_wait3A_669, %dma_wait3A_670] : memref<7x40x128xf32, #tpu.memory_space<vmem>> -> memref<1x40x128xf32, #tpu.memory_space<vmem>>
      %dma_wait3A_672 = tpu.memref_squeeze %dma_wait3A_671 : memref<1x40x128xf32, #tpu.memory_space<vmem>> -> memref<40x128xf32, #tpu.memory_space<vmem>>
      %dma_wait3A_673 = arith.constant 0 : i32
      %dma_wait3A_674 = tpu.memref_slice %arg7[%dma_wait3A_667, %dma_wait3A_673] : memref<7x40xi32, #tpu.memory_space<vmem>> -> memref<1x40xi32, #tpu.memory_space<vmem>>
      %dma_wait3A_675 = tpu.memref_squeeze %dma_wait3A_674 : memref<1x40xi32, #tpu.memory_space<vmem>> -> memref<40xi32, #tpu.memory_space<vmem>>
      %dma_wait3A_676 = arith.constant 0 : i32
      %dma_wait3A_677 = arith.constant 0 : i32
      %dma_wait3A_678 = tpu.memref_slice %arg2[%dma_wait3A_676, %dma_wait3A_677] : memref<10000x128xf32, #tpu.memory_space<hbm>> -> memref<10000x128xf32, #tpu.memory_space<hbm>>
      tpu.wait_indirect_dma semaphore(%arg16 : memref<!tpu.dma_semaphore, #tpu.memory_space<semaphore_mem>>) src(%dma_wait3A_678 : memref<10000x128xf32, #tpu.memory_space<hbm>>) dst(%dma_wait3A_672 : memref<40x128xf32, #tpu.memory_space<vmem>>)
      %run_scoped3A_679 = arith.constant 5 : i32
      %run_scoped3A_680 = arith.constant 5 : i32
      "tpu.region"() ({
        %run_scoped3A_722 = tpu.sem_alloc : memref<!tpu.dma_semaphore, #tpu.memory_space<semaphore_mem>>
        %dma_start3A_723 = arith.constant 0 : i32
        %dma_start3A_724 = arith.constant 0 : i32
        %dma_start3A_725 = tpu.memref_slice %arg9[%run_scoped3A_679, %dma_start3A_723, %dma_start3A_724] : memref<7x40x128xf32, #tpu.memory_space<vmem>> -> memref<1x40x128xf32, #tpu.memory_space<vmem>>
        %dma_start3A_726 = tpu.memref_squeeze %dma_start3A_725 : memref<1x40x128xf32, #tpu.memory_space<vmem>> -> memref<40x128xf32, #tpu.memory_space<vmem>>
        %dma_start3A_727 = arith.constant 0 : i32
        %dma_start3A_728 = tpu.memref_slice %arg8[%run_scoped3A_680, %dma_start3A_727] : memref<7x40xi32, #tpu.memory_space<vmem>> -> memref<1x40xi32, #tpu.memory_space<vmem>>
        %dma_start3A_729 = tpu.memref_squeeze %dma_start3A_728 : memref<1x40xi32, #tpu.memory_space<vmem>> -> memref<40xi32, #tpu.memory_space<vmem>>
        %dma_start3A_730 = arith.constant 0 : i32
        %dma_start3A_731 = arith.constant 0 : i32
        %dma_start3A_732 = tpu.memref_slice %arg10[%dma_start3A_730, %dma_start3A_731] : memref<10000x128xf32, #tpu.memory_space<vmem_shared>> -> memref<10000x128xf32, #tpu.memory_space<vmem_shared>>
        tpu.enqueue_indirect_dma source(%dma_start3A_726 : memref<40x128xf32, #tpu.memory_space<vmem>>) target(%dma_start3A_732 : memref<10000x128xf32, #tpu.memory_space<vmem_shared>>) offsets(%dma_start3A_729 : memref<40xi32, #tpu.memory_space<vmem>>) semaphore(%run_scoped3A_722 : memref<!tpu.dma_semaphore, #tpu.memory_space<semaphore_mem>>) {add = true}
        %dma_wait3A_733 = arith.constant 0 : i32
        %dma_wait3A_734 = arith.constant 0 : i32
        %dma_wait3A_735 = tpu.memref_slice %arg9[%run_scoped3A_679, %dma_wait3A_733, %dma_wait3A_734] : memref<7x40x128xf32, #tpu.memory_space<vmem>> -> memref<1x40x128xf32, #tpu.memory_space<vmem>>
        %dma_wait3A_736 = tpu.memref_squeeze %dma_wait3A_735 : memref<1x40x128xf32, #tpu.memory_space<vmem>> -> memref<40x128xf32, #tpu.memory_space<vmem>>
        %dma_wait3A_737 = arith.constant 0 : i32
        %dma_wait3A_738 = tpu.memref_slice %arg8[%run_scoped3A_680, %dma_wait3A_737] : memref<7x40xi32, #tpu.memory_space<vmem>> -> memref<1x40xi32, #tpu.memory_space<vmem>>
        %dma_wait3A_739 = tpu.memref_squeeze %dma_wait3A_738 : memref<1x40xi32, #tpu.memory_space<vmem>> -> memref<40xi32, #tpu.memory_space<vmem>>
        %dma_wait3A_740 = arith.constant 0 : i32
        %dma_wait3A_741 = arith.constant 0 : i32
        %dma_wait3A_742 = tpu.memref_slice %arg10[%dma_wait3A_740, %dma_wait3A_741] : memref<10000x128xf32, #tpu.memory_space<vmem_shared>> -> memref<10000x128xf32, #tpu.memory_space<vmem_shared>>
        tpu.wait_indirect_dma semaphore(%run_scoped3A_722 : memref<!tpu.dma_semaphore, #tpu.memory_space<semaphore_mem>>) src(%dma_wait3A_736 : memref<40x128xf32, #tpu.memory_space<vmem>>) dst(%dma_wait3A_742 : memref<10000x128xf32, #tpu.memory_space<vmem_shared>>)
        tpu.yield
      }) : () -> ()
      %add3A_681 = arith.constant 7 : i32
      %add3A_682 = arith.addi %add3A_657, %add3A_681 : i32
      %lt3A_683 = arith.constant 250 : i32
      %lt3A_684 = arith.cmpi slt, %add3A_682, %lt3A_683 : i32
      %convert_element_type3A_685 = arith.extui %lt3A_684 : i1 to i32
      %cond3A_686 = arith.constant 0 : i32
      %cond3A_687 = arith.cmpi ne, %convert_element_type3A_685, %cond3A_686 : i32
      scf.if %cond3A_687 {
        %add3A_722 = arith.constant 7 : i32
        %add3A_723 = arith.addi %add3A_657, %add3A_722 : i32
        %dma_start3A_724 = arith.constant 5 : i32
        %dma_start3A_725 = arith.constant 0 : i32
        %dma_start3A_726 = tpu.memref_slice %arg7[%dma_start3A_724, %dma_start3A_725] : memref<7x40xi32, #tpu.memory_space<vmem>> -> memref<1x40xi32, #tpu.memory_space<vmem>>
        %dma_start3A_727 = tpu.memref_squeeze %dma_start3A_726 : memref<1x40xi32, #tpu.memory_space<vmem>> -> memref<40xi32, #tpu.memory_space<vmem>>
        %dma_start3A_728 = arith.constant 0 : i32
        %dma_start3A_729 = tpu.memref_slice %arg3[%add3A, %add3A_723, %dma_start3A_728] : memref<32x250x40xi32, #tpu.memory_space<hbm>> -> memref<1x1x40xi32, #tpu.memory_space<hbm>>
        %dma_start3A_730 = tpu.memref_squeeze %dma_start3A_729 : memref<1x1x40xi32, #tpu.memory_space<hbm>> -> memref<40xi32, #tpu.memory_space<hbm>>
        %dma_start3A_731 = arith.constant 0 : i32
        %dma_start3A_732 = tpu.memref_slice %arg7[%dma_start3A_724, %dma_start3A_731] : memref<7x40xi32, #tpu.memory_space<vmem>> -> memref<1x40xi32, #tpu.memory_space<vmem>>
        %dma_start3A_733 = tpu.memref_squeeze %dma_start3A_732 : memref<1x40xi32, #tpu.memory_space<vmem>> -> memref<40xi32, #tpu.memory_space<vmem>>
        %dma_start3A_734 = arith.constant 0 : i32
        %dma_start3A_735 = tpu.memref_slice %arg3[%add3A, %add3A_723, %dma_start3A_734] : memref<32x250x40xi32, #tpu.memory_space<hbm>> -> memref<1x1x40xi32, #tpu.memory_space<hbm>>
        %dma_start3A_736 = tpu.memref_squeeze %dma_start3A_735 : memref<1x1x40xi32, #tpu.memory_space<hbm>> -> memref<40xi32, #tpu.memory_space<hbm>>
        tpu.enqueue_dma source(%dma_start3A_736 : memref<40xi32, #tpu.memory_space<hbm>>) target(%dma_start3A_733 : memref<40xi32, #tpu.memory_space<vmem>>) target_semaphore(%arg23 : memref<!tpu.dma_semaphore, #tpu.memory_space<semaphore_mem>>)
        %dma_start3A_737 = arith.constant 5 : i32
        %dma_start3A_738 = arith.constant 0 : i32
        %dma_start3A_739 = tpu.memref_slice %arg8[%dma_start3A_737, %dma_start3A_738] : memref<7x40xi32, #tpu.memory_space<vmem>> -> memref<1x40xi32, #tpu.memory_space<vmem>>
        %dma_start3A_740 = tpu.memref_squeeze %dma_start3A_739 : memref<1x40xi32, #tpu.memory_space<vmem>> -> memref<40xi32, #tpu.memory_space<vmem>>
        %dma_start3A_741 = arith.constant 0 : i32
        %dma_start3A_742 = tpu.memref_slice %arg4[%add3A, %add3A_723, %dma_start3A_741] : memref<32x250x40xi32, #tpu.memory_space<hbm>> -> memref<1x1x40xi32, #tpu.memory_space<hbm>>
        %dma_start3A_743 = tpu.memref_squeeze %dma_start3A_742 : memref<1x1x40xi32, #tpu.memory_space<hbm>> -> memref<40xi32, #tpu.memory_space<hbm>>
        %dma_start3A_744 = arith.constant 0 : i32
        %dma_start3A_745 = tpu.memref_slice %arg8[%dma_start3A_737, %dma_start3A_744] : memref<7x40xi32, #tpu.memory_space<vmem>> -> memref<1x40xi32, #tpu.memory_space<vmem>>
        %dma_start3A_746 = tpu.memref_squeeze %dma_start3A_745 : memref<1x40xi32, #tpu.memory_space<vmem>> -> memref<40xi32, #tpu.memory_space<vmem>>
        %dma_start3A_747 = arith.constant 0 : i32
        %dma_start3A_748 = tpu.memref_slice %arg4[%add3A, %add3A_723, %dma_start3A_747] : memref<32x250x40xi32, #tpu.memory_space<hbm>> -> memref<1x1x40xi32, #tpu.memory_space<hbm>>
        %dma_start3A_749 = tpu.memref_squeeze %dma_start3A_748 : memref<1x1x40xi32, #tpu.memory_space<hbm>> -> memref<40xi32, #tpu.memory_space<hbm>>
        tpu.enqueue_dma source(%dma_start3A_749 : memref<40xi32, #tpu.memory_space<hbm>>) target(%dma_start3A_746 : memref<40xi32, #tpu.memory_space<vmem>>) target_semaphore(%arg23 : memref<!tpu.dma_semaphore, #tpu.memory_space<semaphore_mem>>)
      } else {
      }
      %mul3A_688 = arith.constant 7 : i32
      %mul3A_689 = arith.muli %mul3A_688, %scan3A_485 : i32
      %add3A_690 = arith.constant 6 : i32
      %add3A_691 = arith.addi %mul3A_689, %add3A_690 : i32
      %add3A_692 = arith.constant 7 : i32
      %add3A_693 = arith.addi %add3A_691, %add3A_692 : i32
      %sub3A_694 = arith.constant 2 : i32
      %sub3A_695 = arith.subi %add3A_693, %sub3A_694 : i32
      %lt3A_696 = arith.constant 250 : i32
      %lt3A_697 = arith.cmpi slt, %sub3A_695, %lt3A_696 : i32
      %convert_element_type3A_698 = arith.extui %lt3A_697 : i1 to i32
      %cond3A_699 = arith.constant 0 : i32
      %cond3A_700 = arith.cmpi ne, %convert_element_type3A_698, %cond3A_699 : i32
      scf.if %cond3A_700 {
        %dma_wait3A_722 = arith.constant 0 : i32
        %dma_wait3A_723 = arith.constant 4 : i32
        %dma_wait3A_724 = arith.constant 0 : i32
        %dma_wait3A_725 = tpu.memref_slice %arg7[%dma_wait3A_723, %dma_wait3A_724] : memref<7x40xi32, #tpu.memory_space<vmem>> -> memref<1x40xi32, #tpu.memory_space<vmem>>
        %dma_wait3A_726 = tpu.memref_squeeze %dma_wait3A_725 : memref<1x40xi32, #tpu.memory_space<vmem>> -> memref<40xi32, #tpu.memory_space<vmem>>
        %dma_wait3A_727 = arith.constant 0 : i32
        %dma_wait3A_728 = tpu.memref_slice %arg3[%add3A, %dma_wait3A_722, %dma_wait3A_727] : memref<32x250x40xi32, #tpu.memory_space<hbm>> -> memref<1x1x40xi32, #tpu.memory_space<hbm>>
        %dma_wait3A_729 = tpu.memref_squeeze %dma_wait3A_728 : memref<1x1x40xi32, #tpu.memory_space<hbm>> -> memref<40xi32, #tpu.memory_space<hbm>>
        %dma_wait3A_730 = arith.constant 0 : i32
        %dma_wait3A_731 = tpu.memref_slice %arg7[%dma_wait3A_723, %dma_wait3A_730] : memref<7x40xi32, #tpu.memory_space<vmem>> -> memref<1x40xi32, #tpu.memory_space<vmem>>
        %dma_wait3A_732 = tpu.memref_squeeze %dma_wait3A_731 : memref<1x40xi32, #tpu.memory_space<vmem>> -> memref<40xi32, #tpu.memory_space<vmem>>
        %dma_wait3A_733 = arith.constant 0 : i32
        %dma_wait3A_734 = tpu.memref_slice %arg3[%add3A, %dma_wait3A_722, %dma_wait3A_733] : memref<32x250x40xi32, #tpu.memory_space<hbm>> -> memref<1x1x40xi32, #tpu.memory_space<hbm>>
        %dma_wait3A_735 = tpu.memref_squeeze %dma_wait3A_734 : memref<1x1x40xi32, #tpu.memory_space<hbm>> -> memref<40xi32, #tpu.memory_space<hbm>>
        tpu.wait_dma2 semaphore(%arg22 : memref<!tpu.dma_semaphore, #tpu.memory_space<semaphore_mem>>) src(%dma_wait3A_735 : memref<40xi32, #tpu.memory_space<hbm>>) dst(%dma_wait3A_732 : memref<40xi32, #tpu.memory_space<vmem>>)
        %dma_wait3A_736 = arith.constant 0 : i32
        %dma_wait3A_737 = arith.constant 4 : i32
        %dma_wait3A_738 = arith.constant 0 : i32
        %dma_wait3A_739 = tpu.memref_slice %arg8[%dma_wait3A_737, %dma_wait3A_738] : memref<7x40xi32, #tpu.memory_space<vmem>> -> memref<1x40xi32, #tpu.memory_space<vmem>>
        %dma_wait3A_740 = tpu.memref_squeeze %dma_wait3A_739 : memref<1x40xi32, #tpu.memory_space<vmem>> -> memref<40xi32, #tpu.memory_space<vmem>>
        %dma_wait3A_741 = arith.constant 0 : i32
        %dma_wait3A_742 = tpu.memref_slice %arg4[%add3A, %dma_wait3A_736, %dma_wait3A_741] : memref<32x250x40xi32, #tpu.memory_space<hbm>> -> memref<1x1x40xi32, #tpu.memory_space<hbm>>
        %dma_wait3A_743 = tpu.memref_squeeze %dma_wait3A_742 : memref<1x1x40xi32, #tpu.memory_space<hbm>> -> memref<40xi32, #tpu.memory_space<hbm>>
        %dma_wait3A_744 = arith.constant 0 : i32
        %dma_wait3A_745 = tpu.memref_slice %arg8[%dma_wait3A_737, %dma_wait3A_744] : memref<7x40xi32, #tpu.memory_space<vmem>> -> memref<1x40xi32, #tpu.memory_space<vmem>>
        %dma_wait3A_746 = tpu.memref_squeeze %dma_wait3A_745 : memref<1x40xi32, #tpu.memory_space<vmem>> -> memref<40xi32, #tpu.memory_space<vmem>>
        %dma_wait3A_747 = arith.constant 0 : i32
        %dma_wait3A_748 = tpu.memref_slice %arg4[%add3A, %dma_wait3A_736, %dma_wait3A_747] : memref<32x250x40xi32, #tpu.memory_space<hbm>> -> memref<1x1x40xi32, #tpu.memory_space<hbm>>
        %dma_wait3A_749 = tpu.memref_squeeze %dma_wait3A_748 : memref<1x1x40xi32, #tpu.memory_space<hbm>> -> memref<40xi32, #tpu.memory_space<hbm>>
        tpu.wait_dma2 semaphore(%arg22 : memref<!tpu.dma_semaphore, #tpu.memory_space<semaphore_mem>>) src(%dma_wait3A_749 : memref<40xi32, #tpu.memory_space<hbm>>) dst(%dma_wait3A_746 : memref<40xi32, #tpu.memory_space<vmem>>)
        %dma_start3A_750 = arith.constant 4 : i32
        %dma_start3A_751 = arith.constant 4 : i32
        %dma_start3A_752 = arith.constant 0 : i32
        %dma_start3A_753 = arith.constant 0 : i32
        %dma_start3A_754 = tpu.memref_slice %arg9[%dma_start3A_751, %dma_start3A_752, %dma_start3A_753] : memref<7x40x128xf32, #tpu.memory_space<vmem>> -> memref<1x40x128xf32, #tpu.memory_space<vmem>>
        %dma_start3A_755 = tpu.memref_squeeze %dma_start3A_754 : memref<1x40x128xf32, #tpu.memory_space<vmem>> -> memref<40x128xf32, #tpu.memory_space<vmem>>
        %dma_start3A_756 = arith.constant 0 : i32
        %dma_start3A_757 = tpu.memref_slice %arg7[%dma_start3A_750, %dma_start3A_756] : memref<7x40xi32, #tpu.memory_space<vmem>> -> memref<1x40xi32, #tpu.memory_space<vmem>>
        %dma_start3A_758 = tpu.memref_squeeze %dma_start3A_757 : memref<1x40xi32, #tpu.memory_space<vmem>> -> memref<40xi32, #tpu.memory_space<vmem>>
        %dma_start3A_759 = arith.constant 0 : i32
        %dma_start3A_760 = arith.constant 0 : i32
        %dma_start3A_761 = tpu.memref_slice %arg2[%dma_start3A_759, %dma_start3A_760] : memref<10000x128xf32, #tpu.memory_space<hbm>> -> memref<10000x128xf32, #tpu.memory_space<hbm>>
        tpu.enqueue_indirect_dma source(%dma_start3A_761 : memref<10000x128xf32, #tpu.memory_space<hbm>>) target(%dma_start3A_755 : memref<40x128xf32, #tpu.memory_space<vmem>>) offsets(%dma_start3A_758 : memref<40xi32, #tpu.memory_space<vmem>>) semaphore(%arg15 : memref<!tpu.dma_semaphore, #tpu.memory_space<semaphore_mem>>)
      } else {
      }
      %dma_wait3A_701 = arith.constant 0 : i32
      %dma_wait3A_702 = arith.constant 6 : i32
      %dma_wait3A_703 = arith.constant 0 : i32
      %dma_wait3A_704 = arith.constant 0 : i32
      %dma_wait3A_705 = tpu.memref_slice %arg9[%dma_wait3A_702, %dma_wait3A_703, %dma_wait3A_704] : memref<7x40x128xf32, #tpu.memory_space<vmem>> -> memref<1x40x128xf32, #tpu.memory_space<vmem>>
      %dma_wait3A_706 = tpu.memref_squeeze %dma_wait3A_705 : memref<1x40x128xf32, #tpu.memory_space<vmem>> -> memref<40x128xf32, #tpu.memory_space<vmem>>
      %dma_wait3A_707 = arith.constant 0 : i32
      %dma_wait3A_708 = tpu.memref_slice %arg7[%dma_wait3A_701, %dma_wait3A_707] : memref<7x40xi32, #tpu.memory_space<vmem>> -> memref<1x40xi32, #tpu.memory_space<vmem>>
      %dma_wait3A_709 = tpu.memref_squeeze %dma_wait3A_708 : memref<1x40xi32, #tpu.memory_space<vmem>> -> memref<40xi32, #tpu.memory_space<vmem>>
      %dma_wait3A_710 = arith.constant 0 : i32
      %dma_wait3A_711 = arith.constant 0 : i32
      %dma_wait3A_712 = tpu.memref_slice %arg2[%dma_wait3A_710, %dma_wait3A_711] : memref<10000x128xf32, #tpu.memory_space<hbm>> -> memref<10000x128xf32, #tpu.memory_space<hbm>>
      tpu.wait_indirect_dma semaphore(%arg17 : memref<!tpu.dma_semaphore, #tpu.memory_space<semaphore_mem>>) src(%dma_wait3A_712 : memref<10000x128xf32, #tpu.memory_space<hbm>>) dst(%dma_wait3A_706 : memref<40x128xf32, #tpu.memory_space<vmem>>)
      %run_scoped3A_713 = arith.constant 6 : i32
      %run_scoped3A_714 = arith.constant 6 : i32
      "tpu.region"() ({
        %run_scoped3A_722 = tpu.sem_alloc : memref<!tpu.dma_semaphore, #tpu.memory_space<semaphore_mem>>
        %dma_start3A_723 = arith.constant 0 : i32
        %dma_start3A_724 = arith.constant 0 : i32
        %dma_start3A_725 = tpu.memref_slice %arg9[%run_scoped3A_713, %dma_start3A_723, %dma_start3A_724] : memref<7x40x128xf32, #tpu.memory_space<vmem>> -> memref<1x40x128xf32, #tpu.memory_space<vmem>>
        %dma_start3A_726 = tpu.memref_squeeze %dma_start3A_725 : memref<1x40x128xf32, #tpu.memory_space<vmem>> -> memref<40x128xf32, #tpu.memory_space<vmem>>
        %dma_start3A_727 = arith.constant 0 : i32
        %dma_start3A_728 = tpu.memref_slice %arg8[%run_scoped3A_714, %dma_start3A_727] : memref<7x40xi32, #tpu.memory_space<vmem>> -> memref<1x40xi32, #tpu.memory_space<vmem>>
        %dma_start3A_729 = tpu.memref_squeeze %dma_start3A_728 : memref<1x40xi32, #tpu.memory_space<vmem>> -> memref<40xi32, #tpu.memory_space<vmem>>
        %dma_start3A_730 = arith.constant 0 : i32
        %dma_start3A_731 = arith.constant 0 : i32
        %dma_start3A_732 = tpu.memref_slice %arg10[%dma_start3A_730, %dma_start3A_731] : memref<10000x128xf32, #tpu.memory_space<vmem_shared>> -> memref<10000x128xf32, #tpu.memory_space<vmem_shared>>
        tpu.enqueue_indirect_dma source(%dma_start3A_726 : memref<40x128xf32, #tpu.memory_space<vmem>>) target(%dma_start3A_732 : memref<10000x128xf32, #tpu.memory_space<vmem_shared>>) offsets(%dma_start3A_729 : memref<40xi32, #tpu.memory_space<vmem>>) semaphore(%run_scoped3A_722 : memref<!tpu.dma_semaphore, #tpu.memory_space<semaphore_mem>>) {add = true}
        %dma_wait3A_733 = arith.constant 0 : i32
        %dma_wait3A_734 = arith.constant 0 : i32
        %dma_wait3A_735 = tpu.memref_slice %arg9[%run_scoped3A_713, %dma_wait3A_733, %dma_wait3A_734] : memref<7x40x128xf32, #tpu.memory_space<vmem>> -> memref<1x40x128xf32, #tpu.memory_space<vmem>>
        %dma_wait3A_736 = tpu.memref_squeeze %dma_wait3A_735 : memref<1x40x128xf32, #tpu.memory_space<vmem>> -> memref<40x128xf32, #tpu.memory_space<vmem>>
        %dma_wait3A_737 = arith.constant 0 : i32
        %dma_wait3A_738 = tpu.memref_slice %arg8[%run_scoped3A_714, %dma_wait3A_737] : memref<7x40xi32, #tpu.memory_space<vmem>> -> memref<1x40xi32, #tpu.memory_space<vmem>>
        %dma_wait3A_739 = tpu.memref_squeeze %dma_wait3A_738 : memref<1x40xi32, #tpu.memory_space<vmem>> -> memref<40xi32, #tpu.memory_space<vmem>>
        %dma_wait3A_740 = arith.constant 0 : i32
        %dma_wait3A_741 = arith.constant 0 : i32
        %dma_wait3A_742 = tpu.memref_slice %arg10[%dma_wait3A_740, %dma_wait3A_741] : memref<10000x128xf32, #tpu.memory_space<vmem_shared>> -> memref<10000x128xf32, #tpu.memory_space<vmem_shared>>
        tpu.wait_indirect_dma semaphore(%run_scoped3A_722 : memref<!tpu.dma_semaphore, #tpu.memory_space<semaphore_mem>>) src(%dma_wait3A_736 : memref<40x128xf32, #tpu.memory_space<vmem>>) dst(%dma_wait3A_742 : memref<10000x128xf32, #tpu.memory_space<vmem_shared>>)
        tpu.yield
      }) : () -> ()
      %add3A_715 = arith.constant 7 : i32
      %add3A_716 = arith.addi %add3A_691, %add3A_715 : i32
      %lt3A_717 = arith.constant 250 : i32
      %lt3A_718 = arith.cmpi slt, %add3A_716, %lt3A_717 : i32
      %convert_element_type3A_719 = arith.extui %lt3A_718 : i1 to i32
      %cond3A_720 = arith.constant 0 : i32
      %cond3A_721 = arith.cmpi ne, %convert_element_type3A_719, %cond3A_720 : i32
      scf.if %cond3A_721 {
        %add3A_722 = arith.constant 7 : i32
        %add3A_723 = arith.addi %add3A_691, %add3A_722 : i32
        %dma_start3A_724 = arith.constant 6 : i32
        %dma_start3A_725 = arith.constant 0 : i32
        %dma_start3A_726 = tpu.memref_slice %arg7[%dma_start3A_724, %dma_start3A_725] : memref<7x40xi32, #tpu.memory_space<vmem>> -> memref<1x40xi32, #tpu.memory_space<vmem>>
        %dma_start3A_727 = tpu.memref_squeeze %dma_start3A_726 : memref<1x40xi32, #tpu.memory_space<vmem>> -> memref<40xi32, #tpu.memory_space<vmem>>
        %dma_start3A_728 = arith.constant 0 : i32
        %dma_start3A_729 = tpu.memref_slice %arg3[%add3A, %add3A_723, %dma_start3A_728] : memref<32x250x40xi32, #tpu.memory_space<hbm>> -> memref<1x1x40xi32, #tpu.memory_space<hbm>>
        %dma_start3A_730 = tpu.memref_squeeze %dma_start3A_729 : memref<1x1x40xi32, #tpu.memory_space<hbm>> -> memref<40xi32, #tpu.memory_space<hbm>>
        %dma_start3A_731 = arith.constant 0 : i32
        %dma_start3A_732 = tpu.memref_slice %arg7[%dma_start3A_724, %dma_start3A_731] : memref<7x40xi32, #tpu.memory_space<vmem>> -> memref<1x40xi32, #tpu.memory_space<vmem>>
        %dma_start3A_733 = tpu.memref_squeeze %dma_start3A_732 : memref<1x40xi32, #tpu.memory_space<vmem>> -> memref<40xi32, #tpu.memory_space<vmem>>
        %dma_start3A_734 = arith.constant 0 : i32
        %dma_start3A_735 = tpu.memref_slice %arg3[%add3A, %add3A_723, %dma_start3A_734] : memref<32x250x40xi32, #tpu.memory_space<hbm>> -> memref<1x1x40xi32, #tpu.memory_space<hbm>>
        %dma_start3A_736 = tpu.memref_squeeze %dma_start3A_735 : memref<1x1x40xi32, #tpu.memory_space<hbm>> -> memref<40xi32, #tpu.memory_space<hbm>>
        tpu.enqueue_dma source(%dma_start3A_736 : memref<40xi32, #tpu.memory_space<hbm>>) target(%dma_start3A_733 : memref<40xi32, #tpu.memory_space<vmem>>) target_semaphore(%arg24 : memref<!tpu.dma_semaphore, #tpu.memory_space<semaphore_mem>>)
        %dma_start3A_737 = arith.constant 6 : i32
        %dma_start3A_738 = arith.constant 0 : i32
        %dma_start3A_739 = tpu.memref_slice %arg8[%dma_start3A_737, %dma_start3A_738] : memref<7x40xi32, #tpu.memory_space<vmem>> -> memref<1x40xi32, #tpu.memory_space<vmem>>
        %dma_start3A_740 = tpu.memref_squeeze %dma_start3A_739 : memref<1x40xi32, #tpu.memory_space<vmem>> -> memref<40xi32, #tpu.memory_space<vmem>>
        %dma_start3A_741 = arith.constant 0 : i32
        %dma_start3A_742 = tpu.memref_slice %arg4[%add3A, %add3A_723, %dma_start3A_741] : memref<32x250x40xi32, #tpu.memory_space<hbm>> -> memref<1x1x40xi32, #tpu.memory_space<hbm>>
        %dma_start3A_743 = tpu.memref_squeeze %dma_start3A_742 : memref<1x1x40xi32, #tpu.memory_space<hbm>> -> memref<40xi32, #tpu.memory_space<hbm>>
        %dma_start3A_744 = arith.constant 0 : i32
        %dma_start3A_745 = tpu.memref_slice %arg8[%dma_start3A_737, %dma_start3A_744] : memref<7x40xi32, #tpu.memory_space<vmem>> -> memref<1x40xi32, #tpu.memory_space<vmem>>
        %dma_start3A_746 = tpu.memref_squeeze %dma_start3A_745 : memref<1x40xi32, #tpu.memory_space<vmem>> -> memref<40xi32, #tpu.memory_space<vmem>>
        %dma_start3A_747 = arith.constant 0 : i32
        %dma_start3A_748 = tpu.memref_slice %arg4[%add3A, %add3A_723, %dma_start3A_747] : memref<32x250x40xi32, #tpu.memory_space<hbm>> -> memref<1x1x40xi32, #tpu.memory_space<hbm>>
        %dma_start3A_749 = tpu.memref_squeeze %dma_start3A_748 : memref<1x1x40xi32, #tpu.memory_space<hbm>> -> memref<40xi32, #tpu.memory_space<hbm>>
        tpu.enqueue_dma source(%dma_start3A_749 : memref<40xi32, #tpu.memory_space<hbm>>) target(%dma_start3A_746 : memref<40xi32, #tpu.memory_space<vmem>>) target_semaphore(%arg24 : memref<!tpu.dma_semaphore, #tpu.memory_space<semaphore_mem>>)
      } else {
      }
    }
    %scan3A_405 = arith.constant 35 : i32
    %dma_wait3A_406 = arith.constant 0 : i32
    %dma_wait3A_407 = arith.constant 0 : i32
    %dma_wait3A_408 = arith.constant 0 : i32
    %dma_wait3A_409 = arith.constant 0 : i32
    %dma_wait3A_410 = tpu.memref_slice %arg9[%dma_wait3A_407, %dma_wait3A_408, %dma_wait3A_409] : memref<7x40x128xf32, #tpu.memory_space<vmem>> -> memref<1x40x128xf32, #tpu.memory_space<vmem>>
    %dma_wait3A_411 = tpu.memref_squeeze %dma_wait3A_410 : memref<1x40x128xf32, #tpu.memory_space<vmem>> -> memref<40x128xf32, #tpu.memory_space<vmem>>
    %dma_wait3A_412 = arith.constant 0 : i32
    %dma_wait3A_413 = tpu.memref_slice %arg7[%dma_wait3A_406, %dma_wait3A_412] : memref<7x40xi32, #tpu.memory_space<vmem>> -> memref<1x40xi32, #tpu.memory_space<vmem>>
    %dma_wait3A_414 = tpu.memref_squeeze %dma_wait3A_413 : memref<1x40xi32, #tpu.memory_space<vmem>> -> memref<40xi32, #tpu.memory_space<vmem>>
    %dma_wait3A_415 = arith.constant 0 : i32
    %dma_wait3A_416 = arith.constant 0 : i32
    %dma_wait3A_417 = tpu.memref_slice %arg2[%dma_wait3A_415, %dma_wait3A_416] : memref<10000x128xf32, #tpu.memory_space<hbm>> -> memref<10000x128xf32, #tpu.memory_space<hbm>>
    tpu.wait_indirect_dma semaphore(%arg11 : memref<!tpu.dma_semaphore, #tpu.memory_space<semaphore_mem>>) src(%dma_wait3A_417 : memref<10000x128xf32, #tpu.memory_space<hbm>>) dst(%dma_wait3A_411 : memref<40x128xf32, #tpu.memory_space<vmem>>)
    %run_scoped3A = arith.constant 0 : i32
    %run_scoped3A_418 = arith.constant 0 : i32
    "tpu.region"() ({
      %run_scoped3A_485 = tpu.sem_alloc : memref<!tpu.dma_semaphore, #tpu.memory_space<semaphore_mem>>
      %dma_start3A_486 = arith.constant 0 : i32
      %dma_start3A_487 = arith.constant 0 : i32
      %dma_start3A_488 = tpu.memref_slice %arg9[%run_scoped3A, %dma_start3A_486, %dma_start3A_487] : memref<7x40x128xf32, #tpu.memory_space<vmem>> -> memref<1x40x128xf32, #tpu.memory_space<vmem>>
      %dma_start3A_489 = tpu.memref_squeeze %dma_start3A_488 : memref<1x40x128xf32, #tpu.memory_space<vmem>> -> memref<40x128xf32, #tpu.memory_space<vmem>>
      %dma_start3A_490 = arith.constant 0 : i32
      %dma_start3A_491 = tpu.memref_slice %arg8[%run_scoped3A_418, %dma_start3A_490] : memref<7x40xi32, #tpu.memory_space<vmem>> -> memref<1x40xi32, #tpu.memory_space<vmem>>
      %dma_start3A_492 = tpu.memref_squeeze %dma_start3A_491 : memref<1x40xi32, #tpu.memory_space<vmem>> -> memref<40xi32, #tpu.memory_space<vmem>>
      %dma_start3A_493 = arith.constant 0 : i32
      %dma_start3A_494 = arith.constant 0 : i32
      %dma_start3A_495 = tpu.memref_slice %arg10[%dma_start3A_493, %dma_start3A_494] : memref<10000x128xf32, #tpu.memory_space<vmem_shared>> -> memref<10000x128xf32, #tpu.memory_space<vmem_shared>>
      tpu.enqueue_indirect_dma source(%dma_start3A_489 : memref<40x128xf32, #tpu.memory_space<vmem>>) target(%dma_start3A_495 : memref<10000x128xf32, #tpu.memory_space<vmem_shared>>) offsets(%dma_start3A_492 : memref<40xi32, #tpu.memory_space<vmem>>) semaphore(%run_scoped3A_485 : memref<!tpu.dma_semaphore, #tpu.memory_space<semaphore_mem>>) {add = true}
      %dma_wait3A_496 = arith.constant 0 : i32
      %dma_wait3A_497 = arith.constant 0 : i32
      %dma_wait3A_498 = tpu.memref_slice %arg9[%run_scoped3A, %dma_wait3A_496, %dma_wait3A_497] : memref<7x40x128xf32, #tpu.memory_space<vmem>> -> memref<1x40x128xf32, #tpu.memory_space<vmem>>
      %dma_wait3A_499 = tpu.memref_squeeze %dma_wait3A_498 : memref<1x40x128xf32, #tpu.memory_space<vmem>> -> memref<40x128xf32, #tpu.memory_space<vmem>>
      %dma_wait3A_500 = arith.constant 0 : i32
      %dma_wait3A_501 = tpu.memref_slice %arg8[%run_scoped3A_418, %dma_wait3A_500] : memref<7x40xi32, #tpu.memory_space<vmem>> -> memref<1x40xi32, #tpu.memory_space<vmem>>
      %dma_wait3A_502 = tpu.memref_squeeze %dma_wait3A_501 : memref<1x40xi32, #tpu.memory_space<vmem>> -> memref<40xi32, #tpu.memory_space<vmem>>
      %dma_wait3A_503 = arith.constant 0 : i32
      %dma_wait3A_504 = arith.constant 0 : i32
      %dma_wait3A_505 = tpu.memref_slice %arg10[%dma_wait3A_503, %dma_wait3A_504] : memref<10000x128xf32, #tpu.memory_space<vmem_shared>> -> memref<10000x128xf32, #tpu.memory_space<vmem_shared>>
      tpu.wait_indirect_dma semaphore(%run_scoped3A_485 : memref<!tpu.dma_semaphore, #tpu.memory_space<semaphore_mem>>) src(%dma_wait3A_499 : memref<40x128xf32, #tpu.memory_space<vmem>>) dst(%dma_wait3A_505 : memref<10000x128xf32, #tpu.memory_space<vmem_shared>>)
      tpu.yield
    }) : () -> ()
    %dma_wait3A_419 = arith.constant 0 : i32
    %dma_wait3A_420 = arith.constant 1 : i32
    %dma_wait3A_421 = arith.constant 0 : i32
    %dma_wait3A_422 = arith.constant 0 : i32
    %dma_wait3A_423 = tpu.memref_slice %arg9[%dma_wait3A_420, %dma_wait3A_421, %dma_wait3A_422] : memref<7x40x128xf32, #tpu.memory_space<vmem>> -> memref<1x40x128xf32, #tpu.memory_space<vmem>>
    %dma_wait3A_424 = tpu.memref_squeeze %dma_wait3A_423 : memref<1x40x128xf32, #tpu.memory_space<vmem>> -> memref<40x128xf32, #tpu.memory_space<vmem>>
    %dma_wait3A_425 = arith.constant 0 : i32
    %dma_wait3A_426 = tpu.memref_slice %arg7[%dma_wait3A_419, %dma_wait3A_425] : memref<7x40xi32, #tpu.memory_space<vmem>> -> memref<1x40xi32, #tpu.memory_space<vmem>>
    %dma_wait3A_427 = tpu.memref_squeeze %dma_wait3A_426 : memref<1x40xi32, #tpu.memory_space<vmem>> -> memref<40xi32, #tpu.memory_space<vmem>>
    %dma_wait3A_428 = arith.constant 0 : i32
    %dma_wait3A_429 = arith.constant 0 : i32
    %dma_wait3A_430 = tpu.memref_slice %arg2[%dma_wait3A_428, %dma_wait3A_429] : memref<10000x128xf32, #tpu.memory_space<hbm>> -> memref<10000x128xf32, #tpu.memory_space<hbm>>
    tpu.wait_indirect_dma semaphore(%arg12 : memref<!tpu.dma_semaphore, #tpu.memory_space<semaphore_mem>>) src(%dma_wait3A_430 : memref<10000x128xf32, #tpu.memory_space<hbm>>) dst(%dma_wait3A_424 : memref<40x128xf32, #tpu.memory_space<vmem>>)
    %run_scoped3A_431 = arith.constant 1 : i32
    %run_scoped3A_432 = arith.constant 1 : i32
    "tpu.region"() ({
      %run_scoped3A_485 = tpu.sem_alloc : memref<!tpu.dma_semaphore, #tpu.memory_space<semaphore_mem>>
      %dma_start3A_486 = arith.constant 0 : i32
      %dma_start3A_487 = arith.constant 0 : i32
      %dma_start3A_488 = tpu.memref_slice %arg9[%run_scoped3A_431, %dma_start3A_486, %dma_start3A_487] : memref<7x40x128xf32, #tpu.memory_space<vmem>> -> memref<1x40x128xf32, #tpu.memory_space<vmem>>
      %dma_start3A_489 = tpu.memref_squeeze %dma_start3A_488 : memref<1x40x128xf32, #tpu.memory_space<vmem>> -> memref<40x128xf32, #tpu.memory_space<vmem>>
      %dma_start3A_490 = arith.constant 0 : i32
      %dma_start3A_491 = tpu.memref_slice %arg8[%run_scoped3A_432, %dma_start3A_490] : memref<7x40xi32, #tpu.memory_space<vmem>> -> memref<1x40xi32, #tpu.memory_space<vmem>>
      %dma_start3A_492 = tpu.memref_squeeze %dma_start3A_491 : memref<1x40xi32, #tpu.memory_space<vmem>> -> memref<40xi32, #tpu.memory_space<vmem>>
      %dma_start3A_493 = arith.constant 0 : i32
      %dma_start3A_494 = arith.constant 0 : i32
      %dma_start3A_495 = tpu.memref_slice %arg10[%dma_start3A_493, %dma_start3A_494] : memref<10000x128xf32, #tpu.memory_space<vmem_shared>> -> memref<10000x128xf32, #tpu.memory_space<vmem_shared>>
      tpu.enqueue_indirect_dma source(%dma_start3A_489 : memref<40x128xf32, #tpu.memory_space<vmem>>) target(%dma_start3A_495 : memref<10000x128xf32, #tpu.memory_space<vmem_shared>>) offsets(%dma_start3A_492 : memref<40xi32, #tpu.memory_space<vmem>>) semaphore(%run_scoped3A_485 : memref<!tpu.dma_semaphore, #tpu.memory_space<semaphore_mem>>) {add = true}
      %dma_wait3A_496 = arith.constant 0 : i32
      %dma_wait3A_497 = arith.constant 0 : i32
      %dma_wait3A_498 = tpu.memref_slice %arg9[%run_scoped3A_431, %dma_wait3A_496, %dma_wait3A_497] : memref<7x40x128xf32, #tpu.memory_space<vmem>> -> memref<1x40x128xf32, #tpu.memory_space<vmem>>
      %dma_wait3A_499 = tpu.memref_squeeze %dma_wait3A_498 : memref<1x40x128xf32, #tpu.memory_space<vmem>> -> memref<40x128xf32, #tpu.memory_space<vmem>>
      %dma_wait3A_500 = arith.constant 0 : i32
      %dma_wait3A_501 = tpu.memref_slice %arg8[%run_scoped3A_432, %dma_wait3A_500] : memref<7x40xi32, #tpu.memory_space<vmem>> -> memref<1x40xi32, #tpu.memory_space<vmem>>
      %dma_wait3A_502 = tpu.memref_squeeze %dma_wait3A_501 : memref<1x40xi32, #tpu.memory_space<vmem>> -> memref<40xi32, #tpu.memory_space<vmem>>
      %dma_wait3A_503 = arith.constant 0 : i32
      %dma_wait3A_504 = arith.constant 0 : i32
      %dma_wait3A_505 = tpu.memref_slice %arg10[%dma_wait3A_503, %dma_wait3A_504] : memref<10000x128xf32, #tpu.memory_space<vmem_shared>> -> memref<10000x128xf32, #tpu.memory_space<vmem_shared>>
      tpu.wait_indirect_dma semaphore(%run_scoped3A_485 : memref<!tpu.dma_semaphore, #tpu.memory_space<semaphore_mem>>) src(%dma_wait3A_499 : memref<40x128xf32, #tpu.memory_space<vmem>>) dst(%dma_wait3A_505 : memref<10000x128xf32, #tpu.memory_space<vmem_shared>>)
      tpu.yield
    }) : () -> ()
    %dma_wait3A_433 = arith.constant 0 : i32
    %dma_wait3A_434 = arith.constant 2 : i32
    %dma_wait3A_435 = arith.constant 0 : i32
    %dma_wait3A_436 = arith.constant 0 : i32
    %dma_wait3A_437 = tpu.memref_slice %arg9[%dma_wait3A_434, %dma_wait3A_435, %dma_wait3A_436] : memref<7x40x128xf32, #tpu.memory_space<vmem>> -> memref<1x40x128xf32, #tpu.memory_space<vmem>>
    %dma_wait3A_438 = tpu.memref_squeeze %dma_wait3A_437 : memref<1x40x128xf32, #tpu.memory_space<vmem>> -> memref<40x128xf32, #tpu.memory_space<vmem>>
    %dma_wait3A_439 = arith.constant 0 : i32
    %dma_wait3A_440 = tpu.memref_slice %arg7[%dma_wait3A_433, %dma_wait3A_439] : memref<7x40xi32, #tpu.memory_space<vmem>> -> memref<1x40xi32, #tpu.memory_space<vmem>>
    %dma_wait3A_441 = tpu.memref_squeeze %dma_wait3A_440 : memref<1x40xi32, #tpu.memory_space<vmem>> -> memref<40xi32, #tpu.memory_space<vmem>>
    %dma_wait3A_442 = arith.constant 0 : i32
    %dma_wait3A_443 = arith.constant 0 : i32
    %dma_wait3A_444 = tpu.memref_slice %arg2[%dma_wait3A_442, %dma_wait3A_443] : memref<10000x128xf32, #tpu.memory_space<hbm>> -> memref<10000x128xf32, #tpu.memory_space<hbm>>
    tpu.wait_indirect_dma semaphore(%arg13 : memref<!tpu.dma_semaphore, #tpu.memory_space<semaphore_mem>>) src(%dma_wait3A_444 : memref<10000x128xf32, #tpu.memory_space<hbm>>) dst(%dma_wait3A_438 : memref<40x128xf32, #tpu.memory_space<vmem>>)
    %run_scoped3A_445 = arith.constant 2 : i32
    %run_scoped3A_446 = arith.constant 2 : i32
    "tpu.region"() ({
      %run_scoped3A_485 = tpu.sem_alloc : memref<!tpu.dma_semaphore, #tpu.memory_space<semaphore_mem>>
      %dma_start3A_486 = arith.constant 0 : i32
      %dma_start3A_487 = arith.constant 0 : i32
      %dma_start3A_488 = tpu.memref_slice %arg9[%run_scoped3A_445, %dma_start3A_486, %dma_start3A_487] : memref<7x40x128xf32, #tpu.memory_space<vmem>> -> memref<1x40x128xf32, #tpu.memory_space<vmem>>
      %dma_start3A_489 = tpu.memref_squeeze %dma_start3A_488 : memref<1x40x128xf32, #tpu.memory_space<vmem>> -> memref<40x128xf32, #tpu.memory_space<vmem>>
      %dma_start3A_490 = arith.constant 0 : i32
      %dma_start3A_491 = tpu.memref_slice %arg8[%run_scoped3A_446, %dma_start3A_490] : memref<7x40xi32, #tpu.memory_space<vmem>> -> memref<1x40xi32, #tpu.memory_space<vmem>>
      %dma_start3A_492 = tpu.memref_squeeze %dma_start3A_491 : memref<1x40xi32, #tpu.memory_space<vmem>> -> memref<40xi32, #tpu.memory_space<vmem>>
      %dma_start3A_493 = arith.constant 0 : i32
      %dma_start3A_494 = arith.constant 0 : i32
      %dma_start3A_495 = tpu.memref_slice %arg10[%dma_start3A_493, %dma_start3A_494] : memref<10000x128xf32, #tpu.memory_space<vmem_shared>> -> memref<10000x128xf32, #tpu.memory_space<vmem_shared>>
      tpu.enqueue_indirect_dma source(%dma_start3A_489 : memref<40x128xf32, #tpu.memory_space<vmem>>) target(%dma_start3A_495 : memref<10000x128xf32, #tpu.memory_space<vmem_shared>>) offsets(%dma_start3A_492 : memref<40xi32, #tpu.memory_space<vmem>>) semaphore(%run_scoped3A_485 : memref<!tpu.dma_semaphore, #tpu.memory_space<semaphore_mem>>) {add = true}
      %dma_wait3A_496 = arith.constant 0 : i32
      %dma_wait3A_497 = arith.constant 0 : i32
      %dma_wait3A_498 = tpu.memref_slice %arg9[%run_scoped3A_445, %dma_wait3A_496, %dma_wait3A_497] : memref<7x40x128xf32, #tpu.memory_space<vmem>> -> memref<1x40x128xf32, #tpu.memory_space<vmem>>
      %dma_wait3A_499 = tpu.memref_squeeze %dma_wait3A_498 : memref<1x40x128xf32, #tpu.memory_space<vmem>> -> memref<40x128xf32, #tpu.memory_space<vmem>>
      %dma_wait3A_500 = arith.constant 0 : i32
      %dma_wait3A_501 = tpu.memref_slice %arg8[%run_scoped3A_446, %dma_wait3A_500] : memref<7x40xi32, #tpu.memory_space<vmem>> -> memref<1x40xi32, #tpu.memory_space<vmem>>
      %dma_wait3A_502 = tpu.memref_squeeze %dma_wait3A_501 : memref<1x40xi32, #tpu.memory_space<vmem>> -> memref<40xi32, #tpu.memory_space<vmem>>
      %dma_wait3A_503 = arith.constant 0 : i32
      %dma_wait3A_504 = arith.constant 0 : i32
      %dma_wait3A_505 = tpu.memref_slice %arg10[%dma_wait3A_503, %dma_wait3A_504] : memref<10000x128xf32, #tpu.memory_space<vmem_shared>> -> memref<10000x128xf32, #tpu.memory_space<vmem_shared>>
      tpu.wait_indirect_dma semaphore(%run_scoped3A_485 : memref<!tpu.dma_semaphore, #tpu.memory_space<semaphore_mem>>) src(%dma_wait3A_499 : memref<40x128xf32, #tpu.memory_space<vmem>>) dst(%dma_wait3A_505 : memref<10000x128xf32, #tpu.memory_space<vmem_shared>>)
      tpu.yield
    }) : () -> ()
    %dma_wait3A_447 = arith.constant 0 : i32
    %dma_wait3A_448 = arith.constant 3 : i32
    %dma_wait3A_449 = arith.constant 0 : i32
    %dma_wait3A_450 = arith.constant 0 : i32
    %dma_wait3A_451 = tpu.memref_slice %arg9[%dma_wait3A_448, %dma_wait3A_449, %dma_wait3A_450] : memref<7x40x128xf32, #tpu.memory_space<vmem>> -> memref<1x40x128xf32, #tpu.memory_space<vmem>>
    %dma_wait3A_452 = tpu.memref_squeeze %dma_wait3A_451 : memref<1x40x128xf32, #tpu.memory_space<vmem>> -> memref<40x128xf32, #tpu.memory_space<vmem>>
    %dma_wait3A_453 = arith.constant 0 : i32
    %dma_wait3A_454 = tpu.memref_slice %arg7[%dma_wait3A_447, %dma_wait3A_453] : memref<7x40xi32, #tpu.memory_space<vmem>> -> memref<1x40xi32, #tpu.memory_space<vmem>>
    %dma_wait3A_455 = tpu.memref_squeeze %dma_wait3A_454 : memref<1x40xi32, #tpu.memory_space<vmem>> -> memref<40xi32, #tpu.memory_space<vmem>>
    %dma_wait3A_456 = arith.constant 0 : i32
    %dma_wait3A_457 = arith.constant 0 : i32
    %dma_wait3A_458 = tpu.memref_slice %arg2[%dma_wait3A_456, %dma_wait3A_457] : memref<10000x128xf32, #tpu.memory_space<hbm>> -> memref<10000x128xf32, #tpu.memory_space<hbm>>
    tpu.wait_indirect_dma semaphore(%arg14 : memref<!tpu.dma_semaphore, #tpu.memory_space<semaphore_mem>>) src(%dma_wait3A_458 : memref<10000x128xf32, #tpu.memory_space<hbm>>) dst(%dma_wait3A_452 : memref<40x128xf32, #tpu.memory_space<vmem>>)
    %run_scoped3A_459 = arith.constant 3 : i32
    %run_scoped3A_460 = arith.constant 3 : i32
    "tpu.region"() ({
      %run_scoped3A_485 = tpu.sem_alloc : memref<!tpu.dma_semaphore, #tpu.memory_space<semaphore_mem>>
      %dma_start3A_486 = arith.constant 0 : i32
      %dma_start3A_487 = arith.constant 0 : i32
      %dma_start3A_488 = tpu.memref_slice %arg9[%run_scoped3A_459, %dma_start3A_486, %dma_start3A_487] : memref<7x40x128xf32, #tpu.memory_space<vmem>> -> memref<1x40x128xf32, #tpu.memory_space<vmem>>
      %dma_start3A_489 = tpu.memref_squeeze %dma_start3A_488 : memref<1x40x128xf32, #tpu.memory_space<vmem>> -> memref<40x128xf32, #tpu.memory_space<vmem>>
      %dma_start3A_490 = arith.constant 0 : i32
      %dma_start3A_491 = tpu.memref_slice %arg8[%run_scoped3A_460, %dma_start3A_490] : memref<7x40xi32, #tpu.memory_space<vmem>> -> memref<1x40xi32, #tpu.memory_space<vmem>>
      %dma_start3A_492 = tpu.memref_squeeze %dma_start3A_491 : memref<1x40xi32, #tpu.memory_space<vmem>> -> memref<40xi32, #tpu.memory_space<vmem>>
      %dma_start3A_493 = arith.constant 0 : i32
      %dma_start3A_494 = arith.constant 0 : i32
      %dma_start3A_495 = tpu.memref_slice %arg10[%dma_start3A_493, %dma_start3A_494] : memref<10000x128xf32, #tpu.memory_space<vmem_shared>> -> memref<10000x128xf32, #tpu.memory_space<vmem_shared>>
      tpu.enqueue_indirect_dma source(%dma_start3A_489 : memref<40x128xf32, #tpu.memory_space<vmem>>) target(%dma_start3A_495 : memref<10000x128xf32, #tpu.memory_space<vmem_shared>>) offsets(%dma_start3A_492 : memref<40xi32, #tpu.memory_space<vmem>>) semaphore(%run_scoped3A_485 : memref<!tpu.dma_semaphore, #tpu.memory_space<semaphore_mem>>) {add = true}
      %dma_wait3A_496 = arith.constant 0 : i32
      %dma_wait3A_497 = arith.constant 0 : i32
      %dma_wait3A_498 = tpu.memref_slice %arg9[%run_scoped3A_459, %dma_wait3A_496, %dma_wait3A_497] : memref<7x40x128xf32, #tpu.memory_space<vmem>> -> memref<1x40x128xf32, #tpu.memory_space<vmem>>
      %dma_wait3A_499 = tpu.memref_squeeze %dma_wait3A_498 : memref<1x40x128xf32, #tpu.memory_space<vmem>> -> memref<40x128xf32, #tpu.memory_space<vmem>>
      %dma_wait3A_500 = arith.constant 0 : i32
      %dma_wait3A_501 = tpu.memref_slice %arg8[%run_scoped3A_460, %dma_wait3A_500] : memref<7x40xi32, #tpu.memory_space<vmem>> -> memref<1x40xi32, #tpu.memory_space<vmem>>
      %dma_wait3A_502 = tpu.memref_squeeze %dma_wait3A_501 : memref<1x40xi32, #tpu.memory_space<vmem>> -> memref<40xi32, #tpu.memory_space<vmem>>
      %dma_wait3A_503 = arith.constant 0 : i32
      %dma_wait3A_504 = arith.constant 0 : i32
      %dma_wait3A_505 = tpu.memref_slice %arg10[%dma_wait3A_503, %dma_wait3A_504] : memref<10000x128xf32, #tpu.memory_space<vmem_shared>> -> memref<10000x128xf32, #tpu.memory_space<vmem_shared>>
      tpu.wait_indirect_dma semaphore(%run_scoped3A_485 : memref<!tpu.dma_semaphore, #tpu.memory_space<semaphore_mem>>) src(%dma_wait3A_499 : memref<40x128xf32, #tpu.memory_space<vmem>>) dst(%dma_wait3A_505 : memref<10000x128xf32, #tpu.memory_space<vmem_shared>>)
      tpu.yield
    }) : () -> ()
    %dma_wait3A_461 = arith.constant 0 : i32
    %dma_wait3A_462 = arith.constant 4 : i32
    %dma_wait3A_463 = arith.constant 0 : i32
    %dma_wait3A_464 = arith.constant 0 : i32
    %dma_wait3A_465 = tpu.memref_slice %arg9[%dma_wait3A_462, %dma_wait3A_463, %dma_wait3A_464] : memref<7x40x128xf32, #tpu.memory_space<vmem>> -> memref<1x40x128xf32, #tpu.memory_space<vmem>>
    %dma_wait3A_466 = tpu.memref_squeeze %dma_wait3A_465 : memref<1x40x128xf32, #tpu.memory_space<vmem>> -> memref<40x128xf32, #tpu.memory_space<vmem>>
    %dma_wait3A_467 = arith.constant 0 : i32
    %dma_wait3A_468 = tpu.memref_slice %arg7[%dma_wait3A_461, %dma_wait3A_467] : memref<7x40xi32, #tpu.memory_space<vmem>> -> memref<1x40xi32, #tpu.memory_space<vmem>>
    %dma_wait3A_469 = tpu.memref_squeeze %dma_wait3A_468 : memref<1x40xi32, #tpu.memory_space<vmem>> -> memref<40xi32, #tpu.memory_space<vmem>>
    %dma_wait3A_470 = arith.constant 0 : i32
    %dma_wait3A_471 = arith.constant 0 : i32
    %dma_wait3A_472 = tpu.memref_slice %arg2[%dma_wait3A_470, %dma_wait3A_471] : memref<10000x128xf32, #tpu.memory_space<hbm>> -> memref<10000x128xf32, #tpu.memory_space<hbm>>
    tpu.wait_indirect_dma semaphore(%arg15 : memref<!tpu.dma_semaphore, #tpu.memory_space<semaphore_mem>>) src(%dma_wait3A_472 : memref<10000x128xf32, #tpu.memory_space<hbm>>) dst(%dma_wait3A_466 : memref<40x128xf32, #tpu.memory_space<vmem>>)
    %run_scoped3A_473 = arith.constant 4 : i32
    %run_scoped3A_474 = arith.constant 4 : i32
    "tpu.region"() ({
      %run_scoped3A_485 = tpu.sem_alloc : memref<!tpu.dma_semaphore, #tpu.memory_space<semaphore_mem>>
      %dma_start3A_486 = arith.constant 0 : i32
      %dma_start3A_487 = arith.constant 0 : i32
      %dma_start3A_488 = tpu.memref_slice %arg9[%run_scoped3A_473, %dma_start3A_486, %dma_start3A_487] : memref<7x40x128xf32, #tpu.memory_space<vmem>> -> memref<1x40x128xf32, #tpu.memory_space<vmem>>
      %dma_start3A_489 = tpu.memref_squeeze %dma_start3A_488 : memref<1x40x128xf32, #tpu.memory_space<vmem>> -> memref<40x128xf32, #tpu.memory_space<vmem>>
      %dma_start3A_490 = arith.constant 0 : i32
      %dma_start3A_491 = tpu.memref_slice %arg8[%run_scoped3A_474, %dma_start3A_490] : memref<7x40xi32, #tpu.memory_space<vmem>> -> memref<1x40xi32, #tpu.memory_space<vmem>>
      %dma_start3A_492 = tpu.memref_squeeze %dma_start3A_491 : memref<1x40xi32, #tpu.memory_space<vmem>> -> memref<40xi32, #tpu.memory_space<vmem>>
      %dma_start3A_493 = arith.constant 0 : i32
      %dma_start3A_494 = arith.constant 0 : i32
      %dma_start3A_495 = tpu.memref_slice %arg10[%dma_start3A_493, %dma_start3A_494] : memref<10000x128xf32, #tpu.memory_space<vmem_shared>> -> memref<10000x128xf32, #tpu.memory_space<vmem_shared>>
      tpu.enqueue_indirect_dma source(%dma_start3A_489 : memref<40x128xf32, #tpu.memory_space<vmem>>) target(%dma_start3A_495 : memref<10000x128xf32, #tpu.memory_space<vmem_shared>>) offsets(%dma_start3A_492 : memref<40xi32, #tpu.memory_space<vmem>>) semaphore(%run_scoped3A_485 : memref<!tpu.dma_semaphore, #tpu.memory_space<semaphore_mem>>) {add = true}
      %dma_wait3A_496 = arith.constant 0 : i32
      %dma_wait3A_497 = arith.constant 0 : i32
      %dma_wait3A_498 = tpu.memref_slice %arg9[%run_scoped3A_473, %dma_wait3A_496, %dma_wait3A_497] : memref<7x40x128xf32, #tpu.memory_space<vmem>> -> memref<1x40x128xf32, #tpu.memory_space<vmem>>
      %dma_wait3A_499 = tpu.memref_squeeze %dma_wait3A_498 : memref<1x40x128xf32, #tpu.memory_space<vmem>> -> memref<40x128xf32, #tpu.memory_space<vmem>>
      %dma_wait3A_500 = arith.constant 0 : i32
      %dma_wait3A_501 = tpu.memref_slice %arg8[%run_scoped3A_474, %dma_wait3A_500] : memref<7x40xi32, #tpu.memory_space<vmem>> -> memref<1x40xi32, #tpu.memory_space<vmem>>
      %dma_wait3A_502 = tpu.memref_squeeze %dma_wait3A_501 : memref<1x40xi32, #tpu.memory_space<vmem>> -> memref<40xi32, #tpu.memory_space<vmem>>
      %dma_wait3A_503 = arith.constant 0 : i32
      %dma_wait3A_504 = arith.constant 0 : i32
      %dma_wait3A_505 = tpu.memref_slice %arg10[%dma_wait3A_503, %dma_wait3A_504] : memref<10000x128xf32, #tpu.memory_space<vmem_shared>> -> memref<10000x128xf32, #tpu.memory_space<vmem_shared>>
      tpu.wait_indirect_dma semaphore(%run_scoped3A_485 : memref<!tpu.dma_semaphore, #tpu.memory_space<semaphore_mem>>) src(%dma_wait3A_499 : memref<40x128xf32, #tpu.memory_space<vmem>>) dst(%dma_wait3A_505 : memref<10000x128xf32, #tpu.memory_space<vmem_shared>>)
      tpu.yield
    }) : () -> ()
    %barrier3A_475 = arith.constant 0 : index
    tpu.barrier barrier_id(%barrier3A_475)
    %mul3A_476 = arith.constant 624 : i32
    %mul3A_477 = arith.muli %arg1, %mul3A_476 : i32
    %mul3A_478 = arith.constant 624 : i32
    %mul3A_479 = arith.muli %arg1, %mul3A_478 : i32
    "tpu.region"() ({
      %run_scoped3A_485 = tpu.sem_alloc : memref<!tpu.dma_semaphore, #tpu.memory_space<semaphore_mem>>
      %dma_start3A_486 = arith.constant 0 : i32
      %dma_start3A_487 = arith.constant 0 : i32
      %dma_start3A_488 = tpu.memref_slice %arg6[%arg0, %dma_start3A_486, %dma_start3A_487] : memref<2x10000x128xf32, #tpu.memory_space<hbm>> -> memref<1x10000x128xf32, #tpu.memory_space<hbm>>
      %dma_start3A_489 = tpu.memref_squeeze %dma_start3A_488 : memref<1x10000x128xf32, #tpu.memory_space<hbm>> -> memref<10000x128xf32, #tpu.memory_space<hbm>>
      %dma_start3A_490 = arith.constant 0 : i32
      %dma_start3A_491 = tpu.memref_slice %dma_start3A_489[%mul3A_479, %dma_start3A_490] : memref<10000x128xf32, #tpu.memory_space<hbm>> -> memref<624x128xf32, #tpu.memory_space<hbm>>
      %dma_start3A_492 = arith.constant 0 : i32
      %dma_start3A_493 = tpu.memref_slice %arg10[%mul3A_477, %dma_start3A_492] : memref<10000x128xf32, #tpu.memory_space<vmem_shared>> -> memref<624x128xf32, #tpu.memory_space<vmem_shared>>
      tpu.enqueue_dma source(%dma_start3A_493 : memref<624x128xf32, #tpu.memory_space<vmem_shared>>) target(%dma_start3A_491 : memref<624x128xf32, #tpu.memory_space<hbm>>) target_semaphore(%run_scoped3A_485 : memref<!tpu.dma_semaphore, #tpu.memory_space<semaphore_mem>>)
      %dma_wait3A_494 = arith.constant 0 : i32
      %dma_wait3A_495 = arith.constant 0 : i32
      %dma_wait3A_496 = tpu.memref_slice %arg6[%arg0, %dma_wait3A_494, %dma_wait3A_495] : memref<2x10000x128xf32, #tpu.memory_space<hbm>> -> memref<1x10000x128xf32, #tpu.memory_space<hbm>>
      %dma_wait3A_497 = tpu.memref_squeeze %dma_wait3A_496 : memref<1x10000x128xf32, #tpu.memory_space<hbm>> -> memref<10000x128xf32, #tpu.memory_space<hbm>>
      %dma_wait3A_498 = arith.constant 0 : i32
      %dma_wait3A_499 = tpu.memref_slice %dma_wait3A_497[%mul3A_479, %dma_wait3A_498] : memref<10000x128xf32, #tpu.memory_space<hbm>> -> memref<624x128xf32, #tpu.memory_space<hbm>>
      %dma_wait3A_500 = arith.constant 0 : i32
      %dma_wait3A_501 = tpu.memref_slice %arg10[%mul3A_477, %dma_wait3A_500] : memref<10000x128xf32, #tpu.memory_space<vmem_shared>> -> memref<624x128xf32, #tpu.memory_space<vmem_shared>>
      tpu.wait_dma2 semaphore(%run_scoped3A_485 : memref<!tpu.dma_semaphore, #tpu.memory_space<semaphore_mem>>) src(%dma_wait3A_501 : memref<624x128xf32, #tpu.memory_space<vmem_shared>>) dst(%dma_wait3A_499 : memref<624x128xf32, #tpu.memory_space<hbm>>)
      tpu.yield
    }) : () -> ()
    %eq3A_480 = arith.constant 0 : i32
    %eq3A_481 = arith.cmpi eq, %arg1, %eq3A_480 : i32
    %convert_element_type3A_482 = arith.extui %eq3A_481 : i1 to i32
    %cond3A_483 = arith.constant 0 : i32
    %cond3A_484 = arith.cmpi ne, %convert_element_type3A_482, %cond3A_483 : i32
    scf.if %cond3A_484 {
      "tpu.region"() ({
        %run_scoped3A_485 = tpu.sem_alloc : memref<!tpu.dma_semaphore, #tpu.memory_space<semaphore_mem>>
        %dma_start3A_486 = arith.constant 0 : i32
        %dma_start3A_487 = arith.constant 0 : i32
        %dma_start3A_488 = tpu.memref_slice %arg6[%arg0, %dma_start3A_486, %dma_start3A_487] : memref<2x10000x128xf32, #tpu.memory_space<hbm>> -> memref<1x10000x128xf32, #tpu.memory_space<hbm>>
        %dma_start3A_489 = tpu.memref_squeeze %dma_start3A_488 : memref<1x10000x128xf32, #tpu.memory_space<hbm>> -> memref<10000x128xf32, #tpu.memory_space<hbm>>
        %dma_start3A_490 = arith.constant 9984 : i32
        %dma_start3A_491 = arith.constant 0 : i32
        %dma_start3A_492 = tpu.memref_slice %dma_start3A_489[%dma_start3A_490, %dma_start3A_491] : memref<10000x128xf32, #tpu.memory_space<hbm>> -> memref<16x128xf32, #tpu.memory_space<hbm>>
        %dma_start3A_493 = arith.constant 9984 : i32
        %dma_start3A_494 = arith.constant 0 : i32
        %dma_start3A_495 = tpu.memref_slice %arg10[%dma_start3A_493, %dma_start3A_494] : memref<10000x128xf32, #tpu.memory_space<vmem_shared>> -> memref<16x128xf32, #tpu.memory_space<vmem_shared>>
        tpu.enqueue_dma source(%dma_start3A_495 : memref<16x128xf32, #tpu.memory_space<vmem_shared>>) target(%dma_start3A_492 : memref<16x128xf32, #tpu.memory_space<hbm>>) target_semaphore(%run_scoped3A_485 : memref<!tpu.dma_semaphore, #tpu.memory_space<semaphore_mem>>)
        %dma_wait3A_496 = arith.constant 0 : i32
        %dma_wait3A_497 = arith.constant 0 : i32
        %dma_wait3A_498 = tpu.memref_slice %arg6[%arg0, %dma_wait3A_496, %dma_wait3A_497] : memref<2x10000x128xf32, #tpu.memory_space<hbm>> -> memref<1x10000x128xf32, #tpu.memory_space<hbm>>
        %dma_wait3A_499 = tpu.memref_squeeze %dma_wait3A_498 : memref<1x10000x128xf32, #tpu.memory_space<hbm>> -> memref<10000x128xf32, #tpu.memory_space<hbm>>
        %dma_wait3A_500 = arith.constant 9984 : i32
        %dma_wait3A_501 = arith.constant 0 : i32
        %dma_wait3A_502 = tpu.memref_slice %dma_wait3A_499[%dma_wait3A_500, %dma_wait3A_501] : memref<10000x128xf32, #tpu.memory_space<hbm>> -> memref<16x128xf32, #tpu.memory_space<hbm>>
        %dma_wait3A_503 = arith.constant 9984 : i32
        %dma_wait3A_504 = arith.constant 0 : i32
        %dma_wait3A_505 = tpu.memref_slice %arg10[%dma_wait3A_503, %dma_wait3A_504] : memref<10000x128xf32, #tpu.memory_space<vmem_shared>> -> memref<16x128xf32, #tpu.memory_space<vmem_shared>>
        tpu.wait_dma2 semaphore(%run_scoped3A_485 : memref<!tpu.dma_semaphore, #tpu.memory_space<semaphore_mem>>) src(%dma_wait3A_505 : memref<16x128xf32, #tpu.memory_space<vmem_shared>>) dst(%dma_wait3A_502 : memref<16x128xf32, #tpu.memory_space<hbm>>)
        tpu.yield
      }) : () -> ()
    } else {
    }
    return
  }
}

module attributes {stable_mosaic.version = 14 : i64} {
  func.func @_final_kernel(%arg0: i32, %arg1: memref<2000x128xf32, #tpu.memory_space<vmem>>, %arg2: memref<2x2000x128xf32, #tpu.memory_space<vmem>>, %arg3: memref<1x128xf32, #tpu.memory_space<vmem>>, %arg4: memref<128x128xf32, #tpu.memory_space<vmem>>, %arg5: memref<1x128xf32, #tpu.memory_space<vmem>>, %arg6: memref<128x64xf32, #tpu.memory_space<vmem>>, %arg7: memref<1x64xf32, #tpu.memory_space<vmem>>, %arg8: memref<2000x64xf32, #tpu.memory_space<vmem>>) attributes {dimension_semantics = [#tpu.dimension_semantics<arbitrary>], iteration_bounds = array<i64: 5>, scalar_prefetch = 0 : i64, scratch_operands = 0 : i64, tpu.core_type = #tpu.core_type<tc>, window_params = [{transform_indices = @transform_0, window_bounds = array<i64: 2000, 128>}, {transform_indices = @transform_1, window_bounds = array<i64: 2, 2000, 128>}, {pipeline_mode = #tpu.pipeline_mode<synchronous>, transform_indices = @transform_2, window_bounds = array<i64: 1, 128>}, {pipeline_mode = #tpu.pipeline_mode<synchronous>, transform_indices = @transform_3, window_bounds = array<i64: 128, 128>}, {pipeline_mode = #tpu.pipeline_mode<synchronous>, transform_indices = @transform_4, window_bounds = array<i64: 1, 128>}, {pipeline_mode = #tpu.pipeline_mode<synchronous>, transform_indices = @transform_5, window_bounds = array<i64: 128, 64>}, {pipeline_mode = #tpu.pipeline_mode<synchronous>, transform_indices = @transform_6, window_bounds = array<i64: 1, 64>}, {transform_indices = @transform_7, window_bounds = array<i64: 2000, 64>}]} {
    %get3A = arith.constant 0 : index
    %get3A_0 = arith.constant 0 : index
    %get3A_1 = vector.load %arg1[%get3A, %get3A_0] : memref<2000x128xf32, #tpu.memory_space<vmem>>, vector<2000x128xf32>
    %get3A_2 = arith.constant 0 : index
    %get3A_3 = arith.constant 0 : index
    %get3A_4 = arith.constant 0 : index
    %get3A_5 = vector.load %arg2[%get3A_2, %get3A_3, %get3A_4] : memref<2x2000x128xf32, #tpu.memory_space<vmem>>, vector<1x2000x128xf32>
    %get3A_6 = vector.shape_cast %get3A_5 : vector<1x2000x128xf32> to vector<2000x128xf32>
    %add3A = arith.addf %get3A_1, %get3A_6 : vector<2000x128xf32>
    %get3A_7 = arith.constant 1 : index
    %get3A_8 = arith.constant 0 : index
    %get3A_9 = arith.constant 0 : index
    %get3A_10 = vector.load %arg2[%get3A_7, %get3A_8, %get3A_9] : memref<2x2000x128xf32, #tpu.memory_space<vmem>>, vector<1x2000x128xf32>
    %get3A_11 = vector.shape_cast %get3A_10 : vector<1x2000x128xf32> to vector<2000x128xf32>
    %add3A_12 = arith.addf %add3A, %get3A_11 : vector<2000x128xf32>
    %get3A_13 = arith.constant 0 : index
    %get3A_14 = arith.constant 0 : index
    %get3A_15 = vector.load %arg3[%get3A_13, %get3A_14] : memref<1x128xf32, #tpu.memory_space<vmem>>, vector<1x128xf32>
    %add3A_16 = vector.broadcast %get3A_15 : vector<1x128xf32> to vector<2000x128xf32>
    %add3A_17 = arith.addf %add3A_12, %add3A_16 : vector<2000x128xf32>
    %max3A = arith.constant 0.000000e+00 : f32
    %max3A_18 = vector.broadcast %max3A : f32 to vector<2000x128xf32>
    %max3A_19 = arith.maximumf %add3A_17, %max3A_18 : vector<2000x128xf32>
    %get3A_20 = arith.constant 0 : index
    %get3A_21 = arith.constant 0 : index
    %get3A_22 = vector.load %arg4[%get3A_20, %get3A_21] : memref<128x128xf32, #tpu.memory_space<vmem>>, vector<128x128xf32>
    %dot_general3A = arith.constant dense<0.000000e+00> : vector<2000x128xf32>
    %dot_general3A_23 = tpu.matmul %max3A_19, %get3A_22, %dot_general3A {dimension_numbers = #tpu.dot_dimension_numbers<[1], [0], [0], [1], [0, 0, 1, 1], [], []>, transpose_lhs_hint = false} : vector<2000x128xf32>, vector<128x128xf32>, vector<2000x128xf32> -> vector<2000x128xf32>
    %get3A_24 = arith.constant 0 : index
    %get3A_25 = arith.constant 0 : index
    %get3A_26 = vector.load %arg5[%get3A_24, %get3A_25] : memref<1x128xf32, #tpu.memory_space<vmem>>, vector<1x128xf32>
    %add3A_27 = vector.broadcast %get3A_26 : vector<1x128xf32> to vector<2000x128xf32>
    %add3A_28 = arith.addf %dot_general3A_23, %add3A_27 : vector<2000x128xf32>
    %get3A_29 = arith.constant 0 : index
    %get3A_30 = arith.constant 0 : index
    %get3A_31 = vector.load %arg6[%get3A_29, %get3A_30] : memref<128x64xf32, #tpu.memory_space<vmem>>, vector<128x64xf32>
    %dot_general3A_32 = arith.constant dense<0.000000e+00> : vector<2000x64xf32>
    %dot_general3A_33 = tpu.matmul %add3A_28, %get3A_31, %dot_general3A_32 {dimension_numbers = #tpu.dot_dimension_numbers<[1], [0], [0], [1], [0, 0, 1, 1], [], []>, transpose_lhs_hint = false} : vector<2000x128xf32>, vector<128x64xf32>, vector<2000x64xf32> -> vector<2000x64xf32>
    %get3A_34 = arith.constant 0 : index
    %get3A_35 = arith.constant 0 : index
    %get3A_36 = vector.load %arg7[%get3A_34, %get3A_35] : memref<1x64xf32, #tpu.memory_space<vmem>>, vector<1x64xf32>
    %add3A_37 = vector.broadcast %get3A_36 : vector<1x64xf32> to vector<2000x64xf32>
    %add3A_38 = arith.addf %dot_general3A_33, %add3A_37 : vector<2000x64xf32>
    %swap3A = arith.constant 0 : index
    %swap3A_39 = arith.constant 0 : index
    %swap3A_40 = vector.load %arg8[%swap3A, %swap3A_39] : memref<2000x64xf32, #tpu.memory_space<vmem>>, vector<2000x64xf32>
    tpu.vector_store %arg8[%swap3A, %swap3A_39], %add3A_38 {strides = array<i32>} : memref<2000x64xf32, #tpu.memory_space<vmem>>, vector<2000x64xf32>,
    return
  }
  func.func @transform_0(%arg0: i32) -> (i32, i32) {
    %c0_i32 = arith.constant 0 : i32
    %c0_i32_0 = arith.constant 0 : i32
    return %arg0, %c0_i32 : i32, i32
  }
  func.func @transform_1(%arg0: i32) -> (i32, i32, i32) {
    %c0_i32 = arith.constant 0 : i32
    %c0_i32_0 = arith.constant 0 : i32
    %c0_i32_1 = arith.constant 0 : i32
    return %c0_i32, %arg0, %c0_i32_0 : i32, i32, i32
  }
  func.func @transform_2(%arg0: i32) -> (i32, i32) {
    %c0_i32 = arith.constant 0 : i32
    %c0_i32_0 = arith.constant 0 : i32
    %c0_i32_1 = arith.constant 0 : i32
    return %c0_i32, %c0_i32_0 : i32, i32
  }
  func.func @transform_3(%arg0: i32) -> (i32, i32) {
    %c0_i32 = arith.constant 0 : i32
    %c0_i32_0 = arith.constant 0 : i32
    %c0_i32_1 = arith.constant 0 : i32
    return %c0_i32, %c0_i32_0 : i32, i32
  }
  func.func @transform_4(%arg0: i32) -> (i32, i32) {
    %c0_i32 = arith.constant 0 : i32
    %c0_i32_0 = arith.constant 0 : i32
    %c0_i32_1 = arith.constant 0 : i32
    return %c0_i32, %c0_i32_0 : i32, i32
  }
  func.func @transform_5(%arg0: i32) -> (i32, i32) {
    %c0_i32 = arith.constant 0 : i32
    %c0_i32_0 = arith.constant 0 : i32
    %c0_i32_1 = arith.constant 0 : i32
    return %c0_i32, %c0_i32_0 : i32, i32
  }
  func.func @transform_6(%arg0: i32) -> (i32, i32) {
    %c0_i32 = arith.constant 0 : i32
    %c0_i32_0 = arith.constant 0 : i32
    %c0_i32_1 = arith.constant 0 : i32
    return %c0_i32, %c0_i32_0 : i32, i32
  }
  func.func @transform_7(%arg0: i32) -> (i32, i32) {
    %c0_i32 = arith.constant 0 : i32
    %c0_i32_0 = arith.constant 0 : i32
    return %arg0, %c0_i32 : i32, i32
  }
}

module attributes {stable_mosaic.version = 14 : i64} {
  func.func @_layer1_kernel(%arg0: i32, %arg1: memref<2000x128xf32, #tpu.memory_space<vmem>>, %arg2: memref<2x2000x128xf32, #tpu.memory_space<vmem>>, %arg3: memref<128x64xf32, #tpu.memory_space<vmem>>, %arg4: memref<1x64xf32, #tpu.memory_space<vmem>>, %arg5: memref<64x64xf32, #tpu.memory_space<vmem>>, %arg6: memref<1x64xf32, #tpu.memory_space<vmem>>, %arg7: memref<64x128xf32, #tpu.memory_space<vmem>>, %arg8: memref<2000x128xf32, #tpu.memory_space<vmem>>) attributes {dimension_semantics = [#tpu.dimension_semantics<arbitrary>], iteration_bounds = array<i64: 5>, scalar_prefetch = 0 : i64, scratch_operands = 0 : i64, tpu.core_type = #tpu.core_type<tc>, window_params = [{transform_indices = @transform_0, window_bounds = array<i64: 2000, 128>}, {transform_indices = @transform_1, window_bounds = array<i64: 2, 2000, 128>}, {pipeline_mode = #tpu.pipeline_mode<synchronous>, transform_indices = @transform_2, window_bounds = array<i64: 128, 64>}, {pipeline_mode = #tpu.pipeline_mode<synchronous>, transform_indices = @transform_3, window_bounds = array<i64: 1, 64>}, {pipeline_mode = #tpu.pipeline_mode<synchronous>, transform_indices = @transform_4, window_bounds = array<i64: 64, 64>}, {pipeline_mode = #tpu.pipeline_mode<synchronous>, transform_indices = @transform_5, window_bounds = array<i64: 1, 64>}, {pipeline_mode = #tpu.pipeline_mode<synchronous>, transform_indices = @transform_6, window_bounds = array<i64: 64, 128>}, {transform_indices = @transform_7, window_bounds = array<i64: 2000, 128>}]} {
    %get3A = arith.constant 0 : index
    %get3A_0 = arith.constant 0 : index
    %get3A_1 = vector.load %arg1[%get3A, %get3A_0] : memref<2000x128xf32, #tpu.memory_space<vmem>>, vector<2000x128xf32>
    %get3A_2 = arith.constant 0 : index
    %get3A_3 = arith.constant 0 : index
    %get3A_4 = arith.constant 0 : index
    %get3A_5 = vector.load %arg2[%get3A_2, %get3A_3, %get3A_4] : memref<2x2000x128xf32, #tpu.memory_space<vmem>>, vector<1x2000x128xf32>
    %get3A_6 = vector.shape_cast %get3A_5 : vector<1x2000x128xf32> to vector<2000x128xf32>
    %add3A = arith.addf %get3A_1, %get3A_6 : vector<2000x128xf32>
    %get3A_7 = arith.constant 1 : index
    %get3A_8 = arith.constant 0 : index
    %get3A_9 = arith.constant 0 : index
    %get3A_10 = vector.load %arg2[%get3A_7, %get3A_8, %get3A_9] : memref<2x2000x128xf32, #tpu.memory_space<vmem>>, vector<1x2000x128xf32>
    %get3A_11 = vector.shape_cast %get3A_10 : vector<1x2000x128xf32> to vector<2000x128xf32>
    %add3A_12 = arith.addf %add3A, %get3A_11 : vector<2000x128xf32>
    %get3A_13 = arith.constant 0 : index
    %get3A_14 = arith.constant 0 : index
    %get3A_15 = vector.load %arg3[%get3A_13, %get3A_14] : memref<128x64xf32, #tpu.memory_space<vmem>>, vector<128x64xf32>
    %dot_general3A = arith.constant dense<0.000000e+00> : vector<2000x64xf32>
    %dot_general3A_16 = tpu.matmul %add3A_12, %get3A_15, %dot_general3A {dimension_numbers = #tpu.dot_dimension_numbers<[1], [0], [0], [1], [0, 0, 1, 1], [], []>, transpose_lhs_hint = false} : vector<2000x128xf32>, vector<128x64xf32>, vector<2000x64xf32> -> vector<2000x64xf32>
    %get3A_17 = arith.constant 0 : index
    %get3A_18 = arith.constant 0 : index
    %get3A_19 = vector.load %arg4[%get3A_17, %get3A_18] : memref<1x64xf32, #tpu.memory_space<vmem>>, vector<1x64xf32>
    %add3A_20 = vector.broadcast %get3A_19 : vector<1x64xf32> to vector<2000x64xf32>
    %add3A_21 = arith.addf %dot_general3A_16, %add3A_20 : vector<2000x64xf32>
    %max3A = arith.constant 0.000000e+00 : f32
    %max3A_22 = vector.broadcast %max3A : f32 to vector<2000x64xf32>
    %max3A_23 = arith.maximumf %add3A_21, %max3A_22 : vector<2000x64xf32>
    %get3A_24 = arith.constant 0 : index
    %get3A_25 = arith.constant 0 : index
    %get3A_26 = vector.load %arg5[%get3A_24, %get3A_25] : memref<64x64xf32, #tpu.memory_space<vmem>>, vector<64x64xf32>
    %dot_general3A_27 = arith.constant dense<0.000000e+00> : vector<2000x64xf32>
    %dot_general3A_28 = tpu.matmul %max3A_23, %get3A_26, %dot_general3A_27 {dimension_numbers = #tpu.dot_dimension_numbers<[1], [0], [0], [1], [0, 0, 1, 1], [], []>, transpose_lhs_hint = false} : vector<2000x64xf32>, vector<64x64xf32>, vector<2000x64xf32> -> vector<2000x64xf32>
    %get3A_29 = arith.constant 0 : index
    %get3A_30 = arith.constant 0 : index
    %get3A_31 = vector.load %arg6[%get3A_29, %get3A_30] : memref<1x64xf32, #tpu.memory_space<vmem>>, vector<1x64xf32>
    %add3A_32 = vector.broadcast %get3A_31 : vector<1x64xf32> to vector<2000x64xf32>
    %add3A_33 = arith.addf %dot_general3A_28, %add3A_32 : vector<2000x64xf32>
    %max3A_34 = arith.constant 0.000000e+00 : f32
    %max3A_35 = vector.broadcast %max3A_34 : f32 to vector<2000x64xf32>
    %max3A_36 = arith.maximumf %add3A_33, %max3A_35 : vector<2000x64xf32>
    %get3A_37 = arith.constant 0 : index
    %get3A_38 = arith.constant 0 : index
    %get3A_39 = vector.load %arg7[%get3A_37, %get3A_38] : memref<64x128xf32, #tpu.memory_space<vmem>>, vector<64x128xf32>
    %dot_general3A_40 = arith.constant dense<0.000000e+00> : vector<2000x128xf32>
    %dot_general3A_41 = tpu.matmul %max3A_36, %get3A_39, %dot_general3A_40 {dimension_numbers = #tpu.dot_dimension_numbers<[1], [0], [0], [1], [0, 0, 1, 1], [], []>, transpose_lhs_hint = false} : vector<2000x64xf32>, vector<64x128xf32>, vector<2000x128xf32> -> vector<2000x128xf32>
    %swap3A = arith.constant 0 : index
    %swap3A_42 = arith.constant 0 : index
    %swap3A_43 = vector.load %arg8[%swap3A, %swap3A_42] : memref<2000x128xf32, #tpu.memory_space<vmem>>, vector<2000x128xf32>
    tpu.vector_store %arg8[%swap3A, %swap3A_42], %dot_general3A_41 {strides = array<i32>} : memref<2000x128xf32, #tpu.memory_space<vmem>>, vector<2000x128xf32>,
    return
  }
  func.func @transform_0(%arg0: i32) -> (i32, i32) {
    %c0_i32 = arith.constant 0 : i32
    %c0_i32_0 = arith.constant 0 : i32
    return %arg0, %c0_i32 : i32, i32
  }
  func.func @transform_1(%arg0: i32) -> (i32, i32, i32) {
    %c0_i32 = arith.constant 0 : i32
    %c0_i32_0 = arith.constant 0 : i32
    %c0_i32_1 = arith.constant 0 : i32
    return %c0_i32, %arg0, %c0_i32_0 : i32, i32, i32
  }
  func.func @transform_2(%arg0: i32) -> (i32, i32) {
    %c0_i32 = arith.constant 0 : i32
    %c0_i32_0 = arith.constant 0 : i32
    %c0_i32_1 = arith.constant 0 : i32
    return %c0_i32, %c0_i32_0 : i32, i32
  }
  func.func @transform_3(%arg0: i32) -> (i32, i32) {
    %c0_i32 = arith.constant 0 : i32
    %c0_i32_0 = arith.constant 0 : i32
    %c0_i32_1 = arith.constant 0 : i32
    return %c0_i32, %c0_i32_0 : i32, i32
  }
  func.func @transform_4(%arg0: i32) -> (i32, i32) {
    %c0_i32 = arith.constant 0 : i32
    %c0_i32_0 = arith.constant 0 : i32
    %c0_i32_1 = arith.constant 0 : i32
    return %c0_i32, %c0_i32_0 : i32, i32
  }
  func.func @transform_5(%arg0: i32) -> (i32, i32) {
    %c0_i32 = arith.constant 0 : i32
    %c0_i32_0 = arith.constant 0 : i32
    %c0_i32_1 = arith.constant 0 : i32
    return %c0_i32, %c0_i32_0 : i32, i32
  }
  func.func @transform_6(%arg0: i32) -> (i32, i32) {
    %c0_i32 = arith.constant 0 : i32
    %c0_i32_0 = arith.constant 0 : i32
    %c0_i32_1 = arith.constant 0 : i32
    return %c0_i32, %c0_i32_0 : i32, i32
  }
  func.func @transform_7(%arg0: i32) -> (i32, i32) {
    %c0_i32 = arith.constant 0 : i32
    %c0_i32_0 = arith.constant 0 : i32
    return %arg0, %c0_i32 : i32, i32
  }
}

</mosaic_0001>

<sc_bundles>
// kernel: kernel.6.cloned.1.call-start
scs
__scs_entry_jumppad:
0x0: {  	(pc) =	sbr.rel $0x88, $3  }
0x1: {  	(tag) =	ssettag $0x0;
	lr =	simm.s32 $0x1  }
0x2: {  	[smem:$0x3F95] =	sst lr;
	_ =	strace $0xD0000000  }
0x3: {  	_ = 	snop  }
0x4: {  	_ = 	snop  }
0x5: {  	_ = 	snop  }
0x6: {  	_ = 	snop  }
0x7: {  	_ = 	snop  }
__scs_overlays_trampoline_lowered:
0x8: {  	[smem:$0x3FA4] =	sst s0  }
0x9: {  	[smem:$0x3FA5] =	sst s1  }
0xa: {  	[smem:$0x3FA6] =	sst s2  }
0xb: {  	[smem:$0x3FA7] =	sst s3  }
0xc: {  	[smem:$0x3FA8] =	sst s4  }
0xd: {  	[smem:$0x3FA9] =	sst s5  }
0xe: {  	[smem:$0x3FAA] =	sst s6  }
0xf: {  	[smem:$0x3FAB] =	sst s7  }
0x10: {  	[smem:$0x3FAC] =	sst s8  }
0x11: {  	[smem:$0x3FAD] =	sst s9;
	s0 =	simm.s32 @!p0 $0x0  }
0x12: {  	s1 =	sld [smem:$0x3F93];
	s0 =	simm.s32 @p0 $0x1  }
0x13: {  	[smem:$0x3FAE] =	sst s0;
	s0 =	simm.s32 @!p1 $0x0  }
0x14: {  	s2 =	sld [smem:$0x3F92];
	s0 =	simm.s32 @p1 $0x1  }
0x15: {  	[smem:$0x3FAF] =	sst s0;
	s0 =	simm.s32 @!p2 $0x0  }
0x16: {  	s3 =	sld [smem:$0x3FDB];
	s0 =	simm.s32 @p2 $0x1  }
0x17: {  	s4 =	simm.s32 $0x1BF5;
	[smem:$0x3FB1] =	sst s0  }
0x18: {  	s0 =	sld [smem:$0x3F94];
	_ =	swait.ge [sflag:s4], $0x0  }
0x19: {  	s7 =	sld [smem:$0x3F95]  }
0x1a: {  	s8 =	sadd.s32 $0xFFFFE003, lr  }
0x1b: {  	s9 =	sadd.s32 $0xFFFFFEF7, lr;
	s5 =	simm.s32 $0xFFFFFFFF;
	p2 =	slt.u32 s8, $0xFFFFF086  }
0x1c: {  	p1 =	slt.u32 s9, $0xF7A;
	s5 =	simm.s32 @!p2 $0x0  }
0x1d: {  	s5 =	simm.s32 @p1 $0x1;
	p0 =	seq.s32 s7, s2  }
0x1e: {  	s7 =	smul.u32 @!p0 $0xF7A, s2;
	p2 =	seq.s32 @!p0 s5, $0x0  }
0x1f: {  	s9 =	smul.u32 $0xF7A, s1;
	s8 =	simm.s32 @!p0 $0x1BF5;
	p2 =	por !p2, p0  }
0x20: {  	[sflag:s8] =	ssyncset.s32 @!p0 $0xFFFFF086;
	s6 =	sadd.s32 @!p0 s3, s7;
	s7 =	simm.s32 @!p0 $0x108  }
0x21: {  	s3 =	sadd.s32 s3, s9;
	s6 =	sadd.s32 @!p0 $0x88, s6;
	s7 =	simm.s32 @p2 $0x1082  }
0x22: {  	[simem:s7], [sflag:s8] =	dma.local @!p0 [hbm:s6], $0xF7A  }
0x23: {  	s9 =	sor.u32 $0xD0000000, s2;
	s6 =	simm.s32 $0x108;
	_ =	swait.ge @!p0 [sflag:s8], $0x0  }
0x24: {  	s3 =	sadd.s32 $0x88, s3;
	s6 =	simm.s32 @!p1 $0x1082;
	[sflag:s4] =	ssyncset.s32 $0xFFFFF086  }
0x25: {  	[simem:s6], [sflag:s4] =	dma.local [hbm:s3], $0xF7A  }
0x26: {  	[smem:$0x3F95] =	sst s1;
	(tag) =	ssettag s2;
	_ =	strace s9  }
0x27: {  	s1 =	sld [smem:$0x3FA5]  }
0x28: {  	s2 =	sld [smem:$0x3FA6]  }
0x29: {  	s4 =	sld [smem:$0x3FA8]  }
0x2a: {  	p0 =	seq.s32 s5, $0x0;
	s5 =	sld [smem:$0x3FA9]  }
0x2b: {  	s6 =	sld [smem:$0x3FAA]  }
0x2c: {  	s7 =	sld [smem:$0x3FAB]  }
0x2d: {  	s3 =	simm.s32 $0x108;
	s8 =	sld [smem:$0x3FAC]  }
0x2e: {  	s3 =	simm.s32 @!p0 $0x1082;
	s9 =	sld [smem:$0x3FAD]  }
0x2f: {  	lr =	sadd.s32 s0, s3;
	s0 =	sld [smem:$0x3FA4]  }
0x30: {  	s3 =	sld [smem:$0x3FA7]  }
0x31: {  	[smem:$0x3FB0] =	sst s10  }
0x32: {  	s10 =	sld [smem:$0x3FAE];
	_ =	sdelay $0x3  }
0x33: {  	p0 =	seq.s32 s10, $0x1;
	s10 =	sld [smem:$0x3FB0];
	_ =	sdelay $0x3  }
0x34: {  	[smem:$0x3FB0] =	sst s10  }
0x35: {  	s10 =	sld [smem:$0x3FAF];
	_ =	sdelay $0x3  }
0x36: {  	p1 =	seq.s32 s10, $0x1;
	s10 =	sld [smem:$0x3FB0];
	_ =	sdelay $0x3  }
0x37: {  	[smem:$0x3FB0] =	sst s10  }
0x38: {  	s10 =	sld [smem:$0x3FB1]  }
0x39: {  	_ = 	snop;
	(pc) =	sbr.ind lr, $3  }
0x3a: {  	_ = 	snop  }
0x3b: {  	_ = 	snop  }
0x3c: {  	p2 =	seq.s32 s10, $0x1;
	s10 =	sld [smem:$0x3FB0]  }
0x3d: {  	_ =	shalt  }
0x3e: {  	_ =	shalt  }
0x3f: {  	_ =	shalt  }
0x40: {  	_ =	shalt  }
0x41: {  	_ =	shalt  }
0x42: {  	_ =	shalt  }
0x43: {  	_ =	shalt  }
0x44: {  	_ =	shalt  }
0x45: {  	_ =	shalt  }
0x46: {  	_ =	shalt  }
0x47: {  	_ =	shalt  }
0x48: {  	_ =	shalt  }
0x49: {  	_ =	shalt  }
0x4a: {  	_ =	shalt  }
0x4b: {  	_ =	shalt  }
0x4c: {  	_ =	shalt  }
0x4d: {  	_ =	shalt  }
0x4e: {  	_ =	shalt  }
0x4f: {  	_ =	shalt  }
0x50: {  	_ =	shalt  }
0x51: {  	_ =	shalt  }
0x52: {  	_ =	shalt  }
0x53: {  	_ =	shalt  }
0x54: {  	_ =	shalt  }
0x55: {  	_ =	shalt  }
0x56: {  	_ =	shalt  }
0x57: {  	_ =	shalt  }
0x58: {  	_ =	shalt  }
0x59: {  	_ =	shalt  }
0x5a: {  	_ =	shalt  }
0x5b: {  	_ =	shalt  }
0x5c: {  	_ =	shalt  }
0x5d: {  	_ =	shalt  }
0x5e: {  	_ =	shalt  }
0x5f: {  	_ =	shalt  }
0x60: {  	_ =	shalt  }
0x61: {  	_ =	shalt  }
0x62: {  	_ =	shalt  }
0x63: {  	_ =	shalt  }
0x64: {  	_ =	shalt  }
0x65: {  	_ =	shalt  }
0x66: {  	_ =	shalt  }
0x67: {  	_ =	shalt  }
0x68: {  	_ =	shalt  }
0x69: {  	_ =	shalt  }
0x6a: {  	_ =	shalt  }
0x6b: {  	_ =	shalt  }
0x6c: {  	_ =	shalt  }
0x6d: {  	_ =	shalt  }
0x6e: {  	_ =	shalt  }
0x6f: {  	_ =	shalt  }
0x70: {  	_ =	shalt  }
0x71: {  	_ =	shalt  }
0x72: {  	_ =	shalt  }
0x73: {  	_ =	shalt  }
0x74: {  	_ =	shalt  }
0x75: {  	_ =	shalt  }
0x76: {  	_ =	shalt  }
0x77: {  	_ =	shalt  }
0x78: {  	_ =	shalt  }
0x79: {  	_ =	shalt  }
0x7a: {  	_ =	shalt  }
0x7b: {  	_ =	shalt  }
0x7c: {  	_ =	shalt  }
0x7d: {  	_ =	shalt  }
0x7e: {  	_ =	shalt  }
0x7f: {  	_ =	shalt  }
0x80: {  	_ =	shalt  }
0x81: {  	_ =	shalt  }
0x82: {  	_ =	shalt  }
0x83: {  	_ =	shalt  }
0x84: {  	_ =	shalt  }
0x85: {  	_ =	shalt  }
0x86: {  	_ =	shalt  }
0x87: {  	_ =	shalt  }
.Lfunc_end0:
.L_simem_size_0:
called_computation_lowered:
.L_overlay_start_0:
0x88: {  	s2 =	sld [smem:$0x3FD9]  }
0x89: {  	s3 =	sld [smem:$0x3FFE];
	_ =	sdelay $0x1  }
0x8a: {  	s1 =	srdreg.scid  }
0x8b: {  	s0 =	sand.u32 $0x1, s1  }
0x8c: {  	s17 =	sshll.u32 s0, $0xA;
	s2 =	sadd.s32 s3, s2  }
0x8d: {  	s2 =	sadd.s32 s2, s17  }
0x8e: {  	[smem:$0x3FBC] =	sst s2  }
0x8f: {  	_ = 	snop  }
0x90: {  	s2 =	sld [smem:$0x3FC9];
	(tm) =	ssettm $0x1  }
0x91: {  	s18 =	sld [smem:$0x3FFB];
	_ =	sdelay $0x3  }
0x92: {  	_ =	strace s18  }
0x93: {  	s3 =	sld [smem:$0x3FFC];
	_ =	sdelay $0x3  }
0x94: {  	_ =	strace s3  }
0x95: {  	s3 =	sld [smem:$0x3FFD];
	_ =	sdelay $0x3  }
0x96: {  	_ =	strace s3  }
0x97: {  	_ =	strace $0x8FFFFFFF  }
0x98: {  	s19 =	sld [smem:$0x3FDB];
	_ =	sdelay $0x1  }
0x99: {  	s4 =	simm.s32 $_scs_section_size  }
0x9a: {  	s5 =	simm.s32 $_size__tile_overlayer_lowered;
	s6 =	simm.s32 $_tile_overlayer_lowered  }
0x9b: {  	s22 =	simm.s32 $0x1BFF;
	s21 =	sshll.u32 s6, $0x1;
	s3 =	sadd.s32 s4, s19  }
0x9c: {  	s7 =	simm.s32 $0x0;
	s20 =	sshll.u32 s5, $0x1;
	s5 =	sadd.s32 s21, s3  }
0x9d: {  	[timem:s7], [sflag:s22] =	dma.local [hbm:s5], s20  }
0x9e: {  	_ =	swait.ge [sflag:s22], s20  }
0x9f: {  	s4 =	ssub.s32 $0x0, s20;
	[sflag:s22] =	ssyncset.done $0x0  }
0xa0: {  	[sflag:s22] =	ssyncadd.s32 s4;
	_ =	sdelay $0x1  }
0xa1: {  	s23 =	simm.s32 $0x1B8B  }
0xa2: {  	_ =	swait.ge [sflag:s23], $0x1  }
0xa3: {  	[sflag:s23] =	ssyncset.done $0x0  }
0xa4: {  	s25 =	simm.s32 $0x1B8E;
	s24 =	sld [smem:$0x3FFE];
	[sflag:s23] =	ssyncadd.s32 $0xFFFFFFFF  }
0xa5: {  	s26 =	simm.s32 $execute0_lowered;
	[smem:$0x3FD2] =	sst s25  }
0xa6: {  	s5 =	sshll.u32 s26, $0x1;
	_ =	strace $0x80000046;
	[dreg:$0x1] =	wrdreg $0xFFFFFFFF  }
0xa7: {  	s28 =	simm.s32 $_size_execute0_lowered;
	s3 =	sadd.s32 s3, s5;
	[dreg:$0x0] =	wrdreg $0x0  }
0xa8: {  	s5 =	sshll.u32 s28, $0x1;
	[dreg:$0x2] =	wrdreg s3  }
0xa9: {  	[dreg:$0x3] =	wrdreg s5  }
0xaa: {  	[dreg:$0x4] =	wrdreg $0xC0  }
0xab: {  	_ =	task [dreg:s7], $0x5FFFF  }
0xac: {  	[dreg:$0x1] =	wrdreg $0xFFFFFFFF  }
0xad: {  	[dreg:$0x0] =	wrdreg $0x60  }
0xae: {  	[dreg:$0x2] =	wrdreg s2  }
0xaf: {  	[dreg:$0x3] =	wrdreg s24  }
0xb0: {  	[dreg:$0x4] =	wrdreg $0x94000  }
0xb1: {  	[dreg:$0x5] =	wrdreg $0x9  }
0xb2: {  	_ =	task.clear_ibuf [dreg:s7], $0x6FFFF;
	_ =	strace $0x90000046  }
0xb3: {  	s29 =	simm.s32 $0x9;
	_ =	strace $0x80000048  }
0xb4: {  	_ =	swait.ge [sflag:s29], $0x1  }
0xb5: {  	[sflag:s29] =	ssyncadd.s32 $0xFFFFFFFF  }
0xb6: {  	_ =	strace $0x90000048  }
0xb7: {  	_ =	sfence  }
0xb8: {  	s30 =	sld [smem:$0x0];
	_ =	sdelay $0x2  }
0xb9: {  	s31 =	sshll.u32 s1, $0xD;
	s1 =	sshrl.u32 s1, $0x2  }
0xba: {  	s3 =	sand.u32 $0x4000, s31;
	s1 =	sadd.s32 s1, s30  }
0xbb: {  	s0 =	sor.u32 s3, s0;
	s1 =	sshll.u32 s1, $0x11  }
0xbc: {  	s0 =	sor.u32 s1, s0  }
0xbd: {  	s0 =	sadd.s32 $0x8F2B, s0  }
0xbe: {  	[sflag:s0] =	ssyncadd.remote.s32 $0x1  }
0xbf: {  	_ =	sfence.sel $0xFFFF  }
0xc0: {  	[dreg:$0x0] =	wrdreg $0xFFFFFFFF;
	(pc) =	sbr.abs _section_cstart, $3  }
0xc1: {  	[dreg:$0x1] =	wrdreg $0xFFFFFFFF  }
0xc2: {  	_ =	task.clear_ibuf [dreg:s7], $0x2FFFF;
	_ =	strace $0x9FFFFFFF  }
0xc3: {  	(tm) =	ssettm $0x7FFFFFFF  }
tec
execute0_lowered:
.L_overlay_start_1:
0x0: {  	(tag) =	ssettag $0x1  }
0x1: {  	s1 =	rddreg [dreg:$0x0]  }
0x2: {  	s0 =	rddreg [dreg:$0x1]  }
0x3: {  	s2 =	rddreg [dreg:$0x2]  }
0x4: {  	s3 =	simm.s32 $0x0;
	s4 =	stileid.u32;
	s5 =	srdreg.scid  }
0x5: {  	s30 =	simm.s32 $0xF;
	s28 =	simm.s32 $0x800;
	s29 =	simm.s32 $0xC  }
0x6: {  	s31 =	simm.s32 $0xE;
	[smem:$0x7FF] =	sst s3;
	s11 =	smul.u32 $0x2700, s4  }
0x7: {  	s7 =	sand.u32 $0x1, s5;
	s5 =	sadd.s32 $0x2400, s0;
	s6 =	sadd.s32 $0x22400, s0  }
0x8: {  	s10 =	smul.u32 $0x4E000, s4;
	s13 =	sshll.u32 s4, $0x10;
	s22 =	sshll.u32 s4, $0x6  }
0x9: {  	p0 =	sne.s32 s4, $0x0;
	s4 =	simm.s32 $0x3;
	_ =	strace $0x80000047  }
0xa: {  	s8 =	smul.u32 $0x27100, s7;
	s9 =	ssub.s32 $0x2, s7;
	s7 =	sshll.u32 s7, $0xF  }
0xb: {  	s14 =	sor.u32 $0x1C0F, s22;
	[dreg:$0x4] =	wrdreg s11;
	s11 =	sadd.s32 s11, s0  }
0xc: {  	s19 =	sshrl.u32 s9, $0x1;
	s10 =	sshrl.u32 s10, $0x2;
	[dreg:$0x7] =	wrdreg s14  }
0xd: {  	s12 =	sadd.s32 s8, s0;
	s9 =	ssub.s32 s9, s19;
	s20 =	sadd.s32 s10, s2  }
0xe: {  	s8 =	sor.u32 s7, s13;
	s21 =	sadd.s32 $0x42400, s11;
	[dreg:$0x5] =	wrdreg s20  }
0xf: {  	s0 =	sadd.s32 $0x69400, s0;
	[dreg:$0x6] =	wrdreg s21;
	s23 =	sshrl.u32 s8, $0x3  }
0x10: {  	s10 =	simm.s32 $0xD;
	[dreg:$0x8] =	wrdreg s0;
	s25 =	sadd.s32 s5, s23  }
0x11: {  	s24 =	sor.u32 $0x10, s23;
	s21 =	sadd.s32 s6, s23;
	[dreg:$0x9] =	wrdreg s25  }
0x12: {  	s11 =	sor.u32 $0x20, s23;
	s26 =	sadd.s32 s5, s24;
	[dreg:$0x14] =	wrdreg s21  }
0x13: {  	s15 =	sor.u32 $0x30, s23;
	s0 =	sadd.s32 s6, s24;
	[dreg:$0xa] =	wrdreg s26  }
0x14: {  	s17 =	sor.u32 $0x40, s23;
	s13 =	sadd.s32 s5, s11;
	[dreg:$0xb] =	wrdreg s0  }
0x15: {  	s19 =	sor.u32 $0x50, s23;
	s7 =	sadd.s32 s6, s11;
	[dreg:$0xc] =	wrdreg s13  }
0x16: {  	s22 =	sor.u32 $0x60, s23;
	s16 =	sadd.s32 s5, s15;
	[dreg:$0xd] =	wrdreg s7  }
0x17: {  	s18 =	sadd.s32 s5, s17;
	s20 =	sadd.s32 s5, s19;
	[dreg:$0xe] =	wrdreg s16  }
0x18: {  	s23 =	sadd.s32 s5, s22;
	s24 =	sadd.s32 $0x69600, s12;
	[dreg:$0x10] =	wrdreg s18  }
0x19: {  	s25 =	smax.u32 s9, $0x1;
	s12 =	simm.s32 $0x500;
	[dreg:$0x12] =	wrdreg s20  }
0x1a: {  	s21 =	simm.s32 $0x9;
	s9 =	simm.s32 $0x5;
	[dreg:$0x15] =	wrdreg s23  }
0x1b: {  	s0 =	sadd.s32 s6, s15;
	s7 =	sadd.s32 s6, s17;
	[dreg:$0x17] =	wrdreg s24  }
0x1c: {  	[dreg:$0x18] =	wrdreg s25;
	s26 =	sadd.s32 $0x138000, s2;
	s20 =	simm.s32 $0x400  }
.Ltmp0:
0x1d: {  	s18 =	simm.s32 $0x8;
	[dreg:$0xf] =	wrdreg s0;
	(pc) =	sbr.rel .LBB2_1-.Ltmp0, $4  }
0x1e: {  	s23 =	simm.s32 $0xA;
	s25 =	simm.s32 $0xB;
	[dreg:$0x11] =	wrdreg s7  }
0x1f: {  	s0 =	sadd.s32 s6, s19;
	[dreg:$0x19] =	wrdreg s26;
	s19 =	simm.s32 $0x28  }
0x20: {  	s7 =	simm.s32 $0x4;
	[dreg:$0x13] =	wrdreg s0;
	s0 =	sadd.s32 s6, s22  }
0x21: {  	s22 =	simm.s32 $0x480;
	[dreg:$0x16] =	wrdreg s0;
	s0 =	simm.s32 $0x0  }
.LBB2_4:
0x22: {  	s11 =	simm.s32 $0x1  }
0x23: {  	_ =	swait.ge [sflag:s11], $0x1400  }
0x24: {  	[sflag:s11] =	ssyncset.done $0x0  }
0x25: {  	s20 =	simm.s32 $0x400;
	s28 =	simm.s32 $0x800;
	[sflag:s11] =	ssyncadd.s32 $0xFFFFEC00  }
0x26: {  	[spmem:s2] =	stream.indirect.scatter.add.f32 [tilespmem:s28], [sflag:$0xF], $0x80, s20, s19, $0xb8;
	[tilespmem:$0x1CC80] =	vst v63  }
0x27: {  	_ =	swait.ge [sflag:s30], $0x1400  }
0x28: {  	[sflag:s30] =	ssyncset.done $0x0  }
0x29: {  	s0 =	simm.s32 $0x2;
	[sflag:s30] =	ssyncadd.s32 $0xFFFFEC00  }
0x2a: {  	_ =	swait.ge [sflag:s0], $0x1400  }
0x2b: {  	[sflag:s0] =	ssyncset.done $0x0  }
0x2c: {  	s22 =	simm.s32 $0x480;
	s13 =	simm.s32 $0x1C00;
	[sflag:s0] =	ssyncadd.s32 $0xFFFFEC00  }
0x2d: {  	[spmem:s2] =	stream.indirect.scatter.add.f32 [tilespmem:s13], [sflag:$0xF], $0x80, s22, s19, $0xb8;
	[tilespmem:$0x1CC80] =	vst v63  }
0x2e: {  	_ =	swait.ge [sflag:s30], $0x1400  }
0x2f: {  	[sflag:s30] =	ssyncset.done $0x0  }
0x30: {  	[sflag:s30] =	ssyncadd.s32 $0xFFFFEC00  }
0x31: {  	_ =	swait.ge [sflag:s4], $0x1400  }
0x32: {  	[sflag:s4] =	ssyncset.done $0x0  }
0x33: {  	s12 =	simm.s32 $0x500;
	s24 =	simm.s32 $0x3000;
	[sflag:s4] =	ssyncadd.s32 $0xFFFFEC00  }
0x34: {  	[spmem:s2] =	stream.indirect.scatter.add.f32 [tilespmem:s24], [sflag:$0xF], $0x80, s12, s19, $0xb8;
	[tilespmem:$0x1CC80] =	vst v63  }
0x35: {  	_ =	swait.ge [sflag:s30], $0x1400  }
0x36: {  	[sflag:s30] =	ssyncset.done $0x0  }
0x37: {  	[sflag:s30] =	ssyncadd.s32 $0xFFFFEC00  }
0x38: {  	_ =	swait.ge [sflag:s7], $0x1400  }
0x39: {  	[sflag:s7] =	ssyncset.done $0x0  }
0x3a: {  	s26 =	simm.s32 $0x580;
	s0 =	simm.s32 $0x4400;
	[sflag:s7] =	ssyncadd.s32 $0xFFFFEC00  }
0x3b: {  	[spmem:s2] =	stream.indirect.scatter.add.f32 [tilespmem:s0], [sflag:$0xF], $0x80, s26, s19, $0xb8;
	[tilespmem:$0x1CC80] =	vst v63  }
0x3c: {  	_ =	swait.ge [sflag:s30], $0x1400  }
0x3d: {  	[sflag:s30] =	ssyncset.done $0x0  }
0x3e: {  	[sflag:s30] =	ssyncadd.s32 $0xFFFFEC00  }
0x3f: {  	_ =	swait.ge [sflag:s9], $0x1400  }
0x40: {  	[sflag:s9] =	ssyncset.done $0x0  }
0x41: {  	s14 =	simm.s32 $0x600;
	s15 =	simm.s32 $0x5800;
	[sflag:s9] =	ssyncadd.s32 $0xFFFFEC00  }
0x42: {  	[spmem:s2] =	stream.indirect.scatter.add.f32 [tilespmem:s15], [sflag:$0xF], $0x80, s14, s19, $0xb8;
	[tilespmem:$0x1CC80] =	vst v63  }
0x43: {  	_ =	swait.ge [sflag:s30], $0x1400  }
0x44: {  	[sflag:s30] =	ssyncset.done $0x0  }
0x45: {  	[sflag:s30] =	ssyncadd.s32 $0xFFFFEC00  }
0x46: {  	[bflag:$0x0] =	sbarrier.arrive $0xFFFF  }
0x47: {  	s16 =	rddreg [dreg:$0x4]  }
0x48: {  	s15 =	rddreg [dreg:$0x17]  }
0x49: {  	s14 =	rddreg [dreg:$0x7]  }
0x4a: {  	s17 =	rddreg [dreg:$0x1b];
	s13 =	sadd.s32 s16, s15  }
0x4b: {  	[hbm:s13], [sflag:s14] =	dma.local [spmem:s17], $0x2700  }
0x4c: {  	_ =	swait.ge [sflag:s30], $0x2700  }
0x4d: {  	[sflag:s30] =	ssyncset.done $0x0  }
0x4e: {  	s13 =	sadd.s32 @!p0 $0x27000, s15;
	s0 =	rddreg [dreg:$0x1c];
	[sflag:s30] =	ssyncadd.s32 $0xFFFFD900  }
0x4f: {  	[hbm:s13], [sflag:s14] =	dma.local @!p0 [spmem:s0], $0x100  }
0x50: {  	s13 =	simm.s32 @!p0 $0xF  }
0x51: {  	_ =	swait.ge @!p0 [sflag:s13], $0x100  }
0x52: {  	s24 =	rddreg [dreg:$0x1a]  }
0x53: {  	s26 =	rddreg [dreg:$0x18];
	s0 =	sadd.s32 $0x1, s24  }
0x54: {  	p1 =	sne.s32 s0, s26  }
.Ltmp1:
0x55: {  	_ = 	snop;
	(pc) =	sbr.rel @!p1 .LBB2_5-.Ltmp1, $3  }
0x56: {  	_ =	sdelay $0x1  }
0x57: {  	[sflag:s13] =	ssyncset.done @!p0 $0x0  }
0x58: {  	[sflag:s13] =	ssyncadd.s32 @!p0 $0xFFFFFF00  }
.LBB2_1:
0x59: {  	[dreg:$0x1a] =	wrdreg s0  }
0x5a: {  	s13 =	rddreg [dreg:$0x5]  }
0x5b: {  	s15 =	rddreg [dreg:$0x6];
	s13 =	sshrl.u32 s13, $0x3  }
0x5c: {  	[dreg:$0x1b] =	wrdreg s13  }
0x5d: {  	[spmem:s13], [sflag:s14] =	dma.local [hbm:s15], $0x2700  }
0x5e: {  	_ =	swait.ge [sflag:s30], $0x2700  }
0x5f: {  	s13 =	rddreg [dreg:$0x19]  }
0x60: {  	[sflag:s30] =	ssyncset.done $0x0;
	s0 =	sshrl.u32 @!p0 s13, $0x3;
	s13 =	rddreg [dreg:$0x8]  }
0x61: {  	[sflag:s30] =	ssyncadd.s32 $0xFFFFD900;
	[dreg:$0x1c] =	wrdreg s0  }
0x62: {  	[spmem:s0], [sflag:s14] =	dma.local @!p0 [hbm:s13], $0x100  }
0x63: {  	s13 =	simm.s32 @!p0 $0xF  }
0x64: {  	_ =	swait.ge @!p0 [sflag:s13], $0x100  }
0x65: {  	[sflag:s13] =	ssyncset.done @!p0 $0x0  }
0x66: {  	s16 =	rddreg [dreg:$0x9];
	[sflag:s13] =	ssyncadd.s32 @!p0 $0xFFFFFF00  }
0x67: {  	[tilespmem:s3], [sflag:$0x8] =	stream.linear.gather [hbm4b:s16+s3], $0x80, $0x38;
	[tilespmem:$0x1CC80] =	vst v63  }
0x68: {  	s17 =	rddreg [dreg:$0x14]  }
0x69: {  	[tilespmem:s20], [sflag:$0x8] =	stream.linear.gather [hbm4b:s17+s3], $0x80, $0x38;
	[tilespmem:$0x1CC80] =	vst v63  }
0x6a: {  	s15 =	simm.s32 $0x80;
	s24 =	rddreg [dreg:$0xa]  }
0x6b: {  	[tilespmem:s15], [sflag:$0x9] =	stream.linear.gather [hbm4b:s24+s3], $0x80, $0x38;
	[tilespmem:$0x1CC80] =	vst v63  }
0x6c: {  	s26 =	rddreg [dreg:$0xb]  }
0x6d: {  	[tilespmem:s22], [sflag:$0x9] =	stream.linear.gather [hbm4b:s26+s3], $0x80, $0x38;
	[tilespmem:$0x1CC80] =	vst v63  }
0x6e: {  	s0 =	rddreg [dreg:$0xc];
	s17 =	simm.s32 $0x100  }
0x6f: {  	[tilespmem:s17], [sflag:$0xA] =	stream.linear.gather [hbm4b:s0+s3], $0x80, $0x38;
	[tilespmem:$0x1CC80] =	vst v63  }
0x70: {  	s14 =	rddreg [dreg:$0xd]  }
0x71: {  	[tilespmem:s12], [sflag:$0xA] =	stream.linear.gather [hbm4b:s14+s3], $0x80, $0x38;
	[tilespmem:$0x1CC80] =	vst v63  }
0x72: {  	s0 =	rddreg [dreg:$0xe];
	s12 =	simm.s32 $0x180  }
0x73: {  	[tilespmem:s12], [sflag:$0xB] =	stream.linear.gather [hbm4b:s0+s3], $0x80, $0x38;
	[tilespmem:$0x1CC80] =	vst v63  }
0x74: {  	s14 =	simm.s32 $0x580;
	s0 =	rddreg [dreg:$0xf]  }
0x75: {  	[tilespmem:s14], [sflag:$0xB] =	stream.linear.gather [hbm4b:s0+s3], $0x80, $0x38;
	[tilespmem:$0x1CC80] =	vst v63  }
0x76: {  	s0 =	rddreg [dreg:$0x10];
	s14 =	simm.s32 $0x200  }
0x77: {  	[tilespmem:s14], [sflag:$0xC] =	stream.linear.gather [hbm4b:s0+s3], $0x80, $0x38;
	[tilespmem:$0x1CC80] =	vst v63  }
0x78: {  	s24 =	simm.s32 $0x600;
	s0 =	rddreg [dreg:$0x11]  }
0x79: {  	[tilespmem:s24], [sflag:$0xC] =	stream.linear.gather [hbm4b:s0+s3], $0x80, $0x38;
	[tilespmem:$0x1CC80] =	vst v63  }
0x7a: {  	s24 =	rddreg [dreg:$0x12];
	s0 =	simm.s32 $0x280  }
0x7b: {  	[tilespmem:s0], [sflag:$0xD] =	stream.linear.gather [hbm4b:s24+s3], $0x80, $0x38;
	[tilespmem:$0x1CC80] =	vst v63  }
0x7c: {  	s0 =	rddreg [dreg:$0x13];
	s24 =	simm.s32 $0x680  }
0x7d: {  	[tilespmem:s24], [sflag:$0xD] =	stream.linear.gather [hbm4b:s0+s3], $0x80, $0x38;
	[tilespmem:$0x1CC80] =	vst v63  }
0x7e: {  	s0 =	rddreg [dreg:$0x15];
	s24 =	simm.s32 $0x300  }
0x7f: {  	[tilespmem:s24], [sflag:$0xE] =	stream.linear.gather [hbm4b:s0+s3], $0x80, $0x38;
	[tilespmem:$0x1CC80] =	vst v63  }
0x80: {  	s26 =	simm.s32 $0x700;
	s0 =	rddreg [dreg:$0x16]  }
0x81: {  	[tilespmem:s26], [sflag:$0xE] =	stream.linear.gather [hbm4b:s0+s3], $0x80, $0x38;
	[tilespmem:$0x1CC80] =	vst v63  }
0x82: {  	[bflag:$0x0] =	sbarrier.arrive $0xFFFF  }
0x83: {  	_ =	swait.ge [sflag:s18], $0x80  }
0x84: {  	[sflag:s18] =	ssyncset.done $0x0  }
0x85: {  	[sflag:s18] =	ssyncadd.s32 $0xFFFFFF80  }
0x86: {  	_ =	swait.ge [sflag:s18], $0x80  }
0x87: {  	[sflag:s18] =	ssyncset.done $0x0  }
0x88: {  	[sflag:s18] =	ssyncadd.s32 $0xFFFFFF80  }
0x89: {  	[tilespmem:s28], [sflag:$0x1] =	stream.indirect.gather [hbm4b:s1+s19], $0x80, s3, s19, $0xb8;
	[tilespmem:$0x1CC80] =	vst v63  }
0x8a: {  	_ =	swait.ge [sflag:s21], $0x80  }
0x8b: {  	[sflag:s21] =	ssyncset.done $0x0  }
0x8c: {  	[sflag:s21] =	ssyncadd.s32 $0xFFFFFF80  }
0x8d: {  	_ =	swait.ge [sflag:s21], $0x80  }
0x8e: {  	[sflag:s21] =	ssyncset.done $0x0  }
0x8f: {  	s13 =	simm.s32 $0x1C00;
	[sflag:s21] =	ssyncadd.s32 $0xFFFFFF80  }
0x90: {  	[tilespmem:s13], [sflag:$0x2] =	stream.indirect.gather [hbm4b:s1+s19], $0x80, s15, s19, $0xb8;
	[tilespmem:$0x1CC80] =	vst v63  }
0x91: {  	_ =	swait.ge [sflag:s23], $0x80  }
0x92: {  	[sflag:s23] =	ssyncset.done $0x0  }
0x93: {  	[sflag:s23] =	ssyncadd.s32 $0xFFFFFF80  }
0x94: {  	_ =	swait.ge [sflag:s23], $0x80  }
0x95: {  	[sflag:s23] =	ssyncset.done $0x0  }
0x96: {  	s15 =	simm.s32 $0x3000;
	[sflag:s23] =	ssyncadd.s32 $0xFFFFFF80  }
0x97: {  	[tilespmem:s15], [sflag:$0x3] =	stream.indirect.gather [hbm4b:s1+s19], $0x80, s17, s19, $0xb8;
	[tilespmem:$0x1CC80] =	vst v63  }
0x98: {  	_ =	swait.ge [sflag:s25], $0x80  }
0x99: {  	[sflag:s25] =	ssyncset.done $0x0  }
0x9a: {  	[sflag:s25] =	ssyncadd.s32 $0xFFFFFF80  }
0x9b: {  	_ =	swait.ge [sflag:s25], $0x80  }
0x9c: {  	[sflag:s25] =	ssyncset.done $0x0  }
0x9d: {  	s16 =	simm.s32 $0x4400;
	[sflag:s25] =	ssyncadd.s32 $0xFFFFFF80  }
0x9e: {  	[tilespmem:s16], [sflag:$0x4] =	stream.indirect.gather [hbm4b:s1+s19], $0x80, s12, s19, $0xb8;
	[tilespmem:$0x1CC80] =	vst v63  }
0x9f: {  	_ =	swait.ge [sflag:s29], $0x80  }
0xa0: {  	[sflag:s29] =	ssyncset.done $0x0  }
0xa1: {  	[sflag:s29] =	ssyncadd.s32 $0xFFFFFF80  }
0xa2: {  	_ =	swait.ge [sflag:s29], $0x80  }
0xa3: {  	[sflag:s29] =	ssyncset.done $0x0  }
0xa4: {  	s11 =	simm.s32 $0x5800;
	s13 =	simm.s32 $0x680;
	[sflag:s29] =	ssyncadd.s32 $0xFFFFFF80  }
0xa5: {  	[tilespmem:s11], [sflag:$0x5] =	stream.indirect.gather [hbm4b:s1+s19], $0x80, s14, s19, $0xb8;
	[tilespmem:$0x1CC80] =	vst v63  }
.LBB2_2:
0xa6: {  	_ =	swait.ge [sflag:s10], $0x80  }
0xa7: {  	[sflag:s10] =	ssyncset.done $0x0  }
0xa8: {  	[sflag:s10] =	ssyncadd.s32 $0xFFFFFF80  }
0xa9: {  	_ =	swait.ge [sflag:s10], $0x80  }
0xaa: {  	s14 =	simm.s32 $0x280;
	[sflag:s10] =	ssyncset.done $0x0  }
0xab: {  	s16 =	simm.s32 $0x6C00;
	s11 =	simm.s32 $0x1;
	[sflag:s10] =	ssyncadd.s32 $0xFFFFFF80  }
0xac: {  	[tilespmem:s16], [sflag:$0x6] =	stream.indirect.gather [hbm4b:s1+s19], $0x80, s14, s19, $0xb8;
	[tilespmem:$0x1CC80] =	vst v63  }
0xad: {  	s12 =	sadd.s32 $0xFFFFFD00, s13;
	_ =	swait.ge [sflag:s11], $0x1400  }
0xae: {  	s15 =	sand.u32 $0x1FC00, s12;
	[sflag:s11] =	ssyncset.done $0x0  }
0xaf: {  	s15 =	sadd.s32 s8, s15;
	s14 =	sand.u32 $0x380, s12;
	[sflag:s11] =	ssyncadd.s32 $0xFFFFEC00  }
0xb0: {  	[spmem:s2] =	stream.indirect.scatter.add.f32 [tilespmem:s28], [sflag:$0xF], $0x80, s20, s19, $0xb8;
	[tilespmem:$0x1CC80] =	vst v63  }
0xb1: {  	s14 =	sor.u32 s14, s15;
	_ =	swait.ge [sflag:s30], $0x1400  }
0xb2: {  	s14 =	sshrl.u32 s14, $0x3;
	[sflag:s30] =	ssyncset.done $0x0  }
0xb3: {  	s17 =	sadd.s32 s5, s14;
	[sflag:s30] =	ssyncadd.s32 $0xFFFFEC00  }
0xb4: {  	[tilespmem:s3], [sflag:$0x8] =	stream.linear.gather [hbm4b:s17+s3], $0x80, $0x38;
	[tilespmem:$0x1CC80] =	vst v63  }
0xb5: {  	s14 =	sadd.s32 s6, s14  }
0xb6: {  	[tilespmem:s20], [sflag:$0x8] =	stream.linear.gather [hbm4b:s14+s3], $0x80, $0x38;
	[tilespmem:$0x1CC80] =	vst v63  }
0xb7: {  	_ =	swait.ge [sflag:s31], $0x80  }
0xb8: {  	[sflag:s31] =	ssyncset.done $0x0  }
0xb9: {  	[sflag:s31] =	ssyncadd.s32 $0xFFFFFF80  }
0xba: {  	_ =	swait.ge [sflag:s31], $0x80  }
0xbb: {  	[sflag:s31] =	ssyncset.done $0x0  }
0xbc: {  	s0 =	simm.s32 $0x8000;
	[sflag:s31] =	ssyncadd.s32 $0xFFFFFF80  }
0xbd: {  	[tilespmem:s0], [sflag:$0x7] =	stream.indirect.gather [hbm4b:s1+s19], $0x80, s24, s19, $0xb8;
	[tilespmem:$0x1CC80] =	vst v63  }
0xbe: {  	s24 =	simm.s32 $0x2  }
0xbf: {  	s12 =	sadd.s32 $0xFFFFF980, s13;
	s11 =	sadd.s32 $0xFFFFFD80, s13;
	_ =	swait.ge [sflag:s24], $0x1400  }
0xc0: {  	s15 =	sand.u32 $0x380, s12;
	s14 =	sand.u32 $0x1FC00, s11;
	[sflag:s24] =	ssyncset.done $0x0  }
0xc1: {  	s14 =	sadd.s32 s8, s14;
	[sflag:s24] =	ssyncadd.s32 $0xFFFFEC00;
	s24 =	simm.s32 $0x1C00  }
0xc2: {  	[spmem:s2] =	stream.indirect.scatter.add.f32 [tilespmem:s24], [sflag:$0xF], $0x80, s22, s19, $0xb8;
	[tilespmem:$0x1CC80] =	vst v63  }
0xc3: {  	s14 =	sor.u32 s15, s14;
	_ =	swait.ge [sflag:s30], $0x1400  }
0xc4: {  	s14 =	sshrl.u32 s14, $0x3;
	[sflag:s30] =	ssyncset.done $0x0  }
0xc5: {  	s20 =	simm.s32 $0x80;
	s17 =	sadd.s32 s5, s14;
	[sflag:s30] =	ssyncadd.s32 $0xFFFFEC00  }
0xc6: {  	[tilespmem:s20], [sflag:$0x9] =	stream.linear.gather [hbm4b:s17+s3], $0x80, $0x38;
	[tilespmem:$0x1CC80] =	vst v63  }
0xc7: {  	s14 =	sadd.s32 s6, s14  }
0xc8: {  	[tilespmem:s22], [sflag:$0x9] =	stream.linear.gather [hbm4b:s14+s3], $0x80, $0x38;
	[tilespmem:$0x1CC80] =	vst v63  }
0xc9: {  	_ =	swait.ge [sflag:s18], $0x80  }
0xca: {  	[sflag:s18] =	ssyncset.done $0x0  }
0xcb: {  	[sflag:s18] =	ssyncadd.s32 $0xFFFFFF80  }
0xcc: {  	_ =	swait.ge [sflag:s18], $0x80  }
0xcd: {  	[sflag:s18] =	ssyncset.done $0x0  }
0xce: {  	[sflag:s18] =	ssyncadd.s32 $0xFFFFFF80  }
0xcf: {  	[tilespmem:s28], [sflag:$0x1] =	stream.indirect.gather [hbm4b:s1+s19], $0x80, s3, s19, $0xb8;
	[tilespmem:$0x1CC80] =	vst v63  }
0xd0: {  	s17 =	simm.s32 $0x500;
	s22 =	sadd.s32 $0xFFFFFE00, s13;
	_ =	swait.ge [sflag:s4], $0x1400  }
0xd1: {  	s11 =	sand.u32 $0x1FC00, s22;
	s14 =	sand.u32 $0x380, s22;
	[sflag:s4] =	ssyncset.done $0x0  }
0xd2: {  	s15 =	sadd.s32 s8, s11;
	s28 =	simm.s32 $0x3000;
	[sflag:s4] =	ssyncadd.s32 $0xFFFFEC00  }
0xd3: {  	[spmem:s2] =	stream.indirect.scatter.add.f32 [tilespmem:s28], [sflag:$0xF], $0x80, s17, s19, $0xb8;
	[tilespmem:$0x1CC80] =	vst v63  }
0xd4: {  	s14 =	sor.u32 s14, s15;
	_ =	swait.ge [sflag:s30], $0x1400  }
0xd5: {  	s14 =	sshrl.u32 s14, $0x3;
	[sflag:s30] =	ssyncset.done $0x0  }
0xd6: {  	s22 =	simm.s32 $0x100;
	s12 =	sadd.s32 s5, s14;
	[sflag:s30] =	ssyncadd.s32 $0xFFFFEC00  }
0xd7: {  	[tilespmem:s22], [sflag:$0xA] =	stream.linear.gather [hbm4b:s12+s3], $0x80, $0x38;
	[tilespmem:$0x1CC80] =	vst v63  }
0xd8: {  	s14 =	sadd.s32 s6, s14  }
0xd9: {  	[tilespmem:s17], [sflag:$0xA] =	stream.linear.gather [hbm4b:s14+s3], $0x80, $0x38;
	[tilespmem:$0x1CC80] =	vst v63  }
0xda: {  	_ =	swait.ge [sflag:s21], $0x80  }
0xdb: {  	[sflag:s21] =	ssyncset.done $0x0  }
0xdc: {  	[sflag:s21] =	ssyncadd.s32 $0xFFFFFF80  }
0xdd: {  	_ =	swait.ge [sflag:s21], $0x80  }
0xde: {  	[sflag:s21] =	ssyncset.done $0x0  }
0xdf: {  	[sflag:s21] =	ssyncadd.s32 $0xFFFFFF80  }
0xe0: {  	[tilespmem:s24], [sflag:$0x2] =	stream.indirect.gather [hbm4b:s1+s19], $0x80, s20, s19, $0xb8;
	[tilespmem:$0x1CC80] =	vst v63  }
0xe1: {  	s11 =	simm.s32 $0x4400;
	s17 =	sadd.s32 $0xFFFFFE80, s13;
	_ =	swait.ge [sflag:s7], $0x1400  }
0xe2: {  	s14 =	sand.u32 $0x380, s17;
	s24 =	sand.u32 $0x1FC00, s17;
	[sflag:s7] =	ssyncset.done $0x0  }
0xe3: {  	s20 =	simm.s32 $0x580;
	s15 =	sadd.s32 s8, s24;
	[sflag:s7] =	ssyncadd.s32 $0xFFFFEC00  }
0xe4: {  	[spmem:s2] =	stream.indirect.scatter.add.f32 [tilespmem:s11], [sflag:$0xF], $0x80, s20, s19, $0xb8;
	[tilespmem:$0x1CC80] =	vst v63  }
0xe5: {  	s14 =	sor.u32 s14, s15;
	_ =	swait.ge [sflag:s30], $0x1400  }
0xe6: {  	s14 =	sshrl.u32 s14, $0x3;
	[sflag:s30] =	ssyncset.done $0x0  }
0xe7: {  	s17 =	simm.s32 $0x180;
	s12 =	sadd.s32 s5, s14;
	[sflag:s30] =	ssyncadd.s32 $0xFFFFEC00  }
0xe8: {  	[tilespmem:s17], [sflag:$0xB] =	stream.linear.gather [hbm4b:s12+s3], $0x80, $0x38;
	[tilespmem:$0x1CC80] =	vst v63  }
0xe9: {  	s14 =	sadd.s32 s6, s14  }
0xea: {  	[tilespmem:s20], [sflag:$0xB] =	stream.linear.gather [hbm4b:s14+s3], $0x80, $0x38;
	[tilespmem:$0x1CC80] =	vst v63  }
0xeb: {  	_ =	swait.ge [sflag:s23], $0x80  }
0xec: {  	[sflag:s23] =	ssyncset.done $0x0  }
0xed: {  	[sflag:s23] =	ssyncadd.s32 $0xFFFFFF80  }
0xee: {  	_ =	swait.ge [sflag:s23], $0x80  }
0xef: {  	[sflag:s23] =	ssyncset.done $0x0  }
0xf0: {  	[sflag:s23] =	ssyncadd.s32 $0xFFFFFF80  }
0xf1: {  	[tilespmem:s28], [sflag:$0x3] =	stream.indirect.gather [hbm4b:s1+s19], $0x80, s22, s19, $0xb8;
	[tilespmem:$0x1CC80] =	vst v63  }
0xf2: {  	s12 =	simm.s32 $0x5800;
	s22 =	sadd.s32 $0xFFFFFF00, s13;
	_ =	swait.ge [sflag:s9], $0x1400  }
0xf3: {  	s20 =	simm.s32 $0x600;
	s24 =	sand.u32 $0x1FC00, s22;
	[sflag:s9] =	ssyncset.done $0x0  }
0xf4: {  	s14 =	sand.u32 $0x380, s22;
	s15 =	sadd.s32 s8, s24;
	[sflag:s9] =	ssyncadd.s32 $0xFFFFEC00  }
0xf5: {  	[spmem:s2] =	stream.indirect.scatter.add.f32 [tilespmem:s12], [sflag:$0xF], $0x80, s20, s19, $0xb8;
	[tilespmem:$0x1CC80] =	vst v63  }
0xf6: {  	s14 =	sor.u32 s14, s15;
	_ =	swait.ge [sflag:s30], $0x1400  }
0xf7: {  	s14 =	sshrl.u32 s14, $0x3;
	[sflag:s30] =	ssyncset.done $0x0  }
0xf8: {  	s24 =	simm.s32 $0x200;
	s22 =	sadd.s32 s5, s14;
	[sflag:s30] =	ssyncadd.s32 $0xFFFFEC00  }
0xf9: {  	[tilespmem:s24], [sflag:$0xC] =	stream.linear.gather [hbm4b:s22+s3], $0x80, $0x38;
	[tilespmem:$0x1CC80] =	vst v63  }
0xfa: {  	s14 =	sadd.s32 s6, s14  }
0xfb: {  	[tilespmem:s20], [sflag:$0xC] =	stream.linear.gather [hbm4b:s14+s3], $0x80, $0x38;
	[tilespmem:$0x1CC80] =	vst v63  }
0xfc: {  	_ =	swait.ge [sflag:s25], $0x80  }
0xfd: {  	[sflag:s25] =	ssyncset.done $0x0  }
0xfe: {  	[sflag:s25] =	ssyncadd.s32 $0xFFFFFF80  }
0xff: {  	_ =	swait.ge [sflag:s25], $0x80  }
0x100: {  	p1 =	seq.s32 s13, $0x7D80;
	[sflag:s25] =	ssyncset.done $0x0  }
0x101: {  	s20 =	simm.s32 $0x6;
	s14 =	sadd.s32 @!p1 $0xFFFFFF80, s13;
	[sflag:s25] =	ssyncadd.s32 $0xFFFFFF80  }
0x102: {  	[tilespmem:s11], [sflag:$0x4] =	stream.indirect.gather [hbm4b:s1+s19], $0x80, s17, s19, $0xb8;
	[tilespmem:$0x1CC80] =	vst v63  }
0x103: {  	s15 =	sand.u32 @!p1 $0x1FC00, s14;
	_ =	swait.ge [sflag:s20], $0x1400  }
0x104: {  	s14 =	sand.u32 @!p1 $0x380, s14;
	s15 =	sadd.s32 @!p1 s8, s15;
	[sflag:s20] =	ssyncset.done $0x0  }
0x105: {  	s22 =	simm.s32 $0x680;
	s14 =	sor.u32 @!p1 s14, s15;
	[sflag:s20] =	ssyncadd.s32 $0xFFFFEC00  }
0x106: {  	[spmem:s2] =	stream.indirect.scatter.add.f32 [tilespmem:s16], [sflag:$0xF], $0x80, s22, s19, $0xb8;
	[tilespmem:$0x1CC80] =	vst v63  }
0x107: {  	s14 =	sshrl.u32 @!p1 s14, $0x3;
	_ =	swait.ge [sflag:s30], $0x1400  }
0x108: {  	s15 =	sadd.s32 @!p1 s5, s14;
	[sflag:s30] =	ssyncset.done $0x0  }
0x109: {  	s20 =	simm.s32 @!p1 $0x0;
	s22 =	simm.s32 @!p1 $0x280;
	[sflag:s30] =	ssyncadd.s32 $0xFFFFEC00  }
0x10a: {  	[tilespmem:s22], [sflag:$0xD] =	stream.linear.gather @!p1 [hbm4b:s15+s20], $0x80, $0x38;
	[tilespmem:$0x1CC80] =	vst v63  }
0x10b: {  	s14 =	sadd.s32 @!p1 s6, s14;
	s15 =	simm.s32 @!p1 $0x680  }
0x10c: {  	[tilespmem:s15], [sflag:$0xD] =	stream.linear.gather @!p1 [hbm4b:s14+s20], $0x80, $0x38;
	[tilespmem:$0x1CC80] =	vst v63  }
0x10d: {  	_ =	swait.ge [sflag:s29], $0x80  }
0x10e: {  	[sflag:s29] =	ssyncset.done $0x0  }
0x10f: {  	[sflag:s29] =	ssyncadd.s32 $0xFFFFFF80  }
0x110: {  	_ =	swait.ge [sflag:s29], $0x80  }
0x111: {  	[sflag:s29] =	ssyncset.done $0x0  }
0x112: {  	[sflag:s29] =	ssyncadd.s32 $0xFFFFFF80  }
0x113: {  	[tilespmem:s12], [sflag:$0x5] =	stream.indirect.gather [hbm4b:s1+s19], $0x80, s24, s19, $0xb8;
	[tilespmem:$0x1CC80] =	vst v63  }
0x114: {  	s24 =	simm.s32 $0x7  }
0x115: {  	_ =	swait.ge [sflag:s24], $0x1400  }
0x116: {  	[sflag:s24] =	ssyncset.done $0x0  }
.Ltmp2:
0x117: {  	[sflag:s24] =	ssyncadd.s32 $0xFFFFEC00;
	(pc) =	sbr.rel @p1 .LBB2_4-.Ltmp2, $4  }
0x118: {  	[spmem:s2] =	stream.indirect.scatter.add.f32 [tilespmem:s0], [sflag:$0xF], $0x80, s26, s19, $0xb8;
	[tilespmem:$0x1CC80] =	vst v63  }
0x119: {  	_ =	swait.ge [sflag:s30], $0x1400  }
0x11a: {  	[sflag:s30] =	ssyncset.done $0x0  }
0x11b: {  	s28 =	simm.s32 $0x300;
	s17 =	simm.s32 $0x700;
	[sflag:s30] =	ssyncadd.s32 $0xFFFFEC00  }
0x11c: {  	s14 =	sand.u32 $0x1FC00, s13  }
0x11d: {  	s15 =	sand.u32 $0x380, s13;
	s14 =	sadd.s32 s8, s14  }
0x11e: {  	s13 =	sadd.s32 $0x380, s13;
	s14 =	sor.u32 s15, s14  }
.Ltmp3:
0x11f: {  	s20 =	simm.s32 $0x400;
	s14 =	sshrl.u32 s14, $0x3;
	(pc) =	sbr.rel .LBB2_2-.Ltmp3, $4  }
0x120: {  	s22 =	simm.s32 $0x480;
	s24 =	simm.s32 $0x300;
	s26 =	sadd.s32 s5, s14  }
0x121: {  	[tilespmem:s28], [sflag:$0xE] =	stream.linear.gather [hbm4b:s26+s3], $0x80, $0x38;
	[tilespmem:$0x1CC80] =	vst v63  }
0x122: {  	s14 =	sadd.s32 s6, s14;
	s26 =	simm.s32 $0x700;
	s28 =	simm.s32 $0x800  }
0x123: {  	[tilespmem:s17], [sflag:$0xE] =	stream.linear.gather [hbm4b:s14+s3], $0x80, $0x38;
	[tilespmem:$0x1CC80] =	vst v63  }
.LBB2_5:
0x124: {  	_ =	sfence.sel $0x180000  }
0x125: {  	[bflag:$0x0] =	sbarrier.arrive $0xFFFF  }
0x126: {  	_ =	strace $0x90000047  }
0x127: {  	[bflag:$0x2] =	sbarrier.arrive $0xFFFF  }
0x128: {  	s0 =	rddreg [dreg:$0x3]  }
0x129: {  	s0 =	sadd.s32 @!p0 $0x100000, s0  }
0x12a: {  	[sflag:s0] =	ssyncadd.tile.s32 @!p0 $0x1;
	_ =	shalt  }
.Lfunc_end2:
_tile_overlayer_lowered:
.L_overlay_start_2:
0x12b: {  	(tag) =	ssettag $0x2  }
0x12c: {  	s0 =	rddreg [dreg:$0x0];
	s2 =	stileid.u32  }
0x12d: {  	s1 =	rddreg [dreg:$0x1];
	p0 =	sne.s32 s2, $0x0  }
0x12e: {  	s3 =	rddreg [dreg:$0x2];
	[bflag:$0x3] =	sbarrier.arrive $0xFFFF;
	s2 =	simm.s32 @!p0 $0x1C0F  }
0x12f: {  	[timem:s3], [sflag:s2] =	dma.local @!p0 [hbm:s0], s1  }
0x130: {  	s0 =	simm.s32 @!p0 $0xF  }
0x131: {  	_ =	swait.ge @!p0 [sflag:s0], s1  }
0x132: {  	s1 =	ssub.s32 @!p0 $0x0, s1;
	[sflag:s0] =	ssyncset.done @!p0 $0x0  }
0x133: {  	[sflag:s0] =	ssyncadd.s32 @!p0 s1  }
0x134: {  	[bflag:$0x3] =	sbarrier.arrive $0xFFFF  }
0x135: {  	_ =	shalt  }

// kernel: kernel.9.cloned.1.call-start
scs
__scs_entry_jumppad:
0x0: {  	(pc) =	sbr.rel $0x88, $3  }
0x1: {  	(tag) =	ssettag $0x0;
	lr =	simm.s32 $0x1  }
0x2: {  	[smem:$0x3F95] =	sst lr;
	_ =	strace $0xD0000000  }
0x3: {  	_ = 	snop  }
0x4: {  	_ = 	snop  }
0x5: {  	_ = 	snop  }
0x6: {  	_ = 	snop  }
0x7: {  	_ = 	snop  }
__scs_overlays_trampoline_lowered:
0x8: {  	[smem:$0x3FA4] =	sst s0  }
0x9: {  	[smem:$0x3FA5] =	sst s1  }
0xa: {  	[smem:$0x3FA6] =	sst s2  }
0xb: {  	[smem:$0x3FA7] =	sst s3  }
0xc: {  	[smem:$0x3FA8] =	sst s4  }
0xd: {  	[smem:$0x3FA9] =	sst s5  }
0xe: {  	[smem:$0x3FAA] =	sst s6  }
0xf: {  	[smem:$0x3FAB] =	sst s7  }
0x10: {  	[smem:$0x3FAC] =	sst s8  }
0x11: {  	[smem:$0x3FAD] =	sst s9;
	s0 =	simm.s32 @!p0 $0x0  }
0x12: {  	s1 =	sld [smem:$0x3F93];
	s0 =	simm.s32 @p0 $0x1  }
0x13: {  	[smem:$0x3FAE] =	sst s0;
	s0 =	simm.s32 @!p1 $0x0  }
0x14: {  	s2 =	sld [smem:$0x3F92];
	s0 =	simm.s32 @p1 $0x1  }
0x15: {  	[smem:$0x3FAF] =	sst s0;
	s0 =	simm.s32 @!p2 $0x0  }
0x16: {  	s3 =	sld [smem:$0x3FDB];
	s0 =	simm.s32 @p2 $0x1  }
0x17: {  	s4 =	simm.s32 $0x1BF5;
	[smem:$0x3FB1] =	sst s0  }
0x18: {  	s0 =	sld [smem:$0x3F94];
	_ =	swait.ge [sflag:s4], $0x0  }
0x19: {  	s7 =	sld [smem:$0x3F95]  }
0x1a: {  	s8 =	sadd.s32 $0xFFFFE003, lr  }
0x1b: {  	s9 =	sadd.s32 $0xFFFFFEF7, lr;
	s5 =	simm.s32 $0xFFFFFFFF;
	p2 =	slt.u32 s8, $0xFFFFF086  }
0x1c: {  	p1 =	slt.u32 s9, $0xF7A;
	s5 =	simm.s32 @!p2 $0x0  }
0x1d: {  	s5 =	simm.s32 @p1 $0x1;
	p0 =	seq.s32 s7, s2  }
0x1e: {  	s7 =	smul.u32 @!p0 $0xF7A, s2;
	p2 =	seq.s32 @!p0 s5, $0x0  }
0x1f: {  	s9 =	smul.u32 $0xF7A, s1;
	s8 =	simm.s32 @!p0 $0x1BF5;
	p2 =	por !p2, p0  }
0x20: {  	[sflag:s8] =	ssyncset.s32 @!p0 $0xFFFFF086;
	s6 =	sadd.s32 @!p0 s3, s7;
	s7 =	simm.s32 @!p0 $0x108  }
0x21: {  	s3 =	sadd.s32 s3, s9;
	s6 =	sadd.s32 @!p0 $0x88, s6;
	s7 =	simm.s32 @p2 $0x1082  }
0x22: {  	[simem:s7], [sflag:s8] =	dma.local @!p0 [hbm:s6], $0xF7A  }
0x23: {  	s9 =	sor.u32 $0xD0000000, s2;
	s6 =	simm.s32 $0x108;
	_ =	swait.ge @!p0 [sflag:s8], $0x0  }
0x24: {  	s3 =	sadd.s32 $0x88, s3;
	s6 =	simm.s32 @!p1 $0x1082;
	[sflag:s4] =	ssyncset.s32 $0xFFFFF086  }
0x25: {  	[simem:s6], [sflag:s4] =	dma.local [hbm:s3], $0xF7A  }
0x26: {  	[smem:$0x3F95] =	sst s1;
	(tag) =	ssettag s2;
	_ =	strace s9  }
0x27: {  	s1 =	sld [smem:$0x3FA5]  }
0x28: {  	s2 =	sld [smem:$0x3FA6]  }
0x29: {  	s4 =	sld [smem:$0x3FA8]  }
0x2a: {  	p0 =	seq.s32 s5, $0x0;
	s5 =	sld [smem:$0x3FA9]  }
0x2b: {  	s6 =	sld [smem:$0x3FAA]  }
0x2c: {  	s7 =	sld [smem:$0x3FAB]  }
0x2d: {  	s3 =	simm.s32 $0x108;
	s8 =	sld [smem:$0x3FAC]  }
0x2e: {  	s3 =	simm.s32 @!p0 $0x1082;
	s9 =	sld [smem:$0x3FAD]  }
0x2f: {  	lr =	sadd.s32 s0, s3;
	s0 =	sld [smem:$0x3FA4]  }
0x30: {  	s3 =	sld [smem:$0x3FA7]  }
0x31: {  	[smem:$0x3FB0] =	sst s10  }
0x32: {  	s10 =	sld [smem:$0x3FAE];
	_ =	sdelay $0x3  }
0x33: {  	p0 =	seq.s32 s10, $0x1;
	s10 =	sld [smem:$0x3FB0];
	_ =	sdelay $0x3  }
0x34: {  	[smem:$0x3FB0] =	sst s10  }
0x35: {  	s10 =	sld [smem:$0x3FAF];
	_ =	sdelay $0x3  }
0x36: {  	p1 =	seq.s32 s10, $0x1;
	s10 =	sld [smem:$0x3FB0];
	_ =	sdelay $0x3  }
0x37: {  	[smem:$0x3FB0] =	sst s10  }
0x38: {  	s10 =	sld [smem:$0x3FB1]  }
0x39: {  	_ = 	snop;
	(pc) =	sbr.ind lr, $3  }
0x3a: {  	_ = 	snop  }
0x3b: {  	_ = 	snop  }
0x3c: {  	p2 =	seq.s32 s10, $0x1;
	s10 =	sld [smem:$0x3FB0]  }
0x3d: {  	_ =	shalt  }
0x3e: {  	_ =	shalt  }
0x3f: {  	_ =	shalt  }
0x40: {  	_ =	shalt  }
0x41: {  	_ =	shalt  }
0x42: {  	_ =	shalt  }
0x43: {  	_ =	shalt  }
0x44: {  	_ =	shalt  }
0x45: {  	_ =	shalt  }
0x46: {  	_ =	shalt  }
0x47: {  	_ =	shalt  }
0x48: {  	_ =	shalt  }
0x49: {  	_ =	shalt  }
0x4a: {  	_ =	shalt  }
0x4b: {  	_ =	shalt  }
0x4c: {  	_ =	shalt  }
0x4d: {  	_ =	shalt  }
0x4e: {  	_ =	shalt  }
0x4f: {  	_ =	shalt  }
0x50: {  	_ =	shalt  }
0x51: {  	_ =	shalt  }
0x52: {  	_ =	shalt  }
0x53: {  	_ =	shalt  }
0x54: {  	_ =	shalt  }
0x55: {  	_ =	shalt  }
0x56: {  	_ =	shalt  }
0x57: {  	_ =	shalt  }
0x58: {  	_ =	shalt  }
0x59: {  	_ =	shalt  }
0x5a: {  	_ =	shalt  }
0x5b: {  	_ =	shalt  }
0x5c: {  	_ =	shalt  }
0x5d: {  	_ =	shalt  }
0x5e: {  	_ =	shalt  }
0x5f: {  	_ =	shalt  }
0x60: {  	_ =	shalt  }
0x61: {  	_ =	shalt  }
0x62: {  	_ =	shalt  }
0x63: {  	_ =	shalt  }
0x64: {  	_ =	shalt  }
0x65: {  	_ =	shalt  }
0x66: {  	_ =	shalt  }
0x67: {  	_ =	shalt  }
0x68: {  	_ =	shalt  }
0x69: {  	_ =	shalt  }
0x6a: {  	_ =	shalt  }
0x6b: {  	_ =	shalt  }
0x6c: {  	_ =	shalt  }
0x6d: {  	_ =	shalt  }
0x6e: {  	_ =	shalt  }
0x6f: {  	_ =	shalt  }
0x70: {  	_ =	shalt  }
0x71: {  	_ =	shalt  }
0x72: {  	_ =	shalt  }
0x73: {  	_ =	shalt  }
0x74: {  	_ =	shalt  }
0x75: {  	_ =	shalt  }
0x76: {  	_ =	shalt  }
0x77: {  	_ =	shalt  }
0x78: {  	_ =	shalt  }
0x79: {  	_ =	shalt  }
0x7a: {  	_ =	shalt  }
0x7b: {  	_ =	shalt  }
0x7c: {  	_ =	shalt  }
0x7d: {  	_ =	shalt  }
0x7e: {  	_ =	shalt  }
0x7f: {  	_ =	shalt  }
0x80: {  	_ =	shalt  }
0x81: {  	_ =	shalt  }
0x82: {  	_ =	shalt  }
0x83: {  	_ =	shalt  }
0x84: {  	_ =	shalt  }
0x85: {  	_ =	shalt  }
0x86: {  	_ =	shalt  }
0x87: {  	_ =	shalt  }
.Lfunc_end0:
.L_simem_size_0:
called_computation.1_lowered:
.L_overlay_start_0:
0x88: {  	s2 =	sld [smem:$0x3FD9]  }
0x89: {  	s3 =	sld [smem:$0x3FFE];
	_ =	sdelay $0x1  }
0x8a: {  	s1 =	srdreg.scid  }
0x8b: {  	s0 =	sand.u32 $0x1, s1  }
0x8c: {  	s16 =	sshll.u32 s0, $0xA;
	s2 =	sadd.s32 s3, s2  }
0x8d: {  	s2 =	sadd.s32 s2, s16  }
0x8e: {  	[smem:$0x3FBC] =	sst s2  }
0x8f: {  	_ = 	snop  }
0x90: {  	(tm) =	ssettm $0x1  }
0x91: {  	s17 =	sld [smem:$0x3FFB];
	_ =	sdelay $0x3  }
0x92: {  	_ =	strace s17  }
0x93: {  	s2 =	sld [smem:$0x3FFC];
	_ =	sdelay $0x3  }
0x94: {  	_ =	strace s2  }
0x95: {  	s2 =	sld [smem:$0x3FFD];
	_ =	sdelay $0x3  }
0x96: {  	_ =	strace s2  }
0x97: {  	_ =	strace $0x8FFFFFFF  }
0x98: {  	s18 =	sld [smem:$0x3FDB];
	_ =	sdelay $0x1  }
0x99: {  	s19 =	simm.s32 $_scs_section_size  }
0x9a: {  	s4 =	simm.s32 $_size__tile_overlayer_lowered;
	s5 =	simm.s32 $_tile_overlayer_lowered  }
0x9b: {  	s22 =	simm.s32 $0x1BFF;
	s21 =	sshll.u32 s5, $0x1;
	s2 =	sadd.s32 s19, s18  }
0x9c: {  	s6 =	simm.s32 $0x0;
	s20 =	sshll.u32 s4, $0x1;
	s4 =	sadd.s32 s21, s2  }
0x9d: {  	[timem:s6], [sflag:s22] =	dma.local [hbm:s4], s20  }
0x9e: {  	_ =	swait.ge [sflag:s22], s20  }
0x9f: {  	s3 =	ssub.s32 $0x0, s20;
	[sflag:s22] =	ssyncset.done $0x0  }
0xa0: {  	[sflag:s22] =	ssyncadd.s32 s3;
	_ =	sdelay $0x1  }
0xa1: {  	s23 =	simm.s32 $0x1B8B  }
0xa2: {  	_ =	swait.ge [sflag:s23], $0x1  }
0xa3: {  	[sflag:s23] =	ssyncset.done $0x0  }
0xa4: {  	s25 =	simm.s32 $0x1B8E;
	s24 =	sld [smem:$0x3FFE];
	[sflag:s23] =	ssyncadd.s32 $0xFFFFFFFF  }
0xa5: {  	s26 =	simm.s32 $execute0_lowered;
	[smem:$0x3FD2] =	sst s25  }
0xa6: {  	s4 =	sshll.u32 s26, $0x1;
	_ =	strace $0x80000049;
	[dreg:$0x1] =	wrdreg $0xFFFFFFFF  }
0xa7: {  	s28 =	simm.s32 $_size_execute0_lowered;
	s2 =	sadd.s32 s2, s4;
	[dreg:$0x0] =	wrdreg $0x0  }
0xa8: {  	s4 =	sshll.u32 s28, $0x1;
	[dreg:$0x2] =	wrdreg s2  }
0xa9: {  	[dreg:$0x3] =	wrdreg s4  }
0xaa: {  	[dreg:$0x4] =	wrdreg $0xC0  }
0xab: {  	_ =	task [dreg:s6], $0x5FFFF  }
0xac: {  	[dreg:$0x1] =	wrdreg $0xFFFFFFFF  }
0xad: {  	[dreg:$0x0] =	wrdreg $0x60  }
0xae: {  	[dreg:$0x2] =	wrdreg s24  }
0xaf: {  	[dreg:$0x3] =	wrdreg $0x94000  }
0xb0: {  	[dreg:$0x4] =	wrdreg $0x9  }
0xb1: {  	_ =	task.clear_ibuf [dreg:s6], $0x5FFFF;
	_ =	strace $0x90000049  }
0xb2: {  	s29 =	simm.s32 $0x9;
	_ =	strace $0x8000004B  }
0xb3: {  	_ =	swait.ge [sflag:s29], $0x1  }
0xb4: {  	[sflag:s29] =	ssyncadd.s32 $0xFFFFFFFF  }
0xb5: {  	_ =	strace $0x9000004B  }
0xb6: {  	_ =	sfence  }
0xb7: {  	s30 =	sld [smem:$0x0];
	_ =	sdelay $0x2  }
0xb8: {  	s31 =	sshll.u32 s1, $0xD;
	s1 =	sshrl.u32 s1, $0x2  }
0xb9: {  	s3 =	sand.u32 $0x4000, s31;
	s1 =	sadd.s32 s1, s30  }
0xba: {  	s0 =	sor.u32 s3, s0;
	s1 =	sshll.u32 s1, $0x11  }
0xbb: {  	s0 =	sor.u32 s1, s0  }
0xbc: {  	s0 =	sadd.s32 $0x8F2B, s0  }
0xbd: {  	[sflag:s0] =	ssyncadd.remote.s32 $0x1  }
0xbe: {  	_ =	sfence.sel $0xFFFF  }
0xbf: {  	[dreg:$0x0] =	wrdreg $0xFFFFFFFF;
	(pc) =	sbr.abs _section_cstart, $3  }
0xc0: {  	[dreg:$0x1] =	wrdreg $0xFFFFFFFF  }
0xc1: {  	_ =	task.clear_ibuf [dreg:s6], $0x2FFFF;
	_ =	strace $0x9FFFFFFF  }
0xc2: {  	(tm) =	ssettm $0x7FFFFFFF  }
0xc3: {  	_ =	shalt  }
tec
execute0_lowered:
.L_overlay_start_1:
0x0: {  	(tag) =	ssettag $0x1  }
0x1: {  	s0 =	rddreg [dreg:$0x0]  }
0x2: {  	s1 =	rddreg [dreg:$0x1];
	s2 =	simm.s32 $0x0  }
0x3: {  	s3 =	stileid.u32;
	s4 =	srdreg.scid;
	s30 =	simm.s32 $0xF  }
0x4: {  	s28 =	simm.s32 $0x800;
	s29 =	simm.s32 $0xC;
	s31 =	simm.s32 $0xE  }
0x5: {  	[smem:$0x7FF] =	sst s2;
	s11 =	smul.u32 $0x2700, s3;
	s7 =	sand.u32 $0x1, s4  }
0x6: {  	s4 =	sadd.s32 $0x69600, s0;
	s5 =	sadd.s32 $0x2400, s0;
	s6 =	sadd.s32 $0x22400, s0  }
0x7: {  	s10 =	smul.u32 $0x4E000, s3;
	s13 =	sshll.u32 s3, $0x10;
	s22 =	sshll.u32 s3, $0x6  }
0x8: {  	p0 =	sne.s32 s3, $0x0;
	s3 =	simm.s32 $0x3;
	_ =	strace $0x8000004A  }
0x9: {  	s8 =	smul.u32 $0x27100, s7;
	s9 =	ssub.s32 $0x2, s7;
	s7 =	sshll.u32 s7, $0xF  }
0xa: {  	s14 =	sor.u32 $0x1C0F, s22;
	[dreg:$0x3] =	wrdreg s11;
	s11 =	sadd.s32 s11, s0  }
0xb: {  	s19 =	sshrl.u32 s9, $0x1;
	s10 =	sshrl.u32 s10, $0x2;
	[dreg:$0x6] =	wrdreg s14  }
0xc: {  	s12 =	sadd.s32 s8, s0;
	s9 =	ssub.s32 s9, s19;
	s20 =	sadd.s32 s10, s1  }
0xd: {  	s8 =	sor.u32 s7, s13;
	s21 =	sadd.s32 $0x42400, s11;
	[dreg:$0x4] =	wrdreg s20  }
0xe: {  	s0 =	sadd.s32 $0x69400, s0;
	[dreg:$0x5] =	wrdreg s21;
	s23 =	sshrl.u32 s8, $0x3  }
0xf: {  	s10 =	simm.s32 $0xD;
	[dreg:$0x7] =	wrdreg s0;
	s25 =	sadd.s32 s5, s23  }
0x10: {  	s24 =	sor.u32 $0x10, s23;
	s21 =	sadd.s32 s6, s23;
	[dreg:$0x8] =	wrdreg s25  }
0x11: {  	s11 =	sor.u32 $0x20, s23;
	s26 =	sadd.s32 s5, s24;
	[dreg:$0x13] =	wrdreg s21  }
0x12: {  	s15 =	sor.u32 $0x30, s23;
	s0 =	sadd.s32 s6, s24;
	[dreg:$0x9] =	wrdreg s26  }
0x13: {  	s17 =	sor.u32 $0x40, s23;
	s13 =	sadd.s32 s5, s11;
	[dreg:$0xa] =	wrdreg s0  }
0x14: {  	s19 =	sor.u32 $0x50, s23;
	s7 =	sadd.s32 s6, s11;
	[dreg:$0xb] =	wrdreg s13  }
0x15: {  	s22 =	sor.u32 $0x60, s23;
	s16 =	sadd.s32 s5, s15;
	[dreg:$0xc] =	wrdreg s7  }
0x16: {  	s18 =	sadd.s32 s5, s17;
	s20 =	sadd.s32 s5, s19;
	[dreg:$0xd] =	wrdreg s16  }
0x17: {  	s23 =	sadd.s32 s5, s22;
	s24 =	sadd.s32 $0x90800, s12;
	[dreg:$0xf] =	wrdreg s18  }
0x18: {  	s25 =	smax.u32 s9, $0x1;
	s12 =	simm.s32 $0x500;
	[dreg:$0x11] =	wrdreg s20  }
0x19: {  	s21 =	simm.s32 $0x9;
	s9 =	simm.s32 $0x5;
	[dreg:$0x14] =	wrdreg s23  }
0x1a: {  	s0 =	sadd.s32 s6, s15;
	s7 =	sadd.s32 s6, s17;
	[dreg:$0x16] =	wrdreg s24  }
0x1b: {  	[dreg:$0x17] =	wrdreg s25;
	s26 =	sadd.s32 $0x138000, s1;
	s20 =	simm.s32 $0x400  }
.Ltmp0:
0x1c: {  	s18 =	simm.s32 $0x8;
	[dreg:$0xe] =	wrdreg s0;
	(pc) =	sbr.rel .LBB2_1-.Ltmp0, $4  }
0x1d: {  	s23 =	simm.s32 $0xA;
	s25 =	simm.s32 $0xB;
	[dreg:$0x10] =	wrdreg s7  }
0x1e: {  	s0 =	sadd.s32 s6, s19;
	[dreg:$0x18] =	wrdreg s26;
	s19 =	simm.s32 $0x28  }
0x1f: {  	s7 =	simm.s32 $0x4;
	[dreg:$0x12] =	wrdreg s0;
	s0 =	sadd.s32 s6, s22  }
0x20: {  	s22 =	simm.s32 $0x480;
	[dreg:$0x15] =	wrdreg s0;
	s0 =	simm.s32 $0x0  }
.LBB2_4:
0x21: {  	s11 =	simm.s32 $0x1  }
0x22: {  	_ =	swait.ge [sflag:s11], $0x1400  }
0x23: {  	[sflag:s11] =	ssyncset.done $0x0  }
0x24: {  	s20 =	simm.s32 $0x400;
	s28 =	simm.s32 $0x800;
	[sflag:s11] =	ssyncadd.s32 $0xFFFFEC00  }
0x25: {  	[spmem:s1] =	stream.indirect.scatter.add.f32 [tilespmem:s28], [sflag:$0xF], $0x80, s20, s19, $0xb8;
	[tilespmem:$0x1CC80] =	vst v63  }
0x26: {  	_ =	swait.ge [sflag:s30], $0x1400  }
0x27: {  	[sflag:s30] =	ssyncset.done $0x0  }
0x28: {  	s0 =	simm.s32 $0x2;
	[sflag:s30] =	ssyncadd.s32 $0xFFFFEC00  }
0x29: {  	_ =	swait.ge [sflag:s0], $0x1400  }
0x2a: {  	[sflag:s0] =	ssyncset.done $0x0  }
0x2b: {  	s22 =	simm.s32 $0x480;
	s13 =	simm.s32 $0x1C00;
	[sflag:s0] =	ssyncadd.s32 $0xFFFFEC00  }
0x2c: {  	[spmem:s1] =	stream.indirect.scatter.add.f32 [tilespmem:s13], [sflag:$0xF], $0x80, s22, s19, $0xb8;
	[tilespmem:$0x1CC80] =	vst v63  }
0x2d: {  	_ =	swait.ge [sflag:s30], $0x1400  }
0x2e: {  	[sflag:s30] =	ssyncset.done $0x0  }
0x2f: {  	[sflag:s30] =	ssyncadd.s32 $0xFFFFEC00  }
0x30: {  	_ =	swait.ge [sflag:s3], $0x1400  }
0x31: {  	[sflag:s3] =	ssyncset.done $0x0  }
0x32: {  	s12 =	simm.s32 $0x500;
	s24 =	simm.s32 $0x3000;
	[sflag:s3] =	ssyncadd.s32 $0xFFFFEC00  }
0x33: {  	[spmem:s1] =	stream.indirect.scatter.add.f32 [tilespmem:s24], [sflag:$0xF], $0x80, s12, s19, $0xb8;
	[tilespmem:$0x1CC80] =	vst v63  }
0x34: {  	_ =	swait.ge [sflag:s30], $0x1400  }
0x35: {  	[sflag:s30] =	ssyncset.done $0x0  }
0x36: {  	[sflag:s30] =	ssyncadd.s32 $0xFFFFEC00  }
0x37: {  	_ =	swait.ge [sflag:s7], $0x1400  }
0x38: {  	[sflag:s7] =	ssyncset.done $0x0  }
0x39: {  	s26 =	simm.s32 $0x580;
	s0 =	simm.s32 $0x4400;
	[sflag:s7] =	ssyncadd.s32 $0xFFFFEC00  }
0x3a: {  	[spmem:s1] =	stream.indirect.scatter.add.f32 [tilespmem:s0], [sflag:$0xF], $0x80, s26, s19, $0xb8;
	[tilespmem:$0x1CC80] =	vst v63  }
0x3b: {  	_ =	swait.ge [sflag:s30], $0x1400  }
0x3c: {  	[sflag:s30] =	ssyncset.done $0x0  }
0x3d: {  	[sflag:s30] =	ssyncadd.s32 $0xFFFFEC00  }
0x3e: {  	_ =	swait.ge [sflag:s9], $0x1400  }
0x3f: {  	[sflag:s9] =	ssyncset.done $0x0  }
0x40: {  	s14 =	simm.s32 $0x600;
	s15 =	simm.s32 $0x5800;
	[sflag:s9] =	ssyncadd.s32 $0xFFFFEC00  }
0x41: {  	[spmem:s1] =	stream.indirect.scatter.add.f32 [tilespmem:s15], [sflag:$0xF], $0x80, s14, s19, $0xb8;
	[tilespmem:$0x1CC80] =	vst v63  }
0x42: {  	_ =	swait.ge [sflag:s30], $0x1400  }
0x43: {  	[sflag:s30] =	ssyncset.done $0x0  }
0x44: {  	[sflag:s30] =	ssyncadd.s32 $0xFFFFEC00  }
0x45: {  	[bflag:$0x0] =	sbarrier.arrive $0xFFFF  }
0x46: {  	s16 =	rddreg [dreg:$0x3]  }
0x47: {  	s15 =	rddreg [dreg:$0x16]  }
0x48: {  	s14 =	rddreg [dreg:$0x6]  }
0x49: {  	s17 =	rddreg [dreg:$0x1a];
	s13 =	sadd.s32 s16, s15  }
0x4a: {  	[hbm:s13], [sflag:s14] =	dma.local [spmem:s17], $0x2700  }
0x4b: {  	_ =	swait.ge [sflag:s30], $0x2700  }
0x4c: {  	[sflag:s30] =	ssyncset.done $0x0  }
0x4d: {  	s13 =	sadd.s32 @!p0 $0x27000, s15;
	s0 =	rddreg [dreg:$0x1b];
	[sflag:s30] =	ssyncadd.s32 $0xFFFFD900  }
0x4e: {  	[hbm:s13], [sflag:s14] =	dma.local @!p0 [spmem:s0], $0x100  }
0x4f: {  	s13 =	simm.s32 @!p0 $0xF  }
0x50: {  	_ =	swait.ge @!p0 [sflag:s13], $0x100  }
0x51: {  	s24 =	rddreg [dreg:$0x19]  }
0x52: {  	s26 =	rddreg [dreg:$0x17];
	s0 =	sadd.s32 $0x1, s24  }
0x53: {  	p1 =	sne.s32 s0, s26  }
.Ltmp1:
0x54: {  	_ = 	snop;
	(pc) =	sbr.rel @!p1 .LBB2_5-.Ltmp1, $3  }
0x55: {  	_ =	sdelay $0x1  }
0x56: {  	[sflag:s13] =	ssyncset.done @!p0 $0x0  }
0x57: {  	[sflag:s13] =	ssyncadd.s32 @!p0 $0xFFFFFF00  }
.LBB2_1:
0x58: {  	[dreg:$0x19] =	wrdreg s0  }
0x59: {  	s13 =	rddreg [dreg:$0x4]  }
0x5a: {  	s15 =	rddreg [dreg:$0x5];
	s13 =	sshrl.u32 s13, $0x3  }
0x5b: {  	[dreg:$0x1a] =	wrdreg s13  }
0x5c: {  	[spmem:s13], [sflag:s14] =	dma.local [hbm:s15], $0x2700  }
0x5d: {  	_ =	swait.ge [sflag:s30], $0x2700  }
0x5e: {  	s13 =	rddreg [dreg:$0x18]  }
0x5f: {  	[sflag:s30] =	ssyncset.done $0x0;
	s0 =	sshrl.u32 @!p0 s13, $0x3;
	s13 =	rddreg [dreg:$0x7]  }
0x60: {  	[sflag:s30] =	ssyncadd.s32 $0xFFFFD900;
	[dreg:$0x1b] =	wrdreg s0  }
0x61: {  	[spmem:s0], [sflag:s14] =	dma.local @!p0 [hbm:s13], $0x100  }
0x62: {  	s13 =	simm.s32 @!p0 $0xF  }
0x63: {  	_ =	swait.ge @!p0 [sflag:s13], $0x100  }
0x64: {  	[sflag:s13] =	ssyncset.done @!p0 $0x0  }
0x65: {  	s16 =	rddreg [dreg:$0x8];
	[sflag:s13] =	ssyncadd.s32 @!p0 $0xFFFFFF00  }
0x66: {  	[tilespmem:s2], [sflag:$0x8] =	stream.linear.gather [hbm4b:s16+s2], $0x80, $0x38;
	[tilespmem:$0x1CC80] =	vst v63  }
0x67: {  	s17 =	rddreg [dreg:$0x13]  }
0x68: {  	[tilespmem:s20], [sflag:$0x8] =	stream.linear.gather [hbm4b:s17+s2], $0x80, $0x38;
	[tilespmem:$0x1CC80] =	vst v63  }
0x69: {  	s15 =	simm.s32 $0x80;
	s24 =	rddreg [dreg:$0x9]  }
0x6a: {  	[tilespmem:s15], [sflag:$0x9] =	stream.linear.gather [hbm4b:s24+s2], $0x80, $0x38;
	[tilespmem:$0x1CC80] =	vst v63  }
0x6b: {  	s26 =	rddreg [dreg:$0xa]  }
0x6c: {  	[tilespmem:s22], [sflag:$0x9] =	stream.linear.gather [hbm4b:s26+s2], $0x80, $0x38;
	[tilespmem:$0x1CC80] =	vst v63  }
0x6d: {  	s0 =	rddreg [dreg:$0xb];
	s17 =	simm.s32 $0x100  }
0x6e: {  	[tilespmem:s17], [sflag:$0xA] =	stream.linear.gather [hbm4b:s0+s2], $0x80, $0x38;
	[tilespmem:$0x1CC80] =	vst v63  }
0x6f: {  	s14 =	rddreg [dreg:$0xc]  }
0x70: {  	[tilespmem:s12], [sflag:$0xA] =	stream.linear.gather [hbm4b:s14+s2], $0x80, $0x38;
	[tilespmem:$0x1CC80] =	vst v63  }
0x71: {  	s0 =	rddreg [dreg:$0xd];
	s12 =	simm.s32 $0x180  }
0x72: {  	[tilespmem:s12], [sflag:$0xB] =	stream.linear.gather [hbm4b:s0+s2], $0x80, $0x38;
	[tilespmem:$0x1CC80] =	vst v63  }
0x73: {  	s14 =	simm.s32 $0x580;
	s0 =	rddreg [dreg:$0xe]  }
0x74: {  	[tilespmem:s14], [sflag:$0xB] =	stream.linear.gather [hbm4b:s0+s2], $0x80, $0x38;
	[tilespmem:$0x1CC80] =	vst v63  }
0x75: {  	s0 =	rddreg [dreg:$0xf];
	s14 =	simm.s32 $0x200  }
0x76: {  	[tilespmem:s14], [sflag:$0xC] =	stream.linear.gather [hbm4b:s0+s2], $0x80, $0x38;
	[tilespmem:$0x1CC80] =	vst v63  }
0x77: {  	s24 =	simm.s32 $0x600;
	s0 =	rddreg [dreg:$0x10]  }
0x78: {  	[tilespmem:s24], [sflag:$0xC] =	stream.linear.gather [hbm4b:s0+s2], $0x80, $0x38;
	[tilespmem:$0x1CC80] =	vst v63  }
0x79: {  	s24 =	rddreg [dreg:$0x11];
	s0 =	simm.s32 $0x280  }
0x7a: {  	[tilespmem:s0], [sflag:$0xD] =	stream.linear.gather [hbm4b:s24+s2], $0x80, $0x38;
	[tilespmem:$0x1CC80] =	vst v63  }
0x7b: {  	s0 =	rddreg [dreg:$0x12];
	s24 =	simm.s32 $0x680  }
0x7c: {  	[tilespmem:s24], [sflag:$0xD] =	stream.linear.gather [hbm4b:s0+s2], $0x80, $0x38;
	[tilespmem:$0x1CC80] =	vst v63  }
0x7d: {  	s0 =	rddreg [dreg:$0x14];
	s24 =	simm.s32 $0x300  }
0x7e: {  	[tilespmem:s24], [sflag:$0xE] =	stream.linear.gather [hbm4b:s0+s2], $0x80, $0x38;
	[tilespmem:$0x1CC80] =	vst v63  }
0x7f: {  	s26 =	simm.s32 $0x700;
	s0 =	rddreg [dreg:$0x15]  }
0x80: {  	[tilespmem:s26], [sflag:$0xE] =	stream.linear.gather [hbm4b:s0+s2], $0x80, $0x38;
	[tilespmem:$0x1CC80] =	vst v63  }
0x81: {  	[bflag:$0x0] =	sbarrier.arrive $0xFFFF  }
0x82: {  	_ =	swait.ge [sflag:s18], $0x80  }
0x83: {  	[sflag:s18] =	ssyncset.done $0x0  }
0x84: {  	[sflag:s18] =	ssyncadd.s32 $0xFFFFFF80  }
0x85: {  	_ =	swait.ge [sflag:s18], $0x80  }
0x86: {  	[sflag:s18] =	ssyncset.done $0x0  }
0x87: {  	[sflag:s18] =	ssyncadd.s32 $0xFFFFFF80  }
0x88: {  	[tilespmem:s28], [sflag:$0x1] =	stream.indirect.gather [hbm4b:s4+s19], $0x80, s2, s19, $0xb8;
	[tilespmem:$0x1CC80] =	vst v63  }
0x89: {  	_ =	swait.ge [sflag:s21], $0x80  }
0x8a: {  	[sflag:s21] =	ssyncset.done $0x0  }
0x8b: {  	[sflag:s21] =	ssyncadd.s32 $0xFFFFFF80  }
0x8c: {  	_ =	swait.ge [sflag:s21], $0x80  }
0x8d: {  	[sflag:s21] =	ssyncset.done $0x0  }
0x8e: {  	s13 =	simm.s32 $0x1C00;
	[sflag:s21] =	ssyncadd.s32 $0xFFFFFF80  }
0x8f: {  	[tilespmem:s13], [sflag:$0x2] =	stream.indirect.gather [hbm4b:s4+s19], $0x80, s15, s19, $0xb8;
	[tilespmem:$0x1CC80] =	vst v63  }
0x90: {  	_ =	swait.ge [sflag:s23], $0x80  }
0x91: {  	[sflag:s23] =	ssyncset.done $0x0  }
0x92: {  	[sflag:s23] =	ssyncadd.s32 $0xFFFFFF80  }
0x93: {  	_ =	swait.ge [sflag:s23], $0x80  }
0x94: {  	[sflag:s23] =	ssyncset.done $0x0  }
0x95: {  	s15 =	simm.s32 $0x3000;
	[sflag:s23] =	ssyncadd.s32 $0xFFFFFF80  }
0x96: {  	[tilespmem:s15], [sflag:$0x3] =	stream.indirect.gather [hbm4b:s4+s19], $0x80, s17, s19, $0xb8;
	[tilespmem:$0x1CC80] =	vst v63  }
0x97: {  	_ =	swait.ge [sflag:s25], $0x80  }
0x98: {  	[sflag:s25] =	ssyncset.done $0x0  }
0x99: {  	[sflag:s25] =	ssyncadd.s32 $0xFFFFFF80  }
0x9a: {  	_ =	swait.ge [sflag:s25], $0x80  }
0x9b: {  	[sflag:s25] =	ssyncset.done $0x0  }
0x9c: {  	s16 =	simm.s32 $0x4400;
	[sflag:s25] =	ssyncadd.s32 $0xFFFFFF80  }
0x9d: {  	[tilespmem:s16], [sflag:$0x4] =	stream.indirect.gather [hbm4b:s4+s19], $0x80, s12, s19, $0xb8;
	[tilespmem:$0x1CC80] =	vst v63  }
0x9e: {  	_ =	swait.ge [sflag:s29], $0x80  }
0x9f: {  	[sflag:s29] =	ssyncset.done $0x0  }
0xa0: {  	[sflag:s29] =	ssyncadd.s32 $0xFFFFFF80  }
0xa1: {  	_ =	swait.ge [sflag:s29], $0x80  }
0xa2: {  	[sflag:s29] =	ssyncset.done $0x0  }
0xa3: {  	s11 =	simm.s32 $0x5800;
	s13 =	simm.s32 $0x680;
	[sflag:s29] =	ssyncadd.s32 $0xFFFFFF80  }
0xa4: {  	[tilespmem:s11], [sflag:$0x5] =	stream.indirect.gather [hbm4b:s4+s19], $0x80, s14, s19, $0xb8;
	[tilespmem:$0x1CC80] =	vst v63  }
.LBB2_2:
0xa5: {  	_ =	swait.ge [sflag:s10], $0x80  }
0xa6: {  	[sflag:s10] =	ssyncset.done $0x0  }
0xa7: {  	[sflag:s10] =	ssyncadd.s32 $0xFFFFFF80  }
0xa8: {  	_ =	swait.ge [sflag:s10], $0x80  }
0xa9: {  	s14 =	simm.s32 $0x280;
	[sflag:s10] =	ssyncset.done $0x0  }
0xaa: {  	s16 =	simm.s32 $0x6C00;
	s11 =	simm.s32 $0x1;
	[sflag:s10] =	ssyncadd.s32 $0xFFFFFF80  }
0xab: {  	[tilespmem:s16], [sflag:$0x6] =	stream.indirect.gather [hbm4b:s4+s19], $0x80, s14, s19, $0xb8;
	[tilespmem:$0x1CC80] =	vst v63  }
0xac: {  	s12 =	sadd.s32 $0xFFFFFD00, s13;
	_ =	swait.ge [sflag:s11], $0x1400  }
0xad: {  	s15 =	sand.u32 $0x1FC00, s12;
	[sflag:s11] =	ssyncset.done $0x0  }
0xae: {  	s15 =	sadd.s32 s8, s15;
	s14 =	sand.u32 $0x380, s12;
	[sflag:s11] =	ssyncadd.s32 $0xFFFFEC00  }
0xaf: {  	[spmem:s1] =	stream.indirect.scatter.add.f32 [tilespmem:s28], [sflag:$0xF], $0x80, s20, s19, $0xb8;
	[tilespmem:$0x1CC80] =	vst v63  }
0xb0: {  	s14 =	sor.u32 s14, s15;
	_ =	swait.ge [sflag:s30], $0x1400  }
0xb1: {  	s14 =	sshrl.u32 s14, $0x3;
	[sflag:s30] =	ssyncset.done $0x0  }
0xb2: {  	s17 =	sadd.s32 s5, s14;
	[sflag:s30] =	ssyncadd.s32 $0xFFFFEC00  }
0xb3: {  	[tilespmem:s2], [sflag:$0x8] =	stream.linear.gather [hbm4b:s17+s2], $0x80, $0x38;
	[tilespmem:$0x1CC80] =	vst v63  }
0xb4: {  	s14 =	sadd.s32 s6, s14  }
0xb5: {  	[tilespmem:s20], [sflag:$0x8] =	stream.linear.gather [hbm4b:s14+s2], $0x80, $0x38;
	[tilespmem:$0x1CC80] =	vst v63  }
0xb6: {  	_ =	swait.ge [sflag:s31], $0x80  }
0xb7: {  	[sflag:s31] =	ssyncset.done $0x0  }
0xb8: {  	[sflag:s31] =	ssyncadd.s32 $0xFFFFFF80  }
0xb9: {  	_ =	swait.ge [sflag:s31], $0x80  }
0xba: {  	[sflag:s31] =	ssyncset.done $0x0  }
0xbb: {  	s0 =	simm.s32 $0x8000;
	[sflag:s31] =	ssyncadd.s32 $0xFFFFFF80  }
0xbc: {  	[tilespmem:s0], [sflag:$0x7] =	stream.indirect.gather [hbm4b:s4+s19], $0x80, s24, s19, $0xb8;
	[tilespmem:$0x1CC80] =	vst v63  }
0xbd: {  	s24 =	simm.s32 $0x2  }
0xbe: {  	s12 =	sadd.s32 $0xFFFFF980, s13;
	s11 =	sadd.s32 $0xFFFFFD80, s13;
	_ =	swait.ge [sflag:s24], $0x1400  }
0xbf: {  	s15 =	sand.u32 $0x380, s12;
	s14 =	sand.u32 $0x1FC00, s11;
	[sflag:s24] =	ssyncset.done $0x0  }
0xc0: {  	s14 =	sadd.s32 s8, s14;
	[sflag:s24] =	ssyncadd.s32 $0xFFFFEC00;
	s24 =	simm.s32 $0x1C00  }
0xc1: {  	[spmem:s1] =	stream.indirect.scatter.add.f32 [tilespmem:s24], [sflag:$0xF], $0x80, s22, s19, $0xb8;
	[tilespmem:$0x1CC80] =	vst v63  }
0xc2: {  	s14 =	sor.u32 s15, s14;
	_ =	swait.ge [sflag:s30], $0x1400  }
0xc3: {  	s14 =	sshrl.u32 s14, $0x3;
	[sflag:s30] =	ssyncset.done $0x0  }
0xc4: {  	s20 =	simm.s32 $0x80;
	s17 =	sadd.s32 s5, s14;
	[sflag:s30] =	ssyncadd.s32 $0xFFFFEC00  }
0xc5: {  	[tilespmem:s20], [sflag:$0x9] =	stream.linear.gather [hbm4b:s17+s2], $0x80, $0x38;
	[tilespmem:$0x1CC80] =	vst v63  }
0xc6: {  	s14 =	sadd.s32 s6, s14  }
0xc7: {  	[tilespmem:s22], [sflag:$0x9] =	stream.linear.gather [hbm4b:s14+s2], $0x80, $0x38;
	[tilespmem:$0x1CC80] =	vst v63  }
0xc8: {  	_ =	swait.ge [sflag:s18], $0x80  }
0xc9: {  	[sflag:s18] =	ssyncset.done $0x0  }
0xca: {  	[sflag:s18] =	ssyncadd.s32 $0xFFFFFF80  }
0xcb: {  	_ =	swait.ge [sflag:s18], $0x80  }
0xcc: {  	[sflag:s18] =	ssyncset.done $0x0  }
0xcd: {  	[sflag:s18] =	ssyncadd.s32 $0xFFFFFF80  }
0xce: {  	[tilespmem:s28], [sflag:$0x1] =	stream.indirect.gather [hbm4b:s4+s19], $0x80, s2, s19, $0xb8;
	[tilespmem:$0x1CC80] =	vst v63  }
0xcf: {  	s17 =	simm.s32 $0x500;
	s22 =	sadd.s32 $0xFFFFFE00, s13;
	_ =	swait.ge [sflag:s3], $0x1400  }
0xd0: {  	s11 =	sand.u32 $0x1FC00, s22;
	s14 =	sand.u32 $0x380, s22;
	[sflag:s3] =	ssyncset.done $0x0  }
0xd1: {  	s15 =	sadd.s32 s8, s11;
	s28 =	simm.s32 $0x3000;
	[sflag:s3] =	ssyncadd.s32 $0xFFFFEC00  }
0xd2: {  	[spmem:s1] =	stream.indirect.scatter.add.f32 [tilespmem:s28], [sflag:$0xF], $0x80, s17, s19, $0xb8;
	[tilespmem:$0x1CC80] =	vst v63  }
0xd3: {  	s14 =	sor.u32 s14, s15;
	_ =	swait.ge [sflag:s30], $0x1400  }
0xd4: {  	s14 =	sshrl.u32 s14, $0x3;
	[sflag:s30] =	ssyncset.done $0x0  }
0xd5: {  	s22 =	simm.s32 $0x100;
	s12 =	sadd.s32 s5, s14;
	[sflag:s30] =	ssyncadd.s32 $0xFFFFEC00  }
0xd6: {  	[tilespmem:s22], [sflag:$0xA] =	stream.linear.gather [hbm4b:s12+s2], $0x80, $0x38;
	[tilespmem:$0x1CC80] =	vst v63  }
0xd7: {  	s14 =	sadd.s32 s6, s14  }
0xd8: {  	[tilespmem:s17], [sflag:$0xA] =	stream.linear.gather [hbm4b:s14+s2], $0x80, $0x38;
	[tilespmem:$0x1CC80] =	vst v63  }
0xd9: {  	_ =	swait.ge [sflag:s21], $0x80  }
0xda: {  	[sflag:s21] =	ssyncset.done $0x0  }
0xdb: {  	[sflag:s21] =	ssyncadd.s32 $0xFFFFFF80  }
0xdc: {  	_ =	swait.ge [sflag:s21], $0x80  }
0xdd: {  	[sflag:s21] =	ssyncset.done $0x0  }
0xde: {  	[sflag:s21] =	ssyncadd.s32 $0xFFFFFF80  }
0xdf: {  	[tilespmem:s24], [sflag:$0x2] =	stream.indirect.gather [hbm4b:s4+s19], $0x80, s20, s19, $0xb8;
	[tilespmem:$0x1CC80] =	vst v63  }
0xe0: {  	s11 =	simm.s32 $0x4400;
	s17 =	sadd.s32 $0xFFFFFE80, s13;
	_ =	swait.ge [sflag:s7], $0x1400  }
0xe1: {  	s14 =	sand.u32 $0x380, s17;
	s24 =	sand.u32 $0x1FC00, s17;
	[sflag:s7] =	ssyncset.done $0x0  }
0xe2: {  	s20 =	simm.s32 $0x580;
	s15 =	sadd.s32 s8, s24;
	[sflag:s7] =	ssyncadd.s32 $0xFFFFEC00  }
0xe3: {  	[spmem:s1] =	stream.indirect.scatter.add.f32 [tilespmem:s11], [sflag:$0xF], $0x80, s20, s19, $0xb8;
	[tilespmem:$0x1CC80] =	vst v63  }
0xe4: {  	s14 =	sor.u32 s14, s15;
	_ =	swait.ge [sflag:s30], $0x1400  }
0xe5: {  	s14 =	sshrl.u32 s14, $0x3;
	[sflag:s30] =	ssyncset.done $0x0  }
0xe6: {  	s17 =	simm.s32 $0x180;
	s12 =	sadd.s32 s5, s14;
	[sflag:s30] =	ssyncadd.s32 $0xFFFFEC00  }
0xe7: {  	[tilespmem:s17], [sflag:$0xB] =	stream.linear.gather [hbm4b:s12+s2], $0x80, $0x38;
	[tilespmem:$0x1CC80] =	vst v63  }
0xe8: {  	s14 =	sadd.s32 s6, s14  }
0xe9: {  	[tilespmem:s20], [sflag:$0xB] =	stream.linear.gather [hbm4b:s14+s2], $0x80, $0x38;
	[tilespmem:$0x1CC80] =	vst v63  }
0xea: {  	_ =	swait.ge [sflag:s23], $0x80  }
0xeb: {  	[sflag:s23] =	ssyncset.done $0x0  }
0xec: {  	[sflag:s23] =	ssyncadd.s32 $0xFFFFFF80  }
0xed: {  	_ =	swait.ge [sflag:s23], $0x80  }
0xee: {  	[sflag:s23] =	ssyncset.done $0x0  }
0xef: {  	[sflag:s23] =	ssyncadd.s32 $0xFFFFFF80  }
0xf0: {  	[tilespmem:s28], [sflag:$0x3] =	stream.indirect.gather [hbm4b:s4+s19], $0x80, s22, s19, $0xb8;
	[tilespmem:$0x1CC80] =	vst v63  }
0xf1: {  	s12 =	simm.s32 $0x5800;
	s22 =	sadd.s32 $0xFFFFFF00, s13;
	_ =	swait.ge [sflag:s9], $0x1400  }
0xf2: {  	s20 =	simm.s32 $0x600;
	s24 =	sand.u32 $0x1FC00, s22;
	[sflag:s9] =	ssyncset.done $0x0  }
0xf3: {  	s14 =	sand.u32 $0x380, s22;
	s15 =	sadd.s32 s8, s24;
	[sflag:s9] =	ssyncadd.s32 $0xFFFFEC00  }
0xf4: {  	[spmem:s1] =	stream.indirect.scatter.add.f32 [tilespmem:s12], [sflag:$0xF], $0x80, s20, s19, $0xb8;
	[tilespmem:$0x1CC80] =	vst v63  }
0xf5: {  	s14 =	sor.u32 s14, s15;
	_ =	swait.ge [sflag:s30], $0x1400  }
0xf6: {  	s14 =	sshrl.u32 s14, $0x3;
	[sflag:s30] =	ssyncset.done $0x0  }
0xf7: {  	s24 =	simm.s32 $0x200;
	s22 =	sadd.s32 s5, s14;
	[sflag:s30] =	ssyncadd.s32 $0xFFFFEC00  }
0xf8: {  	[tilespmem:s24], [sflag:$0xC] =	stream.linear.gather [hbm4b:s22+s2], $0x80, $0x38;
	[tilespmem:$0x1CC80] =	vst v63  }
0xf9: {  	s14 =	sadd.s32 s6, s14  }
0xfa: {  	[tilespmem:s20], [sflag:$0xC] =	stream.linear.gather [hbm4b:s14+s2], $0x80, $0x38;
	[tilespmem:$0x1CC80] =	vst v63  }
0xfb: {  	_ =	swait.ge [sflag:s25], $0x80  }
0xfc: {  	[sflag:s25] =	ssyncset.done $0x0  }
0xfd: {  	[sflag:s25] =	ssyncadd.s32 $0xFFFFFF80  }
0xfe: {  	_ =	swait.ge [sflag:s25], $0x80  }
0xff: {  	p1 =	seq.s32 s13, $0x7D80;
	[sflag:s25] =	ssyncset.done $0x0  }
0x100: {  	s20 =	simm.s32 $0x6;
	s14 =	sadd.s32 @!p1 $0xFFFFFF80, s13;
	[sflag:s25] =	ssyncadd.s32 $0xFFFFFF80  }
0x101: {  	[tilespmem:s11], [sflag:$0x4] =	stream.indirect.gather [hbm4b:s4+s19], $0x80, s17, s19, $0xb8;
	[tilespmem:$0x1CC80] =	vst v63  }
0x102: {  	s15 =	sand.u32 @!p1 $0x1FC00, s14;
	_ =	swait.ge [sflag:s20], $0x1400  }
0x103: {  	s14 =	sand.u32 @!p1 $0x380, s14;
	s15 =	sadd.s32 @!p1 s8, s15;
	[sflag:s20] =	ssyncset.done $0x0  }
0x104: {  	s22 =	simm.s32 $0x680;
	s14 =	sor.u32 @!p1 s14, s15;
	[sflag:s20] =	ssyncadd.s32 $0xFFFFEC00  }
0x105: {  	[spmem:s1] =	stream.indirect.scatter.add.f32 [tilespmem:s16], [sflag:$0xF], $0x80, s22, s19, $0xb8;
	[tilespmem:$0x1CC80] =	vst v63  }
0x106: {  	s14 =	sshrl.u32 @!p1 s14, $0x3;
	_ =	swait.ge [sflag:s30], $0x1400  }
0x107: {  	s15 =	sadd.s32 @!p1 s5, s14;
	[sflag:s30] =	ssyncset.done $0x0  }
0x108: {  	s20 =	simm.s32 @!p1 $0x0;
	s22 =	simm.s32 @!p1 $0x280;
	[sflag:s30] =	ssyncadd.s32 $0xFFFFEC00  }
0x109: {  	[tilespmem:s22], [sflag:$0xD] =	stream.linear.gather @!p1 [hbm4b:s15+s20], $0x80, $0x38;
	[tilespmem:$0x1CC80] =	vst v63  }
0x10a: {  	s14 =	sadd.s32 @!p1 s6, s14;
	s15 =	simm.s32 @!p1 $0x680  }
0x10b: {  	[tilespmem:s15], [sflag:$0xD] =	stream.linear.gather @!p1 [hbm4b:s14+s20], $0x80, $0x38;
	[tilespmem:$0x1CC80] =	vst v63  }
0x10c: {  	_ =	swait.ge [sflag:s29], $0x80  }
0x10d: {  	[sflag:s29] =	ssyncset.done $0x0  }
0x10e: {  	[sflag:s29] =	ssyncadd.s32 $0xFFFFFF80  }
0x10f: {  	_ =	swait.ge [sflag:s29], $0x80  }
0x110: {  	[sflag:s29] =	ssyncset.done $0x0  }
0x111: {  	[sflag:s29] =	ssyncadd.s32 $0xFFFFFF80  }
0x112: {  	[tilespmem:s12], [sflag:$0x5] =	stream.indirect.gather [hbm4b:s4+s19], $0x80, s24, s19, $0xb8;
	[tilespmem:$0x1CC80] =	vst v63  }
0x113: {  	s24 =	simm.s32 $0x7  }
0x114: {  	_ =	swait.ge [sflag:s24], $0x1400  }
0x115: {  	[sflag:s24] =	ssyncset.done $0x0  }
.Ltmp2:
0x116: {  	[sflag:s24] =	ssyncadd.s32 $0xFFFFEC00;
	(pc) =	sbr.rel @p1 .LBB2_4-.Ltmp2, $4  }
0x117: {  	[spmem:s1] =	stream.indirect.scatter.add.f32 [tilespmem:s0], [sflag:$0xF], $0x80, s26, s19, $0xb8;
	[tilespmem:$0x1CC80] =	vst v63  }
0x118: {  	_ =	swait.ge [sflag:s30], $0x1400  }
0x119: {  	[sflag:s30] =	ssyncset.done $0x0  }
0x11a: {  	s28 =	simm.s32 $0x300;
	s17 =	simm.s32 $0x700;
	[sflag:s30] =	ssyncadd.s32 $0xFFFFEC00  }
0x11b: {  	s14 =	sand.u32 $0x1FC00, s13  }
0x11c: {  	s15 =	sand.u32 $0x380, s13;
	s14 =	sadd.s32 s8, s14  }
0x11d: {  	s13 =	sadd.s32 $0x380, s13;
	s14 =	sor.u32 s15, s14  }
.Ltmp3:
0x11e: {  	s20 =	simm.s32 $0x400;
	s14 =	sshrl.u32 s14, $0x3;
	(pc) =	sbr.rel .LBB2_2-.Ltmp3, $4  }
0x11f: {  	s22 =	simm.s32 $0x480;
	s24 =	simm.s32 $0x300;
	s26 =	sadd.s32 s5, s14  }
0x120: {  	[tilespmem:s28], [sflag:$0xE] =	stream.linear.gather [hbm4b:s26+s2], $0x80, $0x38;
	[tilespmem:$0x1CC80] =	vst v63  }
0x121: {  	s14 =	sadd.s32 s6, s14;
	s26 =	simm.s32 $0x700;
	s28 =	simm.s32 $0x800  }
0x122: {  	[tilespmem:s17], [sflag:$0xE] =	stream.linear.gather [hbm4b:s14+s2], $0x80, $0x38;
	[tilespmem:$0x1CC80] =	vst v63  }
.LBB2_5:
0x123: {  	_ =	sfence.sel $0x180000  }
0x124: {  	[bflag:$0x0] =	sbarrier.arrive $0xFFFF  }
0x125: {  	_ =	strace $0x9000004A  }
0x126: {  	[bflag:$0x2] =	sbarrier.arrive $0xFFFF  }
0x127: {  	s0 =	rddreg [dreg:$0x2]  }
0x128: {  	s0 =	sadd.s32 @!p0 $0x100000, s0  }
0x129: {  	[sflag:s0] =	ssyncadd.tile.s32 @!p0 $0x1;
	_ =	shalt  }
.Lfunc_end2:
_tile_overlayer_lowered:
.L_overlay_start_2:
0x12a: {  	(tag) =	ssettag $0x2  }
0x12b: {  	s0 =	rddreg [dreg:$0x0];
	s2 =	stileid.u32  }
0x12c: {  	s1 =	rddreg [dreg:$0x1];
	p0 =	sne.s32 s2, $0x0  }
0x12d: {  	s3 =	rddreg [dreg:$0x2];
	[bflag:$0x3] =	sbarrier.arrive $0xFFFF;
	s2 =	simm.s32 @!p0 $0x1C0F  }
0x12e: {  	[timem:s3], [sflag:s2] =	dma.local @!p0 [hbm:s0], s1  }
0x12f: {  	s0 =	simm.s32 @!p0 $0xF  }
0x130: {  	_ =	swait.ge @!p0 [sflag:s0], s1  }
0x131: {  	s1 =	ssub.s32 @!p0 $0x0, s1;
	[sflag:s0] =	ssyncset.done @!p0 $0x0  }
0x132: {  	[sflag:s0] =	ssyncadd.s32 @!p0 s1  }
0x133: {  	[bflag:$0x3] =	sbarrier.arrive $0xFFFF  }
0x134: {  	_ =	shalt  }

</sc_bundles>
